<compile_context>
chip_gen: v7x
topology: tpu7x:2x2x1
jax: 0.10.2.dev20260603
libtpu: 0.0.44.dev20260713+nightly
codegen_flags: <defaults>
</compile_context>

<pallas_src>
import functools

import jax
import jax.numpy as jnp
from jax import lax
from jax.experimental import pallas as pl
from jax.experimental.pallas import tpu as pltpu
from jax.experimental.pallas import tpu_sc as plsc

N = 10000
E = 160000
N_PAD = 10240
D_IN = 256
D_H = 512

_NC = 2
_NS = 16
_EB = 80


def _make_sc_agg(F, R, nchunks, B, gather=True):
    assert 2 * nchunks * R == N_PAD
    R_ACC = R + 16
    ZPT = R_ACC // _NS
    WPT = R // _NS
    EPT = E // _NS
    NV = EPT // 16
    CAP = EPT + 2 * B + 16

    mesh = plsc.VectorSubcoreMesh(core_axis_name="c", subcore_axis_name="s")

    @functools.partial(
        pl.kernel,
        out_type=jax.ShapeDtypeStruct((N_PAD, F), jnp.float32),
        mesh=mesh,
        compiler_params=pltpu.CompilerParams(use_tc_tiling_on_sc=False,
                                            needs_layout_passes=False),
        scratch_types=[
            pltpu.VMEM((EPT,), jnp.int32),
            pltpu.VMEM((EPT,), jnp.int32),
            pltpu.VMEM((CAP,), jnp.int32),
            pltpu.VMEM((CAP,), jnp.int32),
            [pltpu.VMEM((B, F), jnp.float32)] * 2,
            pltpu.VMEM_SHARED((R_ACC, F), jnp.float32),
            [pltpu.SemaphoreType.DMA] * 2,
        ],
    )
    def k(h_hbm, row_hbm, col_hbm, zer_hbm, out_hbm, row_t, col_t,
          kept_r, kept_c, rows, acc, gsems):
        cid = lax.axis_index("c")
        sid = lax.axis_index("s")
        pltpu.sync_copy(row_hbm.at[pl.ds(sid * EPT, EPT)], row_t)
        pltpu.sync_copy(col_hbm.at[pl.ds(sid * EPT, EPT)], col_t)
        if not gather:
            for rb in rows:
                pltpu.sync_copy(h_hbm.at[pl.ds(0, B)], rb)

        for ch in range(nchunks):
            base = (cid * nchunks + ch) * R
            pltpu.sync_copy(zer_hbm.at[pl.ds(sid * ZPT, ZPT)],
                            acc.at[pl.ds(sid * ZPT, ZPT)])
            plsc.subcore_barrier()

            def cbody(i, cnt):
                c16 = col_t[pl.ds(i * 16, 16)]
                m = (c16 >= base) & (c16 < base + R)
                mi = m.astype(jnp.int32)
                pos = plsc.cumsum(mi)
                idx = jnp.where(m, cnt + pos - 1, CAP - 1)
                r16 = row_t[pl.ds(i * 16, 16)]
                plsc.store_scatter(kept_c, [idx], c16 - base)
                plsc.store_scatter(kept_r, [idx], r16)
                return cnt + jnp.sum(mi)

            cnt = lax.fori_loop(0, NV, cbody, jnp.int32(0))

            trash16 = jnp.full((16,), R, jnp.int32)
            zero16 = jnp.zeros((16,), jnp.int32)
            lane = lax.iota(jnp.int32, 16)
            for t in range(2 * B // 16):
                padidx = cnt + t * 16 + lane
                plsc.store_scatter(kept_c, [padidx], trash16)
                plsc.store_scatter(kept_r, [padidx], zero16)
            nb2 = (cnt + 2 * B - 1) // (2 * B)

            def pbody(jj, carry):
                js = [jj * 2 * B + kk * B for kk in range(2)]
                descs = []
                if gather:
                    for kk in range(2):
                        descs.append(pltpu.async_copy(
                            h_hbm.at[kept_r.at[pl.ds(js[kk], B)]],
                            rows[kk], gsems[kk]))
                for kk in range(2):
                    if gather:
                        descs[kk].wait()
                    pltpu.sync_copy(rows[kk],
                                    acc.at[kept_c.at[pl.ds(js[kk], B)]],
                                    add=True)
                return carry

            lax.fori_loop(0, nb2, pbody, jnp.int32(0))

            plsc.subcore_barrier()
            pltpu.sync_copy(acc.at[pl.ds(sid * WPT, WPT)],
                            out_hbm.at[pl.ds(base + sid * WPT, WPT)])
            plsc.subcore_barrier()

    return k


_agg_deg = _make_sc_agg(16, N_PAD // 4, 2, 128, gather=False)
_agg_l1 = _make_sc_agg(D_IN, N_PAD // 4, 2, 32)
_agg_l2 = _make_sc_agg(D_H, N_PAD // 8, 4, 16)

_BLK = 512
_GRID = N_PAD // _BLK


def _dinv_of(deg_blk):
    return lax.rsqrt(deg_blk[:, :1] + 1.0)


def _prep_body(deg_ref, x_ref, xs_ref):
    xs_ref[...] = x_ref[...] * _dinv_of(deg_ref[...])


def _prep(deg16, x):
    return pl.pallas_call(
        _prep_body,
        grid=(_GRID,),
        in_specs=[
            pl.BlockSpec((_BLK, 16), lambda i: (i, 0)),
            pl.BlockSpec((_BLK, D_IN), lambda i: (i, 0)),
        ],
        out_specs=pl.BlockSpec((_BLK, D_IN), lambda i: (i, 0)),
        out_shape=jax.ShapeDtypeStruct((N_PAD, D_IN), jnp.float32),
    )(deg16, x)


def _fused_body(deg_ref, agg_ref, hs_ref, w_ref, b_ref, g_ref, be_ref,
                o_ref, t_scr, st_scr, *, dout, relu, scale):
    p = pl.program_id(0)
    i = pl.program_id(1)

    @pl.when(p == 0)
    def _():
        z = (agg_ref[...] + hs_ref[...]) * _dinv_of(deg_ref[...])
        t = jnp.dot(z, w_ref[...], preferred_element_type=jnp.float32) + b_ref[...]
        t_scr[pl.ds(i * _BLK, _BLK), :] = t
        gid = i * _BLK + lax.broadcasted_iota(jnp.int32, (_BLK, 1), 0)
        tm = jnp.where(gid < N, t, 0.0)

        @pl.when(i == 0)
        def _():
            st_scr[...] = jnp.zeros_like(st_scr)

        st_scr[...] += jnp.concatenate(
            [jnp.sum(tm, 0, keepdims=True),
             jnp.sum(tm * tm, 0, keepdims=True),
             jnp.zeros((6, dout), jnp.float32)], 0)

    @pl.when(p == 1)
    def _():
        mean = st_scr[0:1, :] * (1.0 / N)
        var = st_scr[1:2, :] * (1.0 / N) - mean * mean
        inv = lax.rsqrt(var + 1e-5)
        tt = t_scr[pl.ds(i * _BLK, _BLK), :]
        h = (tt - mean) * inv * g_ref[...] + be_ref[...]
        if relu:
            h = jnp.maximum(h, 0.0)
        if scale:
            h = h * _dinv_of(deg_ref[...])
        o_ref[...] = h


def _layer_bn(deg16, agg, hs, W, b, gamma, beta, relu, scale, out_rows=N_PAD):
    din, dout = W.shape
    return pl.pallas_call(
        functools.partial(_fused_body, dout=dout, relu=relu, scale=scale),
        grid=(2, _GRID),
        in_specs=[
            pl.BlockSpec((_BLK, 16), lambda p, i: (i, 0)),
            pl.BlockSpec((_BLK, din), lambda p, i: (i * (1 - p), 0)),
            pl.BlockSpec((_BLK, din), lambda p, i: (i * (1 - p), 0)),
            pl.BlockSpec((din, dout), lambda p, i: (0, 0)),
            pl.BlockSpec((1, dout), lambda p, i: (0, 0)),
            pl.BlockSpec((1, dout), lambda p, i: (0, 0)),
            pl.BlockSpec((1, dout), lambda p, i: (0, 0)),
        ],
        out_specs=pl.BlockSpec((_BLK, dout), lambda p, i: (i * p, 0)),
        out_shape=jax.ShapeDtypeStruct((out_rows, dout), jnp.float32),
        scratch_shapes=[
            pltpu.VMEM((N_PAD, dout), jnp.float32),
            pltpu.VMEM((8, dout), jnp.float32),
        ],
    )(deg16, agg, hs, W, b.reshape(1, dout),
      gamma.reshape(1, dout), beta.reshape(1, dout))


def kernel(x, edge_index, W1, b1, gamma1, beta1, W2, b2, gamma2, beta2):
    row = edge_index[0]
    col = edge_index[1]
    ones16 = jnp.ones((N_PAD, 16), jnp.float32)
    z16 = jnp.zeros((N_PAD // 4 + 16, 16), jnp.float32)
    z256 = jnp.zeros((N_PAD // 4 + 16, D_IN), jnp.float32)
    z512 = jnp.zeros((N_PAD // 8 + 16, D_H), jnp.float32)

    deg16 = _agg_deg(ones16, row, col, z16)
    xs = _prep(deg16, x)
    agg1 = _agg_l1(xs, row, col, z256)
    hs1 = _layer_bn(deg16, agg1, xs, W1, b1, gamma1, beta1,
                    relu=True, scale=True)
    agg2 = _agg_l2(hs1, row, col, z512)
    return _layer_bn(deg16, agg2, hs1, W2, b2, gamma2, beta2,
                     relu=False, scale=False, out_rows=N)

# --- scband reference (transcript-rebuilt; emitter-appended) ---
"""Pipeline reference for scband-relational-feature-extractor-30949534335273 (READ-ONLY COPY).

The authoritative reference and input builder live on the scoring server;
editing this copy changes nothing except your own understanding.
"""

import jax, jax.numpy as jnp
import numpy as np

N = 10000
E = 160000
D_IN = 256
D_H = 512
D_OUT = 512


def setup_inputs(seed: int = 0) -> dict:
    key = jax.random.key(seed)
    ks = jax.random.split(key, 12)
    x = jax.random.normal(ks[0], (N, D_IN), dtype=jnp.float32)
    edge_index = jax.random.randint(ks[1], (2, E), 0, N, dtype=jnp.int32)
    W1 = jax.random.normal(ks[2], (D_IN, D_H), dtype=jnp.float32) * (1.0 / np.sqrt(D_IN))
    b1 = jnp.zeros((D_H,), dtype=jnp.float32)
    gamma1 = jnp.ones((D_H,), dtype=jnp.float32)
    beta1 = jnp.zeros((D_H,), dtype=jnp.float32)
    W2 = jax.random.normal(ks[3], (D_H, D_OUT), dtype=jnp.float32) * (1.0 / np.sqrt(D_H))
    b2 = jnp.zeros((D_OUT,), dtype=jnp.float32)
    gamma2 = jnp.ones((D_OUT,), dtype=jnp.float32)
    beta2 = jnp.zeros((D_OUT,), dtype=jnp.float32)
    return {"x": x, "edge_index": edge_index, "W1": W1, "b1": b1,
            "gamma1": gamma1, "beta1": beta1, "W2": W2, "b2": b2,
            "gamma2": gamma2, "beta2": beta2}


def gcn_conv(x, row, col, W, b):
    # PyG GCNConv: x' = D^{-1/2} (A + I) D^{-1/2} (x W) + b
    n = x.shape[0]
    h = x @ W
    sl = jnp.arange(n, dtype=row.dtype)
    r = jnp.concatenate([row, sl])  # source
    c = jnp.concatenate([col, sl])  # target
    deg = jnp.zeros((n,), dtype=x.dtype).at[c].add(1.0)
    dinv = jnp.where(deg > 0, jax.lax.rsqrt(deg), 0.0)
    norm = dinv[r] * dinv[c]
    msg = h[r] * norm[:, None]
    out = jnp.zeros_like(h).at[c].add(msg)
    return out + b


def batchnorm(h, gamma, beta, eps=1e-5):
    mean = jnp.mean(h, axis=0)
    var = jnp.mean((h - mean) ** 2, axis=0)
    return (h - mean) * jax.lax.rsqrt(var + eps) * gamma + beta


def reference(x, edge_index, W1, b1, gamma1, beta1, W2, b2, gamma2, beta2):
    row = edge_index[0]
    col = edge_index[1]
    h = gcn_conv(x, row, col, W1, b1)
    h = jax.nn.relu(batchnorm(h, gamma1, beta1))
    # dropout is identity in deterministic/eval reference
    h = gcn_conv(h, row, col, W2, b2)
    return batchnorm(h, gamma2, beta2)

if __name__ == "__main__":
    import jax
    _d = setup_inputs()
    print(jax.jit(kernel)(*tuple(_d.values())))

</pallas_src>

<mosaic_0001>
#map = affine_map<(d0, d1) -> (0, 0)>
#map1 = affine_map<(d0, d1) -> (0)>
module attributes {stable_mosaic.version = 14 : i64} {
  func.func @k(%arg0: i32, %arg1: i32, %arg2: memref<10240x16xf32, #tpu.memory_space<hbm>>, %arg3: memref<160000xi32, #tpu.memory_space<hbm>>, %arg4: memref<160000xi32, #tpu.memory_space<hbm>>, %arg5: memref<2576x16xf32, #tpu.memory_space<hbm>>, %arg6: memref<10240x16xf32, #tpu.memory_space<hbm>>, %arg7: memref<10000xi32, #tpu.memory_space<vmem>>, %arg8: memref<10000xi32, #tpu.memory_space<vmem>>, %arg9: memref<10272xi32, #tpu.memory_space<vmem>>, %arg10: memref<10272xi32, #tpu.memory_space<vmem>>, %arg11: memref<128x16xf32, #tpu.memory_space<vmem>>, %arg12: memref<128x16xf32, #tpu.memory_space<vmem>>, %arg13: memref<2576x16xf32, #tpu.memory_space<vmem_shared>>, %arg14: memref<!tpu.dma_semaphore, #tpu.memory_space<semaphore_mem>>, %arg15: memref<!tpu.dma_semaphore, #tpu.memory_space<semaphore_mem>>) attributes {dimension_semantics = [#tpu.dimension_semantics<core_parallel>, #tpu.dimension_semantics<subcore_parallel>], iteration_bounds = array<i64: 2, 16>, scalar_prefetch = 0 : i64, scratch_operands = 9 : i64, tpu.core_type = #tpu.core_type<sc_vector_subcore>, window_params = [{transform_indices = #map}, {transform_indices = #map1}, {transform_indices = #map1}, {transform_indices = #map}, {transform_indices = #map}]} {
    %mul3A = arith.constant 10000 : i32
    %mul3A_0 = arith.muli %arg1, %mul3A : i32
    "tpu.region"() ({
      %run_scoped3A = tpu.sem_alloc : memref<!tpu.dma_semaphore, #tpu.memory_space<semaphore_mem>>
      %dma_start3A = tpu.memref_slice %arg3[%mul3A_0] : memref<160000xi32, #tpu.memory_space<hbm>> -> memref<10000xi32, #tpu.memory_space<hbm>>
      %dma_start3A_253 = tpu.memref_slice %arg3[%mul3A_0] : memref<160000xi32, #tpu.memory_space<hbm>> -> memref<10000xi32, #tpu.memory_space<hbm>>
      tpu.enqueue_dma source(%dma_start3A_253 : memref<10000xi32, #tpu.memory_space<hbm>>) target(%arg7 : memref<10000xi32, #tpu.memory_space<vmem>>) target_semaphore(%run_scoped3A : memref<!tpu.dma_semaphore, #tpu.memory_space<semaphore_mem>>)
      %dma_wait3A = tpu.memref_slice %arg3[%mul3A_0] : memref<160000xi32, #tpu.memory_space<hbm>> -> memref<10000xi32, #tpu.memory_space<hbm>>
      %dma_wait3A_254 = tpu.memref_slice %arg3[%mul3A_0] : memref<160000xi32, #tpu.memory_space<hbm>> -> memref<10000xi32, #tpu.memory_space<hbm>>
      tpu.wait_dma2 semaphore(%run_scoped3A : memref<!tpu.dma_semaphore, #tpu.memory_space<semaphore_mem>>) src(%dma_wait3A_254 : memref<10000xi32, #tpu.memory_space<hbm>>) dst(%arg7 : memref<10000xi32, #tpu.memory_space<vmem>>)
      tpu.yield
    }) : () -> ()
    %mul3A_1 = arith.constant 10000 : i32
    %mul3A_2 = arith.muli %arg1, %mul3A_1 : i32
    "tpu.region"() ({
      %run_scoped3A = tpu.sem_alloc : memref<!tpu.dma_semaphore, #tpu.memory_space<semaphore_mem>>
      %dma_start3A = tpu.memref_slice %arg4[%mul3A_2] : memref<160000xi32, #tpu.memory_space<hbm>> -> memref<10000xi32, #tpu.memory_space<hbm>>
      %dma_start3A_253 = tpu.memref_slice %arg4[%mul3A_2] : memref<160000xi32, #tpu.memory_space<hbm>> -> memref<10000xi32, #tpu.memory_space<hbm>>
      tpu.enqueue_dma source(%dma_start3A_253 : memref<10000xi32, #tpu.memory_space<hbm>>) target(%arg8 : memref<10000xi32, #tpu.memory_space<vmem>>) target_semaphore(%run_scoped3A : memref<!tpu.dma_semaphore, #tpu.memory_space<semaphore_mem>>)
      %dma_wait3A = tpu.memref_slice %arg4[%mul3A_2] : memref<160000xi32, #tpu.memory_space<hbm>> -> memref<10000xi32, #tpu.memory_space<hbm>>
      %dma_wait3A_254 = tpu.memref_slice %arg4[%mul3A_2] : memref<160000xi32, #tpu.memory_space<hbm>> -> memref<10000xi32, #tpu.memory_space<hbm>>
      tpu.wait_dma2 semaphore(%run_scoped3A : memref<!tpu.dma_semaphore, #tpu.memory_space<semaphore_mem>>) src(%dma_wait3A_254 : memref<10000xi32, #tpu.memory_space<hbm>>) dst(%arg8 : memref<10000xi32, #tpu.memory_space<vmem>>)
      tpu.yield
    }) : () -> ()
    "tpu.region"() ({
      %run_scoped3A = tpu.sem_alloc : memref<!tpu.dma_semaphore, #tpu.memory_space<semaphore_mem>>
      %dma_start3A = arith.constant 0 : i32
      %dma_start3A_253 = arith.constant 0 : i32
      %dma_start3A_254 = tpu.memref_slice %arg2[%dma_start3A, %dma_start3A_253] : memref<10240x16xf32, #tpu.memory_space<hbm>> -> memref<128x16xf32, #tpu.memory_space<hbm>>
      %dma_start3A_255 = arith.constant 0 : i32
      %dma_start3A_256 = arith.constant 0 : i32
      %dma_start3A_257 = tpu.memref_slice %arg2[%dma_start3A_255, %dma_start3A_256] : memref<10240x16xf32, #tpu.memory_space<hbm>> -> memref<128x16xf32, #tpu.memory_space<hbm>>
      tpu.enqueue_dma source(%dma_start3A_257 : memref<128x16xf32, #tpu.memory_space<hbm>>) target(%arg11 : memref<128x16xf32, #tpu.memory_space<vmem>>) target_semaphore(%run_scoped3A : memref<!tpu.dma_semaphore, #tpu.memory_space<semaphore_mem>>)
      %dma_wait3A = arith.constant 0 : i32
      %dma_wait3A_258 = arith.constant 0 : i32
      %dma_wait3A_259 = tpu.memref_slice %arg2[%dma_wait3A, %dma_wait3A_258] : memref<10240x16xf32, #tpu.memory_space<hbm>> -> memref<128x16xf32, #tpu.memory_space<hbm>>
      %dma_wait3A_260 = arith.constant 0 : i32
      %dma_wait3A_261 = arith.constant 0 : i32
      %dma_wait3A_262 = tpu.memref_slice %arg2[%dma_wait3A_260, %dma_wait3A_261] : memref<10240x16xf32, #tpu.memory_space<hbm>> -> memref<128x16xf32, #tpu.memory_space<hbm>>
      tpu.wait_dma2 semaphore(%run_scoped3A : memref<!tpu.dma_semaphore, #tpu.memory_space<semaphore_mem>>) src(%dma_wait3A_262 : memref<128x16xf32, #tpu.memory_space<hbm>>) dst(%arg11 : memref<128x16xf32, #tpu.memory_space<vmem>>)
      tpu.yield
    }) : () -> ()
    "tpu.region"() ({
      %run_scoped3A = tpu.sem_alloc : memref<!tpu.dma_semaphore, #tpu.memory_space<semaphore_mem>>
      %dma_start3A = arith.constant 0 : i32
      %dma_start3A_253 = arith.constant 0 : i32
      %dma_start3A_254 = tpu.memref_slice %arg2[%dma_start3A, %dma_start3A_253] : memref<10240x16xf32, #tpu.memory_space<hbm>> -> memref<128x16xf32, #tpu.memory_space<hbm>>
      %dma_start3A_255 = arith.constant 0 : i32
      %dma_start3A_256 = arith.constant 0 : i32
      %dma_start3A_257 = tpu.memref_slice %arg2[%dma_start3A_255, %dma_start3A_256] : memref<10240x16xf32, #tpu.memory_space<hbm>> -> memref<128x16xf32, #tpu.memory_space<hbm>>
      tpu.enqueue_dma source(%dma_start3A_257 : memref<128x16xf32, #tpu.memory_space<hbm>>) target(%arg12 : memref<128x16xf32, #tpu.memory_space<vmem>>) target_semaphore(%run_scoped3A : memref<!tpu.dma_semaphore, #tpu.memory_space<semaphore_mem>>)
      %dma_wait3A = arith.constant 0 : i32
      %dma_wait3A_258 = arith.constant 0 : i32
      %dma_wait3A_259 = tpu.memref_slice %arg2[%dma_wait3A, %dma_wait3A_258] : memref<10240x16xf32, #tpu.memory_space<hbm>> -> memref<128x16xf32, #tpu.memory_space<hbm>>
      %dma_wait3A_260 = arith.constant 0 : i32
      %dma_wait3A_261 = arith.constant 0 : i32
      %dma_wait3A_262 = tpu.memref_slice %arg2[%dma_wait3A_260, %dma_wait3A_261] : memref<10240x16xf32, #tpu.memory_space<hbm>> -> memref<128x16xf32, #tpu.memory_space<hbm>>
      tpu.wait_dma2 semaphore(%run_scoped3A : memref<!tpu.dma_semaphore, #tpu.memory_space<semaphore_mem>>) src(%dma_wait3A_262 : memref<128x16xf32, #tpu.memory_space<hbm>>) dst(%arg12 : memref<128x16xf32, #tpu.memory_space<vmem>>)
      tpu.yield
    }) : () -> ()
    %mul3A_3 = arith.constant 2 : i32
    %mul3A_4 = arith.muli %arg0, %mul3A_3 : i32
    %add3A = arith.constant 0 : i32
    %add3A_5 = arith.addi %mul3A_4, %add3A : i32
    %mul3A_6 = arith.constant 2560 : i32
    %mul3A_7 = arith.muli %add3A_5, %mul3A_6 : i32
    %mul3A_8 = arith.constant 161 : i32
    %mul3A_9 = arith.muli %arg1, %mul3A_8 : i32
    %mul3A_10 = arith.constant 161 : i32
    %mul3A_11 = arith.muli %arg1, %mul3A_10 : i32
    "tpu.region"() ({
      %run_scoped3A = tpu.sem_alloc : memref<!tpu.dma_semaphore, #tpu.memory_space<semaphore_mem>>
      %dma_start3A = arith.constant 0 : i32
      %dma_start3A_253 = tpu.memref_slice %arg13[%mul3A_11, %dma_start3A] : memref<2576x16xf32, #tpu.memory_space<vmem_shared>> -> memref<161x16xf32, #tpu.memory_space<vmem_shared>>
      %dma_start3A_254 = arith.constant 0 : i32
      %dma_start3A_255 = tpu.memref_slice %arg5[%mul3A_9, %dma_start3A_254] : memref<2576x16xf32, #tpu.memory_space<hbm>> -> memref<161x16xf32, #tpu.memory_space<hbm>>
      tpu.enqueue_dma source(%dma_start3A_255 : memref<161x16xf32, #tpu.memory_space<hbm>>) target(%dma_start3A_253 : memref<161x16xf32, #tpu.memory_space<vmem_shared>>) target_semaphore(%run_scoped3A : memref<!tpu.dma_semaphore, #tpu.memory_space<semaphore_mem>>)
      %dma_wait3A = arith.constant 0 : i32
      %dma_wait3A_256 = tpu.memref_slice %arg13[%mul3A_11, %dma_wait3A] : memref<2576x16xf32, #tpu.memory_space<vmem_shared>> -> memref<161x16xf32, #tpu.memory_space<vmem_shared>>
      %dma_wait3A_257 = arith.constant 0 : i32
      %dma_wait3A_258 = tpu.memref_slice %arg5[%mul3A_9, %dma_wait3A_257] : memref<2576x16xf32, #tpu.memory_space<hbm>> -> memref<161x16xf32, #tpu.memory_space<hbm>>
      tpu.wait_dma2 semaphore(%run_scoped3A : memref<!tpu.dma_semaphore, #tpu.memory_space<semaphore_mem>>) src(%dma_wait3A_258 : memref<161x16xf32, #tpu.memory_space<hbm>>) dst(%dma_wait3A_256 : memref<161x16xf32, #tpu.memory_space<vmem_shared>>)
      tpu.yield
    }) : () -> ()
    %barrier3A = arith.constant 0 : index
    tpu.barrier barrier_id(%barrier3A)
    %scan3A = arith.constant 0 : i32
    %scan3A_12 = arith.constant 0 : i32
    %scan3A_13 = arith.constant 625 : i32
    %scan3A_14 = arith.addi %scan3A_12, %scan3A_13 : i32
    %scan3A_15 = arith.constant 1 : i32
    %scan3A_16 = scf.for %scan3A_253 = %scan3A_12 to %scan3A_14 step %scan3A_15 iter_args(%scan3A_254 = %scan3A) -> (i32)  : i32 {
      %mul3A_255 = arith.constant 16 : i32
      %mul3A_256 = arith.muli %scan3A_253, %mul3A_255 : i32
      %get3A = arith.index_cast %mul3A_256 : i32 to index
      %get3A_257 = tpu.vector_load %arg8[%get3A] {strides = array<i32>} : memref<10000xi32, #tpu.memory_space<vmem>>, vector<16xi32>,
      %ge3A = vector.broadcast %mul3A_7 : i32 to vector<16xi32>
      %ge3A_258 = arith.cmpi sge, %get3A_257, %ge3A : vector<16xi32>
      %add3A_259 = arith.constant 2560 : i32
      %add3A_260 = arith.addi %mul3A_7, %add3A_259 : i32
      %lt3A = vector.broadcast %add3A_260 : i32 to vector<16xi32>
      %lt3A_261 = arith.cmpi slt, %get3A_257, %lt3A : vector<16xi32>
      %and3A_262 = arith.andi %ge3A_258, %lt3A_261 : vector<16xi1>
      %convert_element_type3A = arith.extui %and3A_262 : vector<16xi1> to vector<16xi32>
      %broadcast_in_dim3A_263 = arith.constant true
      %broadcast_in_dim3A_264 = vector.broadcast %broadcast_in_dim3A_263 : i1 to vector<16xi1>
      %masked_cumsum3A = tpu.scan <sum>, %convert_element_type3A masked %broadcast_in_dim3A_264 : vector<16xi32>, vector<16xi1> -> vector<16xi32>
      %add3A_265 = vector.broadcast %scan3A_254 : i32 to vector<16xi32>
      %add3A_266 = arith.addi %add3A_265, %masked_cumsum3A : vector<16xi32>
      %sub3A_267 = arith.constant 1 : i32
      %sub3A_268 = vector.broadcast %sub3A_267 : i32 to vector<16xi32>
      %sub3A_269 = arith.subi %add3A_266, %sub3A_268 : vector<16xi32>
      %jit3A_270 = arith.constant 10271 : i32
      %broadcast_in_dim3A_271 = vector.broadcast %jit3A_270 : i32 to vector<16xi32>
      %select_n3A_272 = arith.select %and3A_262, %sub3A_269, %broadcast_in_dim3A_271 : vector<16xi1>, vector<16xi32>
      %mul3A_273 = arith.constant 16 : i32
      %mul3A_274 = arith.muli %scan3A_253, %mul3A_273 : i32
      %get3A_275 = arith.index_cast %mul3A_274 : i32 to index
      %get3A_276 = tpu.vector_load %arg7[%get3A_275] {strides = array<i32>} : memref<10000xi32, #tpu.memory_space<vmem>>, vector<16xi32>,
      %sub3A_277 = vector.broadcast %mul3A_7 : i32 to vector<16xi32>
      %sub3A_278 = arith.subi %get3A_257, %sub3A_277 : vector<16xi32>
      tpu.vector_store_idx %arg10[%select_n3A_272], %sub3A_278 : memref<10272xi32, #tpu.memory_space<vmem>>[vector<16xi32>], vector<16xi32>,
      tpu.vector_store_idx %arg9[%select_n3A_272], %get3A_276 : memref<10272xi32, #tpu.memory_space<vmem>>[vector<16xi32>], vector<16xi32>,
      %reduce_sum3A = arith.constant true
      %reduce_sum3A_279 = vector.broadcast %reduce_sum3A : i1 to vector<16xi1>
      %reduce_sum3A_280 = tpu.scan <sum>, %convert_element_type3A masked %reduce_sum3A_279 : vector<16xi32>, vector<16xi1> -> vector<16xi32>
      %reduce_sum3A_281 = vector.extract %reduce_sum3A_280[15] : i32 from vector<16xi32>
      %add3A_282 = arith.addi %scan3A_254, %reduce_sum3A_281 : i32
      scf.yield %add3A_282 : i32
    }
    %scan3A_17 = arith.constant 625 : i32
    %broadcast_in_dim3A = arith.constant 2560 : i32
    %broadcast_in_dim3A_18 = vector.broadcast %broadcast_in_dim3A : i32 to vector<16xi32>
    %broadcast_in_dim3A_19 = arith.constant 0 : i32
    %broadcast_in_dim3A_20 = vector.broadcast %broadcast_in_dim3A_19 : i32 to vector<16xi32>
    %iota3A = tpu.iota {dimensions = array<i32: 0>} : vector<16xi32>
    %add3A_21 = arith.constant 0 : i32
    %add3A_22 = arith.addi %scan3A_16, %add3A_21 : i32
    %add3A_23 = vector.broadcast %add3A_22 : i32 to vector<16xi32>
    %add3A_24 = arith.addi %add3A_23, %iota3A : vector<16xi32>
    tpu.vector_store_idx %arg10[%add3A_24], %broadcast_in_dim3A_18 : memref<10272xi32, #tpu.memory_space<vmem>>[vector<16xi32>], vector<16xi32>,
    tpu.vector_store_idx %arg9[%add3A_24], %broadcast_in_dim3A_20 : memref<10272xi32, #tpu.memory_space<vmem>>[vector<16xi32>], vector<16xi32>,
    %add3A_25 = arith.constant 16 : i32
    %add3A_26 = arith.addi %scan3A_16, %add3A_25 : i32
    %add3A_27 = vector.broadcast %add3A_26 : i32 to vector<16xi32>
    %add3A_28 = arith.addi %add3A_27, %iota3A : vector<16xi32>
    tpu.vector_store_idx %arg10[%add3A_28], %broadcast_in_dim3A_18 : memref<10272xi32, #tpu.memory_space<vmem>>[vector<16xi32>], vector<16xi32>,
    tpu.vector_store_idx %arg9[%add3A_28], %broadcast_in_dim3A_20 : memref<10272xi32, #tpu.memory_space<vmem>>[vector<16xi32>], vector<16xi32>,
    %add3A_29 = arith.constant 32 : i32
    %add3A_30 = arith.addi %scan3A_16, %add3A_29 : i32
    %add3A_31 = vector.broadcast %add3A_30 : i32 to vector<16xi32>
    %add3A_32 = arith.addi %add3A_31, %iota3A : vector<16xi32>
    tpu.vector_store_idx %arg10[%add3A_32], %broadcast_in_dim3A_18 : memref<10272xi32, #tpu.memory_space<vmem>>[vector<16xi32>], vector<16xi32>,
    tpu.vector_store_idx %arg9[%add3A_32], %broadcast_in_dim3A_20 : memref<10272xi32, #tpu.memory_space<vmem>>[vector<16xi32>], vector<16xi32>,
    %add3A_33 = arith.constant 48 : i32
    %add3A_34 = arith.addi %scan3A_16, %add3A_33 : i32
    %add3A_35 = vector.broadcast %add3A_34 : i32 to vector<16xi32>
    %add3A_36 = arith.addi %add3A_35, %iota3A : vector<16xi32>
    tpu.vector_store_idx %arg10[%add3A_36], %broadcast_in_dim3A_18 : memref<10272xi32, #tpu.memory_space<vmem>>[vector<16xi32>], vector<16xi32>,
    tpu.vector_store_idx %arg9[%add3A_36], %broadcast_in_dim3A_20 : memref<10272xi32, #tpu.memory_space<vmem>>[vector<16xi32>], vector<16xi32>,
    %add3A_37 = arith.constant 64 : i32
    %add3A_38 = arith.addi %scan3A_16, %add3A_37 : i32
    %add3A_39 = vector.broadcast %add3A_38 : i32 to vector<16xi32>
    %add3A_40 = arith.addi %add3A_39, %iota3A : vector<16xi32>
    tpu.vector_store_idx %arg10[%add3A_40], %broadcast_in_dim3A_18 : memref<10272xi32, #tpu.memory_space<vmem>>[vector<16xi32>], vector<16xi32>,
    tpu.vector_store_idx %arg9[%add3A_40], %broadcast_in_dim3A_20 : memref<10272xi32, #tpu.memory_space<vmem>>[vector<16xi32>], vector<16xi32>,
    %add3A_41 = arith.constant 80 : i32
    %add3A_42 = arith.addi %scan3A_16, %add3A_41 : i32
    %add3A_43 = vector.broadcast %add3A_42 : i32 to vector<16xi32>
    %add3A_44 = arith.addi %add3A_43, %iota3A : vector<16xi32>
    tpu.vector_store_idx %arg10[%add3A_44], %broadcast_in_dim3A_18 : memref<10272xi32, #tpu.memory_space<vmem>>[vector<16xi32>], vector<16xi32>,
    tpu.vector_store_idx %arg9[%add3A_44], %broadcast_in_dim3A_20 : memref<10272xi32, #tpu.memory_space<vmem>>[vector<16xi32>], vector<16xi32>,
    %add3A_45 = arith.constant 96 : i32
    %add3A_46 = arith.addi %scan3A_16, %add3A_45 : i32
    %add3A_47 = vector.broadcast %add3A_46 : i32 to vector<16xi32>
    %add3A_48 = arith.addi %add3A_47, %iota3A : vector<16xi32>
    tpu.vector_store_idx %arg10[%add3A_48], %broadcast_in_dim3A_18 : memref<10272xi32, #tpu.memory_space<vmem>>[vector<16xi32>], vector<16xi32>,
    tpu.vector_store_idx %arg9[%add3A_48], %broadcast_in_dim3A_20 : memref<10272xi32, #tpu.memory_space<vmem>>[vector<16xi32>], vector<16xi32>,
    %add3A_49 = arith.constant 112 : i32
    %add3A_50 = arith.addi %scan3A_16, %add3A_49 : i32
    %add3A_51 = vector.broadcast %add3A_50 : i32 to vector<16xi32>
    %add3A_52 = arith.addi %add3A_51, %iota3A : vector<16xi32>
    tpu.vector_store_idx %arg10[%add3A_52], %broadcast_in_dim3A_18 : memref<10272xi32, #tpu.memory_space<vmem>>[vector<16xi32>], vector<16xi32>,
    tpu.vector_store_idx %arg9[%add3A_52], %broadcast_in_dim3A_20 : memref<10272xi32, #tpu.memory_space<vmem>>[vector<16xi32>], vector<16xi32>,
    %add3A_53 = arith.constant 128 : i32
    %add3A_54 = arith.addi %scan3A_16, %add3A_53 : i32
    %add3A_55 = vector.broadcast %add3A_54 : i32 to vector<16xi32>
    %add3A_56 = arith.addi %add3A_55, %iota3A : vector<16xi32>
    tpu.vector_store_idx %arg10[%add3A_56], %broadcast_in_dim3A_18 : memref<10272xi32, #tpu.memory_space<vmem>>[vector<16xi32>], vector<16xi32>,
    tpu.vector_store_idx %arg9[%add3A_56], %broadcast_in_dim3A_20 : memref<10272xi32, #tpu.memory_space<vmem>>[vector<16xi32>], vector<16xi32>,
    %add3A_57 = arith.constant 144 : i32
    %add3A_58 = arith.addi %scan3A_16, %add3A_57 : i32
    %add3A_59 = vector.broadcast %add3A_58 : i32 to vector<16xi32>
    %add3A_60 = arith.addi %add3A_59, %iota3A : vector<16xi32>
    tpu.vector_store_idx %arg10[%add3A_60], %broadcast_in_dim3A_18 : memref<10272xi32, #tpu.memory_space<vmem>>[vector<16xi32>], vector<16xi32>,
    tpu.vector_store_idx %arg9[%add3A_60], %broadcast_in_dim3A_20 : memref<10272xi32, #tpu.memory_space<vmem>>[vector<16xi32>], vector<16xi32>,
    %add3A_61 = arith.constant 160 : i32
    %add3A_62 = arith.addi %scan3A_16, %add3A_61 : i32
    %add3A_63 = vector.broadcast %add3A_62 : i32 to vector<16xi32>
    %add3A_64 = arith.addi %add3A_63, %iota3A : vector<16xi32>
    tpu.vector_store_idx %arg10[%add3A_64], %broadcast_in_dim3A_18 : memref<10272xi32, #tpu.memory_space<vmem>>[vector<16xi32>], vector<16xi32>,
    tpu.vector_store_idx %arg9[%add3A_64], %broadcast_in_dim3A_20 : memref<10272xi32, #tpu.memory_space<vmem>>[vector<16xi32>], vector<16xi32>,
    %add3A_65 = arith.constant 176 : i32
    %add3A_66 = arith.addi %scan3A_16, %add3A_65 : i32
    %add3A_67 = vector.broadcast %add3A_66 : i32 to vector<16xi32>
    %add3A_68 = arith.addi %add3A_67, %iota3A : vector<16xi32>
    tpu.vector_store_idx %arg10[%add3A_68], %broadcast_in_dim3A_18 : memref<10272xi32, #tpu.memory_space<vmem>>[vector<16xi32>], vector<16xi32>,
    tpu.vector_store_idx %arg9[%add3A_68], %broadcast_in_dim3A_20 : memref<10272xi32, #tpu.memory_space<vmem>>[vector<16xi32>], vector<16xi32>,
    %add3A_69 = arith.constant 192 : i32
    %add3A_70 = arith.addi %scan3A_16, %add3A_69 : i32
    %add3A_71 = vector.broadcast %add3A_70 : i32 to vector<16xi32>
    %add3A_72 = arith.addi %add3A_71, %iota3A : vector<16xi32>
    tpu.vector_store_idx %arg10[%add3A_72], %broadcast_in_dim3A_18 : memref<10272xi32, #tpu.memory_space<vmem>>[vector<16xi32>], vector<16xi32>,
    tpu.vector_store_idx %arg9[%add3A_72], %broadcast_in_dim3A_20 : memref<10272xi32, #tpu.memory_space<vmem>>[vector<16xi32>], vector<16xi32>,
    %add3A_73 = arith.constant 208 : i32
    %add3A_74 = arith.addi %scan3A_16, %add3A_73 : i32
    %add3A_75 = vector.broadcast %add3A_74 : i32 to vector<16xi32>
    %add3A_76 = arith.addi %add3A_75, %iota3A : vector<16xi32>
    tpu.vector_store_idx %arg10[%add3A_76], %broadcast_in_dim3A_18 : memref<10272xi32, #tpu.memory_space<vmem>>[vector<16xi32>], vector<16xi32>,
    tpu.vector_store_idx %arg9[%add3A_76], %broadcast_in_dim3A_20 : memref<10272xi32, #tpu.memory_space<vmem>>[vector<16xi32>], vector<16xi32>,
    %add3A_77 = arith.constant 224 : i32
    %add3A_78 = arith.addi %scan3A_16, %add3A_77 : i32
    %add3A_79 = vector.broadcast %add3A_78 : i32 to vector<16xi32>
    %add3A_80 = arith.addi %add3A_79, %iota3A : vector<16xi32>
    tpu.vector_store_idx %arg10[%add3A_80], %broadcast_in_dim3A_18 : memref<10272xi32, #tpu.memory_space<vmem>>[vector<16xi32>], vector<16xi32>,
    tpu.vector_store_idx %arg9[%add3A_80], %broadcast_in_dim3A_20 : memref<10272xi32, #tpu.memory_space<vmem>>[vector<16xi32>], vector<16xi32>,
    %add3A_81 = arith.constant 240 : i32
    %add3A_82 = arith.addi %scan3A_16, %add3A_81 : i32
    %add3A_83 = vector.broadcast %add3A_82 : i32 to vector<16xi32>
    %add3A_84 = arith.addi %add3A_83, %iota3A : vector<16xi32>
    tpu.vector_store_idx %arg10[%add3A_84], %broadcast_in_dim3A_18 : memref<10272xi32, #tpu.memory_space<vmem>>[vector<16xi32>], vector<16xi32>,
    tpu.vector_store_idx %arg9[%add3A_84], %broadcast_in_dim3A_20 : memref<10272xi32, #tpu.memory_space<vmem>>[vector<16xi32>], vector<16xi32>,
    %add3A_85 = arith.constant 256 : i32
    %add3A_86 = arith.addi %scan3A_16, %add3A_85 : i32
    %sub3A = arith.constant 1 : i32
    %sub3A_87 = arith.subi %add3A_86, %sub3A : i32
    %jit3A = arith.constant 256 : i32
    %div3A = arith.divsi %sub3A_87, %jit3A : i32
    %sign3A = arith.constant 0 : i32
    %sign3A_88 = arith.cmpi sgt, %sub3A_87, %sign3A : i32
    %sign3A_89 = arith.extui %sign3A_88 : i1 to i32
    %sign3A_90 = arith.constant 0 : i32
    %sign3A_91 = arith.cmpi slt, %sub3A_87, %sign3A_90 : i32
    %sign3A_92 = arith.extui %sign3A_91 : i1 to i32
    %sign3A_93 = arith.subi %sign3A_89, %sign3A_92 : i32
    %sign3A_94 = arith.constant 0 : i32
    %sign3A_95 = arith.cmpi sgt, %jit3A, %sign3A_94 : i32
    %sign3A_96 = arith.extui %sign3A_95 : i1 to i32
    %sign3A_97 = arith.constant 0 : i32
    %sign3A_98 = arith.cmpi slt, %jit3A, %sign3A_97 : i32
    %sign3A_99 = arith.extui %sign3A_98 : i1 to i32
    %sign3A_100 = arith.subi %sign3A_96, %sign3A_99 : i32
    %ne3A = arith.cmpi ne, %sign3A_93, %sign3A_100 : i32
    %rem3A = arith.remsi %sub3A_87, %jit3A : i32
    %ne3A_101 = arith.constant 0 : i32
    %ne3A_102 = arith.cmpi ne, %rem3A, %ne3A_101 : i32
    %and3A = arith.andi %ne3A, %ne3A_102 : i1
    %sub3A_103 = arith.constant 1 : i32
    %sub3A_104 = arith.subi %div3A, %sub3A_103 : i32
    %select_n3A = arith.select %and3A, %sub3A_104, %div3A : i32
    %while3A = arith.constant 0 : i32
    %while3A_105 = arith.constant 0 : i32
    %while3A_106 = arith.subi %select_n3A, %while3A_105 : i32
    %while3A_107 = arith.addi %while3A_105, %while3A_106 : i32
    %while3A_108 = arith.constant 1 : i32
    %while3A_109 = arith.divsi %while3A_106, %while3A_108 : i32
    %while3A_110 = arith.muli %while3A_109, %while3A_108 : i32
    %while3A_111 = arith.addi %while3A_105, %while3A_110 : i32
    %while3A_112 = arith.constant 1 : i32
    scf.for %while3A_253 = %while3A_105 to %while3A_111 step %while3A_112  : i32 {
      %mul3A_254 = arith.constant 2 : i32
      %mul3A_255 = arith.muli %while3A_253, %mul3A_254 : i32
      %mul3A_256 = arith.constant 128 : i32
      %mul3A_257 = arith.muli %mul3A_255, %mul3A_256 : i32
      %add3A_258 = arith.constant 0 : i32
      %add3A_259 = arith.addi %mul3A_257, %add3A_258 : i32
      %mul3A_260 = arith.constant 2 : i32
      %mul3A_261 = arith.muli %while3A_253, %mul3A_260 : i32
      %mul3A_262 = arith.constant 128 : i32
      %mul3A_263 = arith.muli %mul3A_261, %mul3A_262 : i32
      %add3A_264 = arith.constant 128 : i32
      %add3A_265 = arith.addi %mul3A_263, %add3A_264 : i32
      "tpu.region"() ({
        %run_scoped3A = tpu.sem_alloc : memref<!tpu.dma_semaphore, #tpu.memory_space<semaphore_mem>>
        %dma_start3A = tpu.memref_slice %arg10[%add3A_259] : memref<10272xi32, #tpu.memory_space<vmem>> -> memref<128xi32, #tpu.memory_space<vmem>>
        %dma_start3A_266 = arith.constant 0 : i32
        %dma_start3A_267 = arith.constant 0 : i32
        %dma_start3A_268 = tpu.memref_slice %arg13[%dma_start3A_266, %dma_start3A_267] : memref<2576x16xf32, #tpu.memory_space<vmem_shared>> -> memref<2576x16xf32, #tpu.memory_space<vmem_shared>>
        tpu.enqueue_indirect_dma source(%arg11 : memref<128x16xf32, #tpu.memory_space<vmem>>) target(%dma_start3A_268 : memref<2576x16xf32, #tpu.memory_space<vmem_shared>>) offsets(%dma_start3A : memref<128xi32, #tpu.memory_space<vmem>>) semaphore(%run_scoped3A : memref<!tpu.dma_semaphore, #tpu.memory_space<semaphore_mem>>) {add = true}
        %dma_wait3A = tpu.memref_slice %arg10[%add3A_259] : memref<10272xi32, #tpu.memory_space<vmem>> -> memref<128xi32, #tpu.memory_space<vmem>>
        %dma_wait3A_269 = arith.constant 0 : i32
        %dma_wait3A_270 = arith.constant 0 : i32
        %dma_wait3A_271 = tpu.memref_slice %arg13[%dma_wait3A_269, %dma_wait3A_270] : memref<2576x16xf32, #tpu.memory_space<vmem_shared>> -> memref<2576x16xf32, #tpu.memory_space<vmem_shared>>
        tpu.wait_indirect_dma semaphore(%run_scoped3A : memref<!tpu.dma_semaphore, #tpu.memory_space<semaphore_mem>>) src(%arg11 : memref<128x16xf32, #tpu.memory_space<vmem>>) dst(%dma_wait3A_271 : memref<2576x16xf32, #tpu.memory_space<vmem_shared>>)
        tpu.yield
      }) : () -> ()
      "tpu.region"() ({
        %run_scoped3A = tpu.sem_alloc : memref<!tpu.dma_semaphore, #tpu.memory_space<semaphore_mem>>
        %dma_start3A = tpu.memref_slice %arg10[%add3A_265] : memref<10272xi32, #tpu.memory_space<vmem>> -> memref<128xi32, #tpu.memory_space<vmem>>
        %dma_start3A_266 = arith.constant 0 : i32
        %dma_start3A_267 = arith.constant 0 : i32
        %dma_start3A_268 = tpu.memref_slice %arg13[%dma_start3A_266, %dma_start3A_267] : memref<2576x16xf32, #tpu.memory_space<vmem_shared>> -> memref<2576x16xf32, #tpu.memory_space<vmem_shared>>
        tpu.enqueue_indirect_dma source(%arg12 : memref<128x16xf32, #tpu.memory_space<vmem>>) target(%dma_start3A_268 : memref<2576x16xf32, #tpu.memory_space<vmem_shared>>) offsets(%dma_start3A : memref<128xi32, #tpu.memory_space<vmem>>) semaphore(%run_scoped3A : memref<!tpu.dma_semaphore, #tpu.memory_space<semaphore_mem>>) {add = true}
        %dma_wait3A = tpu.memref_slice %arg10[%add3A_265] : memref<10272xi32, #tpu.memory_space<vmem>> -> memref<128xi32, #tpu.memory_space<vmem>>
        %dma_wait3A_269 = arith.constant 0 : i32
        %dma_wait3A_270 = arith.constant 0 : i32
        %dma_wait3A_271 = tpu.memref_slice %arg13[%dma_wait3A_269, %dma_wait3A_270] : memref<2576x16xf32, #tpu.memory_space<vmem_shared>> -> memref<2576x16xf32, #tpu.memory_space<vmem_shared>>
        tpu.wait_indirect_dma semaphore(%run_scoped3A : memref<!tpu.dma_semaphore, #tpu.memory_space<semaphore_mem>>) src(%arg12 : memref<128x16xf32, #tpu.memory_space<vmem>>) dst(%dma_wait3A_271 : memref<2576x16xf32, #tpu.memory_space<vmem_shared>>)
        tpu.yield
      }) : () -> ()
    }
    %while3A_113 = arith.constant 1 : i32
    scf.for %while3A_253 = %while3A_111 to %while3A_107 step %while3A_113  : i32 {
      %mul3A_254 = arith.constant 2 : i32
      %mul3A_255 = arith.muli %while3A_253, %mul3A_254 : i32
      %mul3A_256 = arith.constant 128 : i32
      %mul3A_257 = arith.muli %mul3A_255, %mul3A_256 : i32
      %add3A_258 = arith.constant 0 : i32
      %add3A_259 = arith.addi %mul3A_257, %add3A_258 : i32
      %mul3A_260 = arith.constant 2 : i32
      %mul3A_261 = arith.muli %while3A_253, %mul3A_260 : i32
      %mul3A_262 = arith.constant 128 : i32
      %mul3A_263 = arith.muli %mul3A_261, %mul3A_262 : i32
      %add3A_264 = arith.constant 128 : i32
      %add3A_265 = arith.addi %mul3A_263, %add3A_264 : i32
      "tpu.region"() ({
        %run_scoped3A = tpu.sem_alloc : memref<!tpu.dma_semaphore, #tpu.memory_space<semaphore_mem>>
        %dma_start3A = tpu.memref_slice %arg10[%add3A_259] : memref<10272xi32, #tpu.memory_space<vmem>> -> memref<128xi32, #tpu.memory_space<vmem>>
        %dma_start3A_266 = arith.constant 0 : i32
        %dma_start3A_267 = arith.constant 0 : i32
        %dma_start3A_268 = tpu.memref_slice %arg13[%dma_start3A_266, %dma_start3A_267] : memref<2576x16xf32, #tpu.memory_space<vmem_shared>> -> memref<2576x16xf32, #tpu.memory_space<vmem_shared>>
        tpu.enqueue_indirect_dma source(%arg11 : memref<128x16xf32, #tpu.memory_space<vmem>>) target(%dma_start3A_268 : memref<2576x16xf32, #tpu.memory_space<vmem_shared>>) offsets(%dma_start3A : memref<128xi32, #tpu.memory_space<vmem>>) semaphore(%run_scoped3A : memref<!tpu.dma_semaphore, #tpu.memory_space<semaphore_mem>>) {add = true}
        %dma_wait3A = tpu.memref_slice %arg10[%add3A_259] : memref<10272xi32, #tpu.memory_space<vmem>> -> memref<128xi32, #tpu.memory_space<vmem>>
        %dma_wait3A_269 = arith.constant 0 : i32
        %dma_wait3A_270 = arith.constant 0 : i32
        %dma_wait3A_271 = tpu.memref_slice %arg13[%dma_wait3A_269, %dma_wait3A_270] : memref<2576x16xf32, #tpu.memory_space<vmem_shared>> -> memref<2576x16xf32, #tpu.memory_space<vmem_shared>>
        tpu.wait_indirect_dma semaphore(%run_scoped3A : memref<!tpu.dma_semaphore, #tpu.memory_space<semaphore_mem>>) src(%arg11 : memref<128x16xf32, #tpu.memory_space<vmem>>) dst(%dma_wait3A_271 : memref<2576x16xf32, #tpu.memory_space<vmem_shared>>)
        tpu.yield
      }) : () -> ()
      "tpu.region"() ({
        %run_scoped3A = tpu.sem_alloc : memref<!tpu.dma_semaphore, #tpu.memory_space<semaphore_mem>>
        %dma_start3A = tpu.memref_slice %arg10[%add3A_265] : memref<10272xi32, #tpu.memory_space<vmem>> -> memref<128xi32, #tpu.memory_space<vmem>>
        %dma_start3A_266 = arith.constant 0 : i32
        %dma_start3A_267 = arith.constant 0 : i32
        %dma_start3A_268 = tpu.memref_slice %arg13[%dma_start3A_266, %dma_start3A_267] : memref<2576x16xf32, #tpu.memory_space<vmem_shared>> -> memref<2576x16xf32, #tpu.memory_space<vmem_shared>>
        tpu.enqueue_indirect_dma source(%arg12 : memref<128x16xf32, #tpu.memory_space<vmem>>) target(%dma_start3A_268 : memref<2576x16xf32, #tpu.memory_space<vmem_shared>>) offsets(%dma_start3A : memref<128xi32, #tpu.memory_space<vmem>>) semaphore(%run_scoped3A : memref<!tpu.dma_semaphore, #tpu.memory_space<semaphore_mem>>) {add = true}
        %dma_wait3A = tpu.memref_slice %arg10[%add3A_265] : memref<10272xi32, #tpu.memory_space<vmem>> -> memref<128xi32, #tpu.memory_space<vmem>>
        %dma_wait3A_269 = arith.constant 0 : i32
        %dma_wait3A_270 = arith.constant 0 : i32
        %dma_wait3A_271 = tpu.memref_slice %arg13[%dma_wait3A_269, %dma_wait3A_270] : memref<2576x16xf32, #tpu.memory_space<vmem_shared>> -> memref<2576x16xf32, #tpu.memory_space<vmem_shared>>
        tpu.wait_indirect_dma semaphore(%run_scoped3A : memref<!tpu.dma_semaphore, #tpu.memory_space<semaphore_mem>>) src(%arg12 : memref<128x16xf32, #tpu.memory_space<vmem>>) dst(%dma_wait3A_271 : memref<2576x16xf32, #tpu.memory_space<vmem_shared>>)
        tpu.yield
      }) : () -> ()
    }
    %barrier3A_114 = arith.constant 0 : index
    tpu.barrier barrier_id(%barrier3A_114)
    %mul3A_115 = arith.constant 160 : i32
    %mul3A_116 = arith.muli %arg1, %mul3A_115 : i32
    %mul3A_117 = arith.constant 160 : i32
    %mul3A_118 = arith.muli %arg1, %mul3A_117 : i32
    %add3A_119 = arith.addi %mul3A_7, %mul3A_118 : i32
    "tpu.region"() ({
      %run_scoped3A = tpu.sem_alloc : memref<!tpu.dma_semaphore, #tpu.memory_space<semaphore_mem>>
      %dma_start3A = arith.constant 0 : i32
      %dma_start3A_253 = tpu.memref_slice %arg6[%add3A_119, %dma_start3A] : memref<10240x16xf32, #tpu.memory_space<hbm>> -> memref<160x16xf32, #tpu.memory_space<hbm>>
      %dma_start3A_254 = arith.constant 0 : i32
      %dma_start3A_255 = tpu.memref_slice %arg13[%mul3A_116, %dma_start3A_254] : memref<2576x16xf32, #tpu.memory_space<vmem_shared>> -> memref<160x16xf32, #tpu.memory_space<vmem_shared>>
      tpu.enqueue_dma source(%dma_start3A_255 : memref<160x16xf32, #tpu.memory_space<vmem_shared>>) target(%dma_start3A_253 : memref<160x16xf32, #tpu.memory_space<hbm>>) target_semaphore(%run_scoped3A : memref<!tpu.dma_semaphore, #tpu.memory_space<semaphore_mem>>)
      %dma_wait3A = arith.constant 0 : i32
      %dma_wait3A_256 = tpu.memref_slice %arg6[%add3A_119, %dma_wait3A] : memref<10240x16xf32, #tpu.memory_space<hbm>> -> memref<160x16xf32, #tpu.memory_space<hbm>>
      %dma_wait3A_257 = arith.constant 0 : i32
      %dma_wait3A_258 = tpu.memref_slice %arg13[%mul3A_116, %dma_wait3A_257] : memref<2576x16xf32, #tpu.memory_space<vmem_shared>> -> memref<160x16xf32, #tpu.memory_space<vmem_shared>>
      tpu.wait_dma2 semaphore(%run_scoped3A : memref<!tpu.dma_semaphore, #tpu.memory_space<semaphore_mem>>) src(%dma_wait3A_258 : memref<160x16xf32, #tpu.memory_space<vmem_shared>>) dst(%dma_wait3A_256 : memref<160x16xf32, #tpu.memory_space<hbm>>)
      tpu.yield
    }) : () -> ()
    %barrier3A_120 = arith.constant 0 : index
    tpu.barrier barrier_id(%barrier3A_120)
    %mul3A_121 = arith.constant 2 : i32
    %mul3A_122 = arith.muli %arg0, %mul3A_121 : i32
    %add3A_123 = arith.constant 1 : i32
    %add3A_124 = arith.addi %mul3A_122, %add3A_123 : i32
    %mul3A_125 = arith.constant 2560 : i32
    %mul3A_126 = arith.muli %add3A_124, %mul3A_125 : i32
    %mul3A_127 = arith.constant 161 : i32
    %mul3A_128 = arith.muli %arg1, %mul3A_127 : i32
    %mul3A_129 = arith.constant 161 : i32
    %mul3A_130 = arith.muli %arg1, %mul3A_129 : i32
    "tpu.region"() ({
      %run_scoped3A = tpu.sem_alloc : memref<!tpu.dma_semaphore, #tpu.memory_space<semaphore_mem>>
      %dma_start3A = arith.constant 0 : i32
      %dma_start3A_253 = tpu.memref_slice %arg13[%mul3A_130, %dma_start3A] : memref<2576x16xf32, #tpu.memory_space<vmem_shared>> -> memref<161x16xf32, #tpu.memory_space<vmem_shared>>
      %dma_start3A_254 = arith.constant 0 : i32
      %dma_start3A_255 = tpu.memref_slice %arg5[%mul3A_128, %dma_start3A_254] : memref<2576x16xf32, #tpu.memory_space<hbm>> -> memref<161x16xf32, #tpu.memory_space<hbm>>
      tpu.enqueue_dma source(%dma_start3A_255 : memref<161x16xf32, #tpu.memory_space<hbm>>) target(%dma_start3A_253 : memref<161x16xf32, #tpu.memory_space<vmem_shared>>) target_semaphore(%run_scoped3A : memref<!tpu.dma_semaphore, #tpu.memory_space<semaphore_mem>>)
      %dma_wait3A = arith.constant 0 : i32
      %dma_wait3A_256 = tpu.memref_slice %arg13[%mul3A_130, %dma_wait3A] : memref<2576x16xf32, #tpu.memory_space<vmem_shared>> -> memref<161x16xf32, #tpu.memory_space<vmem_shared>>
      %dma_wait3A_257 = arith.constant 0 : i32
      %dma_wait3A_258 = tpu.memref_slice %arg5[%mul3A_128, %dma_wait3A_257] : memref<2576x16xf32, #tpu.memory_space<hbm>> -> memref<161x16xf32, #tpu.memory_space<hbm>>
      tpu.wait_dma2 semaphore(%run_scoped3A : memref<!tpu.dma_semaphore, #tpu.memory_space<semaphore_mem>>) src(%dma_wait3A_258 : memref<161x16xf32, #tpu.memory_space<hbm>>) dst(%dma_wait3A_256 : memref<161x16xf32, #tpu.memory_space<vmem_shared>>)
      tpu.yield
    }) : () -> ()
    %barrier3A_131 = arith.constant 0 : index
    tpu.barrier barrier_id(%barrier3A_131)
    %scan3A_132 = arith.constant 0 : i32
    %scan3A_133 = arith.constant 0 : i32
    %scan3A_134 = arith.constant 625 : i32
    %scan3A_135 = arith.addi %scan3A_133, %scan3A_134 : i32
    %scan3A_136 = arith.constant 1 : i32
    %scan3A_137 = scf.for %scan3A_253 = %scan3A_133 to %scan3A_135 step %scan3A_136 iter_args(%scan3A_254 = %scan3A_132) -> (i32)  : i32 {
      %mul3A_255 = arith.constant 16 : i32
      %mul3A_256 = arith.muli %scan3A_253, %mul3A_255 : i32
      %get3A = arith.index_cast %mul3A_256 : i32 to index
      %get3A_257 = tpu.vector_load %arg8[%get3A] {strides = array<i32>} : memref<10000xi32, #tpu.memory_space<vmem>>, vector<16xi32>,
      %ge3A = vector.broadcast %mul3A_126 : i32 to vector<16xi32>
      %ge3A_258 = arith.cmpi sge, %get3A_257, %ge3A : vector<16xi32>
      %add3A_259 = arith.constant 2560 : i32
      %add3A_260 = arith.addi %mul3A_126, %add3A_259 : i32
      %lt3A = vector.broadcast %add3A_260 : i32 to vector<16xi32>
      %lt3A_261 = arith.cmpi slt, %get3A_257, %lt3A : vector<16xi32>
      %and3A_262 = arith.andi %ge3A_258, %lt3A_261 : vector<16xi1>
      %convert_element_type3A = arith.extui %and3A_262 : vector<16xi1> to vector<16xi32>
      %broadcast_in_dim3A_263 = arith.constant true
      %broadcast_in_dim3A_264 = vector.broadcast %broadcast_in_dim3A_263 : i1 to vector<16xi1>
      %masked_cumsum3A = tpu.scan <sum>, %convert_element_type3A masked %broadcast_in_dim3A_264 : vector<16xi32>, vector<16xi1> -> vector<16xi32>
      %add3A_265 = vector.broadcast %scan3A_254 : i32 to vector<16xi32>
      %add3A_266 = arith.addi %add3A_265, %masked_cumsum3A : vector<16xi32>
      %sub3A_267 = arith.constant 1 : i32
      %sub3A_268 = vector.broadcast %sub3A_267 : i32 to vector<16xi32>
      %sub3A_269 = arith.subi %add3A_266, %sub3A_268 : vector<16xi32>
      %jit3A_270 = arith.constant 10271 : i32
      %broadcast_in_dim3A_271 = vector.broadcast %jit3A_270 : i32 to vector<16xi32>
      %select_n3A_272 = arith.select %and3A_262, %sub3A_269, %broadcast_in_dim3A_271 : vector<16xi1>, vector<16xi32>
      %mul3A_273 = arith.constant 16 : i32
      %mul3A_274 = arith.muli %scan3A_253, %mul3A_273 : i32
      %get3A_275 = arith.index_cast %mul3A_274 : i32 to index
      %get3A_276 = tpu.vector_load %arg7[%get3A_275] {strides = array<i32>} : memref<10000xi32, #tpu.memory_space<vmem>>, vector<16xi32>,
      %sub3A_277 = vector.broadcast %mul3A_126 : i32 to vector<16xi32>
      %sub3A_278 = arith.subi %get3A_257, %sub3A_277 : vector<16xi32>
      tpu.vector_store_idx %arg10[%select_n3A_272], %sub3A_278 : memref<10272xi32, #tpu.memory_space<vmem>>[vector<16xi32>], vector<16xi32>,
      tpu.vector_store_idx %arg9[%select_n3A_272], %get3A_276 : memref<10272xi32, #tpu.memory_space<vmem>>[vector<16xi32>], vector<16xi32>,
      %reduce_sum3A = arith.constant true
      %reduce_sum3A_279 = vector.broadcast %reduce_sum3A : i1 to vector<16xi1>
      %reduce_sum3A_280 = tpu.scan <sum>, %convert_element_type3A masked %reduce_sum3A_279 : vector<16xi32>, vector<16xi1> -> vector<16xi32>
      %reduce_sum3A_281 = vector.extract %reduce_sum3A_280[15] : i32 from vector<16xi32>
      %add3A_282 = arith.addi %scan3A_254, %reduce_sum3A_281 : i32
      scf.yield %add3A_282 : i32
    }
    %scan3A_138 = arith.constant 625 : i32
    %broadcast_in_dim3A_139 = arith.constant 2560 : i32
    %broadcast_in_dim3A_140 = vector.broadcast %broadcast_in_dim3A_139 : i32 to vector<16xi32>
    %broadcast_in_dim3A_141 = arith.constant 0 : i32
    %broadcast_in_dim3A_142 = vector.broadcast %broadcast_in_dim3A_141 : i32 to vector<16xi32>
    %iota3A_143 = tpu.iota {dimensions = array<i32: 0>} : vector<16xi32>
    %add3A_144 = arith.constant 0 : i32
    %add3A_145 = arith.addi %scan3A_137, %add3A_144 : i32
    %add3A_146 = vector.broadcast %add3A_145 : i32 to vector<16xi32>
    %add3A_147 = arith.addi %add3A_146, %iota3A_143 : vector<16xi32>
    tpu.vector_store_idx %arg10[%add3A_147], %broadcast_in_dim3A_140 : memref<10272xi32, #tpu.memory_space<vmem>>[vector<16xi32>], vector<16xi32>,
    tpu.vector_store_idx %arg9[%add3A_147], %broadcast_in_dim3A_142 : memref<10272xi32, #tpu.memory_space<vmem>>[vector<16xi32>], vector<16xi32>,
    %add3A_148 = arith.constant 16 : i32
    %add3A_149 = arith.addi %scan3A_137, %add3A_148 : i32
    %add3A_150 = vector.broadcast %add3A_149 : i32 to vector<16xi32>
    %add3A_151 = arith.addi %add3A_150, %iota3A_143 : vector<16xi32>
    tpu.vector_store_idx %arg10[%add3A_151], %broadcast_in_dim3A_140 : memref<10272xi32, #tpu.memory_space<vmem>>[vector<16xi32>], vector<16xi32>,
    tpu.vector_store_idx %arg9[%add3A_151], %broadcast_in_dim3A_142 : memref<10272xi32, #tpu.memory_space<vmem>>[vector<16xi32>], vector<16xi32>,
    %add3A_152 = arith.constant 32 : i32
    %add3A_153 = arith.addi %scan3A_137, %add3A_152 : i32
    %add3A_154 = vector.broadcast %add3A_153 : i32 to vector<16xi32>
    %add3A_155 = arith.addi %add3A_154, %iota3A_143 : vector<16xi32>
    tpu.vector_store_idx %arg10[%add3A_155], %broadcast_in_dim3A_140 : memref<10272xi32, #tpu.memory_space<vmem>>[vector<16xi32>], vector<16xi32>,
    tpu.vector_store_idx %arg9[%add3A_155], %broadcast_in_dim3A_142 : memref<10272xi32, #tpu.memory_space<vmem>>[vector<16xi32>], vector<16xi32>,
    %add3A_156 = arith.constant 48 : i32
    %add3A_157 = arith.addi %scan3A_137, %add3A_156 : i32
    %add3A_158 = vector.broadcast %add3A_157 : i32 to vector<16xi32>
    %add3A_159 = arith.addi %add3A_158, %iota3A_143 : vector<16xi32>
    tpu.vector_store_idx %arg10[%add3A_159], %broadcast_in_dim3A_140 : memref<10272xi32, #tpu.memory_space<vmem>>[vector<16xi32>], vector<16xi32>,
    tpu.vector_store_idx %arg9[%add3A_159], %broadcast_in_dim3A_142 : memref<10272xi32, #tpu.memory_space<vmem>>[vector<16xi32>], vector<16xi32>,
    %add3A_160 = arith.constant 64 : i32
    %add3A_161 = arith.addi %scan3A_137, %add3A_160 : i32
    %add3A_162 = vector.broadcast %add3A_161 : i32 to vector<16xi32>
    %add3A_163 = arith.addi %add3A_162, %iota3A_143 : vector<16xi32>
    tpu.vector_store_idx %arg10[%add3A_163], %broadcast_in_dim3A_140 : memref<10272xi32, #tpu.memory_space<vmem>>[vector<16xi32>], vector<16xi32>,
    tpu.vector_store_idx %arg9[%add3A_163], %broadcast_in_dim3A_142 : memref<10272xi32, #tpu.memory_space<vmem>>[vector<16xi32>], vector<16xi32>,
    %add3A_164 = arith.constant 80 : i32
    %add3A_165 = arith.addi %scan3A_137, %add3A_164 : i32
    %add3A_166 = vector.broadcast %add3A_165 : i32 to vector<16xi32>
    %add3A_167 = arith.addi %add3A_166, %iota3A_143 : vector<16xi32>
    tpu.vector_store_idx %arg10[%add3A_167], %broadcast_in_dim3A_140 : memref<10272xi32, #tpu.memory_space<vmem>>[vector<16xi32>], vector<16xi32>,
    tpu.vector_store_idx %arg9[%add3A_167], %broadcast_in_dim3A_142 : memref<10272xi32, #tpu.memory_space<vmem>>[vector<16xi32>], vector<16xi32>,
    %add3A_168 = arith.constant 96 : i32
    %add3A_169 = arith.addi %scan3A_137, %add3A_168 : i32
    %add3A_170 = vector.broadcast %add3A_169 : i32 to vector<16xi32>
    %add3A_171 = arith.addi %add3A_170, %iota3A_143 : vector<16xi32>
    tpu.vector_store_idx %arg10[%add3A_171], %broadcast_in_dim3A_140 : memref<10272xi32, #tpu.memory_space<vmem>>[vector<16xi32>], vector<16xi32>,
    tpu.vector_store_idx %arg9[%add3A_171], %broadcast_in_dim3A_142 : memref<10272xi32, #tpu.memory_space<vmem>>[vector<16xi32>], vector<16xi32>,
    %add3A_172 = arith.constant 112 : i32
    %add3A_173 = arith.addi %scan3A_137, %add3A_172 : i32
    %add3A_174 = vector.broadcast %add3A_173 : i32 to vector<16xi32>
    %add3A_175 = arith.addi %add3A_174, %iota3A_143 : vector<16xi32>
    tpu.vector_store_idx %arg10[%add3A_175], %broadcast_in_dim3A_140 : memref<10272xi32, #tpu.memory_space<vmem>>[vector<16xi32>], vector<16xi32>,
    tpu.vector_store_idx %arg9[%add3A_175], %broadcast_in_dim3A_142 : memref<10272xi32, #tpu.memory_space<vmem>>[vector<16xi32>], vector<16xi32>,
    %add3A_176 = arith.constant 128 : i32
    %add3A_177 = arith.addi %scan3A_137, %add3A_176 : i32
    %add3A_178 = vector.broadcast %add3A_177 : i32 to vector<16xi32>
    %add3A_179 = arith.addi %add3A_178, %iota3A_143 : vector<16xi32>
    tpu.vector_store_idx %arg10[%add3A_179], %broadcast_in_dim3A_140 : memref<10272xi32, #tpu.memory_space<vmem>>[vector<16xi32>], vector<16xi32>,
    tpu.vector_store_idx %arg9[%add3A_179], %broadcast_in_dim3A_142 : memref<10272xi32, #tpu.memory_space<vmem>>[vector<16xi32>], vector<16xi32>,
    %add3A_180 = arith.constant 144 : i32
    %add3A_181 = arith.addi %scan3A_137, %add3A_180 : i32
    %add3A_182 = vector.broadcast %add3A_181 : i32 to vector<16xi32>
    %add3A_183 = arith.addi %add3A_182, %iota3A_143 : vector<16xi32>
    tpu.vector_store_idx %arg10[%add3A_183], %broadcast_in_dim3A_140 : memref<10272xi32, #tpu.memory_space<vmem>>[vector<16xi32>], vector<16xi32>,
    tpu.vector_store_idx %arg9[%add3A_183], %broadcast_in_dim3A_142 : memref<10272xi32, #tpu.memory_space<vmem>>[vector<16xi32>], vector<16xi32>,
    %add3A_184 = arith.constant 160 : i32
    %add3A_185 = arith.addi %scan3A_137, %add3A_184 : i32
    %add3A_186 = vector.broadcast %add3A_185 : i32 to vector<16xi32>
    %add3A_187 = arith.addi %add3A_186, %iota3A_143 : vector<16xi32>
    tpu.vector_store_idx %arg10[%add3A_187], %broadcast_in_dim3A_140 : memref<10272xi32, #tpu.memory_space<vmem>>[vector<16xi32>], vector<16xi32>,
    tpu.vector_store_idx %arg9[%add3A_187], %broadcast_in_dim3A_142 : memref<10272xi32, #tpu.memory_space<vmem>>[vector<16xi32>], vector<16xi32>,
    %add3A_188 = arith.constant 176 : i32
    %add3A_189 = arith.addi %scan3A_137, %add3A_188 : i32
    %add3A_190 = vector.broadcast %add3A_189 : i32 to vector<16xi32>
    %add3A_191 = arith.addi %add3A_190, %iota3A_143 : vector<16xi32>
    tpu.vector_store_idx %arg10[%add3A_191], %broadcast_in_dim3A_140 : memref<10272xi32, #tpu.memory_space<vmem>>[vector<16xi32>], vector<16xi32>,
    tpu.vector_store_idx %arg9[%add3A_191], %broadcast_in_dim3A_142 : memref<10272xi32, #tpu.memory_space<vmem>>[vector<16xi32>], vector<16xi32>,
    %add3A_192 = arith.constant 192 : i32
    %add3A_193 = arith.addi %scan3A_137, %add3A_192 : i32
    %add3A_194 = vector.broadcast %add3A_193 : i32 to vector<16xi32>
    %add3A_195 = arith.addi %add3A_194, %iota3A_143 : vector<16xi32>
    tpu.vector_store_idx %arg10[%add3A_195], %broadcast_in_dim3A_140 : memref<10272xi32, #tpu.memory_space<vmem>>[vector<16xi32>], vector<16xi32>,
    tpu.vector_store_idx %arg9[%add3A_195], %broadcast_in_dim3A_142 : memref<10272xi32, #tpu.memory_space<vmem>>[vector<16xi32>], vector<16xi32>,
    %add3A_196 = arith.constant 208 : i32
    %add3A_197 = arith.addi %scan3A_137, %add3A_196 : i32
    %add3A_198 = vector.broadcast %add3A_197 : i32 to vector<16xi32>
    %add3A_199 = arith.addi %add3A_198, %iota3A_143 : vector<16xi32>
    tpu.vector_store_idx %arg10[%add3A_199], %broadcast_in_dim3A_140 : memref<10272xi32, #tpu.memory_space<vmem>>[vector<16xi32>], vector<16xi32>,
    tpu.vector_store_idx %arg9[%add3A_199], %broadcast_in_dim3A_142 : memref<10272xi32, #tpu.memory_space<vmem>>[vector<16xi32>], vector<16xi32>,
    %add3A_200 = arith.constant 224 : i32
    %add3A_201 = arith.addi %scan3A_137, %add3A_200 : i32
    %add3A_202 = vector.broadcast %add3A_201 : i32 to vector<16xi32>
    %add3A_203 = arith.addi %add3A_202, %iota3A_143 : vector<16xi32>
    tpu.vector_store_idx %arg10[%add3A_203], %broadcast_in_dim3A_140 : memref<10272xi32, #tpu.memory_space<vmem>>[vector<16xi32>], vector<16xi32>,
    tpu.vector_store_idx %arg9[%add3A_203], %broadcast_in_dim3A_142 : memref<10272xi32, #tpu.memory_space<vmem>>[vector<16xi32>], vector<16xi32>,
    %add3A_204 = arith.constant 240 : i32
    %add3A_205 = arith.addi %scan3A_137, %add3A_204 : i32
    %add3A_206 = vector.broadcast %add3A_205 : i32 to vector<16xi32>
    %add3A_207 = arith.addi %add3A_206, %iota3A_143 : vector<16xi32>
    tpu.vector_store_idx %arg10[%add3A_207], %broadcast_in_dim3A_140 : memref<10272xi32, #tpu.memory_space<vmem>>[vector<16xi32>], vector<16xi32>,
    tpu.vector_store_idx %arg9[%add3A_207], %broadcast_in_dim3A_142 : memref<10272xi32, #tpu.memory_space<vmem>>[vector<16xi32>], vector<16xi32>,
    %add3A_208 = arith.constant 256 : i32
    %add3A_209 = arith.addi %scan3A_137, %add3A_208 : i32
    %sub3A_210 = arith.constant 1 : i32
    %sub3A_211 = arith.subi %add3A_209, %sub3A_210 : i32
    %jit3A_212 = arith.constant 256 : i32
    %div3A_213 = arith.divsi %sub3A_211, %jit3A_212 : i32
    %sign3A_214 = arith.constant 0 : i32
    %sign3A_215 = arith.cmpi sgt, %sub3A_211, %sign3A_214 : i32
    %sign3A_216 = arith.extui %sign3A_215 : i1 to i32
    %sign3A_217 = arith.constant 0 : i32
    %sign3A_218 = arith.cmpi slt, %sub3A_211, %sign3A_217 : i32
    %sign3A_219 = arith.extui %sign3A_218 : i1 to i32
    %sign3A_220 = arith.subi %sign3A_216, %sign3A_219 : i32
    %sign3A_221 = arith.constant 0 : i32
    %sign3A_222 = arith.cmpi sgt, %jit3A_212, %sign3A_221 : i32
    %sign3A_223 = arith.extui %sign3A_222 : i1 to i32
    %sign3A_224 = arith.constant 0 : i32
    %sign3A_225 = arith.cmpi slt, %jit3A_212, %sign3A_224 : i32
    %sign3A_226 = arith.extui %sign3A_225 : i1 to i32
    %sign3A_227 = arith.subi %sign3A_223, %sign3A_226 : i32
    %ne3A_228 = arith.cmpi ne, %sign3A_220, %sign3A_227 : i32
    %rem3A_229 = arith.remsi %sub3A_211, %jit3A_212 : i32
    %ne3A_230 = arith.constant 0 : i32
    %ne3A_231 = arith.cmpi ne, %rem3A_229, %ne3A_230 : i32
    %and3A_232 = arith.andi %ne3A_228, %ne3A_231 : i1
    %sub3A_233 = arith.constant 1 : i32
    %sub3A_234 = arith.subi %div3A_213, %sub3A_233 : i32
    %select_n3A_235 = arith.select %and3A_232, %sub3A_234, %div3A_213 : i32
    %while3A_236 = arith.constant 0 : i32
    %while3A_237 = arith.constant 0 : i32
    %while3A_238 = arith.subi %select_n3A_235, %while3A_237 : i32
    %while3A_239 = arith.addi %while3A_237, %while3A_238 : i32
    %while3A_240 = arith.constant 1 : i32
    %while3A_241 = arith.divsi %while3A_238, %while3A_240 : i32
    %while3A_242 = arith.muli %while3A_241, %while3A_240 : i32
    %while3A_243 = arith.addi %while3A_237, %while3A_242 : i32
    %while3A_244 = arith.constant 1 : i32
    scf.for %while3A_253 = %while3A_237 to %while3A_243 step %while3A_244  : i32 {
      %mul3A_254 = arith.constant 2 : i32
      %mul3A_255 = arith.muli %while3A_253, %mul3A_254 : i32
      %mul3A_256 = arith.constant 128 : i32
      %mul3A_257 = arith.muli %mul3A_255, %mul3A_256 : i32
      %add3A_258 = arith.constant 0 : i32
      %add3A_259 = arith.addi %mul3A_257, %add3A_258 : i32
      %mul3A_260 = arith.constant 2 : i32
      %mul3A_261 = arith.muli %while3A_253, %mul3A_260 : i32
      %mul3A_262 = arith.constant 128 : i32
      %mul3A_263 = arith.muli %mul3A_261, %mul3A_262 : i32
      %add3A_264 = arith.constant 128 : i32
      %add3A_265 = arith.addi %mul3A_263, %add3A_264 : i32
      "tpu.region"() ({
        %run_scoped3A = tpu.sem_alloc : memref<!tpu.dma_semaphore, #tpu.memory_space<semaphore_mem>>
        %dma_start3A = tpu.memref_slice %arg10[%add3A_259] : memref<10272xi32, #tpu.memory_space<vmem>> -> memref<128xi32, #tpu.memory_space<vmem>>
        %dma_start3A_266 = arith.constant 0 : i32
        %dma_start3A_267 = arith.constant 0 : i32
        %dma_start3A_268 = tpu.memref_slice %arg13[%dma_start3A_266, %dma_start3A_267] : memref<2576x16xf32, #tpu.memory_space<vmem_shared>> -> memref<2576x16xf32, #tpu.memory_space<vmem_shared>>
        tpu.enqueue_indirect_dma source(%arg11 : memref<128x16xf32, #tpu.memory_space<vmem>>) target(%dma_start3A_268 : memref<2576x16xf32, #tpu.memory_space<vmem_shared>>) offsets(%dma_start3A : memref<128xi32, #tpu.memory_space<vmem>>) semaphore(%run_scoped3A : memref<!tpu.dma_semaphore, #tpu.memory_space<semaphore_mem>>) {add = true}
        %dma_wait3A = tpu.memref_slice %arg10[%add3A_259] : memref<10272xi32, #tpu.memory_space<vmem>> -> memref<128xi32, #tpu.memory_space<vmem>>
        %dma_wait3A_269 = arith.constant 0 : i32
        %dma_wait3A_270 = arith.constant 0 : i32
        %dma_wait3A_271 = tpu.memref_slice %arg13[%dma_wait3A_269, %dma_wait3A_270] : memref<2576x16xf32, #tpu.memory_space<vmem_shared>> -> memref<2576x16xf32, #tpu.memory_space<vmem_shared>>
        tpu.wait_indirect_dma semaphore(%run_scoped3A : memref<!tpu.dma_semaphore, #tpu.memory_space<semaphore_mem>>) src(%arg11 : memref<128x16xf32, #tpu.memory_space<vmem>>) dst(%dma_wait3A_271 : memref<2576x16xf32, #tpu.memory_space<vmem_shared>>)
        tpu.yield
      }) : () -> ()
      "tpu.region"() ({
        %run_scoped3A = tpu.sem_alloc : memref<!tpu.dma_semaphore, #tpu.memory_space<semaphore_mem>>
        %dma_start3A = tpu.memref_slice %arg10[%add3A_265] : memref<10272xi32, #tpu.memory_space<vmem>> -> memref<128xi32, #tpu.memory_space<vmem>>
        %dma_start3A_266 = arith.constant 0 : i32
        %dma_start3A_267 = arith.constant 0 : i32
        %dma_start3A_268 = tpu.memref_slice %arg13[%dma_start3A_266, %dma_start3A_267] : memref<2576x16xf32, #tpu.memory_space<vmem_shared>> -> memref<2576x16xf32, #tpu.memory_space<vmem_shared>>
        tpu.enqueue_indirect_dma source(%arg12 : memref<128x16xf32, #tpu.memory_space<vmem>>) target(%dma_start3A_268 : memref<2576x16xf32, #tpu.memory_space<vmem_shared>>) offsets(%dma_start3A : memref<128xi32, #tpu.memory_space<vmem>>) semaphore(%run_scoped3A : memref<!tpu.dma_semaphore, #tpu.memory_space<semaphore_mem>>) {add = true}
        %dma_wait3A = tpu.memref_slice %arg10[%add3A_265] : memref<10272xi32, #tpu.memory_space<vmem>> -> memref<128xi32, #tpu.memory_space<vmem>>
        %dma_wait3A_269 = arith.constant 0 : i32
        %dma_wait3A_270 = arith.constant 0 : i32
        %dma_wait3A_271 = tpu.memref_slice %arg13[%dma_wait3A_269, %dma_wait3A_270] : memref<2576x16xf32, #tpu.memory_space<vmem_shared>> -> memref<2576x16xf32, #tpu.memory_space<vmem_shared>>
        tpu.wait_indirect_dma semaphore(%run_scoped3A : memref<!tpu.dma_semaphore, #tpu.memory_space<semaphore_mem>>) src(%arg12 : memref<128x16xf32, #tpu.memory_space<vmem>>) dst(%dma_wait3A_271 : memref<2576x16xf32, #tpu.memory_space<vmem_shared>>)
        tpu.yield
      }) : () -> ()
    }
    %while3A_245 = arith.constant 1 : i32
    scf.for %while3A_253 = %while3A_243 to %while3A_239 step %while3A_245  : i32 {
      %mul3A_254 = arith.constant 2 : i32
      %mul3A_255 = arith.muli %while3A_253, %mul3A_254 : i32
      %mul3A_256 = arith.constant 128 : i32
      %mul3A_257 = arith.muli %mul3A_255, %mul3A_256 : i32
      %add3A_258 = arith.constant 0 : i32
      %add3A_259 = arith.addi %mul3A_257, %add3A_258 : i32
      %mul3A_260 = arith.constant 2 : i32
      %mul3A_261 = arith.muli %while3A_253, %mul3A_260 : i32
      %mul3A_262 = arith.constant 128 : i32
      %mul3A_263 = arith.muli %mul3A_261, %mul3A_262 : i32
      %add3A_264 = arith.constant 128 : i32
      %add3A_265 = arith.addi %mul3A_263, %add3A_264 : i32
      "tpu.region"() ({
        %run_scoped3A = tpu.sem_alloc : memref<!tpu.dma_semaphore, #tpu.memory_space<semaphore_mem>>
        %dma_start3A = tpu.memref_slice %arg10[%add3A_259] : memref<10272xi32, #tpu.memory_space<vmem>> -> memref<128xi32, #tpu.memory_space<vmem>>
        %dma_start3A_266 = arith.constant 0 : i32
        %dma_start3A_267 = arith.constant 0 : i32
        %dma_start3A_268 = tpu.memref_slice %arg13[%dma_start3A_266, %dma_start3A_267] : memref<2576x16xf32, #tpu.memory_space<vmem_shared>> -> memref<2576x16xf32, #tpu.memory_space<vmem_shared>>
        tpu.enqueue_indirect_dma source(%arg11 : memref<128x16xf32, #tpu.memory_space<vmem>>) target(%dma_start3A_268 : memref<2576x16xf32, #tpu.memory_space<vmem_shared>>) offsets(%dma_start3A : memref<128xi32, #tpu.memory_space<vmem>>) semaphore(%run_scoped3A : memref<!tpu.dma_semaphore, #tpu.memory_space<semaphore_mem>>) {add = true}
        %dma_wait3A = tpu.memref_slice %arg10[%add3A_259] : memref<10272xi32, #tpu.memory_space<vmem>> -> memref<128xi32, #tpu.memory_space<vmem>>
        %dma_wait3A_269 = arith.constant 0 : i32
        %dma_wait3A_270 = arith.constant 0 : i32
        %dma_wait3A_271 = tpu.memref_slice %arg13[%dma_wait3A_269, %dma_wait3A_270] : memref<2576x16xf32, #tpu.memory_space<vmem_shared>> -> memref<2576x16xf32, #tpu.memory_space<vmem_shared>>
        tpu.wait_indirect_dma semaphore(%run_scoped3A : memref<!tpu.dma_semaphore, #tpu.memory_space<semaphore_mem>>) src(%arg11 : memref<128x16xf32, #tpu.memory_space<vmem>>) dst(%dma_wait3A_271 : memref<2576x16xf32, #tpu.memory_space<vmem_shared>>)
        tpu.yield
      }) : () -> ()
      "tpu.region"() ({
        %run_scoped3A = tpu.sem_alloc : memref<!tpu.dma_semaphore, #tpu.memory_space<semaphore_mem>>
        %dma_start3A = tpu.memref_slice %arg10[%add3A_265] : memref<10272xi32, #tpu.memory_space<vmem>> -> memref<128xi32, #tpu.memory_space<vmem>>
        %dma_start3A_266 = arith.constant 0 : i32
        %dma_start3A_267 = arith.constant 0 : i32
        %dma_start3A_268 = tpu.memref_slice %arg13[%dma_start3A_266, %dma_start3A_267] : memref<2576x16xf32, #tpu.memory_space<vmem_shared>> -> memref<2576x16xf32, #tpu.memory_space<vmem_shared>>
        tpu.enqueue_indirect_dma source(%arg12 : memref<128x16xf32, #tpu.memory_space<vmem>>) target(%dma_start3A_268 : memref<2576x16xf32, #tpu.memory_space<vmem_shared>>) offsets(%dma_start3A : memref<128xi32, #tpu.memory_space<vmem>>) semaphore(%run_scoped3A : memref<!tpu.dma_semaphore, #tpu.memory_space<semaphore_mem>>) {add = true}
        %dma_wait3A = tpu.memref_slice %arg10[%add3A_265] : memref<10272xi32, #tpu.memory_space<vmem>> -> memref<128xi32, #tpu.memory_space<vmem>>
        %dma_wait3A_269 = arith.constant 0 : i32
        %dma_wait3A_270 = arith.constant 0 : i32
        %dma_wait3A_271 = tpu.memref_slice %arg13[%dma_wait3A_269, %dma_wait3A_270] : memref<2576x16xf32, #tpu.memory_space<vmem_shared>> -> memref<2576x16xf32, #tpu.memory_space<vmem_shared>>
        tpu.wait_indirect_dma semaphore(%run_scoped3A : memref<!tpu.dma_semaphore, #tpu.memory_space<semaphore_mem>>) src(%arg12 : memref<128x16xf32, #tpu.memory_space<vmem>>) dst(%dma_wait3A_271 : memref<2576x16xf32, #tpu.memory_space<vmem_shared>>)
        tpu.yield
      }) : () -> ()
    }
    %barrier3A_246 = arith.constant 0 : index
    tpu.barrier barrier_id(%barrier3A_246)
    %mul3A_247 = arith.constant 160 : i32
    %mul3A_248 = arith.muli %arg1, %mul3A_247 : i32
    %mul3A_249 = arith.constant 160 : i32
    %mul3A_250 = arith.muli %arg1, %mul3A_249 : i32
    %add3A_251 = arith.addi %mul3A_126, %mul3A_250 : i32
    "tpu.region"() ({
      %run_scoped3A = tpu.sem_alloc : memref<!tpu.dma_semaphore, #tpu.memory_space<semaphore_mem>>
      %dma_start3A = arith.constant 0 : i32
      %dma_start3A_253 = tpu.memref_slice %arg6[%add3A_251, %dma_start3A] : memref<10240x16xf32, #tpu.memory_space<hbm>> -> memref<160x16xf32, #tpu.memory_space<hbm>>
      %dma_start3A_254 = arith.constant 0 : i32
      %dma_start3A_255 = tpu.memref_slice %arg13[%mul3A_248, %dma_start3A_254] : memref<2576x16xf32, #tpu.memory_space<vmem_shared>> -> memref<160x16xf32, #tpu.memory_space<vmem_shared>>
      tpu.enqueue_dma source(%dma_start3A_255 : memref<160x16xf32, #tpu.memory_space<vmem_shared>>) target(%dma_start3A_253 : memref<160x16xf32, #tpu.memory_space<hbm>>) target_semaphore(%run_scoped3A : memref<!tpu.dma_semaphore, #tpu.memory_space<semaphore_mem>>)
      %dma_wait3A = arith.constant 0 : i32
      %dma_wait3A_256 = tpu.memref_slice %arg6[%add3A_251, %dma_wait3A] : memref<10240x16xf32, #tpu.memory_space<hbm>> -> memref<160x16xf32, #tpu.memory_space<hbm>>
      %dma_wait3A_257 = arith.constant 0 : i32
      %dma_wait3A_258 = tpu.memref_slice %arg13[%mul3A_248, %dma_wait3A_257] : memref<2576x16xf32, #tpu.memory_space<vmem_shared>> -> memref<160x16xf32, #tpu.memory_space<vmem_shared>>
      tpu.wait_dma2 semaphore(%run_scoped3A : memref<!tpu.dma_semaphore, #tpu.memory_space<semaphore_mem>>) src(%dma_wait3A_258 : memref<160x16xf32, #tpu.memory_space<vmem_shared>>) dst(%dma_wait3A_256 : memref<160x16xf32, #tpu.memory_space<hbm>>)
      tpu.yield
    }) : () -> ()
    %barrier3A_252 = arith.constant 0 : index
    tpu.barrier barrier_id(%barrier3A_252)
    return
  }
}

#map = affine_map<(d0, d1) -> (0, 0)>
#map1 = affine_map<(d0, d1) -> (0)>
module attributes {stable_mosaic.version = 14 : i64} {
  func.func @k(%arg0: i32, %arg1: i32, %arg2: memref<10240x512xf32, #tpu.memory_space<hbm>>, %arg3: memref<160000xi32, #tpu.memory_space<hbm>>, %arg4: memref<160000xi32, #tpu.memory_space<hbm>>, %arg5: memref<1296x512xf32, #tpu.memory_space<hbm>>, %arg6: memref<10240x512xf32, #tpu.memory_space<hbm>>, %arg7: memref<10000xi32, #tpu.memory_space<vmem>>, %arg8: memref<10000xi32, #tpu.memory_space<vmem>>, %arg9: memref<10048xi32, #tpu.memory_space<vmem>>, %arg10: memref<10048xi32, #tpu.memory_space<vmem>>, %arg11: memref<16x512xf32, #tpu.memory_space<vmem>>, %arg12: memref<16x512xf32, #tpu.memory_space<vmem>>, %arg13: memref<1296x512xf32, #tpu.memory_space<vmem_shared>>, %arg14: memref<!tpu.dma_semaphore, #tpu.memory_space<semaphore_mem>>, %arg15: memref<!tpu.dma_semaphore, #tpu.memory_space<semaphore_mem>>) attributes {dimension_semantics = [#tpu.dimension_semantics<core_parallel>, #tpu.dimension_semantics<subcore_parallel>], iteration_bounds = array<i64: 2, 16>, scalar_prefetch = 0 : i64, scratch_operands = 9 : i64, tpu.core_type = #tpu.core_type<sc_vector_subcore>, window_params = [{transform_indices = #map}, {transform_indices = #map1}, {transform_indices = #map1}, {transform_indices = #map}, {transform_indices = #map}]} {
    %mul3A = arith.constant 10000 : i32
    %mul3A_0 = arith.muli %arg1, %mul3A : i32
    "tpu.region"() ({
      %run_scoped3A = tpu.sem_alloc : memref<!tpu.dma_semaphore, #tpu.memory_space<semaphore_mem>>
      %dma_start3A = tpu.memref_slice %arg3[%mul3A_0] : memref<160000xi32, #tpu.memory_space<hbm>> -> memref<10000xi32, #tpu.memory_space<hbm>>
      %dma_start3A_293 = tpu.memref_slice %arg3[%mul3A_0] : memref<160000xi32, #tpu.memory_space<hbm>> -> memref<10000xi32, #tpu.memory_space<hbm>>
      tpu.enqueue_dma source(%dma_start3A_293 : memref<10000xi32, #tpu.memory_space<hbm>>) target(%arg7 : memref<10000xi32, #tpu.memory_space<vmem>>) target_semaphore(%run_scoped3A : memref<!tpu.dma_semaphore, #tpu.memory_space<semaphore_mem>>)
      %dma_wait3A = tpu.memref_slice %arg3[%mul3A_0] : memref<160000xi32, #tpu.memory_space<hbm>> -> memref<10000xi32, #tpu.memory_space<hbm>>
      %dma_wait3A_294 = tpu.memref_slice %arg3[%mul3A_0] : memref<160000xi32, #tpu.memory_space<hbm>> -> memref<10000xi32, #tpu.memory_space<hbm>>
      tpu.wait_dma2 semaphore(%run_scoped3A : memref<!tpu.dma_semaphore, #tpu.memory_space<semaphore_mem>>) src(%dma_wait3A_294 : memref<10000xi32, #tpu.memory_space<hbm>>) dst(%arg7 : memref<10000xi32, #tpu.memory_space<vmem>>)
      tpu.yield
    }) : () -> ()
    %mul3A_1 = arith.constant 10000 : i32
    %mul3A_2 = arith.muli %arg1, %mul3A_1 : i32
    "tpu.region"() ({
      %run_scoped3A = tpu.sem_alloc : memref<!tpu.dma_semaphore, #tpu.memory_space<semaphore_mem>>
      %dma_start3A = tpu.memref_slice %arg4[%mul3A_2] : memref<160000xi32, #tpu.memory_space<hbm>> -> memref<10000xi32, #tpu.memory_space<hbm>>
      %dma_start3A_293 = tpu.memref_slice %arg4[%mul3A_2] : memref<160000xi32, #tpu.memory_space<hbm>> -> memref<10000xi32, #tpu.memory_space<hbm>>
      tpu.enqueue_dma source(%dma_start3A_293 : memref<10000xi32, #tpu.memory_space<hbm>>) target(%arg8 : memref<10000xi32, #tpu.memory_space<vmem>>) target_semaphore(%run_scoped3A : memref<!tpu.dma_semaphore, #tpu.memory_space<semaphore_mem>>)
      %dma_wait3A = tpu.memref_slice %arg4[%mul3A_2] : memref<160000xi32, #tpu.memory_space<hbm>> -> memref<10000xi32, #tpu.memory_space<hbm>>
      %dma_wait3A_294 = tpu.memref_slice %arg4[%mul3A_2] : memref<160000xi32, #tpu.memory_space<hbm>> -> memref<10000xi32, #tpu.memory_space<hbm>>
      tpu.wait_dma2 semaphore(%run_scoped3A : memref<!tpu.dma_semaphore, #tpu.memory_space<semaphore_mem>>) src(%dma_wait3A_294 : memref<10000xi32, #tpu.memory_space<hbm>>) dst(%arg8 : memref<10000xi32, #tpu.memory_space<vmem>>)
      tpu.yield
    }) : () -> ()
    %mul3A_3 = arith.constant 4 : i32
    %mul3A_4 = arith.muli %arg0, %mul3A_3 : i32
    %add3A = arith.constant 0 : i32
    %add3A_5 = arith.addi %mul3A_4, %add3A : i32
    %mul3A_6 = arith.constant 1280 : i32
    %mul3A_7 = arith.muli %add3A_5, %mul3A_6 : i32
    %mul3A_8 = arith.constant 81 : i32
    %mul3A_9 = arith.muli %arg1, %mul3A_8 : i32
    %mul3A_10 = arith.constant 81 : i32
    %mul3A_11 = arith.muli %arg1, %mul3A_10 : i32
    "tpu.region"() ({
      %run_scoped3A = tpu.sem_alloc : memref<!tpu.dma_semaphore, #tpu.memory_space<semaphore_mem>>
      %dma_start3A = arith.constant 0 : i32
      %dma_start3A_293 = tpu.memref_slice %arg13[%mul3A_11, %dma_start3A] : memref<1296x512xf32, #tpu.memory_space<vmem_shared>> -> memref<81x512xf32, #tpu.memory_space<vmem_shared>>
      %dma_start3A_294 = arith.constant 0 : i32
      %dma_start3A_295 = tpu.memref_slice %arg5[%mul3A_9, %dma_start3A_294] : memref<1296x512xf32, #tpu.memory_space<hbm>> -> memref<81x512xf32, #tpu.memory_space<hbm>>
      tpu.enqueue_dma source(%dma_start3A_295 : memref<81x512xf32, #tpu.memory_space<hbm>>) target(%dma_start3A_293 : memref<81x512xf32, #tpu.memory_space<vmem_shared>>) target_semaphore(%run_scoped3A : memref<!tpu.dma_semaphore, #tpu.memory_space<semaphore_mem>>)
      %dma_wait3A = arith.constant 0 : i32
      %dma_wait3A_296 = tpu.memref_slice %arg13[%mul3A_11, %dma_wait3A] : memref<1296x512xf32, #tpu.memory_space<vmem_shared>> -> memref<81x512xf32, #tpu.memory_space<vmem_shared>>
      %dma_wait3A_297 = arith.constant 0 : i32
      %dma_wait3A_298 = tpu.memref_slice %arg5[%mul3A_9, %dma_wait3A_297] : memref<1296x512xf32, #tpu.memory_space<hbm>> -> memref<81x512xf32, #tpu.memory_space<hbm>>
      tpu.wait_dma2 semaphore(%run_scoped3A : memref<!tpu.dma_semaphore, #tpu.memory_space<semaphore_mem>>) src(%dma_wait3A_298 : memref<81x512xf32, #tpu.memory_space<hbm>>) dst(%dma_wait3A_296 : memref<81x512xf32, #tpu.memory_space<vmem_shared>>)
      tpu.yield
    }) : () -> ()
    %barrier3A = arith.constant 0 : index
    tpu.barrier barrier_id(%barrier3A)
    %scan3A = arith.constant 0 : i32
    %scan3A_12 = arith.constant 0 : i32
    %scan3A_13 = arith.constant 625 : i32
    %scan3A_14 = arith.addi %scan3A_12, %scan3A_13 : i32
    %scan3A_15 = arith.constant 1 : i32
    %scan3A_16 = scf.for %scan3A_293 = %scan3A_12 to %scan3A_14 step %scan3A_15 iter_args(%scan3A_294 = %scan3A) -> (i32)  : i32 {
      %mul3A_295 = arith.constant 16 : i32
      %mul3A_296 = arith.muli %scan3A_293, %mul3A_295 : i32
      %get3A = arith.index_cast %mul3A_296 : i32 to index
      %get3A_297 = tpu.vector_load %arg8[%get3A] {strides = array<i32>} : memref<10000xi32, #tpu.memory_space<vmem>>, vector<16xi32>,
      %ge3A = vector.broadcast %mul3A_7 : i32 to vector<16xi32>
      %ge3A_298 = arith.cmpi sge, %get3A_297, %ge3A : vector<16xi32>
      %add3A_299 = arith.constant 1280 : i32
      %add3A_300 = arith.addi %mul3A_7, %add3A_299 : i32
      %lt3A = vector.broadcast %add3A_300 : i32 to vector<16xi32>
      %lt3A_301 = arith.cmpi slt, %get3A_297, %lt3A : vector<16xi32>
      %and3A_302 = arith.andi %ge3A_298, %lt3A_301 : vector<16xi1>
      %convert_element_type3A = arith.extui %and3A_302 : vector<16xi1> to vector<16xi32>
      %broadcast_in_dim3A_303 = arith.constant true
      %broadcast_in_dim3A_304 = vector.broadcast %broadcast_in_dim3A_303 : i1 to vector<16xi1>
      %masked_cumsum3A = tpu.scan <sum>, %convert_element_type3A masked %broadcast_in_dim3A_304 : vector<16xi32>, vector<16xi1> -> vector<16xi32>
      %add3A_305 = vector.broadcast %scan3A_294 : i32 to vector<16xi32>
      %add3A_306 = arith.addi %add3A_305, %masked_cumsum3A : vector<16xi32>
      %sub3A_307 = arith.constant 1 : i32
      %sub3A_308 = vector.broadcast %sub3A_307 : i32 to vector<16xi32>
      %sub3A_309 = arith.subi %add3A_306, %sub3A_308 : vector<16xi32>
      %jit3A_310 = arith.constant 10047 : i32
      %broadcast_in_dim3A_311 = vector.broadcast %jit3A_310 : i32 to vector<16xi32>
      %select_n3A_312 = arith.select %and3A_302, %sub3A_309, %broadcast_in_dim3A_311 : vector<16xi1>, vector<16xi32>
      %mul3A_313 = arith.constant 16 : i32
      %mul3A_314 = arith.muli %scan3A_293, %mul3A_313 : i32
      %get3A_315 = arith.index_cast %mul3A_314 : i32 to index
      %get3A_316 = tpu.vector_load %arg7[%get3A_315] {strides = array<i32>} : memref<10000xi32, #tpu.memory_space<vmem>>, vector<16xi32>,
      %sub3A_317 = vector.broadcast %mul3A_7 : i32 to vector<16xi32>
      %sub3A_318 = arith.subi %get3A_297, %sub3A_317 : vector<16xi32>
      tpu.vector_store_idx %arg10[%select_n3A_312], %sub3A_318 : memref<10048xi32, #tpu.memory_space<vmem>>[vector<16xi32>], vector<16xi32>,
      tpu.vector_store_idx %arg9[%select_n3A_312], %get3A_316 : memref<10048xi32, #tpu.memory_space<vmem>>[vector<16xi32>], vector<16xi32>,
      %reduce_sum3A = arith.constant true
      %reduce_sum3A_319 = vector.broadcast %reduce_sum3A : i1 to vector<16xi1>
      %reduce_sum3A_320 = tpu.scan <sum>, %convert_element_type3A masked %reduce_sum3A_319 : vector<16xi32>, vector<16xi1> -> vector<16xi32>
      %reduce_sum3A_321 = vector.extract %reduce_sum3A_320[15] : i32 from vector<16xi32>
      %add3A_322 = arith.addi %scan3A_294, %reduce_sum3A_321 : i32
      scf.yield %add3A_322 : i32
    }
    %scan3A_17 = arith.constant 625 : i32
    %broadcast_in_dim3A = arith.constant 1280 : i32
    %broadcast_in_dim3A_18 = vector.broadcast %broadcast_in_dim3A : i32 to vector<16xi32>
    %broadcast_in_dim3A_19 = arith.constant 0 : i32
    %broadcast_in_dim3A_20 = vector.broadcast %broadcast_in_dim3A_19 : i32 to vector<16xi32>
    %iota3A = tpu.iota {dimensions = array<i32: 0>} : vector<16xi32>
    %add3A_21 = arith.constant 0 : i32
    %add3A_22 = arith.addi %scan3A_16, %add3A_21 : i32
    %add3A_23 = vector.broadcast %add3A_22 : i32 to vector<16xi32>
    %add3A_24 = arith.addi %add3A_23, %iota3A : vector<16xi32>
    tpu.vector_store_idx %arg10[%add3A_24], %broadcast_in_dim3A_18 : memref<10048xi32, #tpu.memory_space<vmem>>[vector<16xi32>], vector<16xi32>,
    tpu.vector_store_idx %arg9[%add3A_24], %broadcast_in_dim3A_20 : memref<10048xi32, #tpu.memory_space<vmem>>[vector<16xi32>], vector<16xi32>,
    %add3A_25 = arith.constant 16 : i32
    %add3A_26 = arith.addi %scan3A_16, %add3A_25 : i32
    %add3A_27 = vector.broadcast %add3A_26 : i32 to vector<16xi32>
    %add3A_28 = arith.addi %add3A_27, %iota3A : vector<16xi32>
    tpu.vector_store_idx %arg10[%add3A_28], %broadcast_in_dim3A_18 : memref<10048xi32, #tpu.memory_space<vmem>>[vector<16xi32>], vector<16xi32>,
    tpu.vector_store_idx %arg9[%add3A_28], %broadcast_in_dim3A_20 : memref<10048xi32, #tpu.memory_space<vmem>>[vector<16xi32>], vector<16xi32>,
    %add3A_29 = arith.constant 32 : i32
    %add3A_30 = arith.addi %scan3A_16, %add3A_29 : i32
    %sub3A = arith.constant 1 : i32
    %sub3A_31 = arith.subi %add3A_30, %sub3A : i32
    %jit3A = arith.constant 32 : i32
    %div3A = arith.divsi %sub3A_31, %jit3A : i32
    %sign3A = arith.constant 0 : i32
    %sign3A_32 = arith.cmpi sgt, %sub3A_31, %sign3A : i32
    %sign3A_33 = arith.extui %sign3A_32 : i1 to i32
    %sign3A_34 = arith.constant 0 : i32
    %sign3A_35 = arith.cmpi slt, %sub3A_31, %sign3A_34 : i32
    %sign3A_36 = arith.extui %sign3A_35 : i1 to i32
    %sign3A_37 = arith.subi %sign3A_33, %sign3A_36 : i32
    %sign3A_38 = arith.constant 0 : i32
    %sign3A_39 = arith.cmpi sgt, %jit3A, %sign3A_38 : i32
    %sign3A_40 = arith.extui %sign3A_39 : i1 to i32
    %sign3A_41 = arith.constant 0 : i32
    %sign3A_42 = arith.cmpi slt, %jit3A, %sign3A_41 : i32
    %sign3A_43 = arith.extui %sign3A_42 : i1 to i32
    %sign3A_44 = arith.subi %sign3A_40, %sign3A_43 : i32
    %ne3A = arith.cmpi ne, %sign3A_37, %sign3A_44 : i32
    %rem3A = arith.remsi %sub3A_31, %jit3A : i32
    %ne3A_45 = arith.constant 0 : i32
    %ne3A_46 = arith.cmpi ne, %rem3A, %ne3A_45 : i32
    %and3A = arith.andi %ne3A, %ne3A_46 : i1
    %sub3A_47 = arith.constant 1 : i32
    %sub3A_48 = arith.subi %div3A, %sub3A_47 : i32
    %select_n3A = arith.select %and3A, %sub3A_48, %div3A : i32
    %while3A = arith.constant 0 : i32
    %while3A_49 = arith.constant 0 : i32
    %while3A_50 = arith.subi %select_n3A, %while3A_49 : i32
    %while3A_51 = arith.addi %while3A_49, %while3A_50 : i32
    %while3A_52 = arith.constant 1 : i32
    %while3A_53 = arith.divsi %while3A_50, %while3A_52 : i32
    %while3A_54 = arith.muli %while3A_53, %while3A_52 : i32
    %while3A_55 = arith.addi %while3A_49, %while3A_54 : i32
    %while3A_56 = arith.constant 1 : i32
    scf.for %while3A_293 = %while3A_49 to %while3A_55 step %while3A_56  : i32 {
      %mul3A_294 = arith.constant 2 : i32
      %mul3A_295 = arith.muli %while3A_293, %mul3A_294 : i32
      %mul3A_296 = arith.constant 16 : i32
      %mul3A_297 = arith.muli %mul3A_295, %mul3A_296 : i32
      %add3A_298 = arith.constant 0 : i32
      %add3A_299 = arith.addi %mul3A_297, %add3A_298 : i32
      %mul3A_300 = arith.constant 2 : i32
      %mul3A_301 = arith.muli %while3A_293, %mul3A_300 : i32
      %mul3A_302 = arith.constant 16 : i32
      %mul3A_303 = arith.muli %mul3A_301, %mul3A_302 : i32
      %add3A_304 = arith.constant 16 : i32
      %add3A_305 = arith.addi %mul3A_303, %add3A_304 : i32
      %dma_start3A = tpu.memref_slice %arg9[%add3A_299] : memref<10048xi32, #tpu.memory_space<vmem>> -> memref<16xi32, #tpu.memory_space<vmem>>
      %dma_start3A_306 = arith.constant 0 : i32
      %dma_start3A_307 = arith.constant 0 : i32
      %dma_start3A_308 = tpu.memref_slice %arg2[%dma_start3A_306, %dma_start3A_307] : memref<10240x512xf32, #tpu.memory_space<hbm>> -> memref<10240x512xf32, #tpu.memory_space<hbm>>
      tpu.enqueue_indirect_dma source(%dma_start3A_308 : memref<10240x512xf32, #tpu.memory_space<hbm>>) target(%arg11 : memref<16x512xf32, #tpu.memory_space<vmem>>) offsets(%dma_start3A : memref<16xi32, #tpu.memory_space<vmem>>) semaphore(%arg14 : memref<!tpu.dma_semaphore, #tpu.memory_space<semaphore_mem>>)
      %dma_start3A_309 = tpu.memref_slice %arg9[%add3A_305] : memref<10048xi32, #tpu.memory_space<vmem>> -> memref<16xi32, #tpu.memory_space<vmem>>
      %dma_start3A_310 = arith.constant 0 : i32
      %dma_start3A_311 = arith.constant 0 : i32
      %dma_start3A_312 = tpu.memref_slice %arg2[%dma_start3A_310, %dma_start3A_311] : memref<10240x512xf32, #tpu.memory_space<hbm>> -> memref<10240x512xf32, #tpu.memory_space<hbm>>
      tpu.enqueue_indirect_dma source(%dma_start3A_312 : memref<10240x512xf32, #tpu.memory_space<hbm>>) target(%arg12 : memref<16x512xf32, #tpu.memory_space<vmem>>) offsets(%dma_start3A_309 : memref<16xi32, #tpu.memory_space<vmem>>) semaphore(%arg15 : memref<!tpu.dma_semaphore, #tpu.memory_space<semaphore_mem>>)
      %dma_wait3A = tpu.memref_slice %arg9[%add3A_299] : memref<10048xi32, #tpu.memory_space<vmem>> -> memref<16xi32, #tpu.memory_space<vmem>>
      %dma_wait3A_313 = arith.constant 0 : i32
      %dma_wait3A_314 = arith.constant 0 : i32
      %dma_wait3A_315 = tpu.memref_slice %arg2[%dma_wait3A_313, %dma_wait3A_314] : memref<10240x512xf32, #tpu.memory_space<hbm>> -> memref<10240x512xf32, #tpu.memory_space<hbm>>
      tpu.wait_indirect_dma semaphore(%arg14 : memref<!tpu.dma_semaphore, #tpu.memory_space<semaphore_mem>>) src(%dma_wait3A_315 : memref<10240x512xf32, #tpu.memory_space<hbm>>) dst(%arg11 : memref<16x512xf32, #tpu.memory_space<vmem>>)
      "tpu.region"() ({
        %run_scoped3A = tpu.sem_alloc : memref<!tpu.dma_semaphore, #tpu.memory_space<semaphore_mem>>
        %dma_start3A_320 = tpu.memref_slice %arg10[%add3A_299] : memref<10048xi32, #tpu.memory_space<vmem>> -> memref<16xi32, #tpu.memory_space<vmem>>
        %dma_start3A_321 = arith.constant 0 : i32
        %dma_start3A_322 = arith.constant 0 : i32
        %dma_start3A_323 = tpu.memref_slice %arg13[%dma_start3A_321, %dma_start3A_322] : memref<1296x512xf32, #tpu.memory_space<vmem_shared>> -> memref<1296x512xf32, #tpu.memory_space<vmem_shared>>
        tpu.enqueue_indirect_dma source(%arg11 : memref<16x512xf32, #tpu.memory_space<vmem>>) target(%dma_start3A_323 : memref<1296x512xf32, #tpu.memory_space<vmem_shared>>) offsets(%dma_start3A_320 : memref<16xi32, #tpu.memory_space<vmem>>) semaphore(%run_scoped3A : memref<!tpu.dma_semaphore, #tpu.memory_space<semaphore_mem>>) {add = true}
        %dma_wait3A_324 = tpu.memref_slice %arg10[%add3A_299] : memref<10048xi32, #tpu.memory_space<vmem>> -> memref<16xi32, #tpu.memory_space<vmem>>
        %dma_wait3A_325 = arith.constant 0 : i32
        %dma_wait3A_326 = arith.constant 0 : i32
        %dma_wait3A_327 = tpu.memref_slice %arg13[%dma_wait3A_325, %dma_wait3A_326] : memref<1296x512xf32, #tpu.memory_space<vmem_shared>> -> memref<1296x512xf32, #tpu.memory_space<vmem_shared>>
        tpu.wait_indirect_dma semaphore(%run_scoped3A : memref<!tpu.dma_semaphore, #tpu.memory_space<semaphore_mem>>) src(%arg11 : memref<16x512xf32, #tpu.memory_space<vmem>>) dst(%dma_wait3A_327 : memref<1296x512xf32, #tpu.memory_space<vmem_shared>>)
        tpu.yield
      }) : () -> ()
      %dma_wait3A_316 = tpu.memref_slice %arg9[%add3A_305] : memref<10048xi32, #tpu.memory_space<vmem>> -> memref<16xi32, #tpu.memory_space<vmem>>
      %dma_wait3A_317 = arith.constant 0 : i32
      %dma_wait3A_318 = arith.constant 0 : i32
      %dma_wait3A_319 = tpu.memref_slice %arg2[%dma_wait3A_317, %dma_wait3A_318] : memref<10240x512xf32, #tpu.memory_space<hbm>> -> memref<10240x512xf32, #tpu.memory_space<hbm>>
      tpu.wait_indirect_dma semaphore(%arg15 : memref<!tpu.dma_semaphore, #tpu.memory_space<semaphore_mem>>) src(%dma_wait3A_319 : memref<10240x512xf32, #tpu.memory_space<hbm>>) dst(%arg12 : memref<16x512xf32, #tpu.memory_space<vmem>>)
      "tpu.region"() ({
        %run_scoped3A = tpu.sem_alloc : memref<!tpu.dma_semaphore, #tpu.memory_space<semaphore_mem>>
        %dma_start3A_320 = tpu.memref_slice %arg10[%add3A_305] : memref<10048xi32, #tpu.memory_space<vmem>> -> memref<16xi32, #tpu.memory_space<vmem>>
        %dma_start3A_321 = arith.constant 0 : i32
        %dma_start3A_322 = arith.constant 0 : i32
        %dma_start3A_323 = tpu.memref_slice %arg13[%dma_start3A_321, %dma_start3A_322] : memref<1296x512xf32, #tpu.memory_space<vmem_shared>> -> memref<1296x512xf32, #tpu.memory_space<vmem_shared>>
        tpu.enqueue_indirect_dma source(%arg12 : memref<16x512xf32, #tpu.memory_space<vmem>>) target(%dma_start3A_323 : memref<1296x512xf32, #tpu.memory_space<vmem_shared>>) offsets(%dma_start3A_320 : memref<16xi32, #tpu.memory_space<vmem>>) semaphore(%run_scoped3A : memref<!tpu.dma_semaphore, #tpu.memory_space<semaphore_mem>>) {add = true}
        %dma_wait3A_324 = tpu.memref_slice %arg10[%add3A_305] : memref<10048xi32, #tpu.memory_space<vmem>> -> memref<16xi32, #tpu.memory_space<vmem>>
        %dma_wait3A_325 = arith.constant 0 : i32
        %dma_wait3A_326 = arith.constant 0 : i32
        %dma_wait3A_327 = tpu.memref_slice %arg13[%dma_wait3A_325, %dma_wait3A_326] : memref<1296x512xf32, #tpu.memory_space<vmem_shared>> -> memref<1296x512xf32, #tpu.memory_space<vmem_shared>>
        tpu.wait_indirect_dma semaphore(%run_scoped3A : memref<!tpu.dma_semaphore, #tpu.memory_space<semaphore_mem>>) src(%arg12 : memref<16x512xf32, #tpu.memory_space<vmem>>) dst(%dma_wait3A_327 : memref<1296x512xf32, #tpu.memory_space<vmem_shared>>)
        tpu.yield
      }) : () -> ()
    }
    %while3A_57 = arith.constant 1 : i32
    scf.for %while3A_293 = %while3A_55 to %while3A_51 step %while3A_57  : i32 {
      %mul3A_294 = arith.constant 2 : i32
      %mul3A_295 = arith.muli %while3A_293, %mul3A_294 : i32
      %mul3A_296 = arith.constant 16 : i32
      %mul3A_297 = arith.muli %mul3A_295, %mul3A_296 : i32
      %add3A_298 = arith.constant 0 : i32
      %add3A_299 = arith.addi %mul3A_297, %add3A_298 : i32
      %mul3A_300 = arith.constant 2 : i32
      %mul3A_301 = arith.muli %while3A_293, %mul3A_300 : i32
      %mul3A_302 = arith.constant 16 : i32
      %mul3A_303 = arith.muli %mul3A_301, %mul3A_302 : i32
      %add3A_304 = arith.constant 16 : i32
      %add3A_305 = arith.addi %mul3A_303, %add3A_304 : i32
      %dma_start3A = tpu.memref_slice %arg9[%add3A_299] : memref<10048xi32, #tpu.memory_space<vmem>> -> memref<16xi32, #tpu.memory_space<vmem>>
      %dma_start3A_306 = arith.constant 0 : i32
      %dma_start3A_307 = arith.constant 0 : i32
      %dma_start3A_308 = tpu.memref_slice %arg2[%dma_start3A_306, %dma_start3A_307] : memref<10240x512xf32, #tpu.memory_space<hbm>> -> memref<10240x512xf32, #tpu.memory_space<hbm>>
      tpu.enqueue_indirect_dma source(%dma_start3A_308 : memref<10240x512xf32, #tpu.memory_space<hbm>>) target(%arg11 : memref<16x512xf32, #tpu.memory_space<vmem>>) offsets(%dma_start3A : memref<16xi32, #tpu.memory_space<vmem>>) semaphore(%arg14 : memref<!tpu.dma_semaphore, #tpu.memory_space<semaphore_mem>>)
      %dma_start3A_309 = tpu.memref_slice %arg9[%add3A_305] : memref<10048xi32, #tpu.memory_space<vmem>> -> memref<16xi32, #tpu.memory_space<vmem>>
      %dma_start3A_310 = arith.constant 0 : i32
      %dma_start3A_311 = arith.constant 0 : i32
      %dma_start3A_312 = tpu.memref_slice %arg2[%dma_start3A_310, %dma_start3A_311] : memref<10240x512xf32, #tpu.memory_space<hbm>> -> memref<10240x512xf32, #tpu.memory_space<hbm>>
      tpu.enqueue_indirect_dma source(%dma_start3A_312 : memref<10240x512xf32, #tpu.memory_space<hbm>>) target(%arg12 : memref<16x512xf32, #tpu.memory_space<vmem>>) offsets(%dma_start3A_309 : memref<16xi32, #tpu.memory_space<vmem>>) semaphore(%arg15 : memref<!tpu.dma_semaphore, #tpu.memory_space<semaphore_mem>>)
      %dma_wait3A = tpu.memref_slice %arg9[%add3A_299] : memref<10048xi32, #tpu.memory_space<vmem>> -> memref<16xi32, #tpu.memory_space<vmem>>
      %dma_wait3A_313 = arith.constant 0 : i32
      %dma_wait3A_314 = arith.constant 0 : i32
      %dma_wait3A_315 = tpu.memref_slice %arg2[%dma_wait3A_313, %dma_wait3A_314] : memref<10240x512xf32, #tpu.memory_space<hbm>> -> memref<10240x512xf32, #tpu.memory_space<hbm>>
      tpu.wait_indirect_dma semaphore(%arg14 : memref<!tpu.dma_semaphore, #tpu.memory_space<semaphore_mem>>) src(%dma_wait3A_315 : memref<10240x512xf32, #tpu.memory_space<hbm>>) dst(%arg11 : memref<16x512xf32, #tpu.memory_space<vmem>>)
      "tpu.region"() ({
        %run_scoped3A = tpu.sem_alloc : memref<!tpu.dma_semaphore, #tpu.memory_space<semaphore_mem>>
        %dma_start3A_320 = tpu.memref_slice %arg10[%add3A_299] : memref<10048xi32, #tpu.memory_space<vmem>> -> memref<16xi32, #tpu.memory_space<vmem>>
        %dma_start3A_321 = arith.constant 0 : i32
        %dma_start3A_322 = arith.constant 0 : i32
        %dma_start3A_323 = tpu.memref_slice %arg13[%dma_start3A_321, %dma_start3A_322] : memref<1296x512xf32, #tpu.memory_space<vmem_shared>> -> memref<1296x512xf32, #tpu.memory_space<vmem_shared>>
        tpu.enqueue_indirect_dma source(%arg11 : memref<16x512xf32, #tpu.memory_space<vmem>>) target(%dma_start3A_323 : memref<1296x512xf32, #tpu.memory_space<vmem_shared>>) offsets(%dma_start3A_320 : memref<16xi32, #tpu.memory_space<vmem>>) semaphore(%run_scoped3A : memref<!tpu.dma_semaphore, #tpu.memory_space<semaphore_mem>>) {add = true}
        %dma_wait3A_324 = tpu.memref_slice %arg10[%add3A_299] : memref<10048xi32, #tpu.memory_space<vmem>> -> memref<16xi32, #tpu.memory_space<vmem>>
        %dma_wait3A_325 = arith.constant 0 : i32
        %dma_wait3A_326 = arith.constant 0 : i32
        %dma_wait3A_327 = tpu.memref_slice %arg13[%dma_wait3A_325, %dma_wait3A_326] : memref<1296x512xf32, #tpu.memory_space<vmem_shared>> -> memref<1296x512xf32, #tpu.memory_space<vmem_shared>>
        tpu.wait_indirect_dma semaphore(%run_scoped3A : memref<!tpu.dma_semaphore, #tpu.memory_space<semaphore_mem>>) src(%arg11 : memref<16x512xf32, #tpu.memory_space<vmem>>) dst(%dma_wait3A_327 : memref<1296x512xf32, #tpu.memory_space<vmem_shared>>)
        tpu.yield
      }) : () -> ()
      %dma_wait3A_316 = tpu.memref_slice %arg9[%add3A_305] : memref<10048xi32, #tpu.memory_space<vmem>> -> memref<16xi32, #tpu.memory_space<vmem>>
      %dma_wait3A_317 = arith.constant 0 : i32
      %dma_wait3A_318 = arith.constant 0 : i32
      %dma_wait3A_319 = tpu.memref_slice %arg2[%dma_wait3A_317, %dma_wait3A_318] : memref<10240x512xf32, #tpu.memory_space<hbm>> -> memref<10240x512xf32, #tpu.memory_space<hbm>>
      tpu.wait_indirect_dma semaphore(%arg15 : memref<!tpu.dma_semaphore, #tpu.memory_space<semaphore_mem>>) src(%dma_wait3A_319 : memref<10240x512xf32, #tpu.memory_space<hbm>>) dst(%arg12 : memref<16x512xf32, #tpu.memory_space<vmem>>)
      "tpu.region"() ({
        %run_scoped3A = tpu.sem_alloc : memref<!tpu.dma_semaphore, #tpu.memory_space<semaphore_mem>>
        %dma_start3A_320 = tpu.memref_slice %arg10[%add3A_305] : memref<10048xi32, #tpu.memory_space<vmem>> -> memref<16xi32, #tpu.memory_space<vmem>>
        %dma_start3A_321 = arith.constant 0 : i32
        %dma_start3A_322 = arith.constant 0 : i32
        %dma_start3A_323 = tpu.memref_slice %arg13[%dma_start3A_321, %dma_start3A_322] : memref<1296x512xf32, #tpu.memory_space<vmem_shared>> -> memref<1296x512xf32, #tpu.memory_space<vmem_shared>>
        tpu.enqueue_indirect_dma source(%arg12 : memref<16x512xf32, #tpu.memory_space<vmem>>) target(%dma_start3A_323 : memref<1296x512xf32, #tpu.memory_space<vmem_shared>>) offsets(%dma_start3A_320 : memref<16xi32, #tpu.memory_space<vmem>>) semaphore(%run_scoped3A : memref<!tpu.dma_semaphore, #tpu.memory_space<semaphore_mem>>) {add = true}
        %dma_wait3A_324 = tpu.memref_slice %arg10[%add3A_305] : memref<10048xi32, #tpu.memory_space<vmem>> -> memref<16xi32, #tpu.memory_space<vmem>>
        %dma_wait3A_325 = arith.constant 0 : i32
        %dma_wait3A_326 = arith.constant 0 : i32
        %dma_wait3A_327 = tpu.memref_slice %arg13[%dma_wait3A_325, %dma_wait3A_326] : memref<1296x512xf32, #tpu.memory_space<vmem_shared>> -> memref<1296x512xf32, #tpu.memory_space<vmem_shared>>
        tpu.wait_indirect_dma semaphore(%run_scoped3A : memref<!tpu.dma_semaphore, #tpu.memory_space<semaphore_mem>>) src(%arg12 : memref<16x512xf32, #tpu.memory_space<vmem>>) dst(%dma_wait3A_327 : memref<1296x512xf32, #tpu.memory_space<vmem_shared>>)
        tpu.yield
      }) : () -> ()
    }
    %barrier3A_58 = arith.constant 0 : index
    tpu.barrier barrier_id(%barrier3A_58)
    %mul3A_59 = arith.constant 80 : i32
    %mul3A_60 = arith.muli %arg1, %mul3A_59 : i32
    %mul3A_61 = arith.constant 80 : i32
    %mul3A_62 = arith.muli %arg1, %mul3A_61 : i32
    %add3A_63 = arith.addi %mul3A_7, %mul3A_62 : i32
    "tpu.region"() ({
      %run_scoped3A = tpu.sem_alloc : memref<!tpu.dma_semaphore, #tpu.memory_space<semaphore_mem>>
      %dma_start3A = arith.constant 0 : i32
      %dma_start3A_293 = tpu.memref_slice %arg6[%add3A_63, %dma_start3A] : memref<10240x512xf32, #tpu.memory_space<hbm>> -> memref<80x512xf32, #tpu.memory_space<hbm>>
      %dma_start3A_294 = arith.constant 0 : i32
      %dma_start3A_295 = tpu.memref_slice %arg13[%mul3A_60, %dma_start3A_294] : memref<1296x512xf32, #tpu.memory_space<vmem_shared>> -> memref<80x512xf32, #tpu.memory_space<vmem_shared>>
      tpu.enqueue_dma source(%dma_start3A_295 : memref<80x512xf32, #tpu.memory_space<vmem_shared>>) target(%dma_start3A_293 : memref<80x512xf32, #tpu.memory_space<hbm>>) target_semaphore(%run_scoped3A : memref<!tpu.dma_semaphore, #tpu.memory_space<semaphore_mem>>)
      %dma_wait3A = arith.constant 0 : i32
      %dma_wait3A_296 = tpu.memref_slice %arg6[%add3A_63, %dma_wait3A] : memref<10240x512xf32, #tpu.memory_space<hbm>> -> memref<80x512xf32, #tpu.memory_space<hbm>>
      %dma_wait3A_297 = arith.constant 0 : i32
      %dma_wait3A_298 = tpu.memref_slice %arg13[%mul3A_60, %dma_wait3A_297] : memref<1296x512xf32, #tpu.memory_space<vmem_shared>> -> memref<80x512xf32, #tpu.memory_space<vmem_shared>>
      tpu.wait_dma2 semaphore(%run_scoped3A : memref<!tpu.dma_semaphore, #tpu.memory_space<semaphore_mem>>) src(%dma_wait3A_298 : memref<80x512xf32, #tpu.memory_space<vmem_shared>>) dst(%dma_wait3A_296 : memref<80x512xf32, #tpu.memory_space<hbm>>)
      tpu.yield
    }) : () -> ()
    %barrier3A_64 = arith.constant 0 : index
    tpu.barrier barrier_id(%barrier3A_64)
    %mul3A_65 = arith.constant 4 : i32
    %mul3A_66 = arith.muli %arg0, %mul3A_65 : i32
    %add3A_67 = arith.constant 1 : i32
    %add3A_68 = arith.addi %mul3A_66, %add3A_67 : i32
    %mul3A_69 = arith.constant 1280 : i32
    %mul3A_70 = arith.muli %add3A_68, %mul3A_69 : i32
    %mul3A_71 = arith.constant 81 : i32
    %mul3A_72 = arith.muli %arg1, %mul3A_71 : i32
    %mul3A_73 = arith.constant 81 : i32
    %mul3A_74 = arith.muli %arg1, %mul3A_73 : i32
    "tpu.region"() ({
      %run_scoped3A = tpu.sem_alloc : memref<!tpu.dma_semaphore, #tpu.memory_space<semaphore_mem>>
      %dma_start3A = arith.constant 0 : i32
      %dma_start3A_293 = tpu.memref_slice %arg13[%mul3A_74, %dma_start3A] : memref<1296x512xf32, #tpu.memory_space<vmem_shared>> -> memref<81x512xf32, #tpu.memory_space<vmem_shared>>
      %dma_start3A_294 = arith.constant 0 : i32
      %dma_start3A_295 = tpu.memref_slice %arg5[%mul3A_72, %dma_start3A_294] : memref<1296x512xf32, #tpu.memory_space<hbm>> -> memref<81x512xf32, #tpu.memory_space<hbm>>
      tpu.enqueue_dma source(%dma_start3A_295 : memref<81x512xf32, #tpu.memory_space<hbm>>) target(%dma_start3A_293 : memref<81x512xf32, #tpu.memory_space<vmem_shared>>) target_semaphore(%run_scoped3A : memref<!tpu.dma_semaphore, #tpu.memory_space<semaphore_mem>>)
      %dma_wait3A = arith.constant 0 : i32
      %dma_wait3A_296 = tpu.memref_slice %arg13[%mul3A_74, %dma_wait3A] : memref<1296x512xf32, #tpu.memory_space<vmem_shared>> -> memref<81x512xf32, #tpu.memory_space<vmem_shared>>
      %dma_wait3A_297 = arith.constant 0 : i32
      %dma_wait3A_298 = tpu.memref_slice %arg5[%mul3A_72, %dma_wait3A_297] : memref<1296x512xf32, #tpu.memory_space<hbm>> -> memref<81x512xf32, #tpu.memory_space<hbm>>
      tpu.wait_dma2 semaphore(%run_scoped3A : memref<!tpu.dma_semaphore, #tpu.memory_space<semaphore_mem>>) src(%dma_wait3A_298 : memref<81x512xf32, #tpu.memory_space<hbm>>) dst(%dma_wait3A_296 : memref<81x512xf32, #tpu.memory_space<vmem_shared>>)
      tpu.yield
    }) : () -> ()
    %barrier3A_75 = arith.constant 0 : index
    tpu.barrier barrier_id(%barrier3A_75)
    %scan3A_76 = arith.constant 0 : i32
    %scan3A_77 = arith.constant 0 : i32
    %scan3A_78 = arith.constant 625 : i32
    %scan3A_79 = arith.addi %scan3A_77, %scan3A_78 : i32
    %scan3A_80 = arith.constant 1 : i32
    %scan3A_81 = scf.for %scan3A_293 = %scan3A_77 to %scan3A_79 step %scan3A_80 iter_args(%scan3A_294 = %scan3A_76) -> (i32)  : i32 {
      %mul3A_295 = arith.constant 16 : i32
      %mul3A_296 = arith.muli %scan3A_293, %mul3A_295 : i32
      %get3A = arith.index_cast %mul3A_296 : i32 to index
      %get3A_297 = tpu.vector_load %arg8[%get3A] {strides = array<i32>} : memref<10000xi32, #tpu.memory_space<vmem>>, vector<16xi32>,
      %ge3A = vector.broadcast %mul3A_70 : i32 to vector<16xi32>
      %ge3A_298 = arith.cmpi sge, %get3A_297, %ge3A : vector<16xi32>
      %add3A_299 = arith.constant 1280 : i32
      %add3A_300 = arith.addi %mul3A_70, %add3A_299 : i32
      %lt3A = vector.broadcast %add3A_300 : i32 to vector<16xi32>
      %lt3A_301 = arith.cmpi slt, %get3A_297, %lt3A : vector<16xi32>
      %and3A_302 = arith.andi %ge3A_298, %lt3A_301 : vector<16xi1>
      %convert_element_type3A = arith.extui %and3A_302 : vector<16xi1> to vector<16xi32>
      %broadcast_in_dim3A_303 = arith.constant true
      %broadcast_in_dim3A_304 = vector.broadcast %broadcast_in_dim3A_303 : i1 to vector<16xi1>
      %masked_cumsum3A = tpu.scan <sum>, %convert_element_type3A masked %broadcast_in_dim3A_304 : vector<16xi32>, vector<16xi1> -> vector<16xi32>
      %add3A_305 = vector.broadcast %scan3A_294 : i32 to vector<16xi32>
      %add3A_306 = arith.addi %add3A_305, %masked_cumsum3A : vector<16xi32>
      %sub3A_307 = arith.constant 1 : i32
      %sub3A_308 = vector.broadcast %sub3A_307 : i32 to vector<16xi32>
      %sub3A_309 = arith.subi %add3A_306, %sub3A_308 : vector<16xi32>
      %jit3A_310 = arith.constant 10047 : i32
      %broadcast_in_dim3A_311 = vector.broadcast %jit3A_310 : i32 to vector<16xi32>
      %select_n3A_312 = arith.select %and3A_302, %sub3A_309, %broadcast_in_dim3A_311 : vector<16xi1>, vector<16xi32>
      %mul3A_313 = arith.constant 16 : i32
      %mul3A_314 = arith.muli %scan3A_293, %mul3A_313 : i32
      %get3A_315 = arith.index_cast %mul3A_314 : i32 to index
      %get3A_316 = tpu.vector_load %arg7[%get3A_315] {strides = array<i32>} : memref<10000xi32, #tpu.memory_space<vmem>>, vector<16xi32>,
      %sub3A_317 = vector.broadcast %mul3A_70 : i32 to vector<16xi32>
      %sub3A_318 = arith.subi %get3A_297, %sub3A_317 : vector<16xi32>
      tpu.vector_store_idx %arg10[%select_n3A_312], %sub3A_318 : memref<10048xi32, #tpu.memory_space<vmem>>[vector<16xi32>], vector<16xi32>,
      tpu.vector_store_idx %arg9[%select_n3A_312], %get3A_316 : memref<10048xi32, #tpu.memory_space<vmem>>[vector<16xi32>], vector<16xi32>,
      %reduce_sum3A = arith.constant true
      %reduce_sum3A_319 = vector.broadcast %reduce_sum3A : i1 to vector<16xi1>
      %reduce_sum3A_320 = tpu.scan <sum>, %convert_element_type3A masked %reduce_sum3A_319 : vector<16xi32>, vector<16xi1> -> vector<16xi32>
      %reduce_sum3A_321 = vector.extract %reduce_sum3A_320[15] : i32 from vector<16xi32>
      %add3A_322 = arith.addi %scan3A_294, %reduce_sum3A_321 : i32
      scf.yield %add3A_322 : i32
    }
    %scan3A_82 = arith.constant 625 : i32
    %broadcast_in_dim3A_83 = arith.constant 1280 : i32
    %broadcast_in_dim3A_84 = vector.broadcast %broadcast_in_dim3A_83 : i32 to vector<16xi32>
    %broadcast_in_dim3A_85 = arith.constant 0 : i32
    %broadcast_in_dim3A_86 = vector.broadcast %broadcast_in_dim3A_85 : i32 to vector<16xi32>
    %iota3A_87 = tpu.iota {dimensions = array<i32: 0>} : vector<16xi32>
    %add3A_88 = arith.constant 0 : i32
    %add3A_89 = arith.addi %scan3A_81, %add3A_88 : i32
    %add3A_90 = vector.broadcast %add3A_89 : i32 to vector<16xi32>
    %add3A_91 = arith.addi %add3A_90, %iota3A_87 : vector<16xi32>
    tpu.vector_store_idx %arg10[%add3A_91], %broadcast_in_dim3A_84 : memref<10048xi32, #tpu.memory_space<vmem>>[vector<16xi32>], vector<16xi32>,
    tpu.vector_store_idx %arg9[%add3A_91], %broadcast_in_dim3A_86 : memref<10048xi32, #tpu.memory_space<vmem>>[vector<16xi32>], vector<16xi32>,
    %add3A_92 = arith.constant 16 : i32
    %add3A_93 = arith.addi %scan3A_81, %add3A_92 : i32
    %add3A_94 = vector.broadcast %add3A_93 : i32 to vector<16xi32>
    %add3A_95 = arith.addi %add3A_94, %iota3A_87 : vector<16xi32>
    tpu.vector_store_idx %arg10[%add3A_95], %broadcast_in_dim3A_84 : memref<10048xi32, #tpu.memory_space<vmem>>[vector<16xi32>], vector<16xi32>,
    tpu.vector_store_idx %arg9[%add3A_95], %broadcast_in_dim3A_86 : memref<10048xi32, #tpu.memory_space<vmem>>[vector<16xi32>], vector<16xi32>,
    %add3A_96 = arith.constant 32 : i32
    %add3A_97 = arith.addi %scan3A_81, %add3A_96 : i32
    %sub3A_98 = arith.constant 1 : i32
    %sub3A_99 = arith.subi %add3A_97, %sub3A_98 : i32
    %jit3A_100 = arith.constant 32 : i32
    %div3A_101 = arith.divsi %sub3A_99, %jit3A_100 : i32
    %sign3A_102 = arith.constant 0 : i32
    %sign3A_103 = arith.cmpi sgt, %sub3A_99, %sign3A_102 : i32
    %sign3A_104 = arith.extui %sign3A_103 : i1 to i32
    %sign3A_105 = arith.constant 0 : i32
    %sign3A_106 = arith.cmpi slt, %sub3A_99, %sign3A_105 : i32
    %sign3A_107 = arith.extui %sign3A_106 : i1 to i32
    %sign3A_108 = arith.subi %sign3A_104, %sign3A_107 : i32
    %sign3A_109 = arith.constant 0 : i32
    %sign3A_110 = arith.cmpi sgt, %jit3A_100, %sign3A_109 : i32
    %sign3A_111 = arith.extui %sign3A_110 : i1 to i32
    %sign3A_112 = arith.constant 0 : i32
    %sign3A_113 = arith.cmpi slt, %jit3A_100, %sign3A_112 : i32
    %sign3A_114 = arith.extui %sign3A_113 : i1 to i32
    %sign3A_115 = arith.subi %sign3A_111, %sign3A_114 : i32
    %ne3A_116 = arith.cmpi ne, %sign3A_108, %sign3A_115 : i32
    %rem3A_117 = arith.remsi %sub3A_99, %jit3A_100 : i32
    %ne3A_118 = arith.constant 0 : i32
    %ne3A_119 = arith.cmpi ne, %rem3A_117, %ne3A_118 : i32
    %and3A_120 = arith.andi %ne3A_116, %ne3A_119 : i1
    %sub3A_121 = arith.constant 1 : i32
    %sub3A_122 = arith.subi %div3A_101, %sub3A_121 : i32
    %select_n3A_123 = arith.select %and3A_120, %sub3A_122, %div3A_101 : i32
    %while3A_124 = arith.constant 0 : i32
    %while3A_125 = arith.constant 0 : i32
    %while3A_126 = arith.subi %select_n3A_123, %while3A_125 : i32
    %while3A_127 = arith.addi %while3A_125, %while3A_126 : i32
    %while3A_128 = arith.constant 1 : i32
    %while3A_129 = arith.divsi %while3A_126, %while3A_128 : i32
    %while3A_130 = arith.muli %while3A_129, %while3A_128 : i32
    %while3A_131 = arith.addi %while3A_125, %while3A_130 : i32
    %while3A_132 = arith.constant 1 : i32
    scf.for %while3A_293 = %while3A_125 to %while3A_131 step %while3A_132  : i32 {
      %mul3A_294 = arith.constant 2 : i32
      %mul3A_295 = arith.muli %while3A_293, %mul3A_294 : i32
      %mul3A_296 = arith.constant 16 : i32
      %mul3A_297 = arith.muli %mul3A_295, %mul3A_296 : i32
      %add3A_298 = arith.constant 0 : i32
      %add3A_299 = arith.addi %mul3A_297, %add3A_298 : i32
      %mul3A_300 = arith.constant 2 : i32
      %mul3A_301 = arith.muli %while3A_293, %mul3A_300 : i32
      %mul3A_302 = arith.constant 16 : i32
      %mul3A_303 = arith.muli %mul3A_301, %mul3A_302 : i32
      %add3A_304 = arith.constant 16 : i32
      %add3A_305 = arith.addi %mul3A_303, %add3A_304 : i32
      %dma_start3A = tpu.memref_slice %arg9[%add3A_299] : memref<10048xi32, #tpu.memory_space<vmem>> -> memref<16xi32, #tpu.memory_space<vmem>>
      %dma_start3A_306 = arith.constant 0 : i32
      %dma_start3A_307 = arith.constant 0 : i32
      %dma_start3A_308 = tpu.memref_slice %arg2[%dma_start3A_306, %dma_start3A_307] : memref<10240x512xf32, #tpu.memory_space<hbm>> -> memref<10240x512xf32, #tpu.memory_space<hbm>>
      tpu.enqueue_indirect_dma source(%dma_start3A_308 : memref<10240x512xf32, #tpu.memory_space<hbm>>) target(%arg11 : memref<16x512xf32, #tpu.memory_space<vmem>>) offsets(%dma_start3A : memref<16xi32, #tpu.memory_space<vmem>>) semaphore(%arg14 : memref<!tpu.dma_semaphore, #tpu.memory_space<semaphore_mem>>)
      %dma_start3A_309 = tpu.memref_slice %arg9[%add3A_305] : memref<10048xi32, #tpu.memory_space<vmem>> -> memref<16xi32, #tpu.memory_space<vmem>>
      %dma_start3A_310 = arith.constant 0 : i32
      %dma_start3A_311 = arith.constant 0 : i32
      %dma_start3A_312 = tpu.memref_slice %arg2[%dma_start3A_310, %dma_start3A_311] : memref<10240x512xf32, #tpu.memory_space<hbm>> -> memref<10240x512xf32, #tpu.memory_space<hbm>>
      tpu.enqueue_indirect_dma source(%dma_start3A_312 : memref<10240x512xf32, #tpu.memory_space<hbm>>) target(%arg12 : memref<16x512xf32, #tpu.memory_space<vmem>>) offsets(%dma_start3A_309 : memref<16xi32, #tpu.memory_space<vmem>>) semaphore(%arg15 : memref<!tpu.dma_semaphore, #tpu.memory_space<semaphore_mem>>)
      %dma_wait3A = tpu.memref_slice %arg9[%add3A_299] : memref<10048xi32, #tpu.memory_space<vmem>> -> memref<16xi32, #tpu.memory_space<vmem>>
      %dma_wait3A_313 = arith.constant 0 : i32
      %dma_wait3A_314 = arith.constant 0 : i32
      %dma_wait3A_315 = tpu.memref_slice %arg2[%dma_wait3A_313, %dma_wait3A_314] : memref<10240x512xf32, #tpu.memory_space<hbm>> -> memref<10240x512xf32, #tpu.memory_space<hbm>>
      tpu.wait_indirect_dma semaphore(%arg14 : memref<!tpu.dma_semaphore, #tpu.memory_space<semaphore_mem>>) src(%dma_wait3A_315 : memref<10240x512xf32, #tpu.memory_space<hbm>>) dst(%arg11 : memref<16x512xf32, #tpu.memory_space<vmem>>)
      "tpu.region"() ({
        %run_scoped3A = tpu.sem_alloc : memref<!tpu.dma_semaphore, #tpu.memory_space<semaphore_mem>>
        %dma_start3A_320 = tpu.memref_slice %arg10[%add3A_299] : memref<10048xi32, #tpu.memory_space<vmem>> -> memref<16xi32, #tpu.memory_space<vmem>>
        %dma_start3A_321 = arith.constant 0 : i32
        %dma_start3A_322 = arith.constant 0 : i32
        %dma_start3A_323 = tpu.memref_slice %arg13[%dma_start3A_321, %dma_start3A_322] : memref<1296x512xf32, #tpu.memory_space<vmem_shared>> -> memref<1296x512xf32, #tpu.memory_space<vmem_shared>>
        tpu.enqueue_indirect_dma source(%arg11 : memref<16x512xf32, #tpu.memory_space<vmem>>) target(%dma_start3A_323 : memref<1296x512xf32, #tpu.memory_space<vmem_shared>>) offsets(%dma_start3A_320 : memref<16xi32, #tpu.memory_space<vmem>>) semaphore(%run_scoped3A : memref<!tpu.dma_semaphore, #tpu.memory_space<semaphore_mem>>) {add = true}
        %dma_wait3A_324 = tpu.memref_slice %arg10[%add3A_299] : memref<10048xi32, #tpu.memory_space<vmem>> -> memref<16xi32, #tpu.memory_space<vmem>>
        %dma_wait3A_325 = arith.constant 0 : i32
        %dma_wait3A_326 = arith.constant 0 : i32
        %dma_wait3A_327 = tpu.memref_slice %arg13[%dma_wait3A_325, %dma_wait3A_326] : memref<1296x512xf32, #tpu.memory_space<vmem_shared>> -> memref<1296x512xf32, #tpu.memory_space<vmem_shared>>
        tpu.wait_indirect_dma semaphore(%run_scoped3A : memref<!tpu.dma_semaphore, #tpu.memory_space<semaphore_mem>>) src(%arg11 : memref<16x512xf32, #tpu.memory_space<vmem>>) dst(%dma_wait3A_327 : memref<1296x512xf32, #tpu.memory_space<vmem_shared>>)
        tpu.yield
      }) : () -> ()
      %dma_wait3A_316 = tpu.memref_slice %arg9[%add3A_305] : memref<10048xi32, #tpu.memory_space<vmem>> -> memref<16xi32, #tpu.memory_space<vmem>>
      %dma_wait3A_317 = arith.constant 0 : i32
      %dma_wait3A_318 = arith.constant 0 : i32
      %dma_wait3A_319 = tpu.memref_slice %arg2[%dma_wait3A_317, %dma_wait3A_318] : memref<10240x512xf32, #tpu.memory_space<hbm>> -> memref<10240x512xf32, #tpu.memory_space<hbm>>
      tpu.wait_indirect_dma semaphore(%arg15 : memref<!tpu.dma_semaphore, #tpu.memory_space<semaphore_mem>>) src(%dma_wait3A_319 : memref<10240x512xf32, #tpu.memory_space<hbm>>) dst(%arg12 : memref<16x512xf32, #tpu.memory_space<vmem>>)
      "tpu.region"() ({
        %run_scoped3A = tpu.sem_alloc : memref<!tpu.dma_semaphore, #tpu.memory_space<semaphore_mem>>
        %dma_start3A_320 = tpu.memref_slice %arg10[%add3A_305] : memref<10048xi32, #tpu.memory_space<vmem>> -> memref<16xi32, #tpu.memory_space<vmem>>
        %dma_start3A_321 = arith.constant 0 : i32
        %dma_start3A_322 = arith.constant 0 : i32
        %dma_start3A_323 = tpu.memref_slice %arg13[%dma_start3A_321, %dma_start3A_322] : memref<1296x512xf32, #tpu.memory_space<vmem_shared>> -> memref<1296x512xf32, #tpu.memory_space<vmem_shared>>
        tpu.enqueue_indirect_dma source(%arg12 : memref<16x512xf32, #tpu.memory_space<vmem>>) target(%dma_start3A_323 : memref<1296x512xf32, #tpu.memory_space<vmem_shared>>) offsets(%dma_start3A_320 : memref<16xi32, #tpu.memory_space<vmem>>) semaphore(%run_scoped3A : memref<!tpu.dma_semaphore, #tpu.memory_space<semaphore_mem>>) {add = true}
        %dma_wait3A_324 = tpu.memref_slice %arg10[%add3A_305] : memref<10048xi32, #tpu.memory_space<vmem>> -> memref<16xi32, #tpu.memory_space<vmem>>
        %dma_wait3A_325 = arith.constant 0 : i32
        %dma_wait3A_326 = arith.constant 0 : i32
        %dma_wait3A_327 = tpu.memref_slice %arg13[%dma_wait3A_325, %dma_wait3A_326] : memref<1296x512xf32, #tpu.memory_space<vmem_shared>> -> memref<1296x512xf32, #tpu.memory_space<vmem_shared>>
        tpu.wait_indirect_dma semaphore(%run_scoped3A : memref<!tpu.dma_semaphore, #tpu.memory_space<semaphore_mem>>) src(%arg12 : memref<16x512xf32, #tpu.memory_space<vmem>>) dst(%dma_wait3A_327 : memref<1296x512xf32, #tpu.memory_space<vmem_shared>>)
        tpu.yield
      }) : () -> ()
    }
    %while3A_133 = arith.constant 1 : i32
    scf.for %while3A_293 = %while3A_131 to %while3A_127 step %while3A_133  : i32 {
      %mul3A_294 = arith.constant 2 : i32
      %mul3A_295 = arith.muli %while3A_293, %mul3A_294 : i32
      %mul3A_296 = arith.constant 16 : i32
      %mul3A_297 = arith.muli %mul3A_295, %mul3A_296 : i32
      %add3A_298 = arith.constant 0 : i32
      %add3A_299 = arith.addi %mul3A_297, %add3A_298 : i32
      %mul3A_300 = arith.constant 2 : i32
      %mul3A_301 = arith.muli %while3A_293, %mul3A_300 : i32
      %mul3A_302 = arith.constant 16 : i32
      %mul3A_303 = arith.muli %mul3A_301, %mul3A_302 : i32
      %add3A_304 = arith.constant 16 : i32
      %add3A_305 = arith.addi %mul3A_303, %add3A_304 : i32
      %dma_start3A = tpu.memref_slice %arg9[%add3A_299] : memref<10048xi32, #tpu.memory_space<vmem>> -> memref<16xi32, #tpu.memory_space<vmem>>
      %dma_start3A_306 = arith.constant 0 : i32
      %dma_start3A_307 = arith.constant 0 : i32
      %dma_start3A_308 = tpu.memref_slice %arg2[%dma_start3A_306, %dma_start3A_307] : memref<10240x512xf32, #tpu.memory_space<hbm>> -> memref<10240x512xf32, #tpu.memory_space<hbm>>
      tpu.enqueue_indirect_dma source(%dma_start3A_308 : memref<10240x512xf32, #tpu.memory_space<hbm>>) target(%arg11 : memref<16x512xf32, #tpu.memory_space<vmem>>) offsets(%dma_start3A : memref<16xi32, #tpu.memory_space<vmem>>) semaphore(%arg14 : memref<!tpu.dma_semaphore, #tpu.memory_space<semaphore_mem>>)
      %dma_start3A_309 = tpu.memref_slice %arg9[%add3A_305] : memref<10048xi32, #tpu.memory_space<vmem>> -> memref<16xi32, #tpu.memory_space<vmem>>
      %dma_start3A_310 = arith.constant 0 : i32
      %dma_start3A_311 = arith.constant 0 : i32
      %dma_start3A_312 = tpu.memref_slice %arg2[%dma_start3A_310, %dma_start3A_311] : memref<10240x512xf32, #tpu.memory_space<hbm>> -> memref<10240x512xf32, #tpu.memory_space<hbm>>
      tpu.enqueue_indirect_dma source(%dma_start3A_312 : memref<10240x512xf32, #tpu.memory_space<hbm>>) target(%arg12 : memref<16x512xf32, #tpu.memory_space<vmem>>) offsets(%dma_start3A_309 : memref<16xi32, #tpu.memory_space<vmem>>) semaphore(%arg15 : memref<!tpu.dma_semaphore, #tpu.memory_space<semaphore_mem>>)
      %dma_wait3A = tpu.memref_slice %arg9[%add3A_299] : memref<10048xi32, #tpu.memory_space<vmem>> -> memref<16xi32, #tpu.memory_space<vmem>>
      %dma_wait3A_313 = arith.constant 0 : i32
      %dma_wait3A_314 = arith.constant 0 : i32
      %dma_wait3A_315 = tpu.memref_slice %arg2[%dma_wait3A_313, %dma_wait3A_314] : memref<10240x512xf32, #tpu.memory_space<hbm>> -> memref<10240x512xf32, #tpu.memory_space<hbm>>
      tpu.wait_indirect_dma semaphore(%arg14 : memref<!tpu.dma_semaphore, #tpu.memory_space<semaphore_mem>>) src(%dma_wait3A_315 : memref<10240x512xf32, #tpu.memory_space<hbm>>) dst(%arg11 : memref<16x512xf32, #tpu.memory_space<vmem>>)
      "tpu.region"() ({
        %run_scoped3A = tpu.sem_alloc : memref<!tpu.dma_semaphore, #tpu.memory_space<semaphore_mem>>
        %dma_start3A_320 = tpu.memref_slice %arg10[%add3A_299] : memref<10048xi32, #tpu.memory_space<vmem>> -> memref<16xi32, #tpu.memory_space<vmem>>
        %dma_start3A_321 = arith.constant 0 : i32
        %dma_start3A_322 = arith.constant 0 : i32
        %dma_start3A_323 = tpu.memref_slice %arg13[%dma_start3A_321, %dma_start3A_322] : memref<1296x512xf32, #tpu.memory_space<vmem_shared>> -> memref<1296x512xf32, #tpu.memory_space<vmem_shared>>
        tpu.enqueue_indirect_dma source(%arg11 : memref<16x512xf32, #tpu.memory_space<vmem>>) target(%dma_start3A_323 : memref<1296x512xf32, #tpu.memory_space<vmem_shared>>) offsets(%dma_start3A_320 : memref<16xi32, #tpu.memory_space<vmem>>) semaphore(%run_scoped3A : memref<!tpu.dma_semaphore, #tpu.memory_space<semaphore_mem>>) {add = true}
        %dma_wait3A_324 = tpu.memref_slice %arg10[%add3A_299] : memref<10048xi32, #tpu.memory_space<vmem>> -> memref<16xi32, #tpu.memory_space<vmem>>
        %dma_wait3A_325 = arith.constant 0 : i32
        %dma_wait3A_326 = arith.constant 0 : i32
        %dma_wait3A_327 = tpu.memref_slice %arg13[%dma_wait3A_325, %dma_wait3A_326] : memref<1296x512xf32, #tpu.memory_space<vmem_shared>> -> memref<1296x512xf32, #tpu.memory_space<vmem_shared>>
        tpu.wait_indirect_dma semaphore(%run_scoped3A : memref<!tpu.dma_semaphore, #tpu.memory_space<semaphore_mem>>) src(%arg11 : memref<16x512xf32, #tpu.memory_space<vmem>>) dst(%dma_wait3A_327 : memref<1296x512xf32, #tpu.memory_space<vmem_shared>>)
        tpu.yield
      }) : () -> ()
      %dma_wait3A_316 = tpu.memref_slice %arg9[%add3A_305] : memref<10048xi32, #tpu.memory_space<vmem>> -> memref<16xi32, #tpu.memory_space<vmem>>
      %dma_wait3A_317 = arith.constant 0 : i32
      %dma_wait3A_318 = arith.constant 0 : i32
      %dma_wait3A_319 = tpu.memref_slice %arg2[%dma_wait3A_317, %dma_wait3A_318] : memref<10240x512xf32, #tpu.memory_space<hbm>> -> memref<10240x512xf32, #tpu.memory_space<hbm>>
      tpu.wait_indirect_dma semaphore(%arg15 : memref<!tpu.dma_semaphore, #tpu.memory_space<semaphore_mem>>) src(%dma_wait3A_319 : memref<10240x512xf32, #tpu.memory_space<hbm>>) dst(%arg12 : memref<16x512xf32, #tpu.memory_space<vmem>>)
      "tpu.region"() ({
        %run_scoped3A = tpu.sem_alloc : memref<!tpu.dma_semaphore, #tpu.memory_space<semaphore_mem>>
        %dma_start3A_320 = tpu.memref_slice %arg10[%add3A_305] : memref<10048xi32, #tpu.memory_space<vmem>> -> memref<16xi32, #tpu.memory_space<vmem>>
        %dma_start3A_321 = arith.constant 0 : i32
        %dma_start3A_322 = arith.constant 0 : i32
        %dma_start3A_323 = tpu.memref_slice %arg13[%dma_start3A_321, %dma_start3A_322] : memref<1296x512xf32, #tpu.memory_space<vmem_shared>> -> memref<1296x512xf32, #tpu.memory_space<vmem_shared>>
        tpu.enqueue_indirect_dma source(%arg12 : memref<16x512xf32, #tpu.memory_space<vmem>>) target(%dma_start3A_323 : memref<1296x512xf32, #tpu.memory_space<vmem_shared>>) offsets(%dma_start3A_320 : memref<16xi32, #tpu.memory_space<vmem>>) semaphore(%run_scoped3A : memref<!tpu.dma_semaphore, #tpu.memory_space<semaphore_mem>>) {add = true}
        %dma_wait3A_324 = tpu.memref_slice %arg10[%add3A_305] : memref<10048xi32, #tpu.memory_space<vmem>> -> memref<16xi32, #tpu.memory_space<vmem>>
        %dma_wait3A_325 = arith.constant 0 : i32
        %dma_wait3A_326 = arith.constant 0 : i32
        %dma_wait3A_327 = tpu.memref_slice %arg13[%dma_wait3A_325, %dma_wait3A_326] : memref<1296x512xf32, #tpu.memory_space<vmem_shared>> -> memref<1296x512xf32, #tpu.memory_space<vmem_shared>>
        tpu.wait_indirect_dma semaphore(%run_scoped3A : memref<!tpu.dma_semaphore, #tpu.memory_space<semaphore_mem>>) src(%arg12 : memref<16x512xf32, #tpu.memory_space<vmem>>) dst(%dma_wait3A_327 : memref<1296x512xf32, #tpu.memory_space<vmem_shared>>)
        tpu.yield
      }) : () -> ()
    }
    %barrier3A_134 = arith.constant 0 : index
    tpu.barrier barrier_id(%barrier3A_134)
    %mul3A_135 = arith.constant 80 : i32
    %mul3A_136 = arith.muli %arg1, %mul3A_135 : i32
    %mul3A_137 = arith.constant 80 : i32
    %mul3A_138 = arith.muli %arg1, %mul3A_137 : i32
    %add3A_139 = arith.addi %mul3A_70, %mul3A_138 : i32
    "tpu.region"() ({
      %run_scoped3A = tpu.sem_alloc : memref<!tpu.dma_semaphore, #tpu.memory_space<semaphore_mem>>
      %dma_start3A = arith.constant 0 : i32
      %dma_start3A_293 = tpu.memref_slice %arg6[%add3A_139, %dma_start3A] : memref<10240x512xf32, #tpu.memory_space<hbm>> -> memref<80x512xf32, #tpu.memory_space<hbm>>
      %dma_start3A_294 = arith.constant 0 : i32
      %dma_start3A_295 = tpu.memref_slice %arg13[%mul3A_136, %dma_start3A_294] : memref<1296x512xf32, #tpu.memory_space<vmem_shared>> -> memref<80x512xf32, #tpu.memory_space<vmem_shared>>
      tpu.enqueue_dma source(%dma_start3A_295 : memref<80x512xf32, #tpu.memory_space<vmem_shared>>) target(%dma_start3A_293 : memref<80x512xf32, #tpu.memory_space<hbm>>) target_semaphore(%run_scoped3A : memref<!tpu.dma_semaphore, #tpu.memory_space<semaphore_mem>>)
      %dma_wait3A = arith.constant 0 : i32
      %dma_wait3A_296 = tpu.memref_slice %arg6[%add3A_139, %dma_wait3A] : memref<10240x512xf32, #tpu.memory_space<hbm>> -> memref<80x512xf32, #tpu.memory_space<hbm>>
      %dma_wait3A_297 = arith.constant 0 : i32
      %dma_wait3A_298 = tpu.memref_slice %arg13[%mul3A_136, %dma_wait3A_297] : memref<1296x512xf32, #tpu.memory_space<vmem_shared>> -> memref<80x512xf32, #tpu.memory_space<vmem_shared>>
      tpu.wait_dma2 semaphore(%run_scoped3A : memref<!tpu.dma_semaphore, #tpu.memory_space<semaphore_mem>>) src(%dma_wait3A_298 : memref<80x512xf32, #tpu.memory_space<vmem_shared>>) dst(%dma_wait3A_296 : memref<80x512xf32, #tpu.memory_space<hbm>>)
      tpu.yield
    }) : () -> ()
    %barrier3A_140 = arith.constant 0 : index
    tpu.barrier barrier_id(%barrier3A_140)
    %mul3A_141 = arith.constant 4 : i32
    %mul3A_142 = arith.muli %arg0, %mul3A_141 : i32
    %add3A_143 = arith.constant 2 : i32
    %add3A_144 = arith.addi %mul3A_142, %add3A_143 : i32
    %mul3A_145 = arith.constant 1280 : i32
    %mul3A_146 = arith.muli %add3A_144, %mul3A_145 : i32
    %mul3A_147 = arith.constant 81 : i32
    %mul3A_148 = arith.muli %arg1, %mul3A_147 : i32
    %mul3A_149 = arith.constant 81 : i32
    %mul3A_150 = arith.muli %arg1, %mul3A_149 : i32
    "tpu.region"() ({
      %run_scoped3A = tpu.sem_alloc : memref<!tpu.dma_semaphore, #tpu.memory_space<semaphore_mem>>
      %dma_start3A = arith.constant 0 : i32
      %dma_start3A_293 = tpu.memref_slice %arg13[%mul3A_150, %dma_start3A] : memref<1296x512xf32, #tpu.memory_space<vmem_shared>> -> memref<81x512xf32, #tpu.memory_space<vmem_shared>>
      %dma_start3A_294 = arith.constant 0 : i32
      %dma_start3A_295 = tpu.memref_slice %arg5[%mul3A_148, %dma_start3A_294] : memref<1296x512xf32, #tpu.memory_space<hbm>> -> memref<81x512xf32, #tpu.memory_space<hbm>>
      tpu.enqueue_dma source(%dma_start3A_295 : memref<81x512xf32, #tpu.memory_space<hbm>>) target(%dma_start3A_293 : memref<81x512xf32, #tpu.memory_space<vmem_shared>>) target_semaphore(%run_scoped3A : memref<!tpu.dma_semaphore, #tpu.memory_space<semaphore_mem>>)
      %dma_wait3A = arith.constant 0 : i32
      %dma_wait3A_296 = tpu.memref_slice %arg13[%mul3A_150, %dma_wait3A] : memref<1296x512xf32, #tpu.memory_space<vmem_shared>> -> memref<81x512xf32, #tpu.memory_space<vmem_shared>>
      %dma_wait3A_297 = arith.constant 0 : i32
      %dma_wait3A_298 = tpu.memref_slice %arg5[%mul3A_148, %dma_wait3A_297] : memref<1296x512xf32, #tpu.memory_space<hbm>> -> memref<81x512xf32, #tpu.memory_space<hbm>>
      tpu.wait_dma2 semaphore(%run_scoped3A : memref<!tpu.dma_semaphore, #tpu.memory_space<semaphore_mem>>) src(%dma_wait3A_298 : memref<81x512xf32, #tpu.memory_space<hbm>>) dst(%dma_wait3A_296 : memref<81x512xf32, #tpu.memory_space<vmem_shared>>)
      tpu.yield
    }) : () -> ()
    %barrier3A_151 = arith.constant 0 : index
    tpu.barrier barrier_id(%barrier3A_151)
    %scan3A_152 = arith.constant 0 : i32
    %scan3A_153 = arith.constant 0 : i32
    %scan3A_154 = arith.constant 625 : i32
    %scan3A_155 = arith.addi %scan3A_153, %scan3A_154 : i32
    %scan3A_156 = arith.constant 1 : i32
    %scan3A_157 = scf.for %scan3A_293 = %scan3A_153 to %scan3A_155 step %scan3A_156 iter_args(%scan3A_294 = %scan3A_152) -> (i32)  : i32 {
      %mul3A_295 = arith.constant 16 : i32
      %mul3A_296 = arith.muli %scan3A_293, %mul3A_295 : i32
      %get3A = arith.index_cast %mul3A_296 : i32 to index
      %get3A_297 = tpu.vector_load %arg8[%get3A] {strides = array<i32>} : memref<10000xi32, #tpu.memory_space<vmem>>, vector<16xi32>,
      %ge3A = vector.broadcast %mul3A_146 : i32 to vector<16xi32>
      %ge3A_298 = arith.cmpi sge, %get3A_297, %ge3A : vector<16xi32>
      %add3A_299 = arith.constant 1280 : i32
      %add3A_300 = arith.addi %mul3A_146, %add3A_299 : i32
      %lt3A = vector.broadcast %add3A_300 : i32 to vector<16xi32>
      %lt3A_301 = arith.cmpi slt, %get3A_297, %lt3A : vector<16xi32>
      %and3A_302 = arith.andi %ge3A_298, %lt3A_301 : vector<16xi1>
      %convert_element_type3A = arith.extui %and3A_302 : vector<16xi1> to vector<16xi32>
      %broadcast_in_dim3A_303 = arith.constant true
      %broadcast_in_dim3A_304 = vector.broadcast %broadcast_in_dim3A_303 : i1 to vector<16xi1>
      %masked_cumsum3A = tpu.scan <sum>, %convert_element_type3A masked %broadcast_in_dim3A_304 : vector<16xi32>, vector<16xi1> -> vector<16xi32>
      %add3A_305 = vector.broadcast %scan3A_294 : i32 to vector<16xi32>
      %add3A_306 = arith.addi %add3A_305, %masked_cumsum3A : vector<16xi32>
      %sub3A_307 = arith.constant 1 : i32
      %sub3A_308 = vector.broadcast %sub3A_307 : i32 to vector<16xi32>
      %sub3A_309 = arith.subi %add3A_306, %sub3A_308 : vector<16xi32>
      %jit3A_310 = arith.constant 10047 : i32
      %broadcast_in_dim3A_311 = vector.broadcast %jit3A_310 : i32 to vector<16xi32>
      %select_n3A_312 = arith.select %and3A_302, %sub3A_309, %broadcast_in_dim3A_311 : vector<16xi1>, vector<16xi32>
      %mul3A_313 = arith.constant 16 : i32
      %mul3A_314 = arith.muli %scan3A_293, %mul3A_313 : i32
      %get3A_315 = arith.index_cast %mul3A_314 : i32 to index
      %get3A_316 = tpu.vector_load %arg7[%get3A_315] {strides = array<i32>} : memref<10000xi32, #tpu.memory_space<vmem>>, vector<16xi32>,
      %sub3A_317 = vector.broadcast %mul3A_146 : i32 to vector<16xi32>
      %sub3A_318 = arith.subi %get3A_297, %sub3A_317 : vector<16xi32>
      tpu.vector_store_idx %arg10[%select_n3A_312], %sub3A_318 : memref<10048xi32, #tpu.memory_space<vmem>>[vector<16xi32>], vector<16xi32>,
      tpu.vector_store_idx %arg9[%select_n3A_312], %get3A_316 : memref<10048xi32, #tpu.memory_space<vmem>>[vector<16xi32>], vector<16xi32>,
      %reduce_sum3A = arith.constant true
      %reduce_sum3A_319 = vector.broadcast %reduce_sum3A : i1 to vector<16xi1>
      %reduce_sum3A_320 = tpu.scan <sum>, %convert_element_type3A masked %reduce_sum3A_319 : vector<16xi32>, vector<16xi1> -> vector<16xi32>
      %reduce_sum3A_321 = vector.extract %reduce_sum3A_320[15] : i32 from vector<16xi32>
      %add3A_322 = arith.addi %scan3A_294, %reduce_sum3A_321 : i32
      scf.yield %add3A_322 : i32
    }
    %scan3A_158 = arith.constant 625 : i32
    %broadcast_in_dim3A_159 = arith.constant 1280 : i32
    %broadcast_in_dim3A_160 = vector.broadcast %broadcast_in_dim3A_159 : i32 to vector<16xi32>
    %broadcast_in_dim3A_161 = arith.constant 0 : i32
    %broadcast_in_dim3A_162 = vector.broadcast %broadcast_in_dim3A_161 : i32 to vector<16xi32>
    %iota3A_163 = tpu.iota {dimensions = array<i32: 0>} : vector<16xi32>
    %add3A_164 = arith.constant 0 : i32
    %add3A_165 = arith.addi %scan3A_157, %add3A_164 : i32
    %add3A_166 = vector.broadcast %add3A_165 : i32 to vector<16xi32>
    %add3A_167 = arith.addi %add3A_166, %iota3A_163 : vector<16xi32>
    tpu.vector_store_idx %arg10[%add3A_167], %broadcast_in_dim3A_160 : memref<10048xi32, #tpu.memory_space<vmem>>[vector<16xi32>], vector<16xi32>,
    tpu.vector_store_idx %arg9[%add3A_167], %broadcast_in_dim3A_162 : memref<10048xi32, #tpu.memory_space<vmem>>[vector<16xi32>], vector<16xi32>,
    %add3A_168 = arith.constant 16 : i32
    %add3A_169 = arith.addi %scan3A_157, %add3A_168 : i32
    %add3A_170 = vector.broadcast %add3A_169 : i32 to vector<16xi32>
    %add3A_171 = arith.addi %add3A_170, %iota3A_163 : vector<16xi32>
    tpu.vector_store_idx %arg10[%add3A_171], %broadcast_in_dim3A_160 : memref<10048xi32, #tpu.memory_space<vmem>>[vector<16xi32>], vector<16xi32>,
    tpu.vector_store_idx %arg9[%add3A_171], %broadcast_in_dim3A_162 : memref<10048xi32, #tpu.memory_space<vmem>>[vector<16xi32>], vector<16xi32>,
    %add3A_172 = arith.constant 32 : i32
    %add3A_173 = arith.addi %scan3A_157, %add3A_172 : i32
    %sub3A_174 = arith.constant 1 : i32
    %sub3A_175 = arith.subi %add3A_173, %sub3A_174 : i32
    %jit3A_176 = arith.constant 32 : i32
    %div3A_177 = arith.divsi %sub3A_175, %jit3A_176 : i32
    %sign3A_178 = arith.constant 0 : i32
    %sign3A_179 = arith.cmpi sgt, %sub3A_175, %sign3A_178 : i32
    %sign3A_180 = arith.extui %sign3A_179 : i1 to i32
    %sign3A_181 = arith.constant 0 : i32
    %sign3A_182 = arith.cmpi slt, %sub3A_175, %sign3A_181 : i32
    %sign3A_183 = arith.extui %sign3A_182 : i1 to i32
    %sign3A_184 = arith.subi %sign3A_180, %sign3A_183 : i32
    %sign3A_185 = arith.constant 0 : i32
    %sign3A_186 = arith.cmpi sgt, %jit3A_176, %sign3A_185 : i32
    %sign3A_187 = arith.extui %sign3A_186 : i1 to i32
    %sign3A_188 = arith.constant 0 : i32
    %sign3A_189 = arith.cmpi slt, %jit3A_176, %sign3A_188 : i32
    %sign3A_190 = arith.extui %sign3A_189 : i1 to i32
    %sign3A_191 = arith.subi %sign3A_187, %sign3A_190 : i32
    %ne3A_192 = arith.cmpi ne, %sign3A_184, %sign3A_191 : i32
    %rem3A_193 = arith.remsi %sub3A_175, %jit3A_176 : i32
    %ne3A_194 = arith.constant 0 : i32
    %ne3A_195 = arith.cmpi ne, %rem3A_193, %ne3A_194 : i32
    %and3A_196 = arith.andi %ne3A_192, %ne3A_195 : i1
    %sub3A_197 = arith.constant 1 : i32
    %sub3A_198 = arith.subi %div3A_177, %sub3A_197 : i32
    %select_n3A_199 = arith.select %and3A_196, %sub3A_198, %div3A_177 : i32
    %while3A_200 = arith.constant 0 : i32
    %while3A_201 = arith.constant 0 : i32
    %while3A_202 = arith.subi %select_n3A_199, %while3A_201 : i32
    %while3A_203 = arith.addi %while3A_201, %while3A_202 : i32
    %while3A_204 = arith.constant 1 : i32
    %while3A_205 = arith.divsi %while3A_202, %while3A_204 : i32
    %while3A_206 = arith.muli %while3A_205, %while3A_204 : i32
    %while3A_207 = arith.addi %while3A_201, %while3A_206 : i32
    %while3A_208 = arith.constant 1 : i32
    scf.for %while3A_293 = %while3A_201 to %while3A_207 step %while3A_208  : i32 {
      %mul3A_294 = arith.constant 2 : i32
      %mul3A_295 = arith.muli %while3A_293, %mul3A_294 : i32
      %mul3A_296 = arith.constant 16 : i32
      %mul3A_297 = arith.muli %mul3A_295, %mul3A_296 : i32
      %add3A_298 = arith.constant 0 : i32
      %add3A_299 = arith.addi %mul3A_297, %add3A_298 : i32
      %mul3A_300 = arith.constant 2 : i32
      %mul3A_301 = arith.muli %while3A_293, %mul3A_300 : i32
      %mul3A_302 = arith.constant 16 : i32
      %mul3A_303 = arith.muli %mul3A_301, %mul3A_302 : i32
      %add3A_304 = arith.constant 16 : i32
      %add3A_305 = arith.addi %mul3A_303, %add3A_304 : i32
      %dma_start3A = tpu.memref_slice %arg9[%add3A_299] : memref<10048xi32, #tpu.memory_space<vmem>> -> memref<16xi32, #tpu.memory_space<vmem>>
      %dma_start3A_306 = arith.constant 0 : i32
      %dma_start3A_307 = arith.constant 0 : i32
      %dma_start3A_308 = tpu.memref_slice %arg2[%dma_start3A_306, %dma_start3A_307] : memref<10240x512xf32, #tpu.memory_space<hbm>> -> memref<10240x512xf32, #tpu.memory_space<hbm>>
      tpu.enqueue_indirect_dma source(%dma_start3A_308 : memref<10240x512xf32, #tpu.memory_space<hbm>>) target(%arg11 : memref<16x512xf32, #tpu.memory_space<vmem>>) offsets(%dma_start3A : memref<16xi32, #tpu.memory_space<vmem>>) semaphore(%arg14 : memref<!tpu.dma_semaphore, #tpu.memory_space<semaphore_mem>>)
      %dma_start3A_309 = tpu.memref_slice %arg9[%add3A_305] : memref<10048xi32, #tpu.memory_space<vmem>> -> memref<16xi32, #tpu.memory_space<vmem>>
      %dma_start3A_310 = arith.constant 0 : i32
      %dma_start3A_311 = arith.constant 0 : i32
      %dma_start3A_312 = tpu.memref_slice %arg2[%dma_start3A_310, %dma_start3A_311] : memref<10240x512xf32, #tpu.memory_space<hbm>> -> memref<10240x512xf32, #tpu.memory_space<hbm>>
      tpu.enqueue_indirect_dma source(%dma_start3A_312 : memref<10240x512xf32, #tpu.memory_space<hbm>>) target(%arg12 : memref<16x512xf32, #tpu.memory_space<vmem>>) offsets(%dma_start3A_309 : memref<16xi32, #tpu.memory_space<vmem>>) semaphore(%arg15 : memref<!tpu.dma_semaphore, #tpu.memory_space<semaphore_mem>>)
      %dma_wait3A = tpu.memref_slice %arg9[%add3A_299] : memref<10048xi32, #tpu.memory_space<vmem>> -> memref<16xi32, #tpu.memory_space<vmem>>
      %dma_wait3A_313 = arith.constant 0 : i32
      %dma_wait3A_314 = arith.constant 0 : i32
      %dma_wait3A_315 = tpu.memref_slice %arg2[%dma_wait3A_313, %dma_wait3A_314] : memref<10240x512xf32, #tpu.memory_space<hbm>> -> memref<10240x512xf32, #tpu.memory_space<hbm>>
      tpu.wait_indirect_dma semaphore(%arg14 : memref<!tpu.dma_semaphore, #tpu.memory_space<semaphore_mem>>) src(%dma_wait3A_315 : memref<10240x512xf32, #tpu.memory_space<hbm>>) dst(%arg11 : memref<16x512xf32, #tpu.memory_space<vmem>>)
      "tpu.region"() ({
        %run_scoped3A = tpu.sem_alloc : memref<!tpu.dma_semaphore, #tpu.memory_space<semaphore_mem>>
        %dma_start3A_320 = tpu.memref_slice %arg10[%add3A_299] : memref<10048xi32, #tpu.memory_space<vmem>> -> memref<16xi32, #tpu.memory_space<vmem>>
        %dma_start3A_321 = arith.constant 0 : i32
        %dma_start3A_322 = arith.constant 0 : i32
        %dma_start3A_323 = tpu.memref_slice %arg13[%dma_start3A_321, %dma_start3A_322] : memref<1296x512xf32, #tpu.memory_space<vmem_shared>> -> memref<1296x512xf32, #tpu.memory_space<vmem_shared>>
        tpu.enqueue_indirect_dma source(%arg11 : memref<16x512xf32, #tpu.memory_space<vmem>>) target(%dma_start3A_323 : memref<1296x512xf32, #tpu.memory_space<vmem_shared>>) offsets(%dma_start3A_320 : memref<16xi32, #tpu.memory_space<vmem>>) semaphore(%run_scoped3A : memref<!tpu.dma_semaphore, #tpu.memory_space<semaphore_mem>>) {add = true}
        %dma_wait3A_324 = tpu.memref_slice %arg10[%add3A_299] : memref<10048xi32, #tpu.memory_space<vmem>> -> memref<16xi32, #tpu.memory_space<vmem>>
        %dma_wait3A_325 = arith.constant 0 : i32
        %dma_wait3A_326 = arith.constant 0 : i32
        %dma_wait3A_327 = tpu.memref_slice %arg13[%dma_wait3A_325, %dma_wait3A_326] : memref<1296x512xf32, #tpu.memory_space<vmem_shared>> -> memref<1296x512xf32, #tpu.memory_space<vmem_shared>>
        tpu.wait_indirect_dma semaphore(%run_scoped3A : memref<!tpu.dma_semaphore, #tpu.memory_space<semaphore_mem>>) src(%arg11 : memref<16x512xf32, #tpu.memory_space<vmem>>) dst(%dma_wait3A_327 : memref<1296x512xf32, #tpu.memory_space<vmem_shared>>)
        tpu.yield
      }) : () -> ()
      %dma_wait3A_316 = tpu.memref_slice %arg9[%add3A_305] : memref<10048xi32, #tpu.memory_space<vmem>> -> memref<16xi32, #tpu.memory_space<vmem>>
      %dma_wait3A_317 = arith.constant 0 : i32
      %dma_wait3A_318 = arith.constant 0 : i32
      %dma_wait3A_319 = tpu.memref_slice %arg2[%dma_wait3A_317, %dma_wait3A_318] : memref<10240x512xf32, #tpu.memory_space<hbm>> -> memref<10240x512xf32, #tpu.memory_space<hbm>>
      tpu.wait_indirect_dma semaphore(%arg15 : memref<!tpu.dma_semaphore, #tpu.memory_space<semaphore_mem>>) src(%dma_wait3A_319 : memref<10240x512xf32, #tpu.memory_space<hbm>>) dst(%arg12 : memref<16x512xf32, #tpu.memory_space<vmem>>)
      "tpu.region"() ({
        %run_scoped3A = tpu.sem_alloc : memref<!tpu.dma_semaphore, #tpu.memory_space<semaphore_mem>>
        %dma_start3A_320 = tpu.memref_slice %arg10[%add3A_305] : memref<10048xi32, #tpu.memory_space<vmem>> -> memref<16xi32, #tpu.memory_space<vmem>>
        %dma_start3A_321 = arith.constant 0 : i32
        %dma_start3A_322 = arith.constant 0 : i32
        %dma_start3A_323 = tpu.memref_slice %arg13[%dma_start3A_321, %dma_start3A_322] : memref<1296x512xf32, #tpu.memory_space<vmem_shared>> -> memref<1296x512xf32, #tpu.memory_space<vmem_shared>>
        tpu.enqueue_indirect_dma source(%arg12 : memref<16x512xf32, #tpu.memory_space<vmem>>) target(%dma_start3A_323 : memref<1296x512xf32, #tpu.memory_space<vmem_shared>>) offsets(%dma_start3A_320 : memref<16xi32, #tpu.memory_space<vmem>>) semaphore(%run_scoped3A : memref<!tpu.dma_semaphore, #tpu.memory_space<semaphore_mem>>) {add = true}
        %dma_wait3A_324 = tpu.memref_slice %arg10[%add3A_305] : memref<10048xi32, #tpu.memory_space<vmem>> -> memref<16xi32, #tpu.memory_space<vmem>>
        %dma_wait3A_325 = arith.constant 0 : i32
        %dma_wait3A_326 = arith.constant 0 : i32
        %dma_wait3A_327 = tpu.memref_slice %arg13[%dma_wait3A_325, %dma_wait3A_326] : memref<1296x512xf32, #tpu.memory_space<vmem_shared>> -> memref<1296x512xf32, #tpu.memory_space<vmem_shared>>
        tpu.wait_indirect_dma semaphore(%run_scoped3A : memref<!tpu.dma_semaphore, #tpu.memory_space<semaphore_mem>>) src(%arg12 : memref<16x512xf32, #tpu.memory_space<vmem>>) dst(%dma_wait3A_327 : memref<1296x512xf32, #tpu.memory_space<vmem_shared>>)
        tpu.yield
      }) : () -> ()
    }
    %while3A_209 = arith.constant 1 : i32
    scf.for %while3A_293 = %while3A_207 to %while3A_203 step %while3A_209  : i32 {
      %mul3A_294 = arith.constant 2 : i32
      %mul3A_295 = arith.muli %while3A_293, %mul3A_294 : i32
      %mul3A_296 = arith.constant 16 : i32
      %mul3A_297 = arith.muli %mul3A_295, %mul3A_296 : i32
      %add3A_298 = arith.constant 0 : i32
      %add3A_299 = arith.addi %mul3A_297, %add3A_298 : i32
      %mul3A_300 = arith.constant 2 : i32
      %mul3A_301 = arith.muli %while3A_293, %mul3A_300 : i32
      %mul3A_302 = arith.constant 16 : i32
      %mul3A_303 = arith.muli %mul3A_301, %mul3A_302 : i32
      %add3A_304 = arith.constant 16 : i32
      %add3A_305 = arith.addi %mul3A_303, %add3A_304 : i32
      %dma_start3A = tpu.memref_slice %arg9[%add3A_299] : memref<10048xi32, #tpu.memory_space<vmem>> -> memref<16xi32, #tpu.memory_space<vmem>>
      %dma_start3A_306 = arith.constant 0 : i32
      %dma_start3A_307 = arith.constant 0 : i32
      %dma_start3A_308 = tpu.memref_slice %arg2[%dma_start3A_306, %dma_start3A_307] : memref<10240x512xf32, #tpu.memory_space<hbm>> -> memref<10240x512xf32, #tpu.memory_space<hbm>>
      tpu.enqueue_indirect_dma source(%dma_start3A_308 : memref<10240x512xf32, #tpu.memory_space<hbm>>) target(%arg11 : memref<16x512xf32, #tpu.memory_space<vmem>>) offsets(%dma_start3A : memref<16xi32, #tpu.memory_space<vmem>>) semaphore(%arg14 : memref<!tpu.dma_semaphore, #tpu.memory_space<semaphore_mem>>)
      %dma_start3A_309 = tpu.memref_slice %arg9[%add3A_305] : memref<10048xi32, #tpu.memory_space<vmem>> -> memref<16xi32, #tpu.memory_space<vmem>>
      %dma_start3A_310 = arith.constant 0 : i32
      %dma_start3A_311 = arith.constant 0 : i32
      %dma_start3A_312 = tpu.memref_slice %arg2[%dma_start3A_310, %dma_start3A_311] : memref<10240x512xf32, #tpu.memory_space<hbm>> -> memref<10240x512xf32, #tpu.memory_space<hbm>>
      tpu.enqueue_indirect_dma source(%dma_start3A_312 : memref<10240x512xf32, #tpu.memory_space<hbm>>) target(%arg12 : memref<16x512xf32, #tpu.memory_space<vmem>>) offsets(%dma_start3A_309 : memref<16xi32, #tpu.memory_space<vmem>>) semaphore(%arg15 : memref<!tpu.dma_semaphore, #tpu.memory_space<semaphore_mem>>)
      %dma_wait3A = tpu.memref_slice %arg9[%add3A_299] : memref<10048xi32, #tpu.memory_space<vmem>> -> memref<16xi32, #tpu.memory_space<vmem>>
      %dma_wait3A_313 = arith.constant 0 : i32
      %dma_wait3A_314 = arith.constant 0 : i32
      %dma_wait3A_315 = tpu.memref_slice %arg2[%dma_wait3A_313, %dma_wait3A_314] : memref<10240x512xf32, #tpu.memory_space<hbm>> -> memref<10240x512xf32, #tpu.memory_space<hbm>>
      tpu.wait_indirect_dma semaphore(%arg14 : memref<!tpu.dma_semaphore, #tpu.memory_space<semaphore_mem>>) src(%dma_wait3A_315 : memref<10240x512xf32, #tpu.memory_space<hbm>>) dst(%arg11 : memref<16x512xf32, #tpu.memory_space<vmem>>)
      "tpu.region"() ({
        %run_scoped3A = tpu.sem_alloc : memref<!tpu.dma_semaphore, #tpu.memory_space<semaphore_mem>>
        %dma_start3A_320 = tpu.memref_slice %arg10[%add3A_299] : memref<10048xi32, #tpu.memory_space<vmem>> -> memref<16xi32, #tpu.memory_space<vmem>>
        %dma_start3A_321 = arith.constant 0 : i32
        %dma_start3A_322 = arith.constant 0 : i32
        %dma_start3A_323 = tpu.memref_slice %arg13[%dma_start3A_321, %dma_start3A_322] : memref<1296x512xf32, #tpu.memory_space<vmem_shared>> -> memref<1296x512xf32, #tpu.memory_space<vmem_shared>>
        tpu.enqueue_indirect_dma source(%arg11 : memref<16x512xf32, #tpu.memory_space<vmem>>) target(%dma_start3A_323 : memref<1296x512xf32, #tpu.memory_space<vmem_shared>>) offsets(%dma_start3A_320 : memref<16xi32, #tpu.memory_space<vmem>>) semaphore(%run_scoped3A : memref<!tpu.dma_semaphore, #tpu.memory_space<semaphore_mem>>) {add = true}
        %dma_wait3A_324 = tpu.memref_slice %arg10[%add3A_299] : memref<10048xi32, #tpu.memory_space<vmem>> -> memref<16xi32, #tpu.memory_space<vmem>>
        %dma_wait3A_325 = arith.constant 0 : i32
        %dma_wait3A_326 = arith.constant 0 : i32
        %dma_wait3A_327 = tpu.memref_slice %arg13[%dma_wait3A_325, %dma_wait3A_326] : memref<1296x512xf32, #tpu.memory_space<vmem_shared>> -> memref<1296x512xf32, #tpu.memory_space<vmem_shared>>
        tpu.wait_indirect_dma semaphore(%run_scoped3A : memref<!tpu.dma_semaphore, #tpu.memory_space<semaphore_mem>>) src(%arg11 : memref<16x512xf32, #tpu.memory_space<vmem>>) dst(%dma_wait3A_327 : memref<1296x512xf32, #tpu.memory_space<vmem_shared>>)
        tpu.yield
      }) : () -> ()
      %dma_wait3A_316 = tpu.memref_slice %arg9[%add3A_305] : memref<10048xi32, #tpu.memory_space<vmem>> -> memref<16xi32, #tpu.memory_space<vmem>>
      %dma_wait3A_317 = arith.constant 0 : i32
      %dma_wait3A_318 = arith.constant 0 : i32
      %dma_wait3A_319 = tpu.memref_slice %arg2[%dma_wait3A_317, %dma_wait3A_318] : memref<10240x512xf32, #tpu.memory_space<hbm>> -> memref<10240x512xf32, #tpu.memory_space<hbm>>
      tpu.wait_indirect_dma semaphore(%arg15 : memref<!tpu.dma_semaphore, #tpu.memory_space<semaphore_mem>>) src(%dma_wait3A_319 : memref<10240x512xf32, #tpu.memory_space<hbm>>) dst(%arg12 : memref<16x512xf32, #tpu.memory_space<vmem>>)
      "tpu.region"() ({
        %run_scoped3A = tpu.sem_alloc : memref<!tpu.dma_semaphore, #tpu.memory_space<semaphore_mem>>
        %dma_start3A_320 = tpu.memref_slice %arg10[%add3A_305] : memref<10048xi32, #tpu.memory_space<vmem>> -> memref<16xi32, #tpu.memory_space<vmem>>
        %dma_start3A_321 = arith.constant 0 : i32
        %dma_start3A_322 = arith.constant 0 : i32
        %dma_start3A_323 = tpu.memref_slice %arg13[%dma_start3A_321, %dma_start3A_322] : memref<1296x512xf32, #tpu.memory_space<vmem_shared>> -> memref<1296x512xf32, #tpu.memory_space<vmem_shared>>
        tpu.enqueue_indirect_dma source(%arg12 : memref<16x512xf32, #tpu.memory_space<vmem>>) target(%dma_start3A_323 : memref<1296x512xf32, #tpu.memory_space<vmem_shared>>) offsets(%dma_start3A_320 : memref<16xi32, #tpu.memory_space<vmem>>) semaphore(%run_scoped3A : memref<!tpu.dma_semaphore, #tpu.memory_space<semaphore_mem>>) {add = true}
        %dma_wait3A_324 = tpu.memref_slice %arg10[%add3A_305] : memref<10048xi32, #tpu.memory_space<vmem>> -> memref<16xi32, #tpu.memory_space<vmem>>
        %dma_wait3A_325 = arith.constant 0 : i32
        %dma_wait3A_326 = arith.constant 0 : i32
        %dma_wait3A_327 = tpu.memref_slice %arg13[%dma_wait3A_325, %dma_wait3A_326] : memref<1296x512xf32, #tpu.memory_space<vmem_shared>> -> memref<1296x512xf32, #tpu.memory_space<vmem_shared>>
        tpu.wait_indirect_dma semaphore(%run_scoped3A : memref<!tpu.dma_semaphore, #tpu.memory_space<semaphore_mem>>) src(%arg12 : memref<16x512xf32, #tpu.memory_space<vmem>>) dst(%dma_wait3A_327 : memref<1296x512xf32, #tpu.memory_space<vmem_shared>>)
        tpu.yield
      }) : () -> ()
    }
    %barrier3A_210 = arith.constant 0 : index
    tpu.barrier barrier_id(%barrier3A_210)
    %mul3A_211 = arith.constant 80 : i32
    %mul3A_212 = arith.muli %arg1, %mul3A_211 : i32
    %mul3A_213 = arith.constant 80 : i32
    %mul3A_214 = arith.muli %arg1, %mul3A_213 : i32
    %add3A_215 = arith.addi %mul3A_146, %mul3A_214 : i32
    "tpu.region"() ({
      %run_scoped3A = tpu.sem_alloc : memref<!tpu.dma_semaphore, #tpu.memory_space<semaphore_mem>>
      %dma_start3A = arith.constant 0 : i32
      %dma_start3A_293 = tpu.memref_slice %arg6[%add3A_215, %dma_start3A] : memref<10240x512xf32, #tpu.memory_space<hbm>> -> memref<80x512xf32, #tpu.memory_space<hbm>>
      %dma_start3A_294 = arith.constant 0 : i32
      %dma_start3A_295 = tpu.memref_slice %arg13[%mul3A_212, %dma_start3A_294] : memref<1296x512xf32, #tpu.memory_space<vmem_shared>> -> memref<80x512xf32, #tpu.memory_space<vmem_shared>>
      tpu.enqueue_dma source(%dma_start3A_295 : memref<80x512xf32, #tpu.memory_space<vmem_shared>>) target(%dma_start3A_293 : memref<80x512xf32, #tpu.memory_space<hbm>>) target_semaphore(%run_scoped3A : memref<!tpu.dma_semaphore, #tpu.memory_space<semaphore_mem>>)
      %dma_wait3A = arith.constant 0 : i32
      %dma_wait3A_296 = tpu.memref_slice %arg6[%add3A_215, %dma_wait3A] : memref<10240x512xf32, #tpu.memory_space<hbm>> -> memref<80x512xf32, #tpu.memory_space<hbm>>
      %dma_wait3A_297 = arith.constant 0 : i32
      %dma_wait3A_298 = tpu.memref_slice %arg13[%mul3A_212, %dma_wait3A_297] : memref<1296x512xf32, #tpu.memory_space<vmem_shared>> -> memref<80x512xf32, #tpu.memory_space<vmem_shared>>
      tpu.wait_dma2 semaphore(%run_scoped3A : memref<!tpu.dma_semaphore, #tpu.memory_space<semaphore_mem>>) src(%dma_wait3A_298 : memref<80x512xf32, #tpu.memory_space<vmem_shared>>) dst(%dma_wait3A_296 : memref<80x512xf32, #tpu.memory_space<hbm>>)
      tpu.yield
    }) : () -> ()
    %barrier3A_216 = arith.constant 0 : index
    tpu.barrier barrier_id(%barrier3A_216)
    %mul3A_217 = arith.constant 4 : i32
    %mul3A_218 = arith.muli %arg0, %mul3A_217 : i32
    %add3A_219 = arith.constant 3 : i32
    %add3A_220 = arith.addi %mul3A_218, %add3A_219 : i32
    %mul3A_221 = arith.constant 1280 : i32
    %mul3A_222 = arith.muli %add3A_220, %mul3A_221 : i32
    %mul3A_223 = arith.constant 81 : i32
    %mul3A_224 = arith.muli %arg1, %mul3A_223 : i32
    %mul3A_225 = arith.constant 81 : i32
    %mul3A_226 = arith.muli %arg1, %mul3A_225 : i32
    "tpu.region"() ({
      %run_scoped3A = tpu.sem_alloc : memref<!tpu.dma_semaphore, #tpu.memory_space<semaphore_mem>>
      %dma_start3A = arith.constant 0 : i32
      %dma_start3A_293 = tpu.memref_slice %arg13[%mul3A_226, %dma_start3A] : memref<1296x512xf32, #tpu.memory_space<vmem_shared>> -> memref<81x512xf32, #tpu.memory_space<vmem_shared>>
      %dma_start3A_294 = arith.constant 0 : i32
      %dma_start3A_295 = tpu.memref_slice %arg5[%mul3A_224, %dma_start3A_294] : memref<1296x512xf32, #tpu.memory_space<hbm>> -> memref<81x512xf32, #tpu.memory_space<hbm>>
      tpu.enqueue_dma source(%dma_start3A_295 : memref<81x512xf32, #tpu.memory_space<hbm>>) target(%dma_start3A_293 : memref<81x512xf32, #tpu.memory_space<vmem_shared>>) target_semaphore(%run_scoped3A : memref<!tpu.dma_semaphore, #tpu.memory_space<semaphore_mem>>)
      %dma_wait3A = arith.constant 0 : i32
      %dma_wait3A_296 = tpu.memref_slice %arg13[%mul3A_226, %dma_wait3A] : memref<1296x512xf32, #tpu.memory_space<vmem_shared>> -> memref<81x512xf32, #tpu.memory_space<vmem_shared>>
      %dma_wait3A_297 = arith.constant 0 : i32
      %dma_wait3A_298 = tpu.memref_slice %arg5[%mul3A_224, %dma_wait3A_297] : memref<1296x512xf32, #tpu.memory_space<hbm>> -> memref<81x512xf32, #tpu.memory_space<hbm>>
      tpu.wait_dma2 semaphore(%run_scoped3A : memref<!tpu.dma_semaphore, #tpu.memory_space<semaphore_mem>>) src(%dma_wait3A_298 : memref<81x512xf32, #tpu.memory_space<hbm>>) dst(%dma_wait3A_296 : memref<81x512xf32, #tpu.memory_space<vmem_shared>>)
      tpu.yield
    }) : () -> ()
    %barrier3A_227 = arith.constant 0 : index
    tpu.barrier barrier_id(%barrier3A_227)
    %scan3A_228 = arith.constant 0 : i32
    %scan3A_229 = arith.constant 0 : i32
    %scan3A_230 = arith.constant 625 : i32
    %scan3A_231 = arith.addi %scan3A_229, %scan3A_230 : i32
    %scan3A_232 = arith.constant 1 : i32
    %scan3A_233 = scf.for %scan3A_293 = %scan3A_229 to %scan3A_231 step %scan3A_232 iter_args(%scan3A_294 = %scan3A_228) -> (i32)  : i32 {
      %mul3A_295 = arith.constant 16 : i32
      %mul3A_296 = arith.muli %scan3A_293, %mul3A_295 : i32
      %get3A = arith.index_cast %mul3A_296 : i32 to index
      %get3A_297 = tpu.vector_load %arg8[%get3A] {strides = array<i32>} : memref<10000xi32, #tpu.memory_space<vmem>>, vector<16xi32>,
      %ge3A = vector.broadcast %mul3A_222 : i32 to vector<16xi32>
      %ge3A_298 = arith.cmpi sge, %get3A_297, %ge3A : vector<16xi32>
      %add3A_299 = arith.constant 1280 : i32
      %add3A_300 = arith.addi %mul3A_222, %add3A_299 : i32
      %lt3A = vector.broadcast %add3A_300 : i32 to vector<16xi32>
      %lt3A_301 = arith.cmpi slt, %get3A_297, %lt3A : vector<16xi32>
      %and3A_302 = arith.andi %ge3A_298, %lt3A_301 : vector<16xi1>
      %convert_element_type3A = arith.extui %and3A_302 : vector<16xi1> to vector<16xi32>
      %broadcast_in_dim3A_303 = arith.constant true
      %broadcast_in_dim3A_304 = vector.broadcast %broadcast_in_dim3A_303 : i1 to vector<16xi1>
      %masked_cumsum3A = tpu.scan <sum>, %convert_element_type3A masked %broadcast_in_dim3A_304 : vector<16xi32>, vector<16xi1> -> vector<16xi32>
      %add3A_305 = vector.broadcast %scan3A_294 : i32 to vector<16xi32>
      %add3A_306 = arith.addi %add3A_305, %masked_cumsum3A : vector<16xi32>
      %sub3A_307 = arith.constant 1 : i32
      %sub3A_308 = vector.broadcast %sub3A_307 : i32 to vector<16xi32>
      %sub3A_309 = arith.subi %add3A_306, %sub3A_308 : vector<16xi32>
      %jit3A_310 = arith.constant 10047 : i32
      %broadcast_in_dim3A_311 = vector.broadcast %jit3A_310 : i32 to vector<16xi32>
      %select_n3A_312 = arith.select %and3A_302, %sub3A_309, %broadcast_in_dim3A_311 : vector<16xi1>, vector<16xi32>
      %mul3A_313 = arith.constant 16 : i32
      %mul3A_314 = arith.muli %scan3A_293, %mul3A_313 : i32
      %get3A_315 = arith.index_cast %mul3A_314 : i32 to index
      %get3A_316 = tpu.vector_load %arg7[%get3A_315] {strides = array<i32>} : memref<10000xi32, #tpu.memory_space<vmem>>, vector<16xi32>,
      %sub3A_317 = vector.broadcast %mul3A_222 : i32 to vector<16xi32>
      %sub3A_318 = arith.subi %get3A_297, %sub3A_317 : vector<16xi32>
      tpu.vector_store_idx %arg10[%select_n3A_312], %sub3A_318 : memref<10048xi32, #tpu.memory_space<vmem>>[vector<16xi32>], vector<16xi32>,
      tpu.vector_store_idx %arg9[%select_n3A_312], %get3A_316 : memref<10048xi32, #tpu.memory_space<vmem>>[vector<16xi32>], vector<16xi32>,
      %reduce_sum3A = arith.constant true
      %reduce_sum3A_319 = vector.broadcast %reduce_sum3A : i1 to vector<16xi1>
      %reduce_sum3A_320 = tpu.scan <sum>, %convert_element_type3A masked %reduce_sum3A_319 : vector<16xi32>, vector<16xi1> -> vector<16xi32>
      %reduce_sum3A_321 = vector.extract %reduce_sum3A_320[15] : i32 from vector<16xi32>
      %add3A_322 = arith.addi %scan3A_294, %reduce_sum3A_321 : i32
      scf.yield %add3A_322 : i32
    }
    %scan3A_234 = arith.constant 625 : i32
    %broadcast_in_dim3A_235 = arith.constant 1280 : i32
    %broadcast_in_dim3A_236 = vector.broadcast %broadcast_in_dim3A_235 : i32 to vector<16xi32>
    %broadcast_in_dim3A_237 = arith.constant 0 : i32
    %broadcast_in_dim3A_238 = vector.broadcast %broadcast_in_dim3A_237 : i32 to vector<16xi32>
    %iota3A_239 = tpu.iota {dimensions = array<i32: 0>} : vector<16xi32>
    %add3A_240 = arith.constant 0 : i32
    %add3A_241 = arith.addi %scan3A_233, %add3A_240 : i32
    %add3A_242 = vector.broadcast %add3A_241 : i32 to vector<16xi32>
    %add3A_243 = arith.addi %add3A_242, %iota3A_239 : vector<16xi32>
    tpu.vector_store_idx %arg10[%add3A_243], %broadcast_in_dim3A_236 : memref<10048xi32, #tpu.memory_space<vmem>>[vector<16xi32>], vector<16xi32>,
    tpu.vector_store_idx %arg9[%add3A_243], %broadcast_in_dim3A_238 : memref<10048xi32, #tpu.memory_space<vmem>>[vector<16xi32>], vector<16xi32>,
    %add3A_244 = arith.constant 16 : i32
    %add3A_245 = arith.addi %scan3A_233, %add3A_244 : i32
    %add3A_246 = vector.broadcast %add3A_245 : i32 to vector<16xi32>
    %add3A_247 = arith.addi %add3A_246, %iota3A_239 : vector<16xi32>
    tpu.vector_store_idx %arg10[%add3A_247], %broadcast_in_dim3A_236 : memref<10048xi32, #tpu.memory_space<vmem>>[vector<16xi32>], vector<16xi32>,
    tpu.vector_store_idx %arg9[%add3A_247], %broadcast_in_dim3A_238 : memref<10048xi32, #tpu.memory_space<vmem>>[vector<16xi32>], vector<16xi32>,
    %add3A_248 = arith.constant 32 : i32
    %add3A_249 = arith.addi %scan3A_233, %add3A_248 : i32
    %sub3A_250 = arith.constant 1 : i32
    %sub3A_251 = arith.subi %add3A_249, %sub3A_250 : i32
    %jit3A_252 = arith.constant 32 : i32
    %div3A_253 = arith.divsi %sub3A_251, %jit3A_252 : i32
    %sign3A_254 = arith.constant 0 : i32
    %sign3A_255 = arith.cmpi sgt, %sub3A_251, %sign3A_254 : i32
    %sign3A_256 = arith.extui %sign3A_255 : i1 to i32
    %sign3A_257 = arith.constant 0 : i32
    %sign3A_258 = arith.cmpi slt, %sub3A_251, %sign3A_257 : i32
    %sign3A_259 = arith.extui %sign3A_258 : i1 to i32
    %sign3A_260 = arith.subi %sign3A_256, %sign3A_259 : i32
    %sign3A_261 = arith.constant 0 : i32
    %sign3A_262 = arith.cmpi sgt, %jit3A_252, %sign3A_261 : i32
    %sign3A_263 = arith.extui %sign3A_262 : i1 to i32
    %sign3A_264 = arith.constant 0 : i32
    %sign3A_265 = arith.cmpi slt, %jit3A_252, %sign3A_264 : i32
    %sign3A_266 = arith.extui %sign3A_265 : i1 to i32
    %sign3A_267 = arith.subi %sign3A_263, %sign3A_266 : i32
    %ne3A_268 = arith.cmpi ne, %sign3A_260, %sign3A_267 : i32
    %rem3A_269 = arith.remsi %sub3A_251, %jit3A_252 : i32
    %ne3A_270 = arith.constant 0 : i32
    %ne3A_271 = arith.cmpi ne, %rem3A_269, %ne3A_270 : i32
    %and3A_272 = arith.andi %ne3A_268, %ne3A_271 : i1
    %sub3A_273 = arith.constant 1 : i32
    %sub3A_274 = arith.subi %div3A_253, %sub3A_273 : i32
    %select_n3A_275 = arith.select %and3A_272, %sub3A_274, %div3A_253 : i32
    %while3A_276 = arith.constant 0 : i32
    %while3A_277 = arith.constant 0 : i32
    %while3A_278 = arith.subi %select_n3A_275, %while3A_277 : i32
    %while3A_279 = arith.addi %while3A_277, %while3A_278 : i32
    %while3A_280 = arith.constant 1 : i32
    %while3A_281 = arith.divsi %while3A_278, %while3A_280 : i32
    %while3A_282 = arith.muli %while3A_281, %while3A_280 : i32
    %while3A_283 = arith.addi %while3A_277, %while3A_282 : i32
    %while3A_284 = arith.constant 1 : i32
    scf.for %while3A_293 = %while3A_277 to %while3A_283 step %while3A_284  : i32 {
      %mul3A_294 = arith.constant 2 : i32
      %mul3A_295 = arith.muli %while3A_293, %mul3A_294 : i32
      %mul3A_296 = arith.constant 16 : i32
      %mul3A_297 = arith.muli %mul3A_295, %mul3A_296 : i32
      %add3A_298 = arith.constant 0 : i32
      %add3A_299 = arith.addi %mul3A_297, %add3A_298 : i32
      %mul3A_300 = arith.constant 2 : i32
      %mul3A_301 = arith.muli %while3A_293, %mul3A_300 : i32
      %mul3A_302 = arith.constant 16 : i32
      %mul3A_303 = arith.muli %mul3A_301, %mul3A_302 : i32
      %add3A_304 = arith.constant 16 : i32
      %add3A_305 = arith.addi %mul3A_303, %add3A_304 : i32
      %dma_start3A = tpu.memref_slice %arg9[%add3A_299] : memref<10048xi32, #tpu.memory_space<vmem>> -> memref<16xi32, #tpu.memory_space<vmem>>
      %dma_start3A_306 = arith.constant 0 : i32
      %dma_start3A_307 = arith.constant 0 : i32
      %dma_start3A_308 = tpu.memref_slice %arg2[%dma_start3A_306, %dma_start3A_307] : memref<10240x512xf32, #tpu.memory_space<hbm>> -> memref<10240x512xf32, #tpu.memory_space<hbm>>
      tpu.enqueue_indirect_dma source(%dma_start3A_308 : memref<10240x512xf32, #tpu.memory_space<hbm>>) target(%arg11 : memref<16x512xf32, #tpu.memory_space<vmem>>) offsets(%dma_start3A : memref<16xi32, #tpu.memory_space<vmem>>) semaphore(%arg14 : memref<!tpu.dma_semaphore, #tpu.memory_space<semaphore_mem>>)
      %dma_start3A_309 = tpu.memref_slice %arg9[%add3A_305] : memref<10048xi32, #tpu.memory_space<vmem>> -> memref<16xi32, #tpu.memory_space<vmem>>
      %dma_start3A_310 = arith.constant 0 : i32
      %dma_start3A_311 = arith.constant 0 : i32
      %dma_start3A_312 = tpu.memref_slice %arg2[%dma_start3A_310, %dma_start3A_311] : memref<10240x512xf32, #tpu.memory_space<hbm>> -> memref<10240x512xf32, #tpu.memory_space<hbm>>
      tpu.enqueue_indirect_dma source(%dma_start3A_312 : memref<10240x512xf32, #tpu.memory_space<hbm>>) target(%arg12 : memref<16x512xf32, #tpu.memory_space<vmem>>) offsets(%dma_start3A_309 : memref<16xi32, #tpu.memory_space<vmem>>) semaphore(%arg15 : memref<!tpu.dma_semaphore, #tpu.memory_space<semaphore_mem>>)
      %dma_wait3A = tpu.memref_slice %arg9[%add3A_299] : memref<10048xi32, #tpu.memory_space<vmem>> -> memref<16xi32, #tpu.memory_space<vmem>>
      %dma_wait3A_313 = arith.constant 0 : i32
      %dma_wait3A_314 = arith.constant 0 : i32
      %dma_wait3A_315 = tpu.memref_slice %arg2[%dma_wait3A_313, %dma_wait3A_314] : memref<10240x512xf32, #tpu.memory_space<hbm>> -> memref<10240x512xf32, #tpu.memory_space<hbm>>
      tpu.wait_indirect_dma semaphore(%arg14 : memref<!tpu.dma_semaphore, #tpu.memory_space<semaphore_mem>>) src(%dma_wait3A_315 : memref<10240x512xf32, #tpu.memory_space<hbm>>) dst(%arg11 : memref<16x512xf32, #tpu.memory_space<vmem>>)
      "tpu.region"() ({
        %run_scoped3A = tpu.sem_alloc : memref<!tpu.dma_semaphore, #tpu.memory_space<semaphore_mem>>
        %dma_start3A_320 = tpu.memref_slice %arg10[%add3A_299] : memref<10048xi32, #tpu.memory_space<vmem>> -> memref<16xi32, #tpu.memory_space<vmem>>
        %dma_start3A_321 = arith.constant 0 : i32
        %dma_start3A_322 = arith.constant 0 : i32
        %dma_start3A_323 = tpu.memref_slice %arg13[%dma_start3A_321, %dma_start3A_322] : memref<1296x512xf32, #tpu.memory_space<vmem_shared>> -> memref<1296x512xf32, #tpu.memory_space<vmem_shared>>
        tpu.enqueue_indirect_dma source(%arg11 : memref<16x512xf32, #tpu.memory_space<vmem>>) target(%dma_start3A_323 : memref<1296x512xf32, #tpu.memory_space<vmem_shared>>) offsets(%dma_start3A_320 : memref<16xi32, #tpu.memory_space<vmem>>) semaphore(%run_scoped3A : memref<!tpu.dma_semaphore, #tpu.memory_space<semaphore_mem>>) {add = true}
        %dma_wait3A_324 = tpu.memref_slice %arg10[%add3A_299] : memref<10048xi32, #tpu.memory_space<vmem>> -> memref<16xi32, #tpu.memory_space<vmem>>
        %dma_wait3A_325 = arith.constant 0 : i32
        %dma_wait3A_326 = arith.constant 0 : i32
        %dma_wait3A_327 = tpu.memref_slice %arg13[%dma_wait3A_325, %dma_wait3A_326] : memref<1296x512xf32, #tpu.memory_space<vmem_shared>> -> memref<1296x512xf32, #tpu.memory_space<vmem_shared>>
        tpu.wait_indirect_dma semaphore(%run_scoped3A : memref<!tpu.dma_semaphore, #tpu.memory_space<semaphore_mem>>) src(%arg11 : memref<16x512xf32, #tpu.memory_space<vmem>>) dst(%dma_wait3A_327 : memref<1296x512xf32, #tpu.memory_space<vmem_shared>>)
        tpu.yield
      }) : () -> ()
      %dma_wait3A_316 = tpu.memref_slice %arg9[%add3A_305] : memref<10048xi32, #tpu.memory_space<vmem>> -> memref<16xi32, #tpu.memory_space<vmem>>
      %dma_wait3A_317 = arith.constant 0 : i32
      %dma_wait3A_318 = arith.constant 0 : i32
      %dma_wait3A_319 = tpu.memref_slice %arg2[%dma_wait3A_317, %dma_wait3A_318] : memref<10240x512xf32, #tpu.memory_space<hbm>> -> memref<10240x512xf32, #tpu.memory_space<hbm>>
      tpu.wait_indirect_dma semaphore(%arg15 : memref<!tpu.dma_semaphore, #tpu.memory_space<semaphore_mem>>) src(%dma_wait3A_319 : memref<10240x512xf32, #tpu.memory_space<hbm>>) dst(%arg12 : memref<16x512xf32, #tpu.memory_space<vmem>>)
      "tpu.region"() ({
        %run_scoped3A = tpu.sem_alloc : memref<!tpu.dma_semaphore, #tpu.memory_space<semaphore_mem>>
        %dma_start3A_320 = tpu.memref_slice %arg10[%add3A_305] : memref<10048xi32, #tpu.memory_space<vmem>> -> memref<16xi32, #tpu.memory_space<vmem>>
        %dma_start3A_321 = arith.constant 0 : i32
        %dma_start3A_322 = arith.constant 0 : i32
        %dma_start3A_323 = tpu.memref_slice %arg13[%dma_start3A_321, %dma_start3A_322] : memref<1296x512xf32, #tpu.memory_space<vmem_shared>> -> memref<1296x512xf32, #tpu.memory_space<vmem_shared>>
        tpu.enqueue_indirect_dma source(%arg12 : memref<16x512xf32, #tpu.memory_space<vmem>>) target(%dma_start3A_323 : memref<1296x512xf32, #tpu.memory_space<vmem_shared>>) offsets(%dma_start3A_320 : memref<16xi32, #tpu.memory_space<vmem>>) semaphore(%run_scoped3A : memref<!tpu.dma_semaphore, #tpu.memory_space<semaphore_mem>>) {add = true}
        %dma_wait3A_324 = tpu.memref_slice %arg10[%add3A_305] : memref<10048xi32, #tpu.memory_space<vmem>> -> memref<16xi32, #tpu.memory_space<vmem>>
        %dma_wait3A_325 = arith.constant 0 : i32
        %dma_wait3A_326 = arith.constant 0 : i32
        %dma_wait3A_327 = tpu.memref_slice %arg13[%dma_wait3A_325, %dma_wait3A_326] : memref<1296x512xf32, #tpu.memory_space<vmem_shared>> -> memref<1296x512xf32, #tpu.memory_space<vmem_shared>>
        tpu.wait_indirect_dma semaphore(%run_scoped3A : memref<!tpu.dma_semaphore, #tpu.memory_space<semaphore_mem>>) src(%arg12 : memref<16x512xf32, #tpu.memory_space<vmem>>) dst(%dma_wait3A_327 : memref<1296x512xf32, #tpu.memory_space<vmem_shared>>)
        tpu.yield
      }) : () -> ()
    }
    %while3A_285 = arith.constant 1 : i32
    scf.for %while3A_293 = %while3A_283 to %while3A_279 step %while3A_285  : i32 {
      %mul3A_294 = arith.constant 2 : i32
      %mul3A_295 = arith.muli %while3A_293, %mul3A_294 : i32
      %mul3A_296 = arith.constant 16 : i32
      %mul3A_297 = arith.muli %mul3A_295, %mul3A_296 : i32
      %add3A_298 = arith.constant 0 : i32
      %add3A_299 = arith.addi %mul3A_297, %add3A_298 : i32
      %mul3A_300 = arith.constant 2 : i32
      %mul3A_301 = arith.muli %while3A_293, %mul3A_300 : i32
      %mul3A_302 = arith.constant 16 : i32
      %mul3A_303 = arith.muli %mul3A_301, %mul3A_302 : i32
      %add3A_304 = arith.constant 16 : i32
      %add3A_305 = arith.addi %mul3A_303, %add3A_304 : i32
      %dma_start3A = tpu.memref_slice %arg9[%add3A_299] : memref<10048xi32, #tpu.memory_space<vmem>> -> memref<16xi32, #tpu.memory_space<vmem>>
      %dma_start3A_306 = arith.constant 0 : i32
      %dma_start3A_307 = arith.constant 0 : i32
      %dma_start3A_308 = tpu.memref_slice %arg2[%dma_start3A_306, %dma_start3A_307] : memref<10240x512xf32, #tpu.memory_space<hbm>> -> memref<10240x512xf32, #tpu.memory_space<hbm>>
      tpu.enqueue_indirect_dma source(%dma_start3A_308 : memref<10240x512xf32, #tpu.memory_space<hbm>>) target(%arg11 : memref<16x512xf32, #tpu.memory_space<vmem>>) offsets(%dma_start3A : memref<16xi32, #tpu.memory_space<vmem>>) semaphore(%arg14 : memref<!tpu.dma_semaphore, #tpu.memory_space<semaphore_mem>>)
      %dma_start3A_309 = tpu.memref_slice %arg9[%add3A_305] : memref<10048xi32, #tpu.memory_space<vmem>> -> memref<16xi32, #tpu.memory_space<vmem>>
      %dma_start3A_310 = arith.constant 0 : i32
      %dma_start3A_311 = arith.constant 0 : i32
      %dma_start3A_312 = tpu.memref_slice %arg2[%dma_start3A_310, %dma_start3A_311] : memref<10240x512xf32, #tpu.memory_space<hbm>> -> memref<10240x512xf32, #tpu.memory_space<hbm>>
      tpu.enqueue_indirect_dma source(%dma_start3A_312 : memref<10240x512xf32, #tpu.memory_space<hbm>>) target(%arg12 : memref<16x512xf32, #tpu.memory_space<vmem>>) offsets(%dma_start3A_309 : memref<16xi32, #tpu.memory_space<vmem>>) semaphore(%arg15 : memref<!tpu.dma_semaphore, #tpu.memory_space<semaphore_mem>>)
      %dma_wait3A = tpu.memref_slice %arg9[%add3A_299] : memref<10048xi32, #tpu.memory_space<vmem>> -> memref<16xi32, #tpu.memory_space<vmem>>
      %dma_wait3A_313 = arith.constant 0 : i32
      %dma_wait3A_314 = arith.constant 0 : i32
      %dma_wait3A_315 = tpu.memref_slice %arg2[%dma_wait3A_313, %dma_wait3A_314] : memref<10240x512xf32, #tpu.memory_space<hbm>> -> memref<10240x512xf32, #tpu.memory_space<hbm>>
      tpu.wait_indirect_dma semaphore(%arg14 : memref<!tpu.dma_semaphore, #tpu.memory_space<semaphore_mem>>) src(%dma_wait3A_315 : memref<10240x512xf32, #tpu.memory_space<hbm>>) dst(%arg11 : memref<16x512xf32, #tpu.memory_space<vmem>>)
      "tpu.region"() ({
        %run_scoped3A = tpu.sem_alloc : memref<!tpu.dma_semaphore, #tpu.memory_space<semaphore_mem>>
        %dma_start3A_320 = tpu.memref_slice %arg10[%add3A_299] : memref<10048xi32, #tpu.memory_space<vmem>> -> memref<16xi32, #tpu.memory_space<vmem>>
        %dma_start3A_321 = arith.constant 0 : i32
        %dma_start3A_322 = arith.constant 0 : i32
        %dma_start3A_323 = tpu.memref_slice %arg13[%dma_start3A_321, %dma_start3A_322] : memref<1296x512xf32, #tpu.memory_space<vmem_shared>> -> memref<1296x512xf32, #tpu.memory_space<vmem_shared>>
        tpu.enqueue_indirect_dma source(%arg11 : memref<16x512xf32, #tpu.memory_space<vmem>>) target(%dma_start3A_323 : memref<1296x512xf32, #tpu.memory_space<vmem_shared>>) offsets(%dma_start3A_320 : memref<16xi32, #tpu.memory_space<vmem>>) semaphore(%run_scoped3A : memref<!tpu.dma_semaphore, #tpu.memory_space<semaphore_mem>>) {add = true}
        %dma_wait3A_324 = tpu.memref_slice %arg10[%add3A_299] : memref<10048xi32, #tpu.memory_space<vmem>> -> memref<16xi32, #tpu.memory_space<vmem>>
        %dma_wait3A_325 = arith.constant 0 : i32
        %dma_wait3A_326 = arith.constant 0 : i32
        %dma_wait3A_327 = tpu.memref_slice %arg13[%dma_wait3A_325, %dma_wait3A_326] : memref<1296x512xf32, #tpu.memory_space<vmem_shared>> -> memref<1296x512xf32, #tpu.memory_space<vmem_shared>>
        tpu.wait_indirect_dma semaphore(%run_scoped3A : memref<!tpu.dma_semaphore, #tpu.memory_space<semaphore_mem>>) src(%arg11 : memref<16x512xf32, #tpu.memory_space<vmem>>) dst(%dma_wait3A_327 : memref<1296x512xf32, #tpu.memory_space<vmem_shared>>)
        tpu.yield
      }) : () -> ()
      %dma_wait3A_316 = tpu.memref_slice %arg9[%add3A_305] : memref<10048xi32, #tpu.memory_space<vmem>> -> memref<16xi32, #tpu.memory_space<vmem>>
      %dma_wait3A_317 = arith.constant 0 : i32
      %dma_wait3A_318 = arith.constant 0 : i32
      %dma_wait3A_319 = tpu.memref_slice %arg2[%dma_wait3A_317, %dma_wait3A_318] : memref<10240x512xf32, #tpu.memory_space<hbm>> -> memref<10240x512xf32, #tpu.memory_space<hbm>>
      tpu.wait_indirect_dma semaphore(%arg15 : memref<!tpu.dma_semaphore, #tpu.memory_space<semaphore_mem>>) src(%dma_wait3A_319 : memref<10240x512xf32, #tpu.memory_space<hbm>>) dst(%arg12 : memref<16x512xf32, #tpu.memory_space<vmem>>)
      "tpu.region"() ({
        %run_scoped3A = tpu.sem_alloc : memref<!tpu.dma_semaphore, #tpu.memory_space<semaphore_mem>>
        %dma_start3A_320 = tpu.memref_slice %arg10[%add3A_305] : memref<10048xi32, #tpu.memory_space<vmem>> -> memref<16xi32, #tpu.memory_space<vmem>>
        %dma_start3A_321 = arith.constant 0 : i32
        %dma_start3A_322 = arith.constant 0 : i32
        %dma_start3A_323 = tpu.memref_slice %arg13[%dma_start3A_321, %dma_start3A_322] : memref<1296x512xf32, #tpu.memory_space<vmem_shared>> -> memref<1296x512xf32, #tpu.memory_space<vmem_shared>>
        tpu.enqueue_indirect_dma source(%arg12 : memref<16x512xf32, #tpu.memory_space<vmem>>) target(%dma_start3A_323 : memref<1296x512xf32, #tpu.memory_space<vmem_shared>>) offsets(%dma_start3A_320 : memref<16xi32, #tpu.memory_space<vmem>>) semaphore(%run_scoped3A : memref<!tpu.dma_semaphore, #tpu.memory_space<semaphore_mem>>) {add = true}
        %dma_wait3A_324 = tpu.memref_slice %arg10[%add3A_305] : memref<10048xi32, #tpu.memory_space<vmem>> -> memref<16xi32, #tpu.memory_space<vmem>>
        %dma_wait3A_325 = arith.constant 0 : i32
        %dma_wait3A_326 = arith.constant 0 : i32
        %dma_wait3A_327 = tpu.memref_slice %arg13[%dma_wait3A_325, %dma_wait3A_326] : memref<1296x512xf32, #tpu.memory_space<vmem_shared>> -> memref<1296x512xf32, #tpu.memory_space<vmem_shared>>
        tpu.wait_indirect_dma semaphore(%run_scoped3A : memref<!tpu.dma_semaphore, #tpu.memory_space<semaphore_mem>>) src(%arg12 : memref<16x512xf32, #tpu.memory_space<vmem>>) dst(%dma_wait3A_327 : memref<1296x512xf32, #tpu.memory_space<vmem_shared>>)
        tpu.yield
      }) : () -> ()
    }
    %barrier3A_286 = arith.constant 0 : index
    tpu.barrier barrier_id(%barrier3A_286)
    %mul3A_287 = arith.constant 80 : i32
    %mul3A_288 = arith.muli %arg1, %mul3A_287 : i32
    %mul3A_289 = arith.constant 80 : i32
    %mul3A_290 = arith.muli %arg1, %mul3A_289 : i32
    %add3A_291 = arith.addi %mul3A_222, %mul3A_290 : i32
    "tpu.region"() ({
      %run_scoped3A = tpu.sem_alloc : memref<!tpu.dma_semaphore, #tpu.memory_space<semaphore_mem>>
      %dma_start3A = arith.constant 0 : i32
      %dma_start3A_293 = tpu.memref_slice %arg6[%add3A_291, %dma_start3A] : memref<10240x512xf32, #tpu.memory_space<hbm>> -> memref<80x512xf32, #tpu.memory_space<hbm>>
      %dma_start3A_294 = arith.constant 0 : i32
      %dma_start3A_295 = tpu.memref_slice %arg13[%mul3A_288, %dma_start3A_294] : memref<1296x512xf32, #tpu.memory_space<vmem_shared>> -> memref<80x512xf32, #tpu.memory_space<vmem_shared>>
      tpu.enqueue_dma source(%dma_start3A_295 : memref<80x512xf32, #tpu.memory_space<vmem_shared>>) target(%dma_start3A_293 : memref<80x512xf32, #tpu.memory_space<hbm>>) target_semaphore(%run_scoped3A : memref<!tpu.dma_semaphore, #tpu.memory_space<semaphore_mem>>)
      %dma_wait3A = arith.constant 0 : i32
      %dma_wait3A_296 = tpu.memref_slice %arg6[%add3A_291, %dma_wait3A] : memref<10240x512xf32, #tpu.memory_space<hbm>> -> memref<80x512xf32, #tpu.memory_space<hbm>>
      %dma_wait3A_297 = arith.constant 0 : i32
      %dma_wait3A_298 = tpu.memref_slice %arg13[%mul3A_288, %dma_wait3A_297] : memref<1296x512xf32, #tpu.memory_space<vmem_shared>> -> memref<80x512xf32, #tpu.memory_space<vmem_shared>>
      tpu.wait_dma2 semaphore(%run_scoped3A : memref<!tpu.dma_semaphore, #tpu.memory_space<semaphore_mem>>) src(%dma_wait3A_298 : memref<80x512xf32, #tpu.memory_space<vmem_shared>>) dst(%dma_wait3A_296 : memref<80x512xf32, #tpu.memory_space<hbm>>)
      tpu.yield
    }) : () -> ()
    %barrier3A_292 = arith.constant 0 : index
    tpu.barrier barrier_id(%barrier3A_292)
    return
  }
}

#map = affine_map<(d0, d1) -> (0, 0)>
#map1 = affine_map<(d0, d1) -> (0)>
module attributes {stable_mosaic.version = 14 : i64} {
  func.func @k(%arg0: i32, %arg1: i32, %arg2: memref<10240x256xf32, #tpu.memory_space<hbm>>, %arg3: memref<160000xi32, #tpu.memory_space<hbm>>, %arg4: memref<160000xi32, #tpu.memory_space<hbm>>, %arg5: memref<2576x256xf32, #tpu.memory_space<hbm>>, %arg6: memref<10240x256xf32, #tpu.memory_space<hbm>>, %arg7: memref<10000xi32, #tpu.memory_space<vmem>>, %arg8: memref<10000xi32, #tpu.memory_space<vmem>>, %arg9: memref<10080xi32, #tpu.memory_space<vmem>>, %arg10: memref<10080xi32, #tpu.memory_space<vmem>>, %arg11: memref<32x256xf32, #tpu.memory_space<vmem>>, %arg12: memref<32x256xf32, #tpu.memory_space<vmem>>, %arg13: memref<2576x256xf32, #tpu.memory_space<vmem_shared>>, %arg14: memref<!tpu.dma_semaphore, #tpu.memory_space<semaphore_mem>>, %arg15: memref<!tpu.dma_semaphore, #tpu.memory_space<semaphore_mem>>) attributes {dimension_semantics = [#tpu.dimension_semantics<core_parallel>, #tpu.dimension_semantics<subcore_parallel>], iteration_bounds = array<i64: 2, 16>, scalar_prefetch = 0 : i64, scratch_operands = 9 : i64, tpu.core_type = #tpu.core_type<sc_vector_subcore>, window_params = [{transform_indices = #map}, {transform_indices = #map1}, {transform_indices = #map1}, {transform_indices = #map}, {transform_indices = #map}]} {
    %mul3A = arith.constant 10000 : i32
    %mul3A_0 = arith.muli %arg1, %mul3A : i32
    "tpu.region"() ({
      %run_scoped3A = tpu.sem_alloc : memref<!tpu.dma_semaphore, #tpu.memory_space<semaphore_mem>>
      %dma_start3A = tpu.memref_slice %arg3[%mul3A_0] : memref<160000xi32, #tpu.memory_space<hbm>> -> memref<10000xi32, #tpu.memory_space<hbm>>
      %dma_start3A_157 = tpu.memref_slice %arg3[%mul3A_0] : memref<160000xi32, #tpu.memory_space<hbm>> -> memref<10000xi32, #tpu.memory_space<hbm>>
      tpu.enqueue_dma source(%dma_start3A_157 : memref<10000xi32, #tpu.memory_space<hbm>>) target(%arg7 : memref<10000xi32, #tpu.memory_space<vmem>>) target_semaphore(%run_scoped3A : memref<!tpu.dma_semaphore, #tpu.memory_space<semaphore_mem>>)
      %dma_wait3A = tpu.memref_slice %arg3[%mul3A_0] : memref<160000xi32, #tpu.memory_space<hbm>> -> memref<10000xi32, #tpu.memory_space<hbm>>
      %dma_wait3A_158 = tpu.memref_slice %arg3[%mul3A_0] : memref<160000xi32, #tpu.memory_space<hbm>> -> memref<10000xi32, #tpu.memory_space<hbm>>
      tpu.wait_dma2 semaphore(%run_scoped3A : memref<!tpu.dma_semaphore, #tpu.memory_space<semaphore_mem>>) src(%dma_wait3A_158 : memref<10000xi32, #tpu.memory_space<hbm>>) dst(%arg7 : memref<10000xi32, #tpu.memory_space<vmem>>)
      tpu.yield
    }) : () -> ()
    %mul3A_1 = arith.constant 10000 : i32
    %mul3A_2 = arith.muli %arg1, %mul3A_1 : i32
    "tpu.region"() ({
      %run_scoped3A = tpu.sem_alloc : memref<!tpu.dma_semaphore, #tpu.memory_space<semaphore_mem>>
      %dma_start3A = tpu.memref_slice %arg4[%mul3A_2] : memref<160000xi32, #tpu.memory_space<hbm>> -> memref<10000xi32, #tpu.memory_space<hbm>>
      %dma_start3A_157 = tpu.memref_slice %arg4[%mul3A_2] : memref<160000xi32, #tpu.memory_space<hbm>> -> memref<10000xi32, #tpu.memory_space<hbm>>
      tpu.enqueue_dma source(%dma_start3A_157 : memref<10000xi32, #tpu.memory_space<hbm>>) target(%arg8 : memref<10000xi32, #tpu.memory_space<vmem>>) target_semaphore(%run_scoped3A : memref<!tpu.dma_semaphore, #tpu.memory_space<semaphore_mem>>)
      %dma_wait3A = tpu.memref_slice %arg4[%mul3A_2] : memref<160000xi32, #tpu.memory_space<hbm>> -> memref<10000xi32, #tpu.memory_space<hbm>>
      %dma_wait3A_158 = tpu.memref_slice %arg4[%mul3A_2] : memref<160000xi32, #tpu.memory_space<hbm>> -> memref<10000xi32, #tpu.memory_space<hbm>>
      tpu.wait_dma2 semaphore(%run_scoped3A : memref<!tpu.dma_semaphore, #tpu.memory_space<semaphore_mem>>) src(%dma_wait3A_158 : memref<10000xi32, #tpu.memory_space<hbm>>) dst(%arg8 : memref<10000xi32, #tpu.memory_space<vmem>>)
      tpu.yield
    }) : () -> ()
    %mul3A_3 = arith.constant 2 : i32
    %mul3A_4 = arith.muli %arg0, %mul3A_3 : i32
    %add3A = arith.constant 0 : i32
    %add3A_5 = arith.addi %mul3A_4, %add3A : i32
    %mul3A_6 = arith.constant 2560 : i32
    %mul3A_7 = arith.muli %add3A_5, %mul3A_6 : i32
    %mul3A_8 = arith.constant 161 : i32
    %mul3A_9 = arith.muli %arg1, %mul3A_8 : i32
    %mul3A_10 = arith.constant 161 : i32
    %mul3A_11 = arith.muli %arg1, %mul3A_10 : i32
    "tpu.region"() ({
      %run_scoped3A = tpu.sem_alloc : memref<!tpu.dma_semaphore, #tpu.memory_space<semaphore_mem>>
      %dma_start3A = arith.constant 0 : i32
      %dma_start3A_157 = tpu.memref_slice %arg13[%mul3A_11, %dma_start3A] : memref<2576x256xf32, #tpu.memory_space<vmem_shared>> -> memref<161x256xf32, #tpu.memory_space<vmem_shared>>
      %dma_start3A_158 = arith.constant 0 : i32
      %dma_start3A_159 = tpu.memref_slice %arg5[%mul3A_9, %dma_start3A_158] : memref<2576x256xf32, #tpu.memory_space<hbm>> -> memref<161x256xf32, #tpu.memory_space<hbm>>
      tpu.enqueue_dma source(%dma_start3A_159 : memref<161x256xf32, #tpu.memory_space<hbm>>) target(%dma_start3A_157 : memref<161x256xf32, #tpu.memory_space<vmem_shared>>) target_semaphore(%run_scoped3A : memref<!tpu.dma_semaphore, #tpu.memory_space<semaphore_mem>>)
      %dma_wait3A = arith.constant 0 : i32
      %dma_wait3A_160 = tpu.memref_slice %arg13[%mul3A_11, %dma_wait3A] : memref<2576x256xf32, #tpu.memory_space<vmem_shared>> -> memref<161x256xf32, #tpu.memory_space<vmem_shared>>
      %dma_wait3A_161 = arith.constant 0 : i32
      %dma_wait3A_162 = tpu.memref_slice %arg5[%mul3A_9, %dma_wait3A_161] : memref<2576x256xf32, #tpu.memory_space<hbm>> -> memref<161x256xf32, #tpu.memory_space<hbm>>
      tpu.wait_dma2 semaphore(%run_scoped3A : memref<!tpu.dma_semaphore, #tpu.memory_space<semaphore_mem>>) src(%dma_wait3A_162 : memref<161x256xf32, #tpu.memory_space<hbm>>) dst(%dma_wait3A_160 : memref<161x256xf32, #tpu.memory_space<vmem_shared>>)
      tpu.yield
    }) : () -> ()
    %barrier3A = arith.constant 0 : index
    tpu.barrier barrier_id(%barrier3A)
    %scan3A = arith.constant 0 : i32
    %scan3A_12 = arith.constant 0 : i32
    %scan3A_13 = arith.constant 625 : i32
    %scan3A_14 = arith.addi %scan3A_12, %scan3A_13 : i32
    %scan3A_15 = arith.constant 1 : i32
    %scan3A_16 = scf.for %scan3A_157 = %scan3A_12 to %scan3A_14 step %scan3A_15 iter_args(%scan3A_158 = %scan3A) -> (i32)  : i32 {
      %mul3A_159 = arith.constant 16 : i32
      %mul3A_160 = arith.muli %scan3A_157, %mul3A_159 : i32
      %get3A = arith.index_cast %mul3A_160 : i32 to index
      %get3A_161 = tpu.vector_load %arg8[%get3A] {strides = array<i32>} : memref<10000xi32, #tpu.memory_space<vmem>>, vector<16xi32>,
      %ge3A = vector.broadcast %mul3A_7 : i32 to vector<16xi32>
      %ge3A_162 = arith.cmpi sge, %get3A_161, %ge3A : vector<16xi32>
      %add3A_163 = arith.constant 2560 : i32
      %add3A_164 = arith.addi %mul3A_7, %add3A_163 : i32
      %lt3A = vector.broadcast %add3A_164 : i32 to vector<16xi32>
      %lt3A_165 = arith.cmpi slt, %get3A_161, %lt3A : vector<16xi32>
      %and3A_166 = arith.andi %ge3A_162, %lt3A_165 : vector<16xi1>
      %convert_element_type3A = arith.extui %and3A_166 : vector<16xi1> to vector<16xi32>
      %broadcast_in_dim3A_167 = arith.constant true
      %broadcast_in_dim3A_168 = vector.broadcast %broadcast_in_dim3A_167 : i1 to vector<16xi1>
      %masked_cumsum3A = tpu.scan <sum>, %convert_element_type3A masked %broadcast_in_dim3A_168 : vector<16xi32>, vector<16xi1> -> vector<16xi32>
      %add3A_169 = vector.broadcast %scan3A_158 : i32 to vector<16xi32>
      %add3A_170 = arith.addi %add3A_169, %masked_cumsum3A : vector<16xi32>
      %sub3A_171 = arith.constant 1 : i32
      %sub3A_172 = vector.broadcast %sub3A_171 : i32 to vector<16xi32>
      %sub3A_173 = arith.subi %add3A_170, %sub3A_172 : vector<16xi32>
      %jit3A_174 = arith.constant 10079 : i32
      %broadcast_in_dim3A_175 = vector.broadcast %jit3A_174 : i32 to vector<16xi32>
      %select_n3A_176 = arith.select %and3A_166, %sub3A_173, %broadcast_in_dim3A_175 : vector<16xi1>, vector<16xi32>
      %mul3A_177 = arith.constant 16 : i32
      %mul3A_178 = arith.muli %scan3A_157, %mul3A_177 : i32
      %get3A_179 = arith.index_cast %mul3A_178 : i32 to index
      %get3A_180 = tpu.vector_load %arg7[%get3A_179] {strides = array<i32>} : memref<10000xi32, #tpu.memory_space<vmem>>, vector<16xi32>,
      %sub3A_181 = vector.broadcast %mul3A_7 : i32 to vector<16xi32>
      %sub3A_182 = arith.subi %get3A_161, %sub3A_181 : vector<16xi32>
      tpu.vector_store_idx %arg10[%select_n3A_176], %sub3A_182 : memref<10080xi32, #tpu.memory_space<vmem>>[vector<16xi32>], vector<16xi32>,
      tpu.vector_store_idx %arg9[%select_n3A_176], %get3A_180 : memref<10080xi32, #tpu.memory_space<vmem>>[vector<16xi32>], vector<16xi32>,
      %reduce_sum3A = arith.constant true
      %reduce_sum3A_183 = vector.broadcast %reduce_sum3A : i1 to vector<16xi1>
      %reduce_sum3A_184 = tpu.scan <sum>, %convert_element_type3A masked %reduce_sum3A_183 : vector<16xi32>, vector<16xi1> -> vector<16xi32>
      %reduce_sum3A_185 = vector.extract %reduce_sum3A_184[15] : i32 from vector<16xi32>
      %add3A_186 = arith.addi %scan3A_158, %reduce_sum3A_185 : i32
      scf.yield %add3A_186 : i32
    }
    %scan3A_17 = arith.constant 625 : i32
    %broadcast_in_dim3A = arith.constant 2560 : i32
    %broadcast_in_dim3A_18 = vector.broadcast %broadcast_in_dim3A : i32 to vector<16xi32>
    %broadcast_in_dim3A_19 = arith.constant 0 : i32
    %broadcast_in_dim3A_20 = vector.broadcast %broadcast_in_dim3A_19 : i32 to vector<16xi32>
    %iota3A = tpu.iota {dimensions = array<i32: 0>} : vector<16xi32>
    %add3A_21 = arith.constant 0 : i32
    %add3A_22 = arith.addi %scan3A_16, %add3A_21 : i32
    %add3A_23 = vector.broadcast %add3A_22 : i32 to vector<16xi32>
    %add3A_24 = arith.addi %add3A_23, %iota3A : vector<16xi32>
    tpu.vector_store_idx %arg10[%add3A_24], %broadcast_in_dim3A_18 : memref<10080xi32, #tpu.memory_space<vmem>>[vector<16xi32>], vector<16xi32>,
    tpu.vector_store_idx %arg9[%add3A_24], %broadcast_in_dim3A_20 : memref<10080xi32, #tpu.memory_space<vmem>>[vector<16xi32>], vector<16xi32>,
    %add3A_25 = arith.constant 16 : i32
    %add3A_26 = arith.addi %scan3A_16, %add3A_25 : i32
    %add3A_27 = vector.broadcast %add3A_26 : i32 to vector<16xi32>
    %add3A_28 = arith.addi %add3A_27, %iota3A : vector<16xi32>
    tpu.vector_store_idx %arg10[%add3A_28], %broadcast_in_dim3A_18 : memref<10080xi32, #tpu.memory_space<vmem>>[vector<16xi32>], vector<16xi32>,
    tpu.vector_store_idx %arg9[%add3A_28], %broadcast_in_dim3A_20 : memref<10080xi32, #tpu.memory_space<vmem>>[vector<16xi32>], vector<16xi32>,
    %add3A_29 = arith.constant 32 : i32
    %add3A_30 = arith.addi %scan3A_16, %add3A_29 : i32
    %add3A_31 = vector.broadcast %add3A_30 : i32 to vector<16xi32>
    %add3A_32 = arith.addi %add3A_31, %iota3A : vector<16xi32>
    tpu.vector_store_idx %arg10[%add3A_32], %broadcast_in_dim3A_18 : memref<10080xi32, #tpu.memory_space<vmem>>[vector<16xi32>], vector<16xi32>,
    tpu.vector_store_idx %arg9[%add3A_32], %broadcast_in_dim3A_20 : memref<10080xi32, #tpu.memory_space<vmem>>[vector<16xi32>], vector<16xi32>,
    %add3A_33 = arith.constant 48 : i32
    %add3A_34 = arith.addi %scan3A_16, %add3A_33 : i32
    %add3A_35 = vector.broadcast %add3A_34 : i32 to vector<16xi32>
    %add3A_36 = arith.addi %add3A_35, %iota3A : vector<16xi32>
    tpu.vector_store_idx %arg10[%add3A_36], %broadcast_in_dim3A_18 : memref<10080xi32, #tpu.memory_space<vmem>>[vector<16xi32>], vector<16xi32>,
    tpu.vector_store_idx %arg9[%add3A_36], %broadcast_in_dim3A_20 : memref<10080xi32, #tpu.memory_space<vmem>>[vector<16xi32>], vector<16xi32>,
    %add3A_37 = arith.constant 64 : i32
    %add3A_38 = arith.addi %scan3A_16, %add3A_37 : i32
    %sub3A = arith.constant 1 : i32
    %sub3A_39 = arith.subi %add3A_38, %sub3A : i32
    %jit3A = arith.constant 64 : i32
    %div3A = arith.divsi %sub3A_39, %jit3A : i32
    %sign3A = arith.constant 0 : i32
    %sign3A_40 = arith.cmpi sgt, %sub3A_39, %sign3A : i32
    %sign3A_41 = arith.extui %sign3A_40 : i1 to i32
    %sign3A_42 = arith.constant 0 : i32
    %sign3A_43 = arith.cmpi slt, %sub3A_39, %sign3A_42 : i32
    %sign3A_44 = arith.extui %sign3A_43 : i1 to i32
    %sign3A_45 = arith.subi %sign3A_41, %sign3A_44 : i32
    %sign3A_46 = arith.constant 0 : i32
    %sign3A_47 = arith.cmpi sgt, %jit3A, %sign3A_46 : i32
    %sign3A_48 = arith.extui %sign3A_47 : i1 to i32
    %sign3A_49 = arith.constant 0 : i32
    %sign3A_50 = arith.cmpi slt, %jit3A, %sign3A_49 : i32
    %sign3A_51 = arith.extui %sign3A_50 : i1 to i32
    %sign3A_52 = arith.subi %sign3A_48, %sign3A_51 : i32
    %ne3A = arith.cmpi ne, %sign3A_45, %sign3A_52 : i32
    %rem3A = arith.remsi %sub3A_39, %jit3A : i32
    %ne3A_53 = arith.constant 0 : i32
    %ne3A_54 = arith.cmpi ne, %rem3A, %ne3A_53 : i32
    %and3A = arith.andi %ne3A, %ne3A_54 : i1
    %sub3A_55 = arith.constant 1 : i32
    %sub3A_56 = arith.subi %div3A, %sub3A_55 : i32
    %select_n3A = arith.select %and3A, %sub3A_56, %div3A : i32
    %while3A = arith.constant 0 : i32
    %while3A_57 = arith.constant 0 : i32
    %while3A_58 = arith.subi %select_n3A, %while3A_57 : i32
    %while3A_59 = arith.addi %while3A_57, %while3A_58 : i32
    %while3A_60 = arith.constant 1 : i32
    %while3A_61 = arith.divsi %while3A_58, %while3A_60 : i32
    %while3A_62 = arith.muli %while3A_61, %while3A_60 : i32
    %while3A_63 = arith.addi %while3A_57, %while3A_62 : i32
    %while3A_64 = arith.constant 1 : i32
    scf.for %while3A_157 = %while3A_57 to %while3A_63 step %while3A_64  : i32 {
      %mul3A_158 = arith.constant 2 : i32
      %mul3A_159 = arith.muli %while3A_157, %mul3A_158 : i32
      %mul3A_160 = arith.constant 32 : i32
      %mul3A_161 = arith.muli %mul3A_159, %mul3A_160 : i32
      %add3A_162 = arith.constant 0 : i32
      %add3A_163 = arith.addi %mul3A_161, %add3A_162 : i32
      %mul3A_164 = arith.constant 2 : i32
      %mul3A_165 = arith.muli %while3A_157, %mul3A_164 : i32
      %mul3A_166 = arith.constant 32 : i32
      %mul3A_167 = arith.muli %mul3A_165, %mul3A_166 : i32
      %add3A_168 = arith.constant 32 : i32
      %add3A_169 = arith.addi %mul3A_167, %add3A_168 : i32
      %dma_start3A = tpu.memref_slice %arg9[%add3A_163] : memref<10080xi32, #tpu.memory_space<vmem>> -> memref<32xi32, #tpu.memory_space<vmem>>
      %dma_start3A_170 = arith.constant 0 : i32
      %dma_start3A_171 = arith.constant 0 : i32
      %dma_start3A_172 = tpu.memref_slice %arg2[%dma_start3A_170, %dma_start3A_171] : memref<10240x256xf32, #tpu.memory_space<hbm>> -> memref<10240x256xf32, #tpu.memory_space<hbm>>
      tpu.enqueue_indirect_dma source(%dma_start3A_172 : memref<10240x256xf32, #tpu.memory_space<hbm>>) target(%arg11 : memref<32x256xf32, #tpu.memory_space<vmem>>) offsets(%dma_start3A : memref<32xi32, #tpu.memory_space<vmem>>) semaphore(%arg14 : memref<!tpu.dma_semaphore, #tpu.memory_space<semaphore_mem>>)
      %dma_start3A_173 = tpu.memref_slice %arg9[%add3A_169] : memref<10080xi32, #tpu.memory_space<vmem>> -> memref<32xi32, #tpu.memory_space<vmem>>
      %dma_start3A_174 = arith.constant 0 : i32
      %dma_start3A_175 = arith.constant 0 : i32
      %dma_start3A_176 = tpu.memref_slice %arg2[%dma_start3A_174, %dma_start3A_175] : memref<10240x256xf32, #tpu.memory_space<hbm>> -> memref<10240x256xf32, #tpu.memory_space<hbm>>
      tpu.enqueue_indirect_dma source(%dma_start3A_176 : memref<10240x256xf32, #tpu.memory_space<hbm>>) target(%arg12 : memref<32x256xf32, #tpu.memory_space<vmem>>) offsets(%dma_start3A_173 : memref<32xi32, #tpu.memory_space<vmem>>) semaphore(%arg15 : memref<!tpu.dma_semaphore, #tpu.memory_space<semaphore_mem>>)
      %dma_wait3A = tpu.memref_slice %arg9[%add3A_163] : memref<10080xi32, #tpu.memory_space<vmem>> -> memref<32xi32, #tpu.memory_space<vmem>>
      %dma_wait3A_177 = arith.constant 0 : i32
      %dma_wait3A_178 = arith.constant 0 : i32
      %dma_wait3A_179 = tpu.memref_slice %arg2[%dma_wait3A_177, %dma_wait3A_178] : memref<10240x256xf32, #tpu.memory_space<hbm>> -> memref<10240x256xf32, #tpu.memory_space<hbm>>
      tpu.wait_indirect_dma semaphore(%arg14 : memref<!tpu.dma_semaphore, #tpu.memory_space<semaphore_mem>>) src(%dma_wait3A_179 : memref<10240x256xf32, #tpu.memory_space<hbm>>) dst(%arg11 : memref<32x256xf32, #tpu.memory_space<vmem>>)
      "tpu.region"() ({
        %run_scoped3A = tpu.sem_alloc : memref<!tpu.dma_semaphore, #tpu.memory_space<semaphore_mem>>
        %dma_start3A_184 = tpu.memref_slice %arg10[%add3A_163] : memref<10080xi32, #tpu.memory_space<vmem>> -> memref<32xi32, #tpu.memory_space<vmem>>
        %dma_start3A_185 = arith.constant 0 : i32
        %dma_start3A_186 = arith.constant 0 : i32
        %dma_start3A_187 = tpu.memref_slice %arg13[%dma_start3A_185, %dma_start3A_186] : memref<2576x256xf32, #tpu.memory_space<vmem_shared>> -> memref<2576x256xf32, #tpu.memory_space<vmem_shared>>
        tpu.enqueue_indirect_dma source(%arg11 : memref<32x256xf32, #tpu.memory_space<vmem>>) target(%dma_start3A_187 : memref<2576x256xf32, #tpu.memory_space<vmem_shared>>) offsets(%dma_start3A_184 : memref<32xi32, #tpu.memory_space<vmem>>) semaphore(%run_scoped3A : memref<!tpu.dma_semaphore, #tpu.memory_space<semaphore_mem>>) {add = true}
        %dma_wait3A_188 = tpu.memref_slice %arg10[%add3A_163] : memref<10080xi32, #tpu.memory_space<vmem>> -> memref<32xi32, #tpu.memory_space<vmem>>
        %dma_wait3A_189 = arith.constant 0 : i32
        %dma_wait3A_190 = arith.constant 0 : i32
        %dma_wait3A_191 = tpu.memref_slice %arg13[%dma_wait3A_189, %dma_wait3A_190] : memref<2576x256xf32, #tpu.memory_space<vmem_shared>> -> memref<2576x256xf32, #tpu.memory_space<vmem_shared>>
        tpu.wait_indirect_dma semaphore(%run_scoped3A : memref<!tpu.dma_semaphore, #tpu.memory_space<semaphore_mem>>) src(%arg11 : memref<32x256xf32, #tpu.memory_space<vmem>>) dst(%dma_wait3A_191 : memref<2576x256xf32, #tpu.memory_space<vmem_shared>>)
        tpu.yield
      }) : () -> ()
      %dma_wait3A_180 = tpu.memref_slice %arg9[%add3A_169] : memref<10080xi32, #tpu.memory_space<vmem>> -> memref<32xi32, #tpu.memory_space<vmem>>
      %dma_wait3A_181 = arith.constant 0 : i32
      %dma_wait3A_182 = arith.constant 0 : i32
      %dma_wait3A_183 = tpu.memref_slice %arg2[%dma_wait3A_181, %dma_wait3A_182] : memref<10240x256xf32, #tpu.memory_space<hbm>> -> memref<10240x256xf32, #tpu.memory_space<hbm>>
      tpu.wait_indirect_dma semaphore(%arg15 : memref<!tpu.dma_semaphore, #tpu.memory_space<semaphore_mem>>) src(%dma_wait3A_183 : memref<10240x256xf32, #tpu.memory_space<hbm>>) dst(%arg12 : memref<32x256xf32, #tpu.memory_space<vmem>>)
      "tpu.region"() ({
        %run_scoped3A = tpu.sem_alloc : memref<!tpu.dma_semaphore, #tpu.memory_space<semaphore_mem>>
        %dma_start3A_184 = tpu.memref_slice %arg10[%add3A_169] : memref<10080xi32, #tpu.memory_space<vmem>> -> memref<32xi32, #tpu.memory_space<vmem>>
        %dma_start3A_185 = arith.constant 0 : i32
        %dma_start3A_186 = arith.constant 0 : i32
        %dma_start3A_187 = tpu.memref_slice %arg13[%dma_start3A_185, %dma_start3A_186] : memref<2576x256xf32, #tpu.memory_space<vmem_shared>> -> memref<2576x256xf32, #tpu.memory_space<vmem_shared>>
        tpu.enqueue_indirect_dma source(%arg12 : memref<32x256xf32, #tpu.memory_space<vmem>>) target(%dma_start3A_187 : memref<2576x256xf32, #tpu.memory_space<vmem_shared>>) offsets(%dma_start3A_184 : memref<32xi32, #tpu.memory_space<vmem>>) semaphore(%run_scoped3A : memref<!tpu.dma_semaphore, #tpu.memory_space<semaphore_mem>>) {add = true}
        %dma_wait3A_188 = tpu.memref_slice %arg10[%add3A_169] : memref<10080xi32, #tpu.memory_space<vmem>> -> memref<32xi32, #tpu.memory_space<vmem>>
        %dma_wait3A_189 = arith.constant 0 : i32
        %dma_wait3A_190 = arith.constant 0 : i32
        %dma_wait3A_191 = tpu.memref_slice %arg13[%dma_wait3A_189, %dma_wait3A_190] : memref<2576x256xf32, #tpu.memory_space<vmem_shared>> -> memref<2576x256xf32, #tpu.memory_space<vmem_shared>>
        tpu.wait_indirect_dma semaphore(%run_scoped3A : memref<!tpu.dma_semaphore, #tpu.memory_space<semaphore_mem>>) src(%arg12 : memref<32x256xf32, #tpu.memory_space<vmem>>) dst(%dma_wait3A_191 : memref<2576x256xf32, #tpu.memory_space<vmem_shared>>)
        tpu.yield
      }) : () -> ()
    }
    %while3A_65 = arith.constant 1 : i32
    scf.for %while3A_157 = %while3A_63 to %while3A_59 step %while3A_65  : i32 {
      %mul3A_158 = arith.constant 2 : i32
      %mul3A_159 = arith.muli %while3A_157, %mul3A_158 : i32
      %mul3A_160 = arith.constant 32 : i32
      %mul3A_161 = arith.muli %mul3A_159, %mul3A_160 : i32
      %add3A_162 = arith.constant 0 : i32
      %add3A_163 = arith.addi %mul3A_161, %add3A_162 : i32
      %mul3A_164 = arith.constant 2 : i32
      %mul3A_165 = arith.muli %while3A_157, %mul3A_164 : i32
      %mul3A_166 = arith.constant 32 : i32
      %mul3A_167 = arith.muli %mul3A_165, %mul3A_166 : i32
      %add3A_168 = arith.constant 32 : i32
      %add3A_169 = arith.addi %mul3A_167, %add3A_168 : i32
      %dma_start3A = tpu.memref_slice %arg9[%add3A_163] : memref<10080xi32, #tpu.memory_space<vmem>> -> memref<32xi32, #tpu.memory_space<vmem>>
      %dma_start3A_170 = arith.constant 0 : i32
      %dma_start3A_171 = arith.constant 0 : i32
      %dma_start3A_172 = tpu.memref_slice %arg2[%dma_start3A_170, %dma_start3A_171] : memref<10240x256xf32, #tpu.memory_space<hbm>> -> memref<10240x256xf32, #tpu.memory_space<hbm>>
      tpu.enqueue_indirect_dma source(%dma_start3A_172 : memref<10240x256xf32, #tpu.memory_space<hbm>>) target(%arg11 : memref<32x256xf32, #tpu.memory_space<vmem>>) offsets(%dma_start3A : memref<32xi32, #tpu.memory_space<vmem>>) semaphore(%arg14 : memref<!tpu.dma_semaphore, #tpu.memory_space<semaphore_mem>>)
      %dma_start3A_173 = tpu.memref_slice %arg9[%add3A_169] : memref<10080xi32, #tpu.memory_space<vmem>> -> memref<32xi32, #tpu.memory_space<vmem>>
      %dma_start3A_174 = arith.constant 0 : i32
      %dma_start3A_175 = arith.constant 0 : i32
      %dma_start3A_176 = tpu.memref_slice %arg2[%dma_start3A_174, %dma_start3A_175] : memref<10240x256xf32, #tpu.memory_space<hbm>> -> memref<10240x256xf32, #tpu.memory_space<hbm>>
      tpu.enqueue_indirect_dma source(%dma_start3A_176 : memref<10240x256xf32, #tpu.memory_space<hbm>>) target(%arg12 : memref<32x256xf32, #tpu.memory_space<vmem>>) offsets(%dma_start3A_173 : memref<32xi32, #tpu.memory_space<vmem>>) semaphore(%arg15 : memref<!tpu.dma_semaphore, #tpu.memory_space<semaphore_mem>>)
      %dma_wait3A = tpu.memref_slice %arg9[%add3A_163] : memref<10080xi32, #tpu.memory_space<vmem>> -> memref<32xi32, #tpu.memory_space<vmem>>
      %dma_wait3A_177 = arith.constant 0 : i32
      %dma_wait3A_178 = arith.constant 0 : i32
      %dma_wait3A_179 = tpu.memref_slice %arg2[%dma_wait3A_177, %dma_wait3A_178] : memref<10240x256xf32, #tpu.memory_space<hbm>> -> memref<10240x256xf32, #tpu.memory_space<hbm>>
      tpu.wait_indirect_dma semaphore(%arg14 : memref<!tpu.dma_semaphore, #tpu.memory_space<semaphore_mem>>) src(%dma_wait3A_179 : memref<10240x256xf32, #tpu.memory_space<hbm>>) dst(%arg11 : memref<32x256xf32, #tpu.memory_space<vmem>>)
      "tpu.region"() ({
        %run_scoped3A = tpu.sem_alloc : memref<!tpu.dma_semaphore, #tpu.memory_space<semaphore_mem>>
        %dma_start3A_184 = tpu.memref_slice %arg10[%add3A_163] : memref<10080xi32, #tpu.memory_space<vmem>> -> memref<32xi32, #tpu.memory_space<vmem>>
        %dma_start3A_185 = arith.constant 0 : i32
        %dma_start3A_186 = arith.constant 0 : i32
        %dma_start3A_187 = tpu.memref_slice %arg13[%dma_start3A_185, %dma_start3A_186] : memref<2576x256xf32, #tpu.memory_space<vmem_shared>> -> memref<2576x256xf32, #tpu.memory_space<vmem_shared>>
        tpu.enqueue_indirect_dma source(%arg11 : memref<32x256xf32, #tpu.memory_space<vmem>>) target(%dma_start3A_187 : memref<2576x256xf32, #tpu.memory_space<vmem_shared>>) offsets(%dma_start3A_184 : memref<32xi32, #tpu.memory_space<vmem>>) semaphore(%run_scoped3A : memref<!tpu.dma_semaphore, #tpu.memory_space<semaphore_mem>>) {add = true}
        %dma_wait3A_188 = tpu.memref_slice %arg10[%add3A_163] : memref<10080xi32, #tpu.memory_space<vmem>> -> memref<32xi32, #tpu.memory_space<vmem>>
        %dma_wait3A_189 = arith.constant 0 : i32
        %dma_wait3A_190 = arith.constant 0 : i32
        %dma_wait3A_191 = tpu.memref_slice %arg13[%dma_wait3A_189, %dma_wait3A_190] : memref<2576x256xf32, #tpu.memory_space<vmem_shared>> -> memref<2576x256xf32, #tpu.memory_space<vmem_shared>>
        tpu.wait_indirect_dma semaphore(%run_scoped3A : memref<!tpu.dma_semaphore, #tpu.memory_space<semaphore_mem>>) src(%arg11 : memref<32x256xf32, #tpu.memory_space<vmem>>) dst(%dma_wait3A_191 : memref<2576x256xf32, #tpu.memory_space<vmem_shared>>)
        tpu.yield
      }) : () -> ()
      %dma_wait3A_180 = tpu.memref_slice %arg9[%add3A_169] : memref<10080xi32, #tpu.memory_space<vmem>> -> memref<32xi32, #tpu.memory_space<vmem>>
      %dma_wait3A_181 = arith.constant 0 : i32
      %dma_wait3A_182 = arith.constant 0 : i32
      %dma_wait3A_183 = tpu.memref_slice %arg2[%dma_wait3A_181, %dma_wait3A_182] : memref<10240x256xf32, #tpu.memory_space<hbm>> -> memref<10240x256xf32, #tpu.memory_space<hbm>>
      tpu.wait_indirect_dma semaphore(%arg15 : memref<!tpu.dma_semaphore, #tpu.memory_space<semaphore_mem>>) src(%dma_wait3A_183 : memref<10240x256xf32, #tpu.memory_space<hbm>>) dst(%arg12 : memref<32x256xf32, #tpu.memory_space<vmem>>)
      "tpu.region"() ({
        %run_scoped3A = tpu.sem_alloc : memref<!tpu.dma_semaphore, #tpu.memory_space<semaphore_mem>>
        %dma_start3A_184 = tpu.memref_slice %arg10[%add3A_169] : memref<10080xi32, #tpu.memory_space<vmem>> -> memref<32xi32, #tpu.memory_space<vmem>>
        %dma_start3A_185 = arith.constant 0 : i32
        %dma_start3A_186 = arith.constant 0 : i32
        %dma_start3A_187 = tpu.memref_slice %arg13[%dma_start3A_185, %dma_start3A_186] : memref<2576x256xf32, #tpu.memory_space<vmem_shared>> -> memref<2576x256xf32, #tpu.memory_space<vmem_shared>>
        tpu.enqueue_indirect_dma source(%arg12 : memref<32x256xf32, #tpu.memory_space<vmem>>) target(%dma_start3A_187 : memref<2576x256xf32, #tpu.memory_space<vmem_shared>>) offsets(%dma_start3A_184 : memref<32xi32, #tpu.memory_space<vmem>>) semaphore(%run_scoped3A : memref<!tpu.dma_semaphore, #tpu.memory_space<semaphore_mem>>) {add = true}
        %dma_wait3A_188 = tpu.memref_slice %arg10[%add3A_169] : memref<10080xi32, #tpu.memory_space<vmem>> -> memref<32xi32, #tpu.memory_space<vmem>>
        %dma_wait3A_189 = arith.constant 0 : i32
        %dma_wait3A_190 = arith.constant 0 : i32
        %dma_wait3A_191 = tpu.memref_slice %arg13[%dma_wait3A_189, %dma_wait3A_190] : memref<2576x256xf32, #tpu.memory_space<vmem_shared>> -> memref<2576x256xf32, #tpu.memory_space<vmem_shared>>
        tpu.wait_indirect_dma semaphore(%run_scoped3A : memref<!tpu.dma_semaphore, #tpu.memory_space<semaphore_mem>>) src(%arg12 : memref<32x256xf32, #tpu.memory_space<vmem>>) dst(%dma_wait3A_191 : memref<2576x256xf32, #tpu.memory_space<vmem_shared>>)
        tpu.yield
      }) : () -> ()
    }
    %barrier3A_66 = arith.constant 0 : index
    tpu.barrier barrier_id(%barrier3A_66)
    %mul3A_67 = arith.constant 160 : i32
    %mul3A_68 = arith.muli %arg1, %mul3A_67 : i32
    %mul3A_69 = arith.constant 160 : i32
    %mul3A_70 = arith.muli %arg1, %mul3A_69 : i32
    %add3A_71 = arith.addi %mul3A_7, %mul3A_70 : i32
    "tpu.region"() ({
      %run_scoped3A = tpu.sem_alloc : memref<!tpu.dma_semaphore, #tpu.memory_space<semaphore_mem>>
      %dma_start3A = arith.constant 0 : i32
      %dma_start3A_157 = tpu.memref_slice %arg6[%add3A_71, %dma_start3A] : memref<10240x256xf32, #tpu.memory_space<hbm>> -> memref<160x256xf32, #tpu.memory_space<hbm>>
      %dma_start3A_158 = arith.constant 0 : i32
      %dma_start3A_159 = tpu.memref_slice %arg13[%mul3A_68, %dma_start3A_158] : memref<2576x256xf32, #tpu.memory_space<vmem_shared>> -> memref<160x256xf32, #tpu.memory_space<vmem_shared>>
      tpu.enqueue_dma source(%dma_start3A_159 : memref<160x256xf32, #tpu.memory_space<vmem_shared>>) target(%dma_start3A_157 : memref<160x256xf32, #tpu.memory_space<hbm>>) target_semaphore(%run_scoped3A : memref<!tpu.dma_semaphore, #tpu.memory_space<semaphore_mem>>)
      %dma_wait3A = arith.constant 0 : i32
      %dma_wait3A_160 = tpu.memref_slice %arg6[%add3A_71, %dma_wait3A] : memref<10240x256xf32, #tpu.memory_space<hbm>> -> memref<160x256xf32, #tpu.memory_space<hbm>>
      %dma_wait3A_161 = arith.constant 0 : i32
      %dma_wait3A_162 = tpu.memref_slice %arg13[%mul3A_68, %dma_wait3A_161] : memref<2576x256xf32, #tpu.memory_space<vmem_shared>> -> memref<160x256xf32, #tpu.memory_space<vmem_shared>>
      tpu.wait_dma2 semaphore(%run_scoped3A : memref<!tpu.dma_semaphore, #tpu.memory_space<semaphore_mem>>) src(%dma_wait3A_162 : memref<160x256xf32, #tpu.memory_space<vmem_shared>>) dst(%dma_wait3A_160 : memref<160x256xf32, #tpu.memory_space<hbm>>)
      tpu.yield
    }) : () -> ()
    %barrier3A_72 = arith.constant 0 : index
    tpu.barrier barrier_id(%barrier3A_72)
    %mul3A_73 = arith.constant 2 : i32
    %mul3A_74 = arith.muli %arg0, %mul3A_73 : i32
    %add3A_75 = arith.constant 1 : i32
    %add3A_76 = arith.addi %mul3A_74, %add3A_75 : i32
    %mul3A_77 = arith.constant 2560 : i32
    %mul3A_78 = arith.muli %add3A_76, %mul3A_77 : i32
    %mul3A_79 = arith.constant 161 : i32
    %mul3A_80 = arith.muli %arg1, %mul3A_79 : i32
    %mul3A_81 = arith.constant 161 : i32
    %mul3A_82 = arith.muli %arg1, %mul3A_81 : i32
    "tpu.region"() ({
      %run_scoped3A = tpu.sem_alloc : memref<!tpu.dma_semaphore, #tpu.memory_space<semaphore_mem>>
      %dma_start3A = arith.constant 0 : i32
      %dma_start3A_157 = tpu.memref_slice %arg13[%mul3A_82, %dma_start3A] : memref<2576x256xf32, #tpu.memory_space<vmem_shared>> -> memref<161x256xf32, #tpu.memory_space<vmem_shared>>
      %dma_start3A_158 = arith.constant 0 : i32
      %dma_start3A_159 = tpu.memref_slice %arg5[%mul3A_80, %dma_start3A_158] : memref<2576x256xf32, #tpu.memory_space<hbm>> -> memref<161x256xf32, #tpu.memory_space<hbm>>
      tpu.enqueue_dma source(%dma_start3A_159 : memref<161x256xf32, #tpu.memory_space<hbm>>) target(%dma_start3A_157 : memref<161x256xf32, #tpu.memory_space<vmem_shared>>) target_semaphore(%run_scoped3A : memref<!tpu.dma_semaphore, #tpu.memory_space<semaphore_mem>>)
      %dma_wait3A = arith.constant 0 : i32
      %dma_wait3A_160 = tpu.memref_slice %arg13[%mul3A_82, %dma_wait3A] : memref<2576x256xf32, #tpu.memory_space<vmem_shared>> -> memref<161x256xf32, #tpu.memory_space<vmem_shared>>
      %dma_wait3A_161 = arith.constant 0 : i32
      %dma_wait3A_162 = tpu.memref_slice %arg5[%mul3A_80, %dma_wait3A_161] : memref<2576x256xf32, #tpu.memory_space<hbm>> -> memref<161x256xf32, #tpu.memory_space<hbm>>
      tpu.wait_dma2 semaphore(%run_scoped3A : memref<!tpu.dma_semaphore, #tpu.memory_space<semaphore_mem>>) src(%dma_wait3A_162 : memref<161x256xf32, #tpu.memory_space<hbm>>) dst(%dma_wait3A_160 : memref<161x256xf32, #tpu.memory_space<vmem_shared>>)
      tpu.yield
    }) : () -> ()
    %barrier3A_83 = arith.constant 0 : index
    tpu.barrier barrier_id(%barrier3A_83)
    %scan3A_84 = arith.constant 0 : i32
    %scan3A_85 = arith.constant 0 : i32
    %scan3A_86 = arith.constant 625 : i32
    %scan3A_87 = arith.addi %scan3A_85, %scan3A_86 : i32
    %scan3A_88 = arith.constant 1 : i32
    %scan3A_89 = scf.for %scan3A_157 = %scan3A_85 to %scan3A_87 step %scan3A_88 iter_args(%scan3A_158 = %scan3A_84) -> (i32)  : i32 {
      %mul3A_159 = arith.constant 16 : i32
      %mul3A_160 = arith.muli %scan3A_157, %mul3A_159 : i32
      %get3A = arith.index_cast %mul3A_160 : i32 to index
      %get3A_161 = tpu.vector_load %arg8[%get3A] {strides = array<i32>} : memref<10000xi32, #tpu.memory_space<vmem>>, vector<16xi32>,
      %ge3A = vector.broadcast %mul3A_78 : i32 to vector<16xi32>
      %ge3A_162 = arith.cmpi sge, %get3A_161, %ge3A : vector<16xi32>
      %add3A_163 = arith.constant 2560 : i32
      %add3A_164 = arith.addi %mul3A_78, %add3A_163 : i32
      %lt3A = vector.broadcast %add3A_164 : i32 to vector<16xi32>
      %lt3A_165 = arith.cmpi slt, %get3A_161, %lt3A : vector<16xi32>
      %and3A_166 = arith.andi %ge3A_162, %lt3A_165 : vector<16xi1>
      %convert_element_type3A = arith.extui %and3A_166 : vector<16xi1> to vector<16xi32>
      %broadcast_in_dim3A_167 = arith.constant true
      %broadcast_in_dim3A_168 = vector.broadcast %broadcast_in_dim3A_167 : i1 to vector<16xi1>
      %masked_cumsum3A = tpu.scan <sum>, %convert_element_type3A masked %broadcast_in_dim3A_168 : vector<16xi32>, vector<16xi1> -> vector<16xi32>
      %add3A_169 = vector.broadcast %scan3A_158 : i32 to vector<16xi32>
      %add3A_170 = arith.addi %add3A_169, %masked_cumsum3A : vector<16xi32>
      %sub3A_171 = arith.constant 1 : i32
      %sub3A_172 = vector.broadcast %sub3A_171 : i32 to vector<16xi32>
      %sub3A_173 = arith.subi %add3A_170, %sub3A_172 : vector<16xi32>
      %jit3A_174 = arith.constant 10079 : i32
      %broadcast_in_dim3A_175 = vector.broadcast %jit3A_174 : i32 to vector<16xi32>
      %select_n3A_176 = arith.select %and3A_166, %sub3A_173, %broadcast_in_dim3A_175 : vector<16xi1>, vector<16xi32>
      %mul3A_177 = arith.constant 16 : i32
      %mul3A_178 = arith.muli %scan3A_157, %mul3A_177 : i32
      %get3A_179 = arith.index_cast %mul3A_178 : i32 to index
      %get3A_180 = tpu.vector_load %arg7[%get3A_179] {strides = array<i32>} : memref<10000xi32, #tpu.memory_space<vmem>>, vector<16xi32>,
      %sub3A_181 = vector.broadcast %mul3A_78 : i32 to vector<16xi32>
      %sub3A_182 = arith.subi %get3A_161, %sub3A_181 : vector<16xi32>
      tpu.vector_store_idx %arg10[%select_n3A_176], %sub3A_182 : memref<10080xi32, #tpu.memory_space<vmem>>[vector<16xi32>], vector<16xi32>,
      tpu.vector_store_idx %arg9[%select_n3A_176], %get3A_180 : memref<10080xi32, #tpu.memory_space<vmem>>[vector<16xi32>], vector<16xi32>,
      %reduce_sum3A = arith.constant true
      %reduce_sum3A_183 = vector.broadcast %reduce_sum3A : i1 to vector<16xi1>
      %reduce_sum3A_184 = tpu.scan <sum>, %convert_element_type3A masked %reduce_sum3A_183 : vector<16xi32>, vector<16xi1> -> vector<16xi32>
      %reduce_sum3A_185 = vector.extract %reduce_sum3A_184[15] : i32 from vector<16xi32>
      %add3A_186 = arith.addi %scan3A_158, %reduce_sum3A_185 : i32
      scf.yield %add3A_186 : i32
    }
    %scan3A_90 = arith.constant 625 : i32
    %broadcast_in_dim3A_91 = arith.constant 2560 : i32
    %broadcast_in_dim3A_92 = vector.broadcast %broadcast_in_dim3A_91 : i32 to vector<16xi32>
    %broadcast_in_dim3A_93 = arith.constant 0 : i32
    %broadcast_in_dim3A_94 = vector.broadcast %broadcast_in_dim3A_93 : i32 to vector<16xi32>
    %iota3A_95 = tpu.iota {dimensions = array<i32: 0>} : vector<16xi32>
    %add3A_96 = arith.constant 0 : i32
    %add3A_97 = arith.addi %scan3A_89, %add3A_96 : i32
    %add3A_98 = vector.broadcast %add3A_97 : i32 to vector<16xi32>
    %add3A_99 = arith.addi %add3A_98, %iota3A_95 : vector<16xi32>
    tpu.vector_store_idx %arg10[%add3A_99], %broadcast_in_dim3A_92 : memref<10080xi32, #tpu.memory_space<vmem>>[vector<16xi32>], vector<16xi32>,
    tpu.vector_store_idx %arg9[%add3A_99], %broadcast_in_dim3A_94 : memref<10080xi32, #tpu.memory_space<vmem>>[vector<16xi32>], vector<16xi32>,
    %add3A_100 = arith.constant 16 : i32
    %add3A_101 = arith.addi %scan3A_89, %add3A_100 : i32
    %add3A_102 = vector.broadcast %add3A_101 : i32 to vector<16xi32>
    %add3A_103 = arith.addi %add3A_102, %iota3A_95 : vector<16xi32>
    tpu.vector_store_idx %arg10[%add3A_103], %broadcast_in_dim3A_92 : memref<10080xi32, #tpu.memory_space<vmem>>[vector<16xi32>], vector<16xi32>,
    tpu.vector_store_idx %arg9[%add3A_103], %broadcast_in_dim3A_94 : memref<10080xi32, #tpu.memory_space<vmem>>[vector<16xi32>], vector<16xi32>,
    %add3A_104 = arith.constant 32 : i32
    %add3A_105 = arith.addi %scan3A_89, %add3A_104 : i32
    %add3A_106 = vector.broadcast %add3A_105 : i32 to vector<16xi32>
    %add3A_107 = arith.addi %add3A_106, %iota3A_95 : vector<16xi32>
    tpu.vector_store_idx %arg10[%add3A_107], %broadcast_in_dim3A_92 : memref<10080xi32, #tpu.memory_space<vmem>>[vector<16xi32>], vector<16xi32>,
    tpu.vector_store_idx %arg9[%add3A_107], %broadcast_in_dim3A_94 : memref<10080xi32, #tpu.memory_space<vmem>>[vector<16xi32>], vector<16xi32>,
    %add3A_108 = arith.constant 48 : i32
    %add3A_109 = arith.addi %scan3A_89, %add3A_108 : i32
    %add3A_110 = vector.broadcast %add3A_109 : i32 to vector<16xi32>
    %add3A_111 = arith.addi %add3A_110, %iota3A_95 : vector<16xi32>
    tpu.vector_store_idx %arg10[%add3A_111], %broadcast_in_dim3A_92 : memref<10080xi32, #tpu.memory_space<vmem>>[vector<16xi32>], vector<16xi32>,
    tpu.vector_store_idx %arg9[%add3A_111], %broadcast_in_dim3A_94 : memref<10080xi32, #tpu.memory_space<vmem>>[vector<16xi32>], vector<16xi32>,
    %add3A_112 = arith.constant 64 : i32
    %add3A_113 = arith.addi %scan3A_89, %add3A_112 : i32
    %sub3A_114 = arith.constant 1 : i32
    %sub3A_115 = arith.subi %add3A_113, %sub3A_114 : i32
    %jit3A_116 = arith.constant 64 : i32
    %div3A_117 = arith.divsi %sub3A_115, %jit3A_116 : i32
    %sign3A_118 = arith.constant 0 : i32
    %sign3A_119 = arith.cmpi sgt, %sub3A_115, %sign3A_118 : i32
    %sign3A_120 = arith.extui %sign3A_119 : i1 to i32
    %sign3A_121 = arith.constant 0 : i32
    %sign3A_122 = arith.cmpi slt, %sub3A_115, %sign3A_121 : i32
    %sign3A_123 = arith.extui %sign3A_122 : i1 to i32
    %sign3A_124 = arith.subi %sign3A_120, %sign3A_123 : i32
    %sign3A_125 = arith.constant 0 : i32
    %sign3A_126 = arith.cmpi sgt, %jit3A_116, %sign3A_125 : i32
    %sign3A_127 = arith.extui %sign3A_126 : i1 to i32
    %sign3A_128 = arith.constant 0 : i32
    %sign3A_129 = arith.cmpi slt, %jit3A_116, %sign3A_128 : i32
    %sign3A_130 = arith.extui %sign3A_129 : i1 to i32
    %sign3A_131 = arith.subi %sign3A_127, %sign3A_130 : i32
    %ne3A_132 = arith.cmpi ne, %sign3A_124, %sign3A_131 : i32
    %rem3A_133 = arith.remsi %sub3A_115, %jit3A_116 : i32
    %ne3A_134 = arith.constant 0 : i32
    %ne3A_135 = arith.cmpi ne, %rem3A_133, %ne3A_134 : i32
    %and3A_136 = arith.andi %ne3A_132, %ne3A_135 : i1
    %sub3A_137 = arith.constant 1 : i32
    %sub3A_138 = arith.subi %div3A_117, %sub3A_137 : i32
    %select_n3A_139 = arith.select %and3A_136, %sub3A_138, %div3A_117 : i32
    %while3A_140 = arith.constant 0 : i32
    %while3A_141 = arith.constant 0 : i32
    %while3A_142 = arith.subi %select_n3A_139, %while3A_141 : i32
    %while3A_143 = arith.addi %while3A_141, %while3A_142 : i32
    %while3A_144 = arith.constant 1 : i32
    %while3A_145 = arith.divsi %while3A_142, %while3A_144 : i32
    %while3A_146 = arith.muli %while3A_145, %while3A_144 : i32
    %while3A_147 = arith.addi %while3A_141, %while3A_146 : i32
    %while3A_148 = arith.constant 1 : i32
    scf.for %while3A_157 = %while3A_141 to %while3A_147 step %while3A_148  : i32 {
      %mul3A_158 = arith.constant 2 : i32
      %mul3A_159 = arith.muli %while3A_157, %mul3A_158 : i32
      %mul3A_160 = arith.constant 32 : i32
      %mul3A_161 = arith.muli %mul3A_159, %mul3A_160 : i32
      %add3A_162 = arith.constant 0 : i32
      %add3A_163 = arith.addi %mul3A_161, %add3A_162 : i32
      %mul3A_164 = arith.constant 2 : i32
      %mul3A_165 = arith.muli %while3A_157, %mul3A_164 : i32
      %mul3A_166 = arith.constant 32 : i32
      %mul3A_167 = arith.muli %mul3A_165, %mul3A_166 : i32
      %add3A_168 = arith.constant 32 : i32
      %add3A_169 = arith.addi %mul3A_167, %add3A_168 : i32
      %dma_start3A = tpu.memref_slice %arg9[%add3A_163] : memref<10080xi32, #tpu.memory_space<vmem>> -> memref<32xi32, #tpu.memory_space<vmem>>
      %dma_start3A_170 = arith.constant 0 : i32
      %dma_start3A_171 = arith.constant 0 : i32
      %dma_start3A_172 = tpu.memref_slice %arg2[%dma_start3A_170, %dma_start3A_171] : memref<10240x256xf32, #tpu.memory_space<hbm>> -> memref<10240x256xf32, #tpu.memory_space<hbm>>
      tpu.enqueue_indirect_dma source(%dma_start3A_172 : memref<10240x256xf32, #tpu.memory_space<hbm>>) target(%arg11 : memref<32x256xf32, #tpu.memory_space<vmem>>) offsets(%dma_start3A : memref<32xi32, #tpu.memory_space<vmem>>) semaphore(%arg14 : memref<!tpu.dma_semaphore, #tpu.memory_space<semaphore_mem>>)
      %dma_start3A_173 = tpu.memref_slice %arg9[%add3A_169] : memref<10080xi32, #tpu.memory_space<vmem>> -> memref<32xi32, #tpu.memory_space<vmem>>
      %dma_start3A_174 = arith.constant 0 : i32
      %dma_start3A_175 = arith.constant 0 : i32
      %dma_start3A_176 = tpu.memref_slice %arg2[%dma_start3A_174, %dma_start3A_175] : memref<10240x256xf32, #tpu.memory_space<hbm>> -> memref<10240x256xf32, #tpu.memory_space<hbm>>
      tpu.enqueue_indirect_dma source(%dma_start3A_176 : memref<10240x256xf32, #tpu.memory_space<hbm>>) target(%arg12 : memref<32x256xf32, #tpu.memory_space<vmem>>) offsets(%dma_start3A_173 : memref<32xi32, #tpu.memory_space<vmem>>) semaphore(%arg15 : memref<!tpu.dma_semaphore, #tpu.memory_space<semaphore_mem>>)
      %dma_wait3A = tpu.memref_slice %arg9[%add3A_163] : memref<10080xi32, #tpu.memory_space<vmem>> -> memref<32xi32, #tpu.memory_space<vmem>>
      %dma_wait3A_177 = arith.constant 0 : i32
      %dma_wait3A_178 = arith.constant 0 : i32
      %dma_wait3A_179 = tpu.memref_slice %arg2[%dma_wait3A_177, %dma_wait3A_178] : memref<10240x256xf32, #tpu.memory_space<hbm>> -> memref<10240x256xf32, #tpu.memory_space<hbm>>
      tpu.wait_indirect_dma semaphore(%arg14 : memref<!tpu.dma_semaphore, #tpu.memory_space<semaphore_mem>>) src(%dma_wait3A_179 : memref<10240x256xf32, #tpu.memory_space<hbm>>) dst(%arg11 : memref<32x256xf32, #tpu.memory_space<vmem>>)
      "tpu.region"() ({
        %run_scoped3A = tpu.sem_alloc : memref<!tpu.dma_semaphore, #tpu.memory_space<semaphore_mem>>
        %dma_start3A_184 = tpu.memref_slice %arg10[%add3A_163] : memref<10080xi32, #tpu.memory_space<vmem>> -> memref<32xi32, #tpu.memory_space<vmem>>
        %dma_start3A_185 = arith.constant 0 : i32
        %dma_start3A_186 = arith.constant 0 : i32
        %dma_start3A_187 = tpu.memref_slice %arg13[%dma_start3A_185, %dma_start3A_186] : memref<2576x256xf32, #tpu.memory_space<vmem_shared>> -> memref<2576x256xf32, #tpu.memory_space<vmem_shared>>
        tpu.enqueue_indirect_dma source(%arg11 : memref<32x256xf32, #tpu.memory_space<vmem>>) target(%dma_start3A_187 : memref<2576x256xf32, #tpu.memory_space<vmem_shared>>) offsets(%dma_start3A_184 : memref<32xi32, #tpu.memory_space<vmem>>) semaphore(%run_scoped3A : memref<!tpu.dma_semaphore, #tpu.memory_space<semaphore_mem>>) {add = true}
        %dma_wait3A_188 = tpu.memref_slice %arg10[%add3A_163] : memref<10080xi32, #tpu.memory_space<vmem>> -> memref<32xi32, #tpu.memory_space<vmem>>
        %dma_wait3A_189 = arith.constant 0 : i32
        %dma_wait3A_190 = arith.constant 0 : i32
        %dma_wait3A_191 = tpu.memref_slice %arg13[%dma_wait3A_189, %dma_wait3A_190] : memref<2576x256xf32, #tpu.memory_space<vmem_shared>> -> memref<2576x256xf32, #tpu.memory_space<vmem_shared>>
        tpu.wait_indirect_dma semaphore(%run_scoped3A : memref<!tpu.dma_semaphore, #tpu.memory_space<semaphore_mem>>) src(%arg11 : memref<32x256xf32, #tpu.memory_space<vmem>>) dst(%dma_wait3A_191 : memref<2576x256xf32, #tpu.memory_space<vmem_shared>>)
        tpu.yield
      }) : () -> ()
      %dma_wait3A_180 = tpu.memref_slice %arg9[%add3A_169] : memref<10080xi32, #tpu.memory_space<vmem>> -> memref<32xi32, #tpu.memory_space<vmem>>
      %dma_wait3A_181 = arith.constant 0 : i32
      %dma_wait3A_182 = arith.constant 0 : i32
      %dma_wait3A_183 = tpu.memref_slice %arg2[%dma_wait3A_181, %dma_wait3A_182] : memref<10240x256xf32, #tpu.memory_space<hbm>> -> memref<10240x256xf32, #tpu.memory_space<hbm>>
      tpu.wait_indirect_dma semaphore(%arg15 : memref<!tpu.dma_semaphore, #tpu.memory_space<semaphore_mem>>) src(%dma_wait3A_183 : memref<10240x256xf32, #tpu.memory_space<hbm>>) dst(%arg12 : memref<32x256xf32, #tpu.memory_space<vmem>>)
      "tpu.region"() ({
        %run_scoped3A = tpu.sem_alloc : memref<!tpu.dma_semaphore, #tpu.memory_space<semaphore_mem>>
        %dma_start3A_184 = tpu.memref_slice %arg10[%add3A_169] : memref<10080xi32, #tpu.memory_space<vmem>> -> memref<32xi32, #tpu.memory_space<vmem>>
        %dma_start3A_185 = arith.constant 0 : i32
        %dma_start3A_186 = arith.constant 0 : i32
        %dma_start3A_187 = tpu.memref_slice %arg13[%dma_start3A_185, %dma_start3A_186] : memref<2576x256xf32, #tpu.memory_space<vmem_shared>> -> memref<2576x256xf32, #tpu.memory_space<vmem_shared>>
        tpu.enqueue_indirect_dma source(%arg12 : memref<32x256xf32, #tpu.memory_space<vmem>>) target(%dma_start3A_187 : memref<2576x256xf32, #tpu.memory_space<vmem_shared>>) offsets(%dma_start3A_184 : memref<32xi32, #tpu.memory_space<vmem>>) semaphore(%run_scoped3A : memref<!tpu.dma_semaphore, #tpu.memory_space<semaphore_mem>>) {add = true}
        %dma_wait3A_188 = tpu.memref_slice %arg10[%add3A_169] : memref<10080xi32, #tpu.memory_space<vmem>> -> memref<32xi32, #tpu.memory_space<vmem>>
        %dma_wait3A_189 = arith.constant 0 : i32
        %dma_wait3A_190 = arith.constant 0 : i32
        %dma_wait3A_191 = tpu.memref_slice %arg13[%dma_wait3A_189, %dma_wait3A_190] : memref<2576x256xf32, #tpu.memory_space<vmem_shared>> -> memref<2576x256xf32, #tpu.memory_space<vmem_shared>>
        tpu.wait_indirect_dma semaphore(%run_scoped3A : memref<!tpu.dma_semaphore, #tpu.memory_space<semaphore_mem>>) src(%arg12 : memref<32x256xf32, #tpu.memory_space<vmem>>) dst(%dma_wait3A_191 : memref<2576x256xf32, #tpu.memory_space<vmem_shared>>)
        tpu.yield
      }) : () -> ()
    }
    %while3A_149 = arith.constant 1 : i32
    scf.for %while3A_157 = %while3A_147 to %while3A_143 step %while3A_149  : i32 {
      %mul3A_158 = arith.constant 2 : i32
      %mul3A_159 = arith.muli %while3A_157, %mul3A_158 : i32
      %mul3A_160 = arith.constant 32 : i32
      %mul3A_161 = arith.muli %mul3A_159, %mul3A_160 : i32
      %add3A_162 = arith.constant 0 : i32
      %add3A_163 = arith.addi %mul3A_161, %add3A_162 : i32
      %mul3A_164 = arith.constant 2 : i32
      %mul3A_165 = arith.muli %while3A_157, %mul3A_164 : i32
      %mul3A_166 = arith.constant 32 : i32
      %mul3A_167 = arith.muli %mul3A_165, %mul3A_166 : i32
      %add3A_168 = arith.constant 32 : i32
      %add3A_169 = arith.addi %mul3A_167, %add3A_168 : i32
      %dma_start3A = tpu.memref_slice %arg9[%add3A_163] : memref<10080xi32, #tpu.memory_space<vmem>> -> memref<32xi32, #tpu.memory_space<vmem>>
      %dma_start3A_170 = arith.constant 0 : i32
      %dma_start3A_171 = arith.constant 0 : i32
      %dma_start3A_172 = tpu.memref_slice %arg2[%dma_start3A_170, %dma_start3A_171] : memref<10240x256xf32, #tpu.memory_space<hbm>> -> memref<10240x256xf32, #tpu.memory_space<hbm>>
      tpu.enqueue_indirect_dma source(%dma_start3A_172 : memref<10240x256xf32, #tpu.memory_space<hbm>>) target(%arg11 : memref<32x256xf32, #tpu.memory_space<vmem>>) offsets(%dma_start3A : memref<32xi32, #tpu.memory_space<vmem>>) semaphore(%arg14 : memref<!tpu.dma_semaphore, #tpu.memory_space<semaphore_mem>>)
      %dma_start3A_173 = tpu.memref_slice %arg9[%add3A_169] : memref<10080xi32, #tpu.memory_space<vmem>> -> memref<32xi32, #tpu.memory_space<vmem>>
      %dma_start3A_174 = arith.constant 0 : i32
      %dma_start3A_175 = arith.constant 0 : i32
      %dma_start3A_176 = tpu.memref_slice %arg2[%dma_start3A_174, %dma_start3A_175] : memref<10240x256xf32, #tpu.memory_space<hbm>> -> memref<10240x256xf32, #tpu.memory_space<hbm>>
      tpu.enqueue_indirect_dma source(%dma_start3A_176 : memref<10240x256xf32, #tpu.memory_space<hbm>>) target(%arg12 : memref<32x256xf32, #tpu.memory_space<vmem>>) offsets(%dma_start3A_173 : memref<32xi32, #tpu.memory_space<vmem>>) semaphore(%arg15 : memref<!tpu.dma_semaphore, #tpu.memory_space<semaphore_mem>>)
      %dma_wait3A = tpu.memref_slice %arg9[%add3A_163] : memref<10080xi32, #tpu.memory_space<vmem>> -> memref<32xi32, #tpu.memory_space<vmem>>
      %dma_wait3A_177 = arith.constant 0 : i32
      %dma_wait3A_178 = arith.constant 0 : i32
      %dma_wait3A_179 = tpu.memref_slice %arg2[%dma_wait3A_177, %dma_wait3A_178] : memref<10240x256xf32, #tpu.memory_space<hbm>> -> memref<10240x256xf32, #tpu.memory_space<hbm>>
      tpu.wait_indirect_dma semaphore(%arg14 : memref<!tpu.dma_semaphore, #tpu.memory_space<semaphore_mem>>) src(%dma_wait3A_179 : memref<10240x256xf32, #tpu.memory_space<hbm>>) dst(%arg11 : memref<32x256xf32, #tpu.memory_space<vmem>>)
      "tpu.region"() ({
        %run_scoped3A = tpu.sem_alloc : memref<!tpu.dma_semaphore, #tpu.memory_space<semaphore_mem>>
        %dma_start3A_184 = tpu.memref_slice %arg10[%add3A_163] : memref<10080xi32, #tpu.memory_space<vmem>> -> memref<32xi32, #tpu.memory_space<vmem>>
        %dma_start3A_185 = arith.constant 0 : i32
        %dma_start3A_186 = arith.constant 0 : i32
        %dma_start3A_187 = tpu.memref_slice %arg13[%dma_start3A_185, %dma_start3A_186] : memref<2576x256xf32, #tpu.memory_space<vmem_shared>> -> memref<2576x256xf32, #tpu.memory_space<vmem_shared>>
        tpu.enqueue_indirect_dma source(%arg11 : memref<32x256xf32, #tpu.memory_space<vmem>>) target(%dma_start3A_187 : memref<2576x256xf32, #tpu.memory_space<vmem_shared>>) offsets(%dma_start3A_184 : memref<32xi32, #tpu.memory_space<vmem>>) semaphore(%run_scoped3A : memref<!tpu.dma_semaphore, #tpu.memory_space<semaphore_mem>>) {add = true}
        %dma_wait3A_188 = tpu.memref_slice %arg10[%add3A_163] : memref<10080xi32, #tpu.memory_space<vmem>> -> memref<32xi32, #tpu.memory_space<vmem>>
        %dma_wait3A_189 = arith.constant 0 : i32
        %dma_wait3A_190 = arith.constant 0 : i32
        %dma_wait3A_191 = tpu.memref_slice %arg13[%dma_wait3A_189, %dma_wait3A_190] : memref<2576x256xf32, #tpu.memory_space<vmem_shared>> -> memref<2576x256xf32, #tpu.memory_space<vmem_shared>>
        tpu.wait_indirect_dma semaphore(%run_scoped3A : memref<!tpu.dma_semaphore, #tpu.memory_space<semaphore_mem>>) src(%arg11 : memref<32x256xf32, #tpu.memory_space<vmem>>) dst(%dma_wait3A_191 : memref<2576x256xf32, #tpu.memory_space<vmem_shared>>)
        tpu.yield
      }) : () -> ()
      %dma_wait3A_180 = tpu.memref_slice %arg9[%add3A_169] : memref<10080xi32, #tpu.memory_space<vmem>> -> memref<32xi32, #tpu.memory_space<vmem>>
      %dma_wait3A_181 = arith.constant 0 : i32
      %dma_wait3A_182 = arith.constant 0 : i32
      %dma_wait3A_183 = tpu.memref_slice %arg2[%dma_wait3A_181, %dma_wait3A_182] : memref<10240x256xf32, #tpu.memory_space<hbm>> -> memref<10240x256xf32, #tpu.memory_space<hbm>>
      tpu.wait_indirect_dma semaphore(%arg15 : memref<!tpu.dma_semaphore, #tpu.memory_space<semaphore_mem>>) src(%dma_wait3A_183 : memref<10240x256xf32, #tpu.memory_space<hbm>>) dst(%arg12 : memref<32x256xf32, #tpu.memory_space<vmem>>)
      "tpu.region"() ({
        %run_scoped3A = tpu.sem_alloc : memref<!tpu.dma_semaphore, #tpu.memory_space<semaphore_mem>>
        %dma_start3A_184 = tpu.memref_slice %arg10[%add3A_169] : memref<10080xi32, #tpu.memory_space<vmem>> -> memref<32xi32, #tpu.memory_space<vmem>>
        %dma_start3A_185 = arith.constant 0 : i32
        %dma_start3A_186 = arith.constant 0 : i32
        %dma_start3A_187 = tpu.memref_slice %arg13[%dma_start3A_185, %dma_start3A_186] : memref<2576x256xf32, #tpu.memory_space<vmem_shared>> -> memref<2576x256xf32, #tpu.memory_space<vmem_shared>>
        tpu.enqueue_indirect_dma source(%arg12 : memref<32x256xf32, #tpu.memory_space<vmem>>) target(%dma_start3A_187 : memref<2576x256xf32, #tpu.memory_space<vmem_shared>>) offsets(%dma_start3A_184 : memref<32xi32, #tpu.memory_space<vmem>>) semaphore(%run_scoped3A : memref<!tpu.dma_semaphore, #tpu.memory_space<semaphore_mem>>) {add = true}
        %dma_wait3A_188 = tpu.memref_slice %arg10[%add3A_169] : memref<10080xi32, #tpu.memory_space<vmem>> -> memref<32xi32, #tpu.memory_space<vmem>>
        %dma_wait3A_189 = arith.constant 0 : i32
        %dma_wait3A_190 = arith.constant 0 : i32
        %dma_wait3A_191 = tpu.memref_slice %arg13[%dma_wait3A_189, %dma_wait3A_190] : memref<2576x256xf32, #tpu.memory_space<vmem_shared>> -> memref<2576x256xf32, #tpu.memory_space<vmem_shared>>
        tpu.wait_indirect_dma semaphore(%run_scoped3A : memref<!tpu.dma_semaphore, #tpu.memory_space<semaphore_mem>>) src(%arg12 : memref<32x256xf32, #tpu.memory_space<vmem>>) dst(%dma_wait3A_191 : memref<2576x256xf32, #tpu.memory_space<vmem_shared>>)
        tpu.yield
      }) : () -> ()
    }
    %barrier3A_150 = arith.constant 0 : index
    tpu.barrier barrier_id(%barrier3A_150)
    %mul3A_151 = arith.constant 160 : i32
    %mul3A_152 = arith.muli %arg1, %mul3A_151 : i32
    %mul3A_153 = arith.constant 160 : i32
    %mul3A_154 = arith.muli %arg1, %mul3A_153 : i32
    %add3A_155 = arith.addi %mul3A_78, %mul3A_154 : i32
    "tpu.region"() ({
      %run_scoped3A = tpu.sem_alloc : memref<!tpu.dma_semaphore, #tpu.memory_space<semaphore_mem>>
      %dma_start3A = arith.constant 0 : i32
      %dma_start3A_157 = tpu.memref_slice %arg6[%add3A_155, %dma_start3A] : memref<10240x256xf32, #tpu.memory_space<hbm>> -> memref<160x256xf32, #tpu.memory_space<hbm>>
      %dma_start3A_158 = arith.constant 0 : i32
      %dma_start3A_159 = tpu.memref_slice %arg13[%mul3A_152, %dma_start3A_158] : memref<2576x256xf32, #tpu.memory_space<vmem_shared>> -> memref<160x256xf32, #tpu.memory_space<vmem_shared>>
      tpu.enqueue_dma source(%dma_start3A_159 : memref<160x256xf32, #tpu.memory_space<vmem_shared>>) target(%dma_start3A_157 : memref<160x256xf32, #tpu.memory_space<hbm>>) target_semaphore(%run_scoped3A : memref<!tpu.dma_semaphore, #tpu.memory_space<semaphore_mem>>)
      %dma_wait3A = arith.constant 0 : i32
      %dma_wait3A_160 = tpu.memref_slice %arg6[%add3A_155, %dma_wait3A] : memref<10240x256xf32, #tpu.memory_space<hbm>> -> memref<160x256xf32, #tpu.memory_space<hbm>>
      %dma_wait3A_161 = arith.constant 0 : i32
      %dma_wait3A_162 = tpu.memref_slice %arg13[%mul3A_152, %dma_wait3A_161] : memref<2576x256xf32, #tpu.memory_space<vmem_shared>> -> memref<160x256xf32, #tpu.memory_space<vmem_shared>>
      tpu.wait_dma2 semaphore(%run_scoped3A : memref<!tpu.dma_semaphore, #tpu.memory_space<semaphore_mem>>) src(%dma_wait3A_162 : memref<160x256xf32, #tpu.memory_space<vmem_shared>>) dst(%dma_wait3A_160 : memref<160x256xf32, #tpu.memory_space<hbm>>)
      tpu.yield
    }) : () -> ()
    %barrier3A_156 = arith.constant 0 : index
    tpu.barrier barrier_id(%barrier3A_156)
    return
  }
}

module attributes {stable_mosaic.version = 14 : i64} {
  func.func @_prep_body(%arg0: i32, %arg1: memref<512x16xf32, #tpu.memory_space<vmem>>, %arg2: memref<512x256xf32, #tpu.memory_space<vmem>>, %arg3: memref<512x256xf32, #tpu.memory_space<vmem>>) attributes {dimension_semantics = [#tpu.dimension_semantics<arbitrary>], iteration_bounds = array<i64: 20>, scalar_prefetch = 0 : i64, scratch_operands = 0 : i64, tpu.core_type = #tpu.core_type<tc>, window_params = [{transform_indices = @transform_0, window_bounds = array<i64: 512, 16>}, {transform_indices = @transform_1, window_bounds = array<i64: 512, 256>}, {transform_indices = @transform_2, window_bounds = array<i64: 512, 256>}]} {
    %get3A = arith.constant 0 : index
    %get3A_0 = arith.constant 0 : index
    %get3A_1 = vector.load %arg2[%get3A, %get3A_0] : memref<512x256xf32, #tpu.memory_space<vmem>>, vector<512x256xf32>
    %get3A_2 = arith.constant 0 : index
    %get3A_3 = arith.constant 0 : index
    %get3A_4 = vector.load %arg1[%get3A_2, %get3A_3] : memref<512x16xf32, #tpu.memory_space<vmem>>, vector<512x16xf32>
    %slice3A = vector.extract_strided_slice %get3A_4 {offsets = [0, 0], sizes = [512, 1], strides = [1, 1]} : vector<512x16xf32> to vector<512x1xf32>
    %add3A = arith.constant 1.000000e+00 : f32
    %add3A_5 = vector.broadcast %add3A : f32 to vector<512x1xf32>
    %add3A_6 = arith.addf %slice3A, %add3A_5 : vector<512x1xf32>
    %rsqrt3A = math.rsqrt %add3A_6 : vector<512x1xf32>
    %mul3A = vector.broadcast %rsqrt3A : vector<512x1xf32> to vector<512x256xf32>
    %mul3A_7 = arith.mulf %get3A_1, %mul3A : vector<512x256xf32>
    %swap3A = arith.constant 0 : index
    %swap3A_8 = arith.constant 0 : index
    %swap3A_9 = vector.load %arg3[%swap3A, %swap3A_8] : memref<512x256xf32, #tpu.memory_space<vmem>>, vector<512x256xf32>
    tpu.vector_store %arg3[%swap3A, %swap3A_8], %mul3A_7 {strides = array<i32>} : memref<512x256xf32, #tpu.memory_space<vmem>>, vector<512x256xf32>,
    return
  }
  func.func @transform_0(%arg0: i32) -> (i32, i32) {
    %c0_i32 = arith.constant 0 : i32
    %c0_i32_0 = arith.constant 0 : i32
    return %arg0, %c0_i32 : i32, i32
  }
  func.func @transform_1(%arg0: i32) -> (i32, i32) {
    %c0_i32 = arith.constant 0 : i32
    %c0_i32_0 = arith.constant 0 : i32
    return %arg0, %c0_i32 : i32, i32
  }
  func.func @transform_2(%arg0: i32) -> (i32, i32) {
    %c0_i32 = arith.constant 0 : i32
    %c0_i32_0 = arith.constant 0 : i32
    return %arg0, %c0_i32 : i32, i32
  }
}

module attributes {stable_mosaic.version = 14 : i64} {
  func.func @_fused_body(%arg0: i32, %arg1: i32, %arg2: memref<512x16xf32, #tpu.memory_space<vmem>>, %arg3: memref<512x256xf32, #tpu.memory_space<vmem>>, %arg4: memref<512x256xf32, #tpu.memory_space<vmem>>, %arg5: memref<256x512xf32, #tpu.memory_space<vmem>>, %arg6: memref<1x512xf32, #tpu.memory_space<vmem>>, %arg7: memref<1x512xf32, #tpu.memory_space<vmem>>, %arg8: memref<1x512xf32, #tpu.memory_space<vmem>>, %arg9: memref<512x512xf32, #tpu.memory_space<vmem>>, %arg10: memref<10240x512xf32, #tpu.memory_space<vmem>>, %arg11: memref<8x512xf32, #tpu.memory_space<vmem>>) attributes {dimension_semantics = [#tpu.dimension_semantics<arbitrary>, #tpu.dimension_semantics<arbitrary>], iteration_bounds = array<i64: 2, 20>, scalar_prefetch = 0 : i64, scratch_operands = 2 : i64, tpu.core_type = #tpu.core_type<tc>, window_params = [{transform_indices = @transform_0, window_bounds = array<i64: 512, 16>}, {transform_indices = @transform_1, window_bounds = array<i64: 512, 256>}, {transform_indices = @transform_2, window_bounds = array<i64: 512, 256>}, {pipeline_mode = #tpu.pipeline_mode<synchronous>, transform_indices = @transform_3, window_bounds = array<i64: 256, 512>}, {pipeline_mode = #tpu.pipeline_mode<synchronous>, transform_indices = @transform_4, window_bounds = array<i64: 1, 512>}, {pipeline_mode = #tpu.pipeline_mode<synchronous>, transform_indices = @transform_5, window_bounds = array<i64: 1, 512>}, {pipeline_mode = #tpu.pipeline_mode<synchronous>, transform_indices = @transform_6, window_bounds = array<i64: 1, 512>}, {transform_indices = @transform_7, window_bounds = array<i64: 512, 512>}]} {
    %eq3A = arith.constant 0 : i32
    %eq3A_0 = arith.cmpi eq, %arg0, %eq3A : i32
    %convert_element_type3A = arith.extui %eq3A_0 : i1 to i32
    %cond3A = arith.constant 0 : i32
    %cond3A_1 = arith.cmpi ne, %convert_element_type3A, %cond3A : i32
    scf.if %cond3A_1 {
      %get3A = arith.constant 0 : index
      %get3A_7 = arith.constant 0 : index
      %get3A_8 = vector.load %arg3[%get3A, %get3A_7] : memref<512x256xf32, #tpu.memory_space<vmem>>, vector<512x256xf32>
      %get3A_9 = arith.constant 0 : index
      %get3A_10 = arith.constant 0 : index
      %get3A_11 = vector.load %arg4[%get3A_9, %get3A_10] : memref<512x256xf32, #tpu.memory_space<vmem>>, vector<512x256xf32>
      %add3A = arith.addf %get3A_8, %get3A_11 : vector<512x256xf32>
      %get3A_12 = arith.constant 0 : index
      %get3A_13 = arith.constant 0 : index
      %get3A_14 = vector.load %arg2[%get3A_12, %get3A_13] : memref<512x16xf32, #tpu.memory_space<vmem>>, vector<512x16xf32>
      %slice3A = vector.extract_strided_slice %get3A_14 {offsets = [0, 0], sizes = [512, 1], strides = [1, 1]} : vector<512x16xf32> to vector<512x1xf32>
      %add3A_15 = arith.constant 1.000000e+00 : f32
      %add3A_16 = vector.broadcast %add3A_15 : f32 to vector<512x1xf32>
      %add3A_17 = arith.addf %slice3A, %add3A_16 : vector<512x1xf32>
      %rsqrt3A = math.rsqrt %add3A_17 : vector<512x1xf32>
      %mul3A = vector.broadcast %rsqrt3A : vector<512x1xf32> to vector<512x256xf32>
      %mul3A_18 = arith.mulf %add3A, %mul3A : vector<512x256xf32>
      %get3A_19 = arith.constant 0 : index
      %get3A_20 = arith.constant 0 : index
      %get3A_21 = vector.load %arg5[%get3A_19, %get3A_20] : memref<256x512xf32, #tpu.memory_space<vmem>>, vector<256x512xf32>
      %dot_general3A = arith.constant dense<0.000000e+00> : vector<512x512xf32>
      %dot_general3A_22 = tpu.matmul %mul3A_18, %get3A_21, %dot_general3A {dimension_numbers = #tpu.dot_dimension_numbers<[1], [0], [0], [1], [0, 0, 1, 1], [], []>, transpose_lhs_hint = false} : vector<512x256xf32>, vector<256x512xf32>, vector<512x512xf32> -> vector<512x512xf32>
      %get3A_23 = arith.constant 0 : index
      %get3A_24 = arith.constant 0 : index
      %get3A_25 = vector.load %arg6[%get3A_23, %get3A_24] : memref<1x512xf32, #tpu.memory_space<vmem>>, vector<1x512xf32>
      %add3A_26 = vector.broadcast %get3A_25 : vector<1x512xf32> to vector<512x512xf32>
      %add3A_27 = arith.addf %dot_general3A_22, %add3A_26 : vector<512x512xf32>
      %mul3A_28 = arith.constant 512 : i32
      %mul3A_29 = arith.muli %arg1, %mul3A_28 : i32
      %swap3A = arith.index_cast %mul3A_29 : i32 to index
      %swap3A_30 = arith.constant 0 : index
      %swap3A_31 = vector.load %arg10[%swap3A, %swap3A_30] : memref<10240x512xf32, #tpu.memory_space<vmem>>, vector<512x512xf32>
      tpu.vector_store %arg10[%swap3A, %swap3A_30], %add3A_27 {strides = array<i32>} : memref<10240x512xf32, #tpu.memory_space<vmem>>, vector<512x512xf32>,
      %mul3A_32 = arith.constant 512 : i32
      %mul3A_33 = arith.muli %arg1, %mul3A_32 : i32
      %iota3A = tpu.iota {dimensions = array<i32: 0>} : vector<512x1xi32>
      %add3A_34 = vector.broadcast %mul3A_33 : i32 to vector<512x1xi32>
      %add3A_35 = arith.addi %add3A_34, %iota3A : vector<512x1xi32>
      %lt3A = arith.constant 10000 : i32
      %lt3A_36 = vector.broadcast %lt3A : i32 to vector<512x1xi32>
      %lt3A_37 = arith.cmpi slt, %add3A_35, %lt3A_36 : vector<512x1xi32>
      %jit3A = arith.constant 0.000000e+00 : f32
      %broadcast_in_dim3A = vector.shape_cast %lt3A_37 : vector<512x1xi1> to vector<512x1xi1>
      %broadcast_in_dim3A_38 = vector.broadcast %broadcast_in_dim3A : vector<512x1xi1> to vector<512x512xi1>
      %broadcast_in_dim3A_39 = vector.broadcast %jit3A : f32 to vector<512x512xf32>
      %select_n3A = arith.select %broadcast_in_dim3A_38, %add3A_27, %broadcast_in_dim3A_39 : vector<512x512xi1>, vector<512x512xf32>
      %eq3A_40 = arith.constant 0 : i32
      %eq3A_41 = arith.cmpi eq, %arg1, %eq3A_40 : i32
      %convert_element_type3A_42 = arith.extui %eq3A_41 : i1 to i32
      %cond3A_43 = arith.constant 0 : i32
      %cond3A_44 = arith.cmpi ne, %convert_element_type3A_42, %cond3A_43 : i32
      scf.if %cond3A_44 {
        %broadcast_in_dim3A_60 = arith.constant 0.000000e+00 : f32
        %broadcast_in_dim3A_61 = vector.broadcast %broadcast_in_dim3A_60 : f32 to vector<8x512xf32>
        %swap3A_62 = arith.constant 0 : index
        %swap3A_63 = arith.constant 0 : index
        %swap3A_64 = vector.load %arg11[%swap3A_62, %swap3A_63] : memref<8x512xf32, #tpu.memory_space<vmem>>, vector<8x512xf32>
        tpu.vector_store %arg11[%swap3A_62, %swap3A_63], %broadcast_in_dim3A_61 {strides = array<i32>} : memref<8x512xf32, #tpu.memory_space<vmem>>, vector<8x512xf32>,
      } else {
      }
      %get3A_45 = arith.constant 0 : index
      %get3A_46 = arith.constant 0 : index
      %get3A_47 = vector.load %arg11[%get3A_45, %get3A_46] : memref<8x512xf32, #tpu.memory_space<vmem>>, vector<8x512xf32>
      %reduce_sum3A = arith.constant dense<0.000000e+00> : vector<512xf32>
      %reduce_sum3A_48 = vector.multi_reduction <add>, %select_n3A, %reduce_sum3A [0] : vector<512x512xf32> to vector<512xf32>
      %broadcast_in_dim3A_49 = vector.shape_cast %reduce_sum3A_48 : vector<512xf32> to vector<1x512xf32>
      %mul3A_50 = arith.mulf %select_n3A, %select_n3A : vector<512x512xf32>
      %reduce_sum3A_51 = arith.constant dense<0.000000e+00> : vector<512xf32>
      %reduce_sum3A_52 = vector.multi_reduction <add>, %mul3A_50, %reduce_sum3A_51 [0] : vector<512x512xf32> to vector<512xf32>
      %broadcast_in_dim3A_53 = vector.shape_cast %reduce_sum3A_52 : vector<512xf32> to vector<1x512xf32>
      %broadcast_in_dim3A_54 = arith.constant 0.000000e+00 : f32
      %broadcast_in_dim3A_55 = vector.broadcast %broadcast_in_dim3A_54 : f32 to vector<6x512xf32>
      %concatenate3A = tpu.concatenate %broadcast_in_dim3A_49, %broadcast_in_dim3A_53, %broadcast_in_dim3A_55 in 0 : vector<1x512xf32>, vector<1x512xf32>, vector<6x512xf32> -> vector<8x512xf32>
      %add3A_56 = arith.addf %get3A_47, %concatenate3A : vector<8x512xf32>
      %swap3A_57 = arith.constant 0 : index
      %swap3A_58 = arith.constant 0 : index
      %swap3A_59 = vector.load %arg11[%swap3A_57, %swap3A_58] : memref<8x512xf32, #tpu.memory_space<vmem>>, vector<8x512xf32>
      tpu.vector_store %arg11[%swap3A_57, %swap3A_58], %add3A_56 {strides = array<i32>} : memref<8x512xf32, #tpu.memory_space<vmem>>, vector<8x512xf32>,
    } else {
    }
    %eq3A_2 = arith.constant 1 : i32
    %eq3A_3 = arith.cmpi eq, %arg0, %eq3A_2 : i32
    %convert_element_type3A_4 = arith.extui %eq3A_3 : i1 to i32
    %cond3A_5 = arith.constant 0 : i32
    %cond3A_6 = arith.cmpi ne, %convert_element_type3A_4, %cond3A_5 : i32
    scf.if %cond3A_6 {
      %get3A = arith.constant 0 : index
      %get3A_7 = arith.constant 0 : index
      %get3A_8 = vector.load %arg11[%get3A, %get3A_7] : memref<8x512xf32, #tpu.memory_space<vmem>>, vector<1x512xf32>
      %mul3A = arith.constant 9.99999974E-5 : f32
      %mul3A_9 = vector.broadcast %mul3A : f32 to vector<1x512xf32>
      %mul3A_10 = arith.mulf %get3A_8, %mul3A_9 : vector<1x512xf32>
      %get3A_11 = arith.constant 1 : index
      %get3A_12 = arith.constant 0 : index
      %get3A_13 = vector.load %arg11[%get3A_11, %get3A_12] : memref<8x512xf32, #tpu.memory_space<vmem>>, vector<1x512xf32>
      %mul3A_14 = arith.constant 9.99999974E-5 : f32
      %mul3A_15 = vector.broadcast %mul3A_14 : f32 to vector<1x512xf32>
      %mul3A_16 = arith.mulf %get3A_13, %mul3A_15 : vector<1x512xf32>
      %mul3A_17 = arith.mulf %mul3A_10, %mul3A_10 : vector<1x512xf32>
      %sub3A = arith.subf %mul3A_16, %mul3A_17 : vector<1x512xf32>
      %add3A = arith.constant 9.99999974E-6 : f32
      %add3A_18 = vector.broadcast %add3A : f32 to vector<1x512xf32>
      %add3A_19 = arith.addf %sub3A, %add3A_18 : vector<1x512xf32>
      %rsqrt3A = math.rsqrt %add3A_19 : vector<1x512xf32>
      %mul3A_20 = arith.constant 512 : i32
      %mul3A_21 = arith.muli %arg1, %mul3A_20 : i32
      %get3A_22 = arith.index_cast %mul3A_21 : i32 to index
      %get3A_23 = arith.constant 0 : index
      %get3A_24 = vector.load %arg10[%get3A_22, %get3A_23] : memref<10240x512xf32, #tpu.memory_space<vmem>>, vector<512x512xf32>
      %sub3A_25 = vector.broadcast %mul3A_10 : vector<1x512xf32> to vector<512x512xf32>
      %sub3A_26 = arith.subf %get3A_24, %sub3A_25 : vector<512x512xf32>
      %mul3A_27 = vector.broadcast %rsqrt3A : vector<1x512xf32> to vector<512x512xf32>
      %mul3A_28 = arith.mulf %sub3A_26, %mul3A_27 : vector<512x512xf32>
      %get3A_29 = arith.constant 0 : index
      %get3A_30 = arith.constant 0 : index
      %get3A_31 = vector.load %arg7[%get3A_29, %get3A_30] : memref<1x512xf32, #tpu.memory_space<vmem>>, vector<1x512xf32>
      %mul3A_32 = vector.broadcast %get3A_31 : vector<1x512xf32> to vector<512x512xf32>
      %mul3A_33 = arith.mulf %mul3A_28, %mul3A_32 : vector<512x512xf32>
      %get3A_34 = arith.constant 0 : index
      %get3A_35 = arith.constant 0 : index
      %get3A_36 = vector.load %arg8[%get3A_34, %get3A_35] : memref<1x512xf32, #tpu.memory_space<vmem>>, vector<1x512xf32>
      %add3A_37 = vector.broadcast %get3A_36 : vector<1x512xf32> to vector<512x512xf32>
      %add3A_38 = arith.addf %mul3A_33, %add3A_37 : vector<512x512xf32>
      %max3A = arith.constant 0.000000e+00 : f32
      %max3A_39 = vector.broadcast %max3A : f32 to vector<512x512xf32>
      %max3A_40 = arith.maximumf %add3A_38, %max3A_39 : vector<512x512xf32>
      %get3A_41 = arith.constant 0 : index
      %get3A_42 = arith.constant 0 : index
      %get3A_43 = vector.load %arg2[%get3A_41, %get3A_42] : memref<512x16xf32, #tpu.memory_space<vmem>>, vector<512x16xf32>
      %slice3A = vector.extract_strided_slice %get3A_43 {offsets = [0, 0], sizes = [512, 1], strides = [1, 1]} : vector<512x16xf32> to vector<512x1xf32>
      %add3A_44 = arith.constant 1.000000e+00 : f32
      %add3A_45 = vector.broadcast %add3A_44 : f32 to vector<512x1xf32>
      %add3A_46 = arith.addf %slice3A, %add3A_45 : vector<512x1xf32>
      %rsqrt3A_47 = math.rsqrt %add3A_46 : vector<512x1xf32>
      %mul3A_48 = vector.broadcast %rsqrt3A_47 : vector<512x1xf32> to vector<512x512xf32>
      %mul3A_49 = arith.mulf %max3A_40, %mul3A_48 : vector<512x512xf32>
      %swap3A = arith.constant 0 : index
      %swap3A_50 = arith.constant 0 : index
      %swap3A_51 = vector.load %arg9[%swap3A, %swap3A_50] : memref<512x512xf32, #tpu.memory_space<vmem>>, vector<512x512xf32>
      tpu.vector_store %arg9[%swap3A, %swap3A_50], %mul3A_49 {strides = array<i32>} : memref<512x512xf32, #tpu.memory_space<vmem>>, vector<512x512xf32>,
    } else {
    }
    return
  }
  func.func @transform_0(%arg0: i32, %arg1: i32) -> (i32, i32) {
    %c0_i32 = arith.constant 0 : i32
    %c0_i32_0 = arith.constant 0 : i32
    return %arg1, %c0_i32 : i32, i32
  }
  func.func @transform_1(%arg0: i32, %arg1: i32) -> (i32, i32) {
    %sub3A = arith.constant 1 : i32
    %sub3A_0 = arith.subi %sub3A, %arg0 : i32
    %mul3A = arith.muli %arg1, %sub3A_0 : i32
    %c0_i32 = arith.constant 0 : i32
    %c0_i32_1 = arith.constant 0 : i32
    return %mul3A, %c0_i32 : i32, i32
  }
  func.func @transform_2(%arg0: i32, %arg1: i32) -> (i32, i32) {
    %sub3A = arith.constant 1 : i32
    %sub3A_0 = arith.subi %sub3A, %arg0 : i32
    %mul3A = arith.muli %arg1, %sub3A_0 : i32
    %c0_i32 = arith.constant 0 : i32
    %c0_i32_1 = arith.constant 0 : i32
    return %mul3A, %c0_i32 : i32, i32
  }
  func.func @transform_3(%arg0: i32, %arg1: i32) -> (i32, i32) {
    %c0_i32 = arith.constant 0 : i32
    %c0_i32_0 = arith.constant 0 : i32
    %c0_i32_1 = arith.constant 0 : i32
    return %c0_i32, %c0_i32_0 : i32, i32
  }
  func.func @transform_4(%arg0: i32, %arg1: i32) -> (i32, i32) {
    %c0_i32 = arith.constant 0 : i32
    %c0_i32_0 = arith.constant 0 : i32
    %c0_i32_1 = arith.constant 0 : i32
    return %c0_i32, %c0_i32_0 : i32, i32
  }
  func.func @transform_5(%arg0: i32, %arg1: i32) -> (i32, i32) {
    %c0_i32 = arith.constant 0 : i32
    %c0_i32_0 = arith.constant 0 : i32
    %c0_i32_1 = arith.constant 0 : i32
    return %c0_i32, %c0_i32_0 : i32, i32
  }
  func.func @transform_6(%arg0: i32, %arg1: i32) -> (i32, i32) {
    %c0_i32 = arith.constant 0 : i32
    %c0_i32_0 = arith.constant 0 : i32
    %c0_i32_1 = arith.constant 0 : i32
    return %c0_i32, %c0_i32_0 : i32, i32
  }
  func.func @transform_7(%arg0: i32, %arg1: i32) -> (i32, i32) {
    %mul3A = arith.muli %arg1, %arg0 : i32
    %c0_i32 = arith.constant 0 : i32
    %c0_i32_0 = arith.constant 0 : i32
    return %mul3A, %c0_i32 : i32, i32
  }
}

module attributes {stable_mosaic.version = 14 : i64} {
  func.func @_fused_body(%arg0: i32, %arg1: i32, %arg2: memref<512x16xf32, #tpu.memory_space<vmem>>, %arg3: memref<512x512xf32, #tpu.memory_space<vmem>>, %arg4: memref<512x512xf32, #tpu.memory_space<vmem>>, %arg5: memref<512x512xf32, #tpu.memory_space<vmem>>, %arg6: memref<1x512xf32, #tpu.memory_space<vmem>>, %arg7: memref<1x512xf32, #tpu.memory_space<vmem>>, %arg8: memref<1x512xf32, #tpu.memory_space<vmem>>, %arg9: memref<512x512xf32, #tpu.memory_space<vmem>>, %arg10: memref<10240x512xf32, #tpu.memory_space<vmem>>, %arg11: memref<8x512xf32, #tpu.memory_space<vmem>>) attributes {dimension_semantics = [#tpu.dimension_semantics<arbitrary>, #tpu.dimension_semantics<arbitrary>], iteration_bounds = array<i64: 2, 20>, scalar_prefetch = 0 : i64, scratch_operands = 2 : i64, tpu.core_type = #tpu.core_type<tc>, window_params = [{transform_indices = @transform_0, window_bounds = array<i64: 512, 16>}, {transform_indices = @transform_1, window_bounds = array<i64: 512, 512>}, {transform_indices = @transform_2, window_bounds = array<i64: 512, 512>}, {pipeline_mode = #tpu.pipeline_mode<synchronous>, transform_indices = @transform_3, window_bounds = array<i64: 512, 512>}, {pipeline_mode = #tpu.pipeline_mode<synchronous>, transform_indices = @transform_4, window_bounds = array<i64: 1, 512>}, {pipeline_mode = #tpu.pipeline_mode<synchronous>, transform_indices = @transform_5, window_bounds = array<i64: 1, 512>}, {pipeline_mode = #tpu.pipeline_mode<synchronous>, transform_indices = @transform_6, window_bounds = array<i64: 1, 512>}, {transform_indices = @transform_7, window_bounds = array<i64: 512, 512>}]} {
    %eq3A = arith.constant 0 : i32
    %eq3A_0 = arith.cmpi eq, %arg0, %eq3A : i32
    %convert_element_type3A = arith.extui %eq3A_0 : i1 to i32
    %cond3A = arith.constant 0 : i32
    %cond3A_1 = arith.cmpi ne, %convert_element_type3A, %cond3A : i32
    scf.if %cond3A_1 {
      %get3A = arith.constant 0 : index
      %get3A_7 = arith.constant 0 : index
      %get3A_8 = vector.load %arg3[%get3A, %get3A_7] : memref<512x512xf32, #tpu.memory_space<vmem>>, vector<512x512xf32>
      %get3A_9 = arith.constant 0 : index
      %get3A_10 = arith.constant 0 : index
      %get3A_11 = vector.load %arg4[%get3A_9, %get3A_10] : memref<512x512xf32, #tpu.memory_space<vmem>>, vector<512x512xf32>
      %add3A = arith.addf %get3A_8, %get3A_11 : vector<512x512xf32>
      %get3A_12 = arith.constant 0 : index
      %get3A_13 = arith.constant 0 : index
      %get3A_14 = vector.load %arg2[%get3A_12, %get3A_13] : memref<512x16xf32, #tpu.memory_space<vmem>>, vector<512x16xf32>
      %slice3A = vector.extract_strided_slice %get3A_14 {offsets = [0, 0], sizes = [512, 1], strides = [1, 1]} : vector<512x16xf32> to vector<512x1xf32>
      %add3A_15 = arith.constant 1.000000e+00 : f32
      %add3A_16 = vector.broadcast %add3A_15 : f32 to vector<512x1xf32>
      %add3A_17 = arith.addf %slice3A, %add3A_16 : vector<512x1xf32>
      %rsqrt3A = math.rsqrt %add3A_17 : vector<512x1xf32>
      %mul3A = vector.broadcast %rsqrt3A : vector<512x1xf32> to vector<512x512xf32>
      %mul3A_18 = arith.mulf %add3A, %mul3A : vector<512x512xf32>
      %get3A_19 = arith.constant 0 : index
      %get3A_20 = arith.constant 0 : index
      %get3A_21 = vector.load %arg5[%get3A_19, %get3A_20] : memref<512x512xf32, #tpu.memory_space<vmem>>, vector<512x512xf32>
      %dot_general3A = arith.constant dense<0.000000e+00> : vector<512x512xf32>
      %dot_general3A_22 = tpu.matmul %mul3A_18, %get3A_21, %dot_general3A {dimension_numbers = #tpu.dot_dimension_numbers<[1], [0], [0], [1], [0, 0, 1, 1], [], []>, transpose_lhs_hint = false} : vector<512x512xf32>, vector<512x512xf32>, vector<512x512xf32> -> vector<512x512xf32>
      %get3A_23 = arith.constant 0 : index
      %get3A_24 = arith.constant 0 : index
      %get3A_25 = vector.load %arg6[%get3A_23, %get3A_24] : memref<1x512xf32, #tpu.memory_space<vmem>>, vector<1x512xf32>
      %add3A_26 = vector.broadcast %get3A_25 : vector<1x512xf32> to vector<512x512xf32>
      %add3A_27 = arith.addf %dot_general3A_22, %add3A_26 : vector<512x512xf32>
      %mul3A_28 = arith.constant 512 : i32
      %mul3A_29 = arith.muli %arg1, %mul3A_28 : i32
      %swap3A = arith.index_cast %mul3A_29 : i32 to index
      %swap3A_30 = arith.constant 0 : index
      %swap3A_31 = vector.load %arg10[%swap3A, %swap3A_30] : memref<10240x512xf32, #tpu.memory_space<vmem>>, vector<512x512xf32>
      tpu.vector_store %arg10[%swap3A, %swap3A_30], %add3A_27 {strides = array<i32>} : memref<10240x512xf32, #tpu.memory_space<vmem>>, vector<512x512xf32>,
      %mul3A_32 = arith.constant 512 : i32
      %mul3A_33 = arith.muli %arg1, %mul3A_32 : i32
      %iota3A = tpu.iota {dimensions = array<i32: 0>} : vector<512x1xi32>
      %add3A_34 = vector.broadcast %mul3A_33 : i32 to vector<512x1xi32>
      %add3A_35 = arith.addi %add3A_34, %iota3A : vector<512x1xi32>
      %lt3A = arith.constant 10000 : i32
      %lt3A_36 = vector.broadcast %lt3A : i32 to vector<512x1xi32>
      %lt3A_37 = arith.cmpi slt, %add3A_35, %lt3A_36 : vector<512x1xi32>
      %jit3A = arith.constant 0.000000e+00 : f32
      %broadcast_in_dim3A = vector.shape_cast %lt3A_37 : vector<512x1xi1> to vector<512x1xi1>
      %broadcast_in_dim3A_38 = vector.broadcast %broadcast_in_dim3A : vector<512x1xi1> to vector<512x512xi1>
      %broadcast_in_dim3A_39 = vector.broadcast %jit3A : f32 to vector<512x512xf32>
      %select_n3A = arith.select %broadcast_in_dim3A_38, %add3A_27, %broadcast_in_dim3A_39 : vector<512x512xi1>, vector<512x512xf32>
      %eq3A_40 = arith.constant 0 : i32
      %eq3A_41 = arith.cmpi eq, %arg1, %eq3A_40 : i32
      %convert_element_type3A_42 = arith.extui %eq3A_41 : i1 to i32
      %cond3A_43 = arith.constant 0 : i32
      %cond3A_44 = arith.cmpi ne, %convert_element_type3A_42, %cond3A_43 : i32
      scf.if %cond3A_44 {
        %broadcast_in_dim3A_60 = arith.constant 0.000000e+00 : f32
        %broadcast_in_dim3A_61 = vector.broadcast %broadcast_in_dim3A_60 : f32 to vector<8x512xf32>
        %swap3A_62 = arith.constant 0 : index
        %swap3A_63 = arith.constant 0 : index
        %swap3A_64 = vector.load %arg11[%swap3A_62, %swap3A_63] : memref<8x512xf32, #tpu.memory_space<vmem>>, vector<8x512xf32>
        tpu.vector_store %arg11[%swap3A_62, %swap3A_63], %broadcast_in_dim3A_61 {strides = array<i32>} : memref<8x512xf32, #tpu.memory_space<vmem>>, vector<8x512xf32>,
      } else {
      }
      %get3A_45 = arith.constant 0 : index
      %get3A_46 = arith.constant 0 : index
      %get3A_47 = vector.load %arg11[%get3A_45, %get3A_46] : memref<8x512xf32, #tpu.memory_space<vmem>>, vector<8x512xf32>
      %reduce_sum3A = arith.constant dense<0.000000e+00> : vector<512xf32>
      %reduce_sum3A_48 = vector.multi_reduction <add>, %select_n3A, %reduce_sum3A [0] : vector<512x512xf32> to vector<512xf32>
      %broadcast_in_dim3A_49 = vector.shape_cast %reduce_sum3A_48 : vector<512xf32> to vector<1x512xf32>
      %mul3A_50 = arith.mulf %select_n3A, %select_n3A : vector<512x512xf32>
      %reduce_sum3A_51 = arith.constant dense<0.000000e+00> : vector<512xf32>
      %reduce_sum3A_52 = vector.multi_reduction <add>, %mul3A_50, %reduce_sum3A_51 [0] : vector<512x512xf32> to vector<512xf32>
      %broadcast_in_dim3A_53 = vector.shape_cast %reduce_sum3A_52 : vector<512xf32> to vector<1x512xf32>
      %broadcast_in_dim3A_54 = arith.constant 0.000000e+00 : f32
      %broadcast_in_dim3A_55 = vector.broadcast %broadcast_in_dim3A_54 : f32 to vector<6x512xf32>
      %concatenate3A = tpu.concatenate %broadcast_in_dim3A_49, %broadcast_in_dim3A_53, %broadcast_in_dim3A_55 in 0 : vector<1x512xf32>, vector<1x512xf32>, vector<6x512xf32> -> vector<8x512xf32>
      %add3A_56 = arith.addf %get3A_47, %concatenate3A : vector<8x512xf32>
      %swap3A_57 = arith.constant 0 : index
      %swap3A_58 = arith.constant 0 : index
      %swap3A_59 = vector.load %arg11[%swap3A_57, %swap3A_58] : memref<8x512xf32, #tpu.memory_space<vmem>>, vector<8x512xf32>
      tpu.vector_store %arg11[%swap3A_57, %swap3A_58], %add3A_56 {strides = array<i32>} : memref<8x512xf32, #tpu.memory_space<vmem>>, vector<8x512xf32>,
    } else {
    }
    %eq3A_2 = arith.constant 1 : i32
    %eq3A_3 = arith.cmpi eq, %arg0, %eq3A_2 : i32
    %convert_element_type3A_4 = arith.extui %eq3A_3 : i1 to i32
    %cond3A_5 = arith.constant 0 : i32
    %cond3A_6 = arith.cmpi ne, %convert_element_type3A_4, %cond3A_5 : i32
    scf.if %cond3A_6 {
      %get3A = arith.constant 0 : index
      %get3A_7 = arith.constant 0 : index
      %get3A_8 = vector.load %arg11[%get3A, %get3A_7] : memref<8x512xf32, #tpu.memory_space<vmem>>, vector<1x512xf32>
      %mul3A = arith.constant 9.99999974E-5 : f32
      %mul3A_9 = vector.broadcast %mul3A : f32 to vector<1x512xf32>
      %mul3A_10 = arith.mulf %get3A_8, %mul3A_9 : vector<1x512xf32>
      %get3A_11 = arith.constant 1 : index
      %get3A_12 = arith.constant 0 : index
      %get3A_13 = vector.load %arg11[%get3A_11, %get3A_12] : memref<8x512xf32, #tpu.memory_space<vmem>>, vector<1x512xf32>
      %mul3A_14 = arith.constant 9.99999974E-5 : f32
      %mul3A_15 = vector.broadcast %mul3A_14 : f32 to vector<1x512xf32>
      %mul3A_16 = arith.mulf %get3A_13, %mul3A_15 : vector<1x512xf32>
      %mul3A_17 = arith.mulf %mul3A_10, %mul3A_10 : vector<1x512xf32>
      %sub3A = arith.subf %mul3A_16, %mul3A_17 : vector<1x512xf32>
      %add3A = arith.constant 9.99999974E-6 : f32
      %add3A_18 = vector.broadcast %add3A : f32 to vector<1x512xf32>
      %add3A_19 = arith.addf %sub3A, %add3A_18 : vector<1x512xf32>
      %rsqrt3A = math.rsqrt %add3A_19 : vector<1x512xf32>
      %mul3A_20 = arith.constant 512 : i32
      %mul3A_21 = arith.muli %arg1, %mul3A_20 : i32
      %get3A_22 = arith.index_cast %mul3A_21 : i32 to index
      %get3A_23 = arith.constant 0 : index
      %get3A_24 = vector.load %arg10[%get3A_22, %get3A_23] : memref<10240x512xf32, #tpu.memory_space<vmem>>, vector<512x512xf32>
      %sub3A_25 = vector.broadcast %mul3A_10 : vector<1x512xf32> to vector<512x512xf32>
      %sub3A_26 = arith.subf %get3A_24, %sub3A_25 : vector<512x512xf32>
      %mul3A_27 = vector.broadcast %rsqrt3A : vector<1x512xf32> to vector<512x512xf32>
      %mul3A_28 = arith.mulf %sub3A_26, %mul3A_27 : vector<512x512xf32>
      %get3A_29 = arith.constant 0 : index
      %get3A_30 = arith.constant 0 : index
      %get3A_31 = vector.load %arg7[%get3A_29, %get3A_30] : memref<1x512xf32, #tpu.memory_space<vmem>>, vector<1x512xf32>
      %mul3A_32 = vector.broadcast %get3A_31 : vector<1x512xf32> to vector<512x512xf32>
      %mul3A_33 = arith.mulf %mul3A_28, %mul3A_32 : vector<512x512xf32>
      %get3A_34 = arith.constant 0 : index
      %get3A_35 = arith.constant 0 : index
      %get3A_36 = vector.load %arg8[%get3A_34, %get3A_35] : memref<1x512xf32, #tpu.memory_space<vmem>>, vector<1x512xf32>
      %add3A_37 = vector.broadcast %get3A_36 : vector<1x512xf32> to vector<512x512xf32>
      %add3A_38 = arith.addf %mul3A_33, %add3A_37 : vector<512x512xf32>
      %swap3A = arith.constant 0 : index
      %swap3A_39 = arith.constant 0 : index
      %swap3A_40 = vector.load %arg9[%swap3A, %swap3A_39] : memref<512x512xf32, #tpu.memory_space<vmem>>, vector<512x512xf32>
      tpu.vector_store %arg9[%swap3A, %swap3A_39], %add3A_38 {strides = array<i32>} : memref<512x512xf32, #tpu.memory_space<vmem>>, vector<512x512xf32>,
    } else {
    }
    return
  }
  func.func @transform_0(%arg0: i32, %arg1: i32) -> (i32, i32) {
    %c0_i32 = arith.constant 0 : i32
    %c0_i32_0 = arith.constant 0 : i32
    return %arg1, %c0_i32 : i32, i32
  }
  func.func @transform_1(%arg0: i32, %arg1: i32) -> (i32, i32) {
    %sub3A = arith.constant 1 : i32
    %sub3A_0 = arith.subi %sub3A, %arg0 : i32
    %mul3A = arith.muli %arg1, %sub3A_0 : i32
    %c0_i32 = arith.constant 0 : i32
    %c0_i32_1 = arith.constant 0 : i32
    return %mul3A, %c0_i32 : i32, i32
  }
  func.func @transform_2(%arg0: i32, %arg1: i32) -> (i32, i32) {
    %sub3A = arith.constant 1 : i32
    %sub3A_0 = arith.subi %sub3A, %arg0 : i32
    %mul3A = arith.muli %arg1, %sub3A_0 : i32
    %c0_i32 = arith.constant 0 : i32
    %c0_i32_1 = arith.constant 0 : i32
    return %mul3A, %c0_i32 : i32, i32
  }
  func.func @transform_3(%arg0: i32, %arg1: i32) -> (i32, i32) {
    %c0_i32 = arith.constant 0 : i32
    %c0_i32_0 = arith.constant 0 : i32
    %c0_i32_1 = arith.constant 0 : i32
    return %c0_i32, %c0_i32_0 : i32, i32
  }
  func.func @transform_4(%arg0: i32, %arg1: i32) -> (i32, i32) {
    %c0_i32 = arith.constant 0 : i32
    %c0_i32_0 = arith.constant 0 : i32
    %c0_i32_1 = arith.constant 0 : i32
    return %c0_i32, %c0_i32_0 : i32, i32
  }
  func.func @transform_5(%arg0: i32, %arg1: i32) -> (i32, i32) {
    %c0_i32 = arith.constant 0 : i32
    %c0_i32_0 = arith.constant 0 : i32
    %c0_i32_1 = arith.constant 0 : i32
    return %c0_i32, %c0_i32_0 : i32, i32
  }
  func.func @transform_6(%arg0: i32, %arg1: i32) -> (i32, i32) {
    %c0_i32 = arith.constant 0 : i32
    %c0_i32_0 = arith.constant 0 : i32
    %c0_i32_1 = arith.constant 0 : i32
    return %c0_i32, %c0_i32_0 : i32, i32
  }
  func.func @transform_7(%arg0: i32, %arg1: i32) -> (i32, i32) {
    %mul3A = arith.muli %arg1, %arg0 : i32
    %c0_i32 = arith.constant 0 : i32
    %c0_i32_0 = arith.constant 0 : i32
    return %mul3A, %c0_i32 : i32, i32
  }
}

</mosaic_0001>

<sc_bundles>
// kernel: kernel.11.cloned.1.call-start
scs
__scs_entry_jumppad:
0x0: {  	(pc) =	sbr.rel $0x88, $3  }
0x1: {  	(tag) =	ssettag $0x0;
	lr =	simm.s32 $0x1  }
0x2: {  	[smem:$0x3F97] =	sst lr;
	_ =	strace $0xD0000000  }
0x3: {  	_ = 	snop  }
0x4: {  	_ = 	snop  }
0x5: {  	_ = 	snop  }
0x6: {  	_ = 	snop  }
0x7: {  	_ = 	snop  }
__scs_overlays_trampoline_lowered:
0x8: {  	[smem:$0x3FA6] =	sst s0  }
0x9: {  	[smem:$0x3FA7] =	sst s1  }
0xa: {  	[smem:$0x3FA8] =	sst s2  }
0xb: {  	[smem:$0x3FA9] =	sst s3  }
0xc: {  	[smem:$0x3FAA] =	sst s4  }
0xd: {  	[smem:$0x3FAB] =	sst s5  }
0xe: {  	[smem:$0x3FAC] =	sst s6  }
0xf: {  	[smem:$0x3FAD] =	sst s7  }
0x10: {  	[smem:$0x3FAE] =	sst s8  }
0x11: {  	[smem:$0x3FAF] =	sst s9;
	s0 =	simm.s32 @!p0 $0x0  }
0x12: {  	s1 =	sld [smem:$0x3F95];
	s0 =	simm.s32 @p0 $0x1  }
0x13: {  	[smem:$0x3FB0] =	sst s0;
	s0 =	simm.s32 @!p1 $0x0  }
0x14: {  	s2 =	sld [smem:$0x3F94];
	s0 =	simm.s32 @p1 $0x1  }
0x15: {  	[smem:$0x3FB1] =	sst s0;
	s0 =	simm.s32 @!p2 $0x0  }
0x16: {  	s3 =	sld [smem:$0x3FDB];
	s0 =	simm.s32 @p2 $0x1  }
0x17: {  	s4 =	simm.s32 $0x1BF5;
	[smem:$0x3FB3] =	sst s0  }
0x18: {  	s0 =	sld [smem:$0x3F96];
	_ =	swait.ge [sflag:s4], $0x0  }
0x19: {  	s7 =	sld [smem:$0x3F97]  }
0x1a: {  	s8 =	sadd.s32 $0xFFFFE003, lr  }
0x1b: {  	s9 =	sadd.s32 $0xFFFFFEF7, lr;
	s5 =	simm.s32 $0xFFFFFFFF;
	p2 =	slt.u32 s8, $0xFFFFF086  }
0x1c: {  	p1 =	slt.u32 s9, $0xF7A;
	s5 =	simm.s32 @!p2 $0x0  }
0x1d: {  	s5 =	simm.s32 @p1 $0x1;
	p0 =	seq.s32 s7, s2  }
0x1e: {  	s7 =	smul.u32 @!p0 $0xF7A, s2;
	p2 =	seq.s32 @!p0 s5, $0x0  }
0x1f: {  	s9 =	smul.u32 $0xF7A, s1;
	s8 =	simm.s32 @!p0 $0x1BF5;
	p2 =	por !p2, p0  }
0x20: {  	[sflag:s8] =	ssyncset.s32 @!p0 $0xFFFFF086;
	s6 =	sadd.s32 @!p0 s3, s7;
	s7 =	simm.s32 @!p0 $0x108  }
0x21: {  	s3 =	sadd.s32 s3, s9;
	s6 =	sadd.s32 @!p0 $0x88, s6;
	s7 =	simm.s32 @p2 $0x1082  }
0x22: {  	[simem:s7], [sflag:s8] =	dma.local @!p0 [hbm:s6], $0xF7A  }
0x23: {  	s9 =	sor.u32 $0xD0000000, s2;
	s6 =	simm.s32 $0x108;
	_ =	swait.ge @!p0 [sflag:s8], $0x0  }
0x24: {  	s3 =	sadd.s32 $0x88, s3;
	s6 =	simm.s32 @!p1 $0x1082;
	[sflag:s4] =	ssyncset.s32 $0xFFFFF086  }
0x25: {  	[simem:s6], [sflag:s4] =	dma.local [hbm:s3], $0xF7A  }
0x26: {  	[smem:$0x3F97] =	sst s1;
	(tag) =	ssettag s2;
	_ =	strace s9  }
0x27: {  	s1 =	sld [smem:$0x3FA7]  }
0x28: {  	s2 =	sld [smem:$0x3FA8]  }
0x29: {  	s4 =	sld [smem:$0x3FAA]  }
0x2a: {  	p0 =	seq.s32 s5, $0x0;
	s5 =	sld [smem:$0x3FAB]  }
0x2b: {  	s6 =	sld [smem:$0x3FAC]  }
0x2c: {  	s7 =	sld [smem:$0x3FAD]  }
0x2d: {  	s3 =	simm.s32 $0x108;
	s8 =	sld [smem:$0x3FAE]  }
0x2e: {  	s3 =	simm.s32 @!p0 $0x1082;
	s9 =	sld [smem:$0x3FAF]  }
0x2f: {  	lr =	sadd.s32 s0, s3;
	s0 =	sld [smem:$0x3FA6]  }
0x30: {  	s3 =	sld [smem:$0x3FA9]  }
0x31: {  	[smem:$0x3FB2] =	sst s10  }
0x32: {  	s10 =	sld [smem:$0x3FB0];
	_ =	sdelay $0x3  }
0x33: {  	p0 =	seq.s32 s10, $0x1;
	s10 =	sld [smem:$0x3FB2];
	_ =	sdelay $0x3  }
0x34: {  	[smem:$0x3FB2] =	sst s10  }
0x35: {  	s10 =	sld [smem:$0x3FB1];
	_ =	sdelay $0x3  }
0x36: {  	p1 =	seq.s32 s10, $0x1;
	s10 =	sld [smem:$0x3FB2];
	_ =	sdelay $0x3  }
0x37: {  	[smem:$0x3FB2] =	sst s10  }
0x38: {  	s10 =	sld [smem:$0x3FB3]  }
0x39: {  	_ = 	snop;
	(pc) =	sbr.ind lr, $3  }
0x3a: {  	_ = 	snop  }
0x3b: {  	_ = 	snop  }
0x3c: {  	p2 =	seq.s32 s10, $0x1;
	s10 =	sld [smem:$0x3FB2]  }
0x3d: {  	_ =	shalt  }
0x3e: {  	_ =	shalt  }
0x3f: {  	_ =	shalt  }
0x40: {  	_ =	shalt  }
0x41: {  	_ =	shalt  }
0x42: {  	_ =	shalt  }
0x43: {  	_ =	shalt  }
0x44: {  	_ =	shalt  }
0x45: {  	_ =	shalt  }
0x46: {  	_ =	shalt  }
0x47: {  	_ =	shalt  }
0x48: {  	_ =	shalt  }
0x49: {  	_ =	shalt  }
0x4a: {  	_ =	shalt  }
0x4b: {  	_ =	shalt  }
0x4c: {  	_ =	shalt  }
0x4d: {  	_ =	shalt  }
0x4e: {  	_ =	shalt  }
0x4f: {  	_ =	shalt  }
0x50: {  	_ =	shalt  }
0x51: {  	_ =	shalt  }
0x52: {  	_ =	shalt  }
0x53: {  	_ =	shalt  }
0x54: {  	_ =	shalt  }
0x55: {  	_ =	shalt  }
0x56: {  	_ =	shalt  }
0x57: {  	_ =	shalt  }
0x58: {  	_ =	shalt  }
0x59: {  	_ =	shalt  }
0x5a: {  	_ =	shalt  }
0x5b: {  	_ =	shalt  }
0x5c: {  	_ =	shalt  }
0x5d: {  	_ =	shalt  }
0x5e: {  	_ =	shalt  }
0x5f: {  	_ =	shalt  }
0x60: {  	_ =	shalt  }
0x61: {  	_ =	shalt  }
0x62: {  	_ =	shalt  }
0x63: {  	_ =	shalt  }
0x64: {  	_ =	shalt  }
0x65: {  	_ =	shalt  }
0x66: {  	_ =	shalt  }
0x67: {  	_ =	shalt  }
0x68: {  	_ =	shalt  }
0x69: {  	_ =	shalt  }
0x6a: {  	_ =	shalt  }
0x6b: {  	_ =	shalt  }
0x6c: {  	_ =	shalt  }
0x6d: {  	_ =	shalt  }
0x6e: {  	_ =	shalt  }
0x6f: {  	_ =	shalt  }
0x70: {  	_ =	shalt  }
0x71: {  	_ =	shalt  }
0x72: {  	_ =	shalt  }
0x73: {  	_ =	shalt  }
0x74: {  	_ =	shalt  }
0x75: {  	_ =	shalt  }
0x76: {  	_ =	shalt  }
0x77: {  	_ =	shalt  }
0x78: {  	_ =	shalt  }
0x79: {  	_ =	shalt  }
0x7a: {  	_ =	shalt  }
0x7b: {  	_ =	shalt  }
0x7c: {  	_ =	shalt  }
0x7d: {  	_ =	shalt  }
0x7e: {  	_ =	shalt  }
0x7f: {  	_ =	shalt  }
0x80: {  	_ =	shalt  }
0x81: {  	_ =	shalt  }
0x82: {  	_ =	shalt  }
0x83: {  	_ =	shalt  }
0x84: {  	_ =	shalt  }
0x85: {  	_ =	shalt  }
0x86: {  	_ =	shalt  }
0x87: {  	_ =	shalt  }
.Lfunc_end0:
.L_simem_size_0:
called_computation.1_lowered:
.L_overlay_start_0:
0x88: {  	s2 =	sld [smem:$0x3FD9]  }
0x89: {  	s3 =	sld [smem:$0x3FFE];
	_ =	sdelay $0x1  }
0x8a: {  	s1 =	srdreg.scid  }
0x8b: {  	s0 =	sand.u32 $0x1, s1  }
0x8c: {  	s16 =	sshll.u32 s0, $0xA;
	s2 =	sadd.s32 s3, s2  }
0x8d: {  	s2 =	sadd.s32 s2, s16  }
0x8e: {  	[smem:$0x3FBE] =	sst s2  }
0x8f: {  	_ = 	snop  }
0x90: {  	(tm) =	ssettm $0x1  }
0x91: {  	s17 =	sld [smem:$0x3FFB];
	_ =	sdelay $0x3  }
0x92: {  	_ =	strace s17  }
0x93: {  	s2 =	sld [smem:$0x3FFC];
	_ =	sdelay $0x3  }
0x94: {  	_ =	strace s2  }
0x95: {  	s2 =	sld [smem:$0x3FFD];
	_ =	sdelay $0x3  }
0x96: {  	_ =	strace s2  }
0x97: {  	_ =	strace $0x8FFFFFFF  }
0x98: {  	s18 =	sld [smem:$0x3FDB];
	_ =	sdelay $0x1  }
0x99: {  	s19 =	simm.s32 $_scs_section_size  }
0x9a: {  	s4 =	simm.s32 $_size__tile_overlayer_lowered;
	s5 =	simm.s32 $_tile_overlayer_lowered  }
0x9b: {  	s22 =	simm.s32 $0x1BFF;
	s21 =	sshll.u32 s5, $0x1;
	s2 =	sadd.s32 s19, s18  }
0x9c: {  	s6 =	simm.s32 $0x0;
	s20 =	sshll.u32 s4, $0x1;
	s4 =	sadd.s32 s21, s2  }
0x9d: {  	[timem:s6], [sflag:s22] =	dma.local [hbm:s4], s20  }
0x9e: {  	_ =	swait.ge [sflag:s22], s20  }
0x9f: {  	s3 =	ssub.s32 $0x0, s20;
	[sflag:s22] =	ssyncset.done $0x0  }
0xa0: {  	[sflag:s22] =	ssyncadd.s32 s3;
	_ =	sdelay $0x1  }
0xa1: {  	s23 =	simm.s32 $0x1B8B  }
0xa2: {  	_ =	swait.ge [sflag:s23], $0x1  }
0xa3: {  	[sflag:s23] =	ssyncset.done $0x0  }
0xa4: {  	s25 =	simm.s32 $0x1B8E;
	s24 =	sld [smem:$0x3FFE];
	[sflag:s23] =	ssyncadd.s32 $0xFFFFFFFF  }
0xa5: {  	s26 =	simm.s32 $execute0_lowered;
	[smem:$0x3FD2] =	sst s25  }
0xa6: {  	s4 =	sshll.u32 s26, $0x1;
	_ =	strace $0x80000049;
	[dreg:$0x1] =	wrdreg $0xFFFFFFFF  }
0xa7: {  	s28 =	simm.s32 $_size_execute0_lowered;
	s2 =	sadd.s32 s2, s4;
	[dreg:$0x0] =	wrdreg $0x0  }
0xa8: {  	s4 =	sshll.u32 s28, $0x1;
	[dreg:$0x2] =	wrdreg s2  }
0xa9: {  	[dreg:$0x3] =	wrdreg s4  }
0xaa: {  	[dreg:$0x4] =	wrdreg $0xC0  }
0xab: {  	_ =	task [dreg:s6], $0x5FFFF  }
0xac: {  	[dreg:$0x1] =	wrdreg $0xFFFFFFFF  }
0xad: {  	[dreg:$0x0] =	wrdreg $0x60  }
0xae: {  	[dreg:$0x2] =	wrdreg s24  }
0xaf: {  	[dreg:$0x3] =	wrdreg $0xDCE00  }
0xb0: {  	[dreg:$0x4] =	wrdreg $0x9  }
0xb1: {  	_ =	task.clear_ibuf [dreg:s6], $0x5FFFF;
	_ =	strace $0x90000049  }
0xb2: {  	s29 =	simm.s32 $0x9;
	_ =	strace $0x8000004B  }
0xb3: {  	_ =	swait.ge [sflag:s29], $0x1  }
0xb4: {  	[sflag:s29] =	ssyncadd.s32 $0xFFFFFFFF  }
0xb5: {  	_ =	strace $0x9000004B  }
0xb6: {  	_ =	sfence  }
0xb7: {  	s30 =	sld [smem:$0x0];
	_ =	sdelay $0x2  }
0xb8: {  	s31 =	sshll.u32 s1, $0xD;
	s1 =	sshrl.u32 s1, $0x2  }
0xb9: {  	s3 =	sand.u32 $0x4000, s31;
	s1 =	sadd.s32 s1, s30  }
0xba: {  	s0 =	sor.u32 s3, s0;
	s1 =	sshll.u32 s1, $0x11  }
0xbb: {  	s0 =	sor.u32 s1, s0  }
0xbc: {  	s0 =	sadd.s32 $0x8F2B, s0  }
0xbd: {  	[sflag:s0] =	ssyncadd.remote.s32 $0x1  }
0xbe: {  	_ =	sfence.sel $0xFFFF  }
0xbf: {  	[dreg:$0x0] =	wrdreg $0xFFFFFFFF;
	(pc) =	sbr.abs _section_cstart, $3  }
0xc0: {  	[dreg:$0x1] =	wrdreg $0xFFFFFFFF  }
0xc1: {  	_ =	task.clear_ibuf [dreg:s6], $0x2FFFF;
	_ =	strace $0x9FFFFFFF  }
0xc2: {  	(tm) =	ssettm $0x7FFFFFFF  }
0xc3: {  	_ =	shalt  }
tec
execute0_lowered:
.L_overlay_start_1:
0x0: {  	(tag) =	ssettag $0x1  }
0x1: {  	s5 =	rddreg [dreg:$0x0]  }
0x2: {  	s2 =	rddreg [dreg:$0x1];
	s1 =	stileid.u32  }
0x3: {  	s0 =	rddreg [dreg:$0x2];
	s3 =	simm.s32 $0x0;
	s8 =	srdreg.scid  }
0x4: {  	s16 =	simm.s32 $0x7580;
	s17 =	simm.s32 $0x4E20;
	s21 =	simm.s32 $0xBCE0  }
0x5: {  	s22 =	simm.s32 $0x2;
	s23 =	simm.s32 $0x0;
	s6 =	smul.u32 $0x4E2, s1  }
0x6: {  	[smem:$0x7FF] =	sst s3;
	s7 =	smul.u32 $0xA100, s1;
	s4 =	sadd.s32 $0xB600, s5  }
0x7: {  	s8 =	sand.u32 $0x1, s8;
	s11 =	sadd.s32 $0x6F800, s5;
	s12 =	smul.u32 $0xA0, s1  }
0x8: {  	s29 =	smul.u32 $0x28000, s1;
	s14 =	sshll.u32 s1, $0x6;
	_ =	strace $0x8000004A  }
0x9: {  	s10 =	ssub.s32 $0x2, s8;
	s18 =	smul.u32 $0x1400, s8;
	s14 =	sor.u32 $0x1C03, s14  }
0xa: {  	s6 =	sadd.s32 s6, s5;
	s9 =	sshrl.u32 s7, $0x3;
	s28 =	sshrl.u32 s10, $0x1  }
0xb: {  	s15 =	sadd.s32 s7, s2;
	s30 =	sshrl.u32 s29, $0x2;
	s9 =	sadd.s32 s9, s5  }
0xc: {  	s13 =	ssub.s32 s10, s28;
	s5 =	sadd.s32 $0x6600, s6;
	s6 =	sadd.s32 $0x1600, s6  }
0xd: {  	s8 =	sadd.s32 s12, s18;
	s19 =	sadd.s32 $0xA00, s18;
	s20 =	sadd.s32 $0x1400, s18  }
.Ltmp0:
0xe: {  	s15 =	sshrl.u32 s15, $0x3;
	v0 =	vmov s18;
	s18 =	simm.s32 $0x1;
	(pc) =	sbr.rel .LBB2_1-.Ltmp0, $4  }
0xf: {  	s7 =	sadd.s32 $0x5B600, s9;
	s8 =	sshll.u32 s8, $0x5;
	s31 =	sadd.s32 s12, s19  }
0x10: {  	s9 =	sadd.s32 s30, s2;
	s12 =	simm.s32 $0x3;
	v1 =	vmov s19;
	s19 =	simm.s32 $0x20  }
0x11: {  	v2 =	vmov s20;
	s20 =	simm.s32 $0x9CE0;
	s8 =	sadd.s32 s11, s8;
	s10 =	sshll.u32 s31, $0x5  }
0x12: {  	v3 =	vimm.s32 $0x0;
	v4 =	vlaneseq.u32;
	v5 =	vimm.s32 $0xA00;
	s10 =	sadd.s32 s11, s10;
	s11 =	smax.u32 s13, $0x1;
	s13 =	simm.s32 $0x2710  }
.LBB2_14:
0x13: {  	s28 =	simm.s32 $0x75A0  }
.LBB2_18:
0x14: {  	s29 =	sadd.s32 $0xFFFFFFE0, s26;
	[sflag:s12] =	ssyncadd.s32 @p0 $0xFFFFE000  }
0x15: {  	[tilespmem:s20], [sflag:$0x1] =	stream.indirect.gather [hbm4b:s4+s19], $0x100, s29, s19, $0xb8;
	[tilespmem:$0x17DE0] =	vst v63  }
0x16: {  	_ = 	snop  }
0x17: {  	[tilespmem:s21], [sflag:$0x2] =	stream.indirect.gather [hbm4b:s4+s19], $0x100, s26, s19, $0xb8;
	[tilespmem:$0x17DE0] =	vst v63  }
0x18: {  	s26 =	sadd.s32 @p0 $0x40, s28;
	_ =	swait.ge [sflag:s18], $0x2000  }
0x19: {  	s25 =	smov.u32 @p0 s26;
	[sflag:s18] =	ssyncset.done $0x0  }
0x1a: {  	s26 =	sadd.s32 $0xFFFFFFE0, s25;
	[sflag:s18] =	ssyncadd.s32 $0xFFFFE000  }
0x1b: {  	[spmem:s2] =	stream.indirect.scatter.add.f32 [tilespmem:s20], [sflag:$0x3], $0x100, s26, s19, $0xb8;
	[tilespmem:$0x17DE0] =	vst v63  }
0x1c: {  	_ =	swait.ge [sflag:s12], $0x2000  }
0x1d: {  	[sflag:s12] =	ssyncset.done $0x0  }
0x1e: {  	[sflag:s12] =	ssyncadd.s32 $0xFFFFE000  }
0x1f: {  	_ =	swait.ge [sflag:s22], $0x2000  }
0x20: {  	[sflag:s22] =	ssyncset.done $0x0  }
0x21: {  	[sflag:s22] =	ssyncadd.s32 $0xFFFFE000  }
0x22: {  	[spmem:s2] =	stream.indirect.scatter.add.f32 [tilespmem:s21], [sflag:$0x3], $0x100, s25, s19, $0xb8;
	[tilespmem:$0x17DE0] =	vst v63  }
0x23: {  	_ =	swait.ge [sflag:s12], $0x2000  }
0x24: {  	[sflag:s12] =	ssyncset.done $0x0  }
0x25: {  	[sflag:s12] =	ssyncadd.s32 $0xFFFFE000  }
.LBB2_19:
0x26: {  	[bflag:$0x0] =	sbarrier.arrive $0xFFFF;
	s23 =	sadd.s32 $0x1, s23  }
0x27: {  	[hbm:s10], [sflag:s14] =	dma.local [spmem:s24], $0x1400  }
0x28: {  	p0 =	sne.s32 s23, s11  }
.Ltmp1:
0x29: {  	_ =	swait.ge [sflag:s12], $0x1400;
	(pc) =	sbr.rel @!p0 .LBB2_20-.Ltmp1, $3  }
0x2a: {  	[sflag:s12] =	ssyncset.done $0x0  }
0x2b: {  	[sflag:s12] =	ssyncadd.s32 $0xFFFFEC00  }
0x2c: {  	[bflag:$0x0] =	sbarrier.arrive $0xFFFF;
	_ =	sdelay $0x1  }
.LBB2_1:
0x2d: {  	[tilespmem:s3], [sflag:$0x3] =	stream.linear.gather [hbm4b:s5+s3], $0x2710, $0x38;
	[tilespmem:$0x17DE0] =	vst v63  }
0x2e: {  	_ =	swait.ge [sflag:s12], $0x2710  }
0x2f: {  	[sflag:s12] =	ssyncset.done $0x0  }
0x30: {  	[sflag:s12] =	ssyncadd.s32 $0xFFFFD8F0  }
0x31: {  	[tilespmem:s13], [sflag:$0x3] =	stream.linear.gather [hbm4b:s6+s3], $0x2710, $0x38;
	[tilespmem:$0x17DE0] =	vst v63  }
0x32: {  	_ =	swait.ge [sflag:s12], $0x2710  }
0x33: {  	[sflag:s12] =	ssyncset.done $0x0  }
0x34: {  	[sflag:s12] =	ssyncadd.s32 $0xFFFFD8F0  }
0x35: {  	[spmem:s15], [sflag:s14] =	dma.local [hbm:s7], $0x1420  }
0x36: {  	_ =	swait.ge [sflag:s12], $0x1420  }
0x37: {  	[sflag:s12] =	ssyncset.done $0x0  }
0x38: {  	[sflag:s12] =	ssyncadd.s32 $0xFFFFEBE0  }
0x39: {  	s24 =	simm.s32 $0x0;
	[bflag:$0x0] =	sbarrier.arrive $0xFFFF  }
0x3a: {  	v6 =	vld [tilespmem:s24+$0x2710];
	_ =	sdelay $0x4  }
0x3b: {  	vm0 =	vge.s32 v6, v0;
	vm1 =	vlt.s32 v6, v1  }
0x3c: {  	vm0 =	vmand vm0, vm1  }
0x3d: {  	v7 =	vsel vm0, $0x1, v3  }
0x3e: {  	(xrf0) =	vadd.scan.msk.s32 $0xffff, v7;
	_ =	sdelay $0x2  }
0x3f: {  	v7 =	vmov s3  }
0x40: {  	v7 =	vadd.s32 $0xFFFFFFFF, v7  }
0x41: {  	v7 =	vbroadcast v7, $0x0  }
0x42: {  	v8, _, _ =	vpop (xrf0)  }
0x43: {  	v7 =	vadd.s32 v8, v7;
	(v2sf) =	vpush v8, $0xF  }
0x44: {  	v7 =	vnsel vm0, $0x275F, v7  }
0x45: {  	v9 =	vld [tilespmem:s24+$0x0];
	_ =	sdelay $0x2  }
0x46: {  	v6 =	vsub.s32 v6, v0  }
0x47: {  	[tilespmem:v7+s16+$0x0] =	vst.idx.msk $0xffff, v6  }
0x48: {  	s26 =	simm.s32 $0x80;
	s25 =	simm.s32 $0x0;
	s24 =	simm.s32 $0x10;
	[tilespmem:v7+s17+$0x0] =	vst.idx.msk $0xffff, v9  }
.LBB2_2:
0x49: {  	p0 =	sne.s32 s26, $0x9C00;
	v6 =	vld [tilespmem:s24+$0x2710];
	_ =	sdelay $0x4  }
0x4a: {  	vm0 =	vge.s32 v6, v0;
	vm1 =	vlt.s32 v6, v1;
	v6 =	vsub.s32 v6, v0  }
0x4b: {  	vm0 =	vmand vm0, vm1  }
0x4c: {  	v7 =	vsel vm0, $0x1, v3;
	s28 =	spop (v2sf)  }
0x4d: {  	(xrf0) =	vadd.scan.msk.s32 $0xffff, v7;
	s25 =	sadd.s32 s25, s28  }
0x4e: {  	v7 =	vmov s25  }
0x4f: {  	v7 =	vadd.s32 $0xFFFFFFFF, v7  }
0x50: {  	v7 =	vbroadcast v7, $0x0;
	_ =	sdelay $0x2  }
0x51: {  	v8, _, _ =	vpop (xrf0)  }
0x52: {  	v7 =	vadd.s32 v8, v7;
	(v2sf) =	vpush v8, $0xF  }
0x53: {  	v7 =	vnsel vm0, $0x275F, v7  }
0x54: {  	v8 =	vld [tilespmem:s24+$0x0]  }
.Ltmp2:
0x55: {  	(pc) =	sbr.rel @p0 .LBB2_2-.Ltmp2, $3  }
0x56: {  	_ =	sdelay $0x1  }
0x57: {  	[tilespmem:v7+s16+$0x0] =	vst.idx.msk $0xffff, v6  }
0x58: {  	s24 =	sshra.s32 s26, $0x2;
	s26 =	sadd.s32 $0x40, s26;
	[tilespmem:v7+s17+$0x0] =	vst.idx.msk $0xffff, v8  }
0x59: {  	v6 =	vld [tilespmem:s24+$0x2710];
	_ =	sdelay $0x4  }
0x5a: {  	vm0 =	vge.s32 v6, v0;
	vm1 =	vlt.s32 v6, v1  }
0x5b: {  	vm0 =	vmand vm0, vm1  }
0x5c: {  	v7 =	vsel vm0, $0x1, v3  }
0x5d: {  	(xrf0) =	vadd.scan.msk.s32 $0xffff, v7;
	_ =	sdelay $0x5  }
0x5e: {  	v7, _, _ =	vpop (xrf0)  }
0x5f: {  	(v2sf) =	vpush v7, $0xF;
	_ =	sdelay $0x6  }
0x60: {  	s26 =	spop (v2sf)  }
0x61: {  	s25 =	sadd.s32 s25, s26  }
0x62: {  	v8 =	vmov s25  }
0x63: {  	v8 =	vadd.s32 $0xFFFFFFFF, v8  }
0x64: {  	v8 =	vbroadcast v8, $0x0;
	_ =	sdelay $0x1  }
0x65: {  	v7 =	vadd.s32 v7, v8  }
0x66: {  	v7 =	vnsel vm0, $0x275F, v7  }
0x67: {  	v63 =	vld [tilespmem:s24+$0x0];
	s31 =	spop (v2sf)  }
0x68: {  	s26 =	sadd.s32 s25, s31  }
0x69: {  	v9 =	vadd.s32 s26, v4;
	s29 =	sadd.s32 $0x3F, s26  }
0x6a: {  	v6 =	vsub.s32 v6, v0;
	s25 =	sadd.s32 $0x10, s26;
	s24 =	sadd.s32 $0x30, s26;
	s30 =	sand.u32 $0x3F, s29  }
0x6b: {  	[tilespmem:v7+s16+$0x0] =	vst.idx.msk $0xffff, v6;
	v10 =	vadd.s32 s25, v4;
	s31 =	sshra.s32 s29, $0x1F;
	p0 =	slt.s32 s29, $0x1;
	p1 =	sne.s32 s30, $0x0  }
0x6c: {  	[tilespmem:v7+s17+$0x0] =	vst.idx.msk $0xffff, v63;
	s28 =	sadd.s32 $0x20, s26;
	v7 =	vadd.s32 s24, v4;
	s24 =	sshrl.u32 s31, $0x1A;
	p0 =	por !p0, !p1  }
0x6d: {  	v6 =	vadd.s32 s28, v4;
	s25 =	simm.s32 $0x1;
	s24 =	sadd.s32 s24, s29;
	p0 =	por !p0, !p0  }
0x6e: {  	s24 =	sshra.s32 s24, $0x6;
	[tilespmem:v9+s16+$0x0] =	vst.idx.msk $0xffff, v5;
	s25 =	simm.s32 @!p0 $0x0  }
0x6f: {  	[tilespmem:v9+s17+$0x0] =	vst.idx.msk $0xffff, v3;
	s26 =	ssub.s32 s24, s25  }
0x70: {  	[tilespmem:v10+s16+$0x0] =	vst.idx.msk $0xffff, v5;
	p0 =	slt.s32 s26, $0x1  }
.Ltmp3:
0x71: {  	[tilespmem:v10+s17+$0x0] =	vst.idx.msk $0xffff, v3;
	(pc) =	sbr.rel @p0 .LBB2_10-.Ltmp3, $4  }
0x72: {  	[tilespmem:v6+s16+$0x0] =	vst.idx.msk $0xffff, v5  }
0x73: {  	[tilespmem:v6+s17+$0x0] =	vst.idx.msk $0xffff, v3  }
0x74: {  	[tilespmem:v7+s16+$0x0] =	vst.idx.msk $0xffff, v5  }
0x75: {  	[tilespmem:v7+s17+$0x0] =	vst.idx.msk $0xffff, v3  }
0x76: {  	p1 =	sne.s32 s26, $0x1  }
.Ltmp4:
0x77: {  	_ = 	snop;
	(pc) =	sbr.rel @!p1 .LBB2_5-.Ltmp4, $3  }
0x78: {  	_ =	sdelay $0x1  }
0x79: {  	s25 =	simm.s32 $0x4E40  }
0x7a: {  	s24 =	simm.s32 $0x75A0;
	s26 =	sadd.s32 $0xFFFFFFFF, s26;
	p0 =	por $0x0, $0x0  }
0x7b: {  	s28 =	simm.s32 $0x4E20  }
0x7c: {  	[tilespmem:s20], [sflag:$0x1] =	stream.indirect.gather [hbm4b:s4+s19], $0x100, s28, s19, $0xb8;
	[tilespmem:$0x17DE0] =	vst v63  }
0x7d: {  	_ = 	snop  }
0x7e: {  	[tilespmem:s21], [sflag:$0x2] =	stream.indirect.gather [hbm4b:s4+s19], $0x100, s25, s19, $0xb8;
	[tilespmem:$0x17DE0] =	vst v63  }
0x7f: {  	_ =	swait.ge [sflag:s18], $0x2000  }
0x80: {  	[sflag:s18] =	ssyncset.done $0x0  }
0x81: {  	s31 =	simm.s32 $0x7580;
	[sflag:s18] =	ssyncadd.s32 $0xFFFFE000  }
0x82: {  	[spmem:s2] =	stream.indirect.scatter.add.f32 [tilespmem:s20], [sflag:$0x3], $0x100, s31, s19, $0xb8;
	[tilespmem:$0x17DE0] =	vst v63  }
0x83: {  	_ =	swait.ge [sflag:s12], $0x2000  }
0x84: {  	[sflag:s12] =	ssyncset.done $0x0  }
0x85: {  	[sflag:s12] =	ssyncadd.s32 $0xFFFFE000  }
0x86: {  	p1 =	sne.s32 s26, $0x1;
	_ =	swait.ge [sflag:s22], $0x2000  }
.Ltmp5:
0x87: {  	[sflag:s22] =	ssyncset.done $0x0;
	(pc) =	sbr.rel @!p1 .LBB2_7-.Ltmp5, $4  }
0x88: {  	[sflag:s22] =	ssyncadd.s32 $0xFFFFE000  }
0x89: {  	[spmem:s2] =	stream.indirect.scatter.add.f32 [tilespmem:s21], [sflag:$0x3], $0x100, s24, s19, $0xb8;
	[tilespmem:$0x17DE0] =	vst v63  }
0x8a: {  	p0 =	por $0x1, $0x1;
	s28 =	sadd.s32 $0xFFFFFFFF, s26;
	_ =	swait.ge [sflag:s12], $0x2000  }
0x8b: {  	s26 =	simm.s32 $0x75A0;
	s25 =	simm.s32 $0x4E80;
	[sflag:s12] =	ssyncset.done $0x0  }
.LBB2_8:
0x8c: {  	s29 =	sadd.s32 $0xFFFFFFE0, s25;
	[sflag:s12] =	ssyncadd.s32 $0xFFFFE000;
	s26 =	sadd.s32 $0x40, s26  }
0x8d: {  	[tilespmem:s20], [sflag:$0x1] =	stream.indirect.gather [hbm4b:s4+s19], $0x100, s29, s19, $0xb8;
	[tilespmem:$0x17DE0] =	vst v63  }
0x8e: {  	p1 =	sne.s32 s28, $0x1;
	s28 =	sadd.s32 $0xFFFFFFFF, s28  }
0x8f: {  	[tilespmem:s21], [sflag:$0x2] =	stream.indirect.gather [hbm4b:s4+s19], $0x100, s25, s19, $0xb8;
	[tilespmem:$0x17DE0] =	vst v63  }
0x90: {  	_ =	swait.ge [sflag:s18], $0x2000  }
0x91: {  	[sflag:s18] =	ssyncset.done $0x0  }
0x92: {  	s29 =	sadd.s32 $0xFFFFFFE0, s26;
	[sflag:s18] =	ssyncadd.s32 $0xFFFFE000  }
0x93: {  	[spmem:s2] =	stream.indirect.scatter.add.f32 [tilespmem:s20], [sflag:$0x3], $0x100, s29, s19, $0xb8;
	[tilespmem:$0x17DE0] =	vst v63  }
0x94: {  	_ =	swait.ge [sflag:s12], $0x2000  }
0x95: {  	[sflag:s12] =	ssyncset.done $0x0  }
0x96: {  	[sflag:s12] =	ssyncadd.s32 $0xFFFFE000  }
0x97: {  	_ =	swait.ge [sflag:s22], $0x2000  }
.Ltmp6:
0x98: {  	[sflag:s22] =	ssyncset.done $0x0;
	(pc) =	sbr.rel @p1 .LBB2_8-.Ltmp6, $4  }
0x99: {  	[sflag:s22] =	ssyncadd.s32 $0xFFFFE000  }
0x9a: {  	[spmem:s2] =	stream.indirect.scatter.add.f32 [tilespmem:s21], [sflag:$0x3], $0x100, s26, s19, $0xb8;
	[tilespmem:$0x17DE0] =	vst v63  }
0x9b: {  	_ =	swait.ge [sflag:s12], $0x2000  }
0x9c: {  	s25 =	sadd.s32 $0x40, s25;
	[sflag:s12] =	ssyncset.done $0x0  }
.LBB2_9:
0x9d: {  	s28 =	sadd.s32 $0xFFFFFFE0, s25;
	[sflag:s12] =	ssyncadd.s32 @p0 $0xFFFFE000  }
0x9e: {  	[tilespmem:s20], [sflag:$0x1] =	stream.indirect.gather [hbm4b:s4+s19], $0x100, s28, s19, $0xb8;
	[tilespmem:$0x17DE0] =	vst v63  }
0x9f: {  	_ = 	snop  }
0xa0: {  	[tilespmem:s21], [sflag:$0x2] =	stream.indirect.gather [hbm4b:s4+s19], $0x100, s25, s19, $0xb8;
	[tilespmem:$0x17DE0] =	vst v63  }
0xa1: {  	s25 =	sadd.s32 @p0 $0x40, s26;
	_ =	swait.ge [sflag:s18], $0x2000  }
0xa2: {  	s24 =	smov.u32 @p0 s25;
	[sflag:s18] =	ssyncset.done $0x0  }
0xa3: {  	s25 =	sadd.s32 $0xFFFFFFE0, s24;
	[sflag:s18] =	ssyncadd.s32 $0xFFFFE000  }
0xa4: {  	[spmem:s2] =	stream.indirect.scatter.add.f32 [tilespmem:s20], [sflag:$0x3], $0x100, s25, s19, $0xb8;
	[tilespmem:$0x17DE0] =	vst v63  }
0xa5: {  	_ =	swait.ge [sflag:s12], $0x2000  }
0xa6: {  	[sflag:s12] =	ssyncset.done $0x0  }
0xa7: {  	[sflag:s12] =	ssyncadd.s32 $0xFFFFE000  }
0xa8: {  	_ =	swait.ge [sflag:s22], $0x2000  }
0xa9: {  	[sflag:s22] =	ssyncset.done $0x0  }
0xaa: {  	[sflag:s22] =	ssyncadd.s32 $0xFFFFE000  }
0xab: {  	[spmem:s2] =	stream.indirect.scatter.add.f32 [tilespmem:s21], [sflag:$0x3], $0x100, s24, s19, $0xb8;
	[tilespmem:$0x17DE0] =	vst v63  }
0xac: {  	_ =	swait.ge [sflag:s12], $0x2000  }
0xad: {  	[sflag:s12] =	ssyncset.done $0x0  }
0xae: {  	[sflag:s12] =	ssyncadd.s32 $0xFFFFE000  }
.LBB2_10:
0xaf: {  	[bflag:$0x0] =	sbarrier.arrive $0xFFFF;
	s24 =	sshrl.u32 s9, $0x3  }
0xb0: {  	[hbm:s8], [sflag:s14] =	dma.local [spmem:s24], $0x1400  }
0xb1: {  	_ =	swait.ge [sflag:s12], $0x1400  }
0xb2: {  	[sflag:s12] =	ssyncset.done $0x0  }
0xb3: {  	[sflag:s12] =	ssyncadd.s32 $0xFFFFEC00  }
0xb4: {  	[bflag:$0x0] =	sbarrier.arrive $0xFFFF  }
0xb5: {  	[spmem:s15], [sflag:s14] =	dma.local [hbm:s7], $0x1420  }
0xb6: {  	_ =	swait.ge [sflag:s12], $0x1420  }
0xb7: {  	[sflag:s12] =	ssyncset.done $0x0  }
0xb8: {  	[sflag:s12] =	ssyncadd.s32 $0xFFFFEBE0  }
0xb9: {  	s26 =	simm.s32 $0x0;
	[bflag:$0x0] =	sbarrier.arrive $0xFFFF  }
0xba: {  	v6 =	vld [tilespmem:s26+$0x2710];
	_ =	sdelay $0x4  }
0xbb: {  	vm0 =	vge.s32 v6, v1;
	vm1 =	vlt.s32 v6, v2  }
0xbc: {  	vm0 =	vmand vm0, vm1  }
0xbd: {  	v7 =	vsel vm0, $0x1, v3  }
0xbe: {  	(xrf0) =	vadd.scan.msk.s32 $0xffff, v7;
	_ =	sdelay $0x1  }
0xbf: {  	s25 =	simm.s32 $0x0  }
0xc0: {  	v7 =	vmov s25  }
0xc1: {  	v7 =	vadd.s32 $0xFFFFFFFF, v7  }
0xc2: {  	v7 =	vbroadcast v7, $0x0  }
0xc3: {  	v8, _, _ =	vpop (xrf0)  }
0xc4: {  	v7 =	vadd.s32 v8, v7;
	(v2sf) =	vpush v8, $0xF  }
0xc5: {  	v7 =	vnsel vm0, $0x275F, v7  }
0xc6: {  	v9 =	vld [tilespmem:s26+$0x0];
	_ =	sdelay $0x2  }
0xc7: {  	v6 =	vsub.s32 v6, v1  }
0xc8: {  	[tilespmem:v7+s16+$0x0] =	vst.idx.msk $0xffff, v6  }
0xc9: {  	s28 =	simm.s32 $0x80;
	s26 =	simm.s32 $0x10;
	[tilespmem:v7+s17+$0x0] =	vst.idx.msk $0xffff, v9  }
.LBB2_11:
0xca: {  	p0 =	sne.s32 s28, $0x9C00;
	v6 =	vld [tilespmem:s26+$0x2710];
	_ =	sdelay $0x4  }
0xcb: {  	vm0 =	vge.s32 v6, v1;
	vm1 =	vlt.s32 v6, v2;
	v6 =	vsub.s32 v6, v1  }
0xcc: {  	vm0 =	vmand vm0, vm1  }
0xcd: {  	v7 =	vsel vm0, $0x1, v3;
	s29 =	spop (v2sf)  }
0xce: {  	(xrf0) =	vadd.scan.msk.s32 $0xffff, v7;
	s25 =	sadd.s32 s25, s29  }
0xcf: {  	v7 =	vmov s25  }
0xd0: {  	v7 =	vadd.s32 $0xFFFFFFFF, v7  }
0xd1: {  	v7 =	vbroadcast v7, $0x0;
	_ =	sdelay $0x2  }
0xd2: {  	v8, _, _ =	vpop (xrf0)  }
0xd3: {  	v7 =	vadd.s32 v8, v7;
	(v2sf) =	vpush v8, $0xF  }
0xd4: {  	v7 =	vnsel vm0, $0x275F, v7  }
0xd5: {  	v8 =	vld [tilespmem:s26+$0x0]  }
.Ltmp7:
0xd6: {  	(pc) =	sbr.rel @p0 .LBB2_11-.Ltmp7, $3  }
0xd7: {  	_ =	sdelay $0x1  }
0xd8: {  	[tilespmem:v7+s16+$0x0] =	vst.idx.msk $0xffff, v6  }
0xd9: {  	s26 =	sshra.s32 s28, $0x2;
	s28 =	sadd.s32 $0x40, s28;
	[tilespmem:v7+s17+$0x0] =	vst.idx.msk $0xffff, v8  }
0xda: {  	v6 =	vld [tilespmem:s26+$0x2710];
	_ =	sdelay $0x4  }
0xdb: {  	vm0 =	vge.s32 v6, v1;
	vm1 =	vlt.s32 v6, v2  }
0xdc: {  	vm0 =	vmand vm0, vm1  }
0xdd: {  	v7 =	vsel vm0, $0x1, v3  }
0xde: {  	(xrf0) =	vadd.scan.msk.s32 $0xffff, v7;
	_ =	sdelay $0x5  }
0xdf: {  	v7, _, _ =	vpop (xrf0)  }
0xe0: {  	(v2sf) =	vpush v7, $0xF;
	_ =	sdelay $0x6  }
0xe1: {  	s28 =	spop (v2sf)  }
0xe2: {  	s25 =	sadd.s32 s25, s28  }
0xe3: {  	v8 =	vmov s25  }
0xe4: {  	v8 =	vadd.s32 $0xFFFFFFFF, v8  }
0xe5: {  	v8 =	vbroadcast v8, $0x0;
	_ =	sdelay $0x1  }
0xe6: {  	v7 =	vadd.s32 v7, v8  }
0xe7: {  	v7 =	vnsel vm0, $0x275F, v7  }
0xe8: {  	v63 =	vld [tilespmem:s26+$0x0];
	s28 =	spop (v2sf)  }
0xe9: {  	s25 =	sadd.s32 s25, s28  }
0xea: {  	v9 =	vadd.s32 s25, v4;
	s31 =	sadd.s32 $0x10, s25;
	s30 =	sadd.s32 $0x3F, s25  }
0xeb: {  	v6 =	vsub.s32 v6, v1;
	s29 =	sadd.s32 $0x20, s25;
	s25 =	sadd.s32 $0x30, s25;
	s28 =	sand.u32 $0x3F, s30  }
0xec: {  	[tilespmem:v7+s16+$0x0] =	vst.idx.msk $0xffff, v6;
	v10 =	vadd.s32 s31, v4;
	s31 =	sshra.s32 s30, $0x1F;
	p0 =	slt.s32 s30, $0x1;
	p1 =	sne.s32 s28, $0x0  }
0xed: {  	[tilespmem:v7+s17+$0x0] =	vst.idx.msk $0xffff, v63;
	v7 =	vadd.s32 s25, v4;
	s25 =	sshrl.u32 s31, $0x1A;
	p0 =	por !p0, !p1  }
0xee: {  	s26 =	simm.s32 $0x1;
	v6 =	vadd.s32 s29, v4;
	s25 =	sadd.s32 s25, s30;
	p0 =	por !p0, !p0  }
0xef: {  	s25 =	sshra.s32 s25, $0x6;
	[tilespmem:v9+s16+$0x0] =	vst.idx.msk $0xffff, v5;
	s26 =	simm.s32 @!p0 $0x0  }
0xf0: {  	[tilespmem:v9+s17+$0x0] =	vst.idx.msk $0xffff, v3;
	s28 =	ssub.s32 s25, s26  }
0xf1: {  	[tilespmem:v10+s16+$0x0] =	vst.idx.msk $0xffff, v5;
	p0 =	slt.s32 s28, $0x1  }
.Ltmp8:
0xf2: {  	[tilespmem:v10+s17+$0x0] =	vst.idx.msk $0xffff, v3;
	(pc) =	sbr.rel @p0 .LBB2_19-.Ltmp8, $4  }
0xf3: {  	[tilespmem:v6+s16+$0x0] =	vst.idx.msk $0xffff, v5  }
0xf4: {  	[tilespmem:v6+s17+$0x0] =	vst.idx.msk $0xffff, v3  }
0xf5: {  	[tilespmem:v7+s16+$0x0] =	vst.idx.msk $0xffff, v5  }
0xf6: {  	[tilespmem:v7+s17+$0x0] =	vst.idx.msk $0xffff, v3  }
0xf7: {  	p1 =	sne.s32 s28, $0x1  }
.Ltmp9:
0xf8: {  	_ = 	snop;
	(pc) =	sbr.rel @!p1 .LBB2_14-.Ltmp9, $3  }
0xf9: {  	_ =	sdelay $0x1  }
0xfa: {  	s26 =	simm.s32 $0x4E40  }
0xfb: {  	s25 =	simm.s32 $0x75A0;
	s28 =	sadd.s32 $0xFFFFFFFF, s28;
	p0 =	por $0x0, $0x0  }
0xfc: {  	s29 =	simm.s32 $0x4E20  }
0xfd: {  	[tilespmem:s20], [sflag:$0x1] =	stream.indirect.gather [hbm4b:s4+s19], $0x100, s29, s19, $0xb8;
	[tilespmem:$0x17DE0] =	vst v63  }
0xfe: {  	_ = 	snop  }
0xff: {  	[tilespmem:s21], [sflag:$0x2] =	stream.indirect.gather [hbm4b:s4+s19], $0x100, s26, s19, $0xb8;
	[tilespmem:$0x17DE0] =	vst v63  }
0x100: {  	_ =	swait.ge [sflag:s18], $0x2000  }
0x101: {  	[sflag:s18] =	ssyncset.done $0x0  }
0x102: {  	s31 =	simm.s32 $0x7580;
	[sflag:s18] =	ssyncadd.s32 $0xFFFFE000  }
0x103: {  	[spmem:s2] =	stream.indirect.scatter.add.f32 [tilespmem:s20], [sflag:$0x3], $0x100, s31, s19, $0xb8;
	[tilespmem:$0x17DE0] =	vst v63  }
0x104: {  	_ =	swait.ge [sflag:s12], $0x2000  }
0x105: {  	[sflag:s12] =	ssyncset.done $0x0  }
0x106: {  	[sflag:s12] =	ssyncadd.s32 $0xFFFFE000  }
0x107: {  	p1 =	sne.s32 s28, $0x1;
	_ =	swait.ge [sflag:s22], $0x2000  }
.Ltmp10:
0x108: {  	[sflag:s22] =	ssyncset.done $0x0;
	(pc) =	sbr.rel @!p1 .LBB2_16-.Ltmp10, $4  }
0x109: {  	[sflag:s22] =	ssyncadd.s32 $0xFFFFE000  }
0x10a: {  	[spmem:s2] =	stream.indirect.scatter.add.f32 [tilespmem:s21], [sflag:$0x3], $0x100, s25, s19, $0xb8;
	[tilespmem:$0x17DE0] =	vst v63  }
0x10b: {  	p0 =	por $0x1, $0x1;
	s29 =	sadd.s32 $0xFFFFFFFF, s28;
	_ =	swait.ge [sflag:s12], $0x2000  }
0x10c: {  	s28 =	simm.s32 $0x75A0;
	s26 =	simm.s32 $0x4E80;
	[sflag:s12] =	ssyncset.done $0x0  }
.LBB2_17:
0x10d: {  	s30 =	sadd.s32 $0xFFFFFFE0, s26;
	[sflag:s12] =	ssyncadd.s32 $0xFFFFE000;
	s28 =	sadd.s32 $0x40, s28  }
0x10e: {  	[tilespmem:s20], [sflag:$0x1] =	stream.indirect.gather [hbm4b:s4+s19], $0x100, s30, s19, $0xb8;
	[tilespmem:$0x17DE0] =	vst v63  }
0x10f: {  	p1 =	sne.s32 s29, $0x1;
	s29 =	sadd.s32 $0xFFFFFFFF, s29  }
0x110: {  	[tilespmem:s21], [sflag:$0x2] =	stream.indirect.gather [hbm4b:s4+s19], $0x100, s26, s19, $0xb8;
	[tilespmem:$0x17DE0] =	vst v63  }
0x111: {  	_ =	swait.ge [sflag:s18], $0x2000  }
0x112: {  	[sflag:s18] =	ssyncset.done $0x0  }
0x113: {  	s30 =	sadd.s32 $0xFFFFFFE0, s28;
	[sflag:s18] =	ssyncadd.s32 $0xFFFFE000  }
0x114: {  	[spmem:s2] =	stream.indirect.scatter.add.f32 [tilespmem:s20], [sflag:$0x3], $0x100, s30, s19, $0xb8;
	[tilespmem:$0x17DE0] =	vst v63  }
0x115: {  	_ =	swait.ge [sflag:s12], $0x2000  }
0x116: {  	[sflag:s12] =	ssyncset.done $0x0  }
0x117: {  	[sflag:s12] =	ssyncadd.s32 $0xFFFFE000  }
0x118: {  	_ =	swait.ge [sflag:s22], $0x2000  }
.Ltmp11:
0x119: {  	[sflag:s22] =	ssyncset.done $0x0;
	(pc) =	sbr.rel @p1 .LBB2_17-.Ltmp11, $4  }
0x11a: {  	[sflag:s22] =	ssyncadd.s32 $0xFFFFE000  }
0x11b: {  	[spmem:s2] =	stream.indirect.scatter.add.f32 [tilespmem:s21], [sflag:$0x3], $0x100, s28, s19, $0xb8;
	[tilespmem:$0x17DE0] =	vst v63  }
0x11c: {  	_ =	swait.ge [sflag:s12], $0x2000  }
0x11d: {  	s26 =	sadd.s32 $0x40, s26;
	[sflag:s12] =	ssyncset.done $0x0  }
.Ltmp12:
0x11e: {  	_ = 	snop;
	(pc) =	sbr.rel .LBB2_18-.Ltmp12, $1  }
0x11f: {  	_ =	sdelay $0x3  }
.LBB2_5:
.Ltmp13:
0x120: {  	(pc) =	sbr.rel .LBB2_9-.Ltmp13, $2  }
0x121: {  	_ =	sdelay $0x2  }
0x122: {  	s26 =	simm.s32 $0x75A0  }
.LBB2_7:
.Ltmp14:
0x123: {  	(pc) =	sbr.rel .LBB2_9-.Ltmp14, $2  }
0x124: {  	_ =	sdelay $0x2  }
0x125: {  	s26 =	simm.s32 $0x75A0  }
.LBB2_16:
.Ltmp15:
0x126: {  	(pc) =	sbr.rel .LBB2_18-.Ltmp15, $2  }
0x127: {  	_ =	sdelay $0x2  }
0x128: {  	s28 =	simm.s32 $0x75A0  }
.LBB2_20:
0x129: {  	_ =	sfence.sel $0x180000  }
0x12a: {  	[bflag:$0x0] =	sbarrier.arrive $0xFFFF  }
0x12b: {  	p0 =	sne.s32 s1, $0x0;
	_ =	strace $0x9000004A  }
0x12c: {  	s0 =	sadd.s32 @!p0 $0x100000, s0;
	[bflag:$0x2] =	sbarrier.arrive $0xFFFF  }
0x12d: {  	[sflag:s0] =	ssyncadd.tile.s32 @!p0 $0x1;
	_ =	shalt  }
.Lfunc_end2:
_tile_overlayer_lowered:
.L_overlay_start_2:
0x12e: {  	(tag) =	ssettag $0x2  }
0x12f: {  	s0 =	rddreg [dreg:$0x0];
	s2 =	stileid.u32  }
0x130: {  	s1 =	rddreg [dreg:$0x1];
	p0 =	sne.s32 s2, $0x0  }
0x131: {  	s3 =	rddreg [dreg:$0x2];
	[bflag:$0x3] =	sbarrier.arrive $0xFFFF;
	s2 =	simm.s32 @!p0 $0x1C03  }
0x132: {  	[timem:s3], [sflag:s2] =	dma.local @!p0 [hbm:s0], s1  }
0x133: {  	s0 =	simm.s32 @!p0 $0x3  }
0x134: {  	_ =	swait.ge @!p0 [sflag:s0], s1  }
0x135: {  	s1 =	ssub.s32 @!p0 $0x0, s1;
	[sflag:s0] =	ssyncset.done @!p0 $0x0  }
0x136: {  	[sflag:s0] =	ssyncadd.s32 @!p0 s1  }
0x137: {  	[bflag:$0x3] =	sbarrier.arrive $0xFFFF  }
0x138: {  	_ =	shalt  }

// kernel: kernel.14.cloned.1.call-start
scs
__scs_entry_jumppad:
0x0: {  	(pc) =	sbr.rel $0x88, $3  }
0x1: {  	(tag) =	ssettag $0x0;
	lr =	simm.s32 $0x1  }
0x2: {  	[smem:$0x3F97] =	sst lr;
	_ =	strace $0xD0000000  }
0x3: {  	_ = 	snop  }
0x4: {  	_ = 	snop  }
0x5: {  	_ = 	snop  }
0x6: {  	_ = 	snop  }
0x7: {  	_ = 	snop  }
__scs_overlays_trampoline_lowered:
0x8: {  	[smem:$0x3FA6] =	sst s0  }
0x9: {  	[smem:$0x3FA7] =	sst s1  }
0xa: {  	[smem:$0x3FA8] =	sst s2  }
0xb: {  	[smem:$0x3FA9] =	sst s3  }
0xc: {  	[smem:$0x3FAA] =	sst s4  }
0xd: {  	[smem:$0x3FAB] =	sst s5  }
0xe: {  	[smem:$0x3FAC] =	sst s6  }
0xf: {  	[smem:$0x3FAD] =	sst s7  }
0x10: {  	[smem:$0x3FAE] =	sst s8  }
0x11: {  	[smem:$0x3FAF] =	sst s9;
	s0 =	simm.s32 @!p0 $0x0  }
0x12: {  	s1 =	sld [smem:$0x3F95];
	s0 =	simm.s32 @p0 $0x1  }
0x13: {  	[smem:$0x3FB0] =	sst s0;
	s0 =	simm.s32 @!p1 $0x0  }
0x14: {  	s2 =	sld [smem:$0x3F94];
	s0 =	simm.s32 @p1 $0x1  }
0x15: {  	[smem:$0x3FB1] =	sst s0;
	s0 =	simm.s32 @!p2 $0x0  }
0x16: {  	s3 =	sld [smem:$0x3FDB];
	s0 =	simm.s32 @p2 $0x1  }
0x17: {  	s4 =	simm.s32 $0x1BF5;
	[smem:$0x3FB3] =	sst s0  }
0x18: {  	s0 =	sld [smem:$0x3F96];
	_ =	swait.ge [sflag:s4], $0x0  }
0x19: {  	s7 =	sld [smem:$0x3F97]  }
0x1a: {  	s8 =	sadd.s32 $0xFFFFE003, lr  }
0x1b: {  	s9 =	sadd.s32 $0xFFFFFEF7, lr;
	s5 =	simm.s32 $0xFFFFFFFF;
	p2 =	slt.u32 s8, $0xFFFFF086  }
0x1c: {  	p1 =	slt.u32 s9, $0xF7A;
	s5 =	simm.s32 @!p2 $0x0  }
0x1d: {  	s5 =	simm.s32 @p1 $0x1;
	p0 =	seq.s32 s7, s2  }
0x1e: {  	s7 =	smul.u32 @!p0 $0xF7A, s2;
	p2 =	seq.s32 @!p0 s5, $0x0  }
0x1f: {  	s9 =	smul.u32 $0xF7A, s1;
	s8 =	simm.s32 @!p0 $0x1BF5;
	p2 =	por !p2, p0  }
0x20: {  	[sflag:s8] =	ssyncset.s32 @!p0 $0xFFFFF086;
	s6 =	sadd.s32 @!p0 s3, s7;
	s7 =	simm.s32 @!p0 $0x108  }
0x21: {  	s3 =	sadd.s32 s3, s9;
	s6 =	sadd.s32 @!p0 $0x88, s6;
	s7 =	simm.s32 @p2 $0x1082  }
0x22: {  	[simem:s7], [sflag:s8] =	dma.local @!p0 [hbm:s6], $0xF7A  }
0x23: {  	s9 =	sor.u32 $0xD0000000, s2;
	s6 =	simm.s32 $0x108;
	_ =	swait.ge @!p0 [sflag:s8], $0x0  }
0x24: {  	s3 =	sadd.s32 $0x88, s3;
	s6 =	simm.s32 @!p1 $0x1082;
	[sflag:s4] =	ssyncset.s32 $0xFFFFF086  }
0x25: {  	[simem:s6], [sflag:s4] =	dma.local [hbm:s3], $0xF7A  }
0x26: {  	[smem:$0x3F97] =	sst s1;
	(tag) =	ssettag s2;
	_ =	strace s9  }
0x27: {  	s1 =	sld [smem:$0x3FA7]  }
0x28: {  	s2 =	sld [smem:$0x3FA8]  }
0x29: {  	s4 =	sld [smem:$0x3FAA]  }
0x2a: {  	p0 =	seq.s32 s5, $0x0;
	s5 =	sld [smem:$0x3FAB]  }
0x2b: {  	s6 =	sld [smem:$0x3FAC]  }
0x2c: {  	s7 =	sld [smem:$0x3FAD]  }
0x2d: {  	s3 =	simm.s32 $0x108;
	s8 =	sld [smem:$0x3FAE]  }
0x2e: {  	s3 =	simm.s32 @!p0 $0x1082;
	s9 =	sld [smem:$0x3FAF]  }
0x2f: {  	lr =	sadd.s32 s0, s3;
	s0 =	sld [smem:$0x3FA6]  }
0x30: {  	s3 =	sld [smem:$0x3FA9]  }
0x31: {  	[smem:$0x3FB2] =	sst s10  }
0x32: {  	s10 =	sld [smem:$0x3FB0];
	_ =	sdelay $0x3  }
0x33: {  	p0 =	seq.s32 s10, $0x1;
	s10 =	sld [smem:$0x3FB2];
	_ =	sdelay $0x3  }
0x34: {  	[smem:$0x3FB2] =	sst s10  }
0x35: {  	s10 =	sld [smem:$0x3FB1];
	_ =	sdelay $0x3  }
0x36: {  	p1 =	seq.s32 s10, $0x1;
	s10 =	sld [smem:$0x3FB2];
	_ =	sdelay $0x3  }
0x37: {  	[smem:$0x3FB2] =	sst s10  }
0x38: {  	s10 =	sld [smem:$0x3FB3]  }
0x39: {  	_ = 	snop;
	(pc) =	sbr.ind lr, $3  }
0x3a: {  	_ = 	snop  }
0x3b: {  	_ = 	snop  }
0x3c: {  	p2 =	seq.s32 s10, $0x1;
	s10 =	sld [smem:$0x3FB2]  }
0x3d: {  	_ =	shalt  }
0x3e: {  	_ =	shalt  }
0x3f: {  	_ =	shalt  }
0x40: {  	_ =	shalt  }
0x41: {  	_ =	shalt  }
0x42: {  	_ =	shalt  }
0x43: {  	_ =	shalt  }
0x44: {  	_ =	shalt  }
0x45: {  	_ =	shalt  }
0x46: {  	_ =	shalt  }
0x47: {  	_ =	shalt  }
0x48: {  	_ =	shalt  }
0x49: {  	_ =	shalt  }
0x4a: {  	_ =	shalt  }
0x4b: {  	_ =	shalt  }
0x4c: {  	_ =	shalt  }
0x4d: {  	_ =	shalt  }
0x4e: {  	_ =	shalt  }
0x4f: {  	_ =	shalt  }
0x50: {  	_ =	shalt  }
0x51: {  	_ =	shalt  }
0x52: {  	_ =	shalt  }
0x53: {  	_ =	shalt  }
0x54: {  	_ =	shalt  }
0x55: {  	_ =	shalt  }
0x56: {  	_ =	shalt  }
0x57: {  	_ =	shalt  }
0x58: {  	_ =	shalt  }
0x59: {  	_ =	shalt  }
0x5a: {  	_ =	shalt  }
0x5b: {  	_ =	shalt  }
0x5c: {  	_ =	shalt  }
0x5d: {  	_ =	shalt  }
0x5e: {  	_ =	shalt  }
0x5f: {  	_ =	shalt  }
0x60: {  	_ =	shalt  }
0x61: {  	_ =	shalt  }
0x62: {  	_ =	shalt  }
0x63: {  	_ =	shalt  }
0x64: {  	_ =	shalt  }
0x65: {  	_ =	shalt  }
0x66: {  	_ =	shalt  }
0x67: {  	_ =	shalt  }
0x68: {  	_ =	shalt  }
0x69: {  	_ =	shalt  }
0x6a: {  	_ =	shalt  }
0x6b: {  	_ =	shalt  }
0x6c: {  	_ =	shalt  }
0x6d: {  	_ =	shalt  }
0x6e: {  	_ =	shalt  }
0x6f: {  	_ =	shalt  }
0x70: {  	_ =	shalt  }
0x71: {  	_ =	shalt  }
0x72: {  	_ =	shalt  }
0x73: {  	_ =	shalt  }
0x74: {  	_ =	shalt  }
0x75: {  	_ =	shalt  }
0x76: {  	_ =	shalt  }
0x77: {  	_ =	shalt  }
0x78: {  	_ =	shalt  }
0x79: {  	_ =	shalt  }
0x7a: {  	_ =	shalt  }
0x7b: {  	_ =	shalt  }
0x7c: {  	_ =	shalt  }
0x7d: {  	_ =	shalt  }
0x7e: {  	_ =	shalt  }
0x7f: {  	_ =	shalt  }
0x80: {  	_ =	shalt  }
0x81: {  	_ =	shalt  }
0x82: {  	_ =	shalt  }
0x83: {  	_ =	shalt  }
0x84: {  	_ =	shalt  }
0x85: {  	_ =	shalt  }
0x86: {  	_ =	shalt  }
0x87: {  	_ =	shalt  }
.Lfunc_end0:
.L_simem_size_0:
called_computation.2_lowered:
.L_overlay_start_0:
0x88: {  	s2 =	sld [smem:$0x3FD9]  }
0x89: {  	s3 =	sld [smem:$0x3FFE];
	_ =	sdelay $0x1  }
0x8a: {  	s1 =	srdreg.scid  }
0x8b: {  	s0 =	sand.u32 $0x1, s1  }
0x8c: {  	s17 =	sshll.u32 s0, $0xA;
	s2 =	sadd.s32 s3, s2  }
0x8d: {  	s2 =	sadd.s32 s2, s17  }
0x8e: {  	[smem:$0x3FBE] =	sst s2  }
0x8f: {  	_ = 	snop  }
0x90: {  	s2 =	sld [smem:$0x3FD0];
	(tm) =	ssettm $0x1  }
0x91: {  	s18 =	sld [smem:$0x3FFB];
	_ =	sdelay $0x3  }
0x92: {  	_ =	strace s18  }
0x93: {  	s3 =	sld [smem:$0x3FFC];
	_ =	sdelay $0x3  }
0x94: {  	_ =	strace s3  }
0x95: {  	s3 =	sld [smem:$0x3FFD];
	_ =	sdelay $0x3  }
0x96: {  	_ =	strace s3  }
0x97: {  	_ =	strace $0x8FFFFFFF  }
0x98: {  	s19 =	sld [smem:$0x3FDB];
	_ =	sdelay $0x1  }
0x99: {  	s4 =	simm.s32 $_scs_section_size  }
0x9a: {  	s5 =	simm.s32 $_size__tile_overlayer_lowered;
	s6 =	simm.s32 $_tile_overlayer_lowered  }
0x9b: {  	s22 =	simm.s32 $0x1BFF;
	s21 =	sshll.u32 s6, $0x1;
	s3 =	sadd.s32 s4, s19  }
0x9c: {  	s7 =	simm.s32 $0x0;
	s20 =	sshll.u32 s5, $0x1;
	s5 =	sadd.s32 s21, s3  }
0x9d: {  	[timem:s7], [sflag:s22] =	dma.local [hbm:s5], s20  }
0x9e: {  	_ =	swait.ge [sflag:s22], s20  }
0x9f: {  	s4 =	ssub.s32 $0x0, s20;
	[sflag:s22] =	ssyncset.done $0x0  }
0xa0: {  	[sflag:s22] =	ssyncadd.s32 s4;
	_ =	sdelay $0x1  }
0xa1: {  	s23 =	simm.s32 $0x1B8B  }
0xa2: {  	_ =	swait.ge [sflag:s23], $0x1  }
0xa3: {  	[sflag:s23] =	ssyncset.done $0x0  }
0xa4: {  	s25 =	simm.s32 $0x1B8E;
	s24 =	sld [smem:$0x3FFE];
	[sflag:s23] =	ssyncadd.s32 $0xFFFFFFFF  }
0xa5: {  	s26 =	simm.s32 $execute0_lowered;
	[smem:$0x3FD2] =	sst s25  }
0xa6: {  	s5 =	sshll.u32 s26, $0x1;
	_ =	strace $0x8000004C;
	[dreg:$0x1] =	wrdreg $0xFFFFFFFF  }
0xa7: {  	s28 =	simm.s32 $_size_execute0_lowered;
	s3 =	sadd.s32 s3, s5;
	[dreg:$0x0] =	wrdreg $0x0  }
0xa8: {  	s5 =	sshll.u32 s28, $0x1;
	[dreg:$0x2] =	wrdreg s3  }
0xa9: {  	[dreg:$0x3] =	wrdreg s5  }
0xaa: {  	[dreg:$0x4] =	wrdreg $0xC0  }
0xab: {  	_ =	task [dreg:s7], $0x5FFFF  }
0xac: {  	[dreg:$0x1] =	wrdreg $0xFFFFFFFF  }
0xad: {  	[dreg:$0x0] =	wrdreg $0x60  }
0xae: {  	[dreg:$0x2] =	wrdreg s24  }
0xaf: {  	[dreg:$0x3] =	wrdreg s2  }
0xb0: {  	[dreg:$0x4] =	wrdreg $0xDCA00  }
0xb1: {  	[dreg:$0x5] =	wrdreg $0x9  }
0xb2: {  	_ =	task.clear_ibuf [dreg:s7], $0x6FFFF;
	_ =	strace $0x9000004C  }
0xb3: {  	s29 =	simm.s32 $0x9;
	_ =	strace $0x8000004E  }
0xb4: {  	_ =	swait.ge [sflag:s29], $0x1  }
0xb5: {  	[sflag:s29] =	ssyncadd.s32 $0xFFFFFFFF  }
0xb6: {  	_ =	strace $0x9000004E  }
0xb7: {  	_ =	sfence  }
0xb8: {  	s30 =	sld [smem:$0x0];
	_ =	sdelay $0x2  }
0xb9: {  	s31 =	sshll.u32 s1, $0xD;
	s1 =	sshrl.u32 s1, $0x2  }
0xba: {  	s3 =	sand.u32 $0x4000, s31;
	s1 =	sadd.s32 s1, s30  }
0xbb: {  	s0 =	sor.u32 s3, s0;
	s1 =	sshll.u32 s1, $0x11  }
0xbc: {  	s0 =	sor.u32 s1, s0  }
0xbd: {  	s0 =	sadd.s32 $0x8F2B, s0  }
0xbe: {  	[sflag:s0] =	ssyncadd.remote.s32 $0x1  }
0xbf: {  	_ =	sfence.sel $0xFFFF  }
0xc0: {  	[dreg:$0x0] =	wrdreg $0xFFFFFFFF;
	(pc) =	sbr.abs _section_cstart, $3  }
0xc1: {  	[dreg:$0x1] =	wrdreg $0xFFFFFFFF  }
0xc2: {  	_ =	task.clear_ibuf [dreg:s7], $0x2FFFF;
	_ =	strace $0x9FFFFFFF  }
0xc3: {  	(tm) =	ssettm $0x7FFFFFFF  }
tec
execute0_lowered:
.L_overlay_start_1:
0x0: {  	(tag) =	ssettag $0x1  }
0x1: {  	s5 =	rddreg [dreg:$0x0]  }
0x2: {  	s7 =	rddreg [dreg:$0x1]  }
0x3: {  	s2 =	rddreg [dreg:$0x2];
	s1 =	stileid.u32  }
0x4: {  	s3 =	simm.s32 $0x0;
	s4 =	srdreg.scid;
	s6 =	smul.u32 $0x4E2, s1  }
0x5: {  	s23 =	simm.s32 $0xBCA0;
	[smem:$0x7FF] =	sst s3;
	s9 =	smul.u32 $0xA200, s1  }
0x6: {  	s8 =	sand.u32 $0x1, s4;
	s4 =	sadd.s32 $0xAB600, s5;
	s11 =	smul.u32 $0x50, s1  }
0x7: {  	s12 =	sadd.s32 $0x14B600, s5;
	s14 =	smul.u32 $0x28000, s1;
	s16 =	sshll.u32 s1, $0x6  }
0x8: {  	_ =	strace $0x8000004D;
	s17 =	smul.u32 $0x1400, s8;
	s8 =	ssub.s32 $0x2, s8  }
0x9: {  	s16 =	sor.u32 $0x1C03, s16;
	s6 =	sadd.s32 s6, s5;
	s24 =	sshrl.u32 s8, $0x1  }
0xa: {  	s25 =	sshrl.u32 s9, $0x3;
	s18 =	sadd.s32 s9, s2;
	s28 =	sshrl.u32 s14, $0x2  }
0xb: {  	s13 =	ssub.s32 s8, s24;
	s5 =	sadd.s32 $0x6600, s6;
	s6 =	sadd.s32 $0x1600, s6  }
0xc: {  	s10 =	sadd.s32 s11, s17;
	s7 =	sadd.s32 s7, s25;
	s19 =	sadd.s32 $0x500, s17  }
0xd: {  	s9 =	sadd.s32 s28, s2;
	s20 =	sadd.s32 $0xA00, s17;
	s21 =	sadd.s32 $0xF00, s17  }
0xe: {  	s22 =	sadd.s32 $0x1400, s17;
	v0 =	vmov s17;
	s17 =	sshrl.u32 s18, $0x3;
	s18 =	simm.s32 $0x7560  }
0xf: {  	s24 =	simm.s32 $0x2;
	s25 =	simm.s32 $0x0;
	s26 =	sshll.u32 s10, $0x6  }
0x10: {  	s29 =	sadd.s32 s11, s19;
	s30 =	sadd.s32 s11, s20;
	s15 =	sadd.s32 s11, s21  }
.Ltmp0:
0x11: {  	s13 =	smax.u32 s13, $0x1;
	v1 =	vmov s19;
	s19 =	simm.s32 $0x4E20;
	(pc) =	sbr.rel .LBB2_1-.Ltmp0, $4  }
0x12: {  	v2 =	vmov s20;
	v3 =	vmov s21;
	v4 =	vmov s22;
	s20 =	simm.s32 $0x1;
	s21 =	simm.s32 $0x10;
	s22 =	simm.s32 $0x9CA0  }
0x13: {  	s8 =	sadd.s32 s12, s26;
	s10 =	sshll.u32 s29, $0x6;
	s14 =	sshll.u32 s30, $0x6  }
0x14: {  	s31 =	sshll.u32 s15, $0x6;
	s15 =	simm.s32 $0x2710;
	s10 =	sadd.s32 s12, s10  }
0x15: {  	v5 =	vimm.s32 $0x0;
	v6 =	vlaneseq.u32;
	v7 =	vimm.s32 $0x500;
	s11 =	sadd.s32 s12, s14;
	s12 =	sadd.s32 s12, s31;
	s14 =	simm.s32 $0x3  }
.LBB2_32:
0x16: {  	s30 =	simm.s32 $0x7570  }
.LBB2_36:
0x17: {  	s0 =	sadd.s32 $0xFFFFFFF0, s29;
	[sflag:s14] =	ssyncadd.s32 @p0 $0xFFFFE000  }
0x18: {  	[tilespmem:s22], [sflag:$0x1] =	stream.indirect.gather [hbm4b:s4+s21], $0x200, s0, s21, $0xb8;
	[tilespmem:$0x17EA0] =	vst v63  }
0x19: {  	_ = 	snop  }
0x1a: {  	[tilespmem:s23], [sflag:$0x2] =	stream.indirect.gather [hbm4b:s4+s21], $0x200, s29, s21, $0xb8;
	[tilespmem:$0x17EA0] =	vst v63  }
0x1b: {  	s0 =	sadd.s32 @p0 $0x20, s30;
	_ =	swait.ge [sflag:s20], $0x2000  }
0x1c: {  	s28 =	smov.u32 @p0 s0;
	[sflag:s20] =	ssyncset.done $0x0  }
0x1d: {  	s0 =	sadd.s32 $0xFFFFFFF0, s28;
	[sflag:s20] =	ssyncadd.s32 $0xFFFFE000  }
0x1e: {  	[spmem:s2] =	stream.indirect.scatter.add.f32 [tilespmem:s22], [sflag:$0x3], $0x200, s0, s21, $0xb8;
	[tilespmem:$0x17EA0] =	vst v63  }
0x1f: {  	_ =	swait.ge [sflag:s14], $0x2000  }
0x20: {  	[sflag:s14] =	ssyncset.done $0x0  }
0x21: {  	[sflag:s14] =	ssyncadd.s32 $0xFFFFE000  }
0x22: {  	_ =	swait.ge [sflag:s24], $0x2000  }
0x23: {  	[sflag:s24] =	ssyncset.done $0x0  }
0x24: {  	[sflag:s24] =	ssyncadd.s32 $0xFFFFE000  }
0x25: {  	[spmem:s2] =	stream.indirect.scatter.add.f32 [tilespmem:s23], [sflag:$0x3], $0x200, s28, s21, $0xb8;
	[tilespmem:$0x17EA0] =	vst v63  }
0x26: {  	_ =	swait.ge [sflag:s14], $0x2000  }
0x27: {  	[sflag:s14] =	ssyncset.done $0x0  }
0x28: {  	[sflag:s14] =	ssyncadd.s32 $0xFFFFE000  }
.LBB2_37:
0x29: {  	[bflag:$0x0] =	sbarrier.arrive $0xFFFF;
	s25 =	sadd.s32 $0x1, s25  }
0x2a: {  	[hbm:s12], [sflag:s16] =	dma.local [spmem:s26], $0x1400  }
0x2b: {  	p0 =	sne.s32 s25, s13  }
.Ltmp1:
0x2c: {  	_ =	swait.ge [sflag:s14], $0x1400;
	(pc) =	sbr.rel @!p0 .LBB2_38-.Ltmp1, $3  }
0x2d: {  	[sflag:s14] =	ssyncset.done $0x0  }
0x2e: {  	[sflag:s14] =	ssyncadd.s32 $0xFFFFEC00  }
0x2f: {  	[bflag:$0x0] =	sbarrier.arrive $0xFFFF;
	_ =	sdelay $0x1  }
.LBB2_1:
0x30: {  	[tilespmem:s3], [sflag:$0x3] =	stream.linear.gather [hbm4b:s5+s3], $0x2710, $0x38;
	[tilespmem:$0x17EA0] =	vst v63  }
0x31: {  	_ =	swait.ge [sflag:s14], $0x2710  }
0x32: {  	[sflag:s14] =	ssyncset.done $0x0  }
0x33: {  	[sflag:s14] =	ssyncadd.s32 $0xFFFFD8F0  }
0x34: {  	[tilespmem:s15], [sflag:$0x3] =	stream.linear.gather [hbm4b:s6+s3], $0x2710, $0x38;
	[tilespmem:$0x17EA0] =	vst v63  }
0x35: {  	_ =	swait.ge [sflag:s14], $0x2710  }
0x36: {  	[sflag:s14] =	ssyncset.done $0x0  }
0x37: {  	[sflag:s14] =	ssyncadd.s32 $0xFFFFD8F0  }
0x38: {  	[spmem:s17], [sflag:s16] =	dma.local [hbm:s7], $0x1440  }
0x39: {  	_ =	swait.ge [sflag:s14], $0x1440  }
0x3a: {  	[sflag:s14] =	ssyncset.done $0x0  }
0x3b: {  	[sflag:s14] =	ssyncadd.s32 $0xFFFFEBC0  }
0x3c: {  	s26 =	simm.s32 $0x0;
	[bflag:$0x0] =	sbarrier.arrive $0xFFFF  }
0x3d: {  	v8 =	vld [tilespmem:s26+$0x2710];
	_ =	sdelay $0x4  }
0x3e: {  	vm0 =	vge.s32 v8, v0;
	vm1 =	vlt.s32 v8, v1  }
0x3f: {  	vm0 =	vmand vm0, vm1  }
0x40: {  	v9 =	vsel vm0, $0x1, v5  }
0x41: {  	(xrf0) =	vadd.scan.msk.s32 $0xffff, v9;
	_ =	sdelay $0x2  }
0x42: {  	v63 =	vmov s3  }
0x43: {  	v9 =	vadd.s32 $0xFFFFFFFF, v63  }
0x44: {  	v9 =	vbroadcast v9, $0x0  }
0x45: {  	v10, _, _ =	vpop (xrf0)  }
0x46: {  	v9 =	vadd.s32 v10, v9;
	(v2sf) =	vpush v10, $0xF  }
0x47: {  	v9 =	vnsel vm0, $0x273F, v9  }
0x48: {  	v11 =	vld [tilespmem:s26+$0x0];
	_ =	sdelay $0x2  }
0x49: {  	v8 =	vsub.s32 v8, v0  }
0x4a: {  	[tilespmem:v9+s18+$0x0] =	vst.idx.msk $0xffff, v8  }
0x4b: {  	s29 =	simm.s32 $0x80;
	s28 =	simm.s32 $0x0;
	s26 =	simm.s32 $0x10;
	[tilespmem:v9+s19+$0x0] =	vst.idx.msk $0xffff, v11  }
.LBB2_2:
0x4c: {  	p0 =	sne.s32 s29, $0x9C00;
	v8 =	vld [tilespmem:s26+$0x2710];
	_ =	sdelay $0x4  }
0x4d: {  	vm0 =	vge.s32 v8, v0;
	vm1 =	vlt.s32 v8, v1;
	v8 =	vsub.s32 v8, v0  }
0x4e: {  	vm0 =	vmand vm0, vm1  }
0x4f: {  	v9 =	vsel vm0, $0x1, v5;
	s30 =	spop (v2sf)  }
0x50: {  	(xrf0) =	vadd.scan.msk.s32 $0xffff, v9;
	s28 =	sadd.s32 s28, s30  }
0x51: {  	v9 =	vmov s28  }
0x52: {  	v9 =	vadd.s32 $0xFFFFFFFF, v9  }
0x53: {  	v9 =	vbroadcast v9, $0x0;
	_ =	sdelay $0x2  }
0x54: {  	v10, _, _ =	vpop (xrf0)  }
0x55: {  	v9 =	vadd.s32 v10, v9;
	(v2sf) =	vpush v10, $0xF  }
0x56: {  	v9 =	vnsel vm0, $0x273F, v9  }
0x57: {  	v10 =	vld [tilespmem:s26+$0x0]  }
.Ltmp2:
0x58: {  	(pc) =	sbr.rel @p0 .LBB2_2-.Ltmp2, $3  }
0x59: {  	_ =	sdelay $0x1  }
0x5a: {  	[tilespmem:v9+s18+$0x0] =	vst.idx.msk $0xffff, v8  }
0x5b: {  	s26 =	sshra.s32 s29, $0x2;
	s29 =	sadd.s32 $0x40, s29;
	[tilespmem:v9+s19+$0x0] =	vst.idx.msk $0xffff, v10  }
0x5c: {  	v8 =	vld [tilespmem:s26+$0x2710];
	_ =	sdelay $0x4  }
0x5d: {  	vm0 =	vge.s32 v8, v0;
	vm1 =	vlt.s32 v8, v1  }
0x5e: {  	vm0 =	vmand vm0, vm1  }
0x5f: {  	v9 =	vsel vm0, $0x1, v5  }
0x60: {  	(xrf0) =	vadd.scan.msk.s32 $0xffff, v9;
	_ =	sdelay $0x5  }
0x61: {  	v9, _, _ =	vpop (xrf0)  }
0x62: {  	(v2sf) =	vpush v9, $0xF;
	_ =	sdelay $0xb  }
0x63: {  	s29 =	spop (v2sf)  }
0x64: {  	s28 =	sadd.s32 s28, s29  }
0x65: {  	v10 =	vmov s28  }
0x66: {  	v10 =	vadd.s32 $0xFFFFFFFF, v10;
	s29 =	spop (v2sf)  }
0x67: {  	v10 =	vbroadcast v10, $0x0;
	s30 =	sadd.s32 s28, s29  }
0x68: {  	s28 =	sadd.s32 $0x1F, s30  }
0x69: {  	v63 =	vld [tilespmem:s26+$0x0];
	v9 =	vadd.s32 v9, v10;
	s26 =	sadd.s32 $0x10, s30;
	s29 =	sand.u32 $0x1F, s28  }
0x6a: {  	v9 =	vnsel vm0, $0x273F, v9;
	s31 =	sshra.s32 s28, $0x1F;
	p0 =	slt.s32 s28, $0x1;
	p1 =	sne.s32 s29, $0x0  }
0x6b: {  	v12 =	vadd.s32 s26, v6;
	s26 =	sshrl.u32 s31, $0x1B;
	p0 =	por !p0, !p1  }
0x6c: {  	v11 =	vadd.s32 s30, v6;
	s26 =	sadd.s32 s26, s28;
	s28 =	simm.s32 $0x1;
	p0 =	por !p0, !p0  }
0x6d: {  	s26 =	sshra.s32 s26, $0x5;
	s28 =	simm.s32 @!p0 $0x0  }
0x6e: {  	v8 =	vsub.s32 v8, v0;
	s29 =	ssub.s32 s26, s28  }
0x6f: {  	[tilespmem:v9+s18+$0x0] =	vst.idx.msk $0xffff, v8;
	p0 =	slt.s32 s29, $0x1  }
.Ltmp3:
0x70: {  	[tilespmem:v9+s19+$0x0] =	vst.idx.msk $0xffff, v63;
	(pc) =	sbr.rel @p0 .LBB2_10-.Ltmp3, $4  }
0x71: {  	[tilespmem:v11+s18+$0x0] =	vst.idx.msk $0xffff, v7  }
0x72: {  	[tilespmem:v11+s19+$0x0] =	vst.idx.msk $0xffff, v5  }
0x73: {  	[tilespmem:v12+s18+$0x0] =	vst.idx.msk $0xffff, v7  }
0x74: {  	[tilespmem:v12+s19+$0x0] =	vst.idx.msk $0xffff, v5  }
0x75: {  	p1 =	sne.s32 s29, $0x1  }
.Ltmp4:
0x76: {  	_ = 	snop;
	(pc) =	sbr.rel @!p1 .LBB2_5-.Ltmp4, $3  }
0x77: {  	_ =	sdelay $0x1  }
0x78: {  	s28 =	simm.s32 $0x4E30  }
0x79: {  	s26 =	simm.s32 $0x7570;
	s29 =	sadd.s32 $0xFFFFFFFF, s29;
	p0 =	por $0x0, $0x0  }
0x7a: {  	s30 =	simm.s32 $0x4E20  }
0x7b: {  	[tilespmem:s22], [sflag:$0x1] =	stream.indirect.gather [hbm4b:s4+s21], $0x200, s30, s21, $0xb8;
	[tilespmem:$0x17EA0] =	vst v63  }
0x7c: {  	_ = 	snop  }
0x7d: {  	[tilespmem:s23], [sflag:$0x2] =	stream.indirect.gather [hbm4b:s4+s21], $0x200, s28, s21, $0xb8;
	[tilespmem:$0x17EA0] =	vst v63  }
0x7e: {  	_ =	swait.ge [sflag:s20], $0x2000  }
0x7f: {  	[sflag:s20] =	ssyncset.done $0x0  }
0x80: {  	s28 =	simm.s32 $0x7560;
	[sflag:s20] =	ssyncadd.s32 $0xFFFFE000  }
0x81: {  	[spmem:s2] =	stream.indirect.scatter.add.f32 [tilespmem:s22], [sflag:$0x3], $0x200, s28, s21, $0xb8;
	[tilespmem:$0x17EA0] =	vst v63  }
0x82: {  	_ =	swait.ge [sflag:s14], $0x2000  }
0x83: {  	[sflag:s14] =	ssyncset.done $0x0  }
0x84: {  	[sflag:s14] =	ssyncadd.s32 $0xFFFFE000  }
0x85: {  	p1 =	sne.s32 s29, $0x1;
	_ =	swait.ge [sflag:s24], $0x2000  }
.Ltmp5:
0x86: {  	[sflag:s24] =	ssyncset.done $0x0;
	(pc) =	sbr.rel @!p1 .LBB2_7-.Ltmp5, $4  }
0x87: {  	[sflag:s24] =	ssyncadd.s32 $0xFFFFE000  }
0x88: {  	[spmem:s2] =	stream.indirect.scatter.add.f32 [tilespmem:s23], [sflag:$0x3], $0x200, s26, s21, $0xb8;
	[tilespmem:$0x17EA0] =	vst v63  }
0x89: {  	p0 =	por $0x1, $0x1;
	s30 =	sadd.s32 $0xFFFFFFFF, s29;
	_ =	swait.ge [sflag:s14], $0x2000  }
0x8a: {  	s29 =	simm.s32 $0x7570;
	s28 =	simm.s32 $0x4E50;
	[sflag:s14] =	ssyncset.done $0x0  }
.LBB2_8:
0x8b: {  	s31 =	sadd.s32 $0xFFFFFFF0, s28;
	[sflag:s14] =	ssyncadd.s32 $0xFFFFE000;
	s29 =	sadd.s32 $0x20, s29  }
0x8c: {  	[tilespmem:s22], [sflag:$0x1] =	stream.indirect.gather [hbm4b:s4+s21], $0x200, s31, s21, $0xb8;
	[tilespmem:$0x17EA0] =	vst v63  }
0x8d: {  	p1 =	sne.s32 s30, $0x1;
	s30 =	sadd.s32 $0xFFFFFFFF, s30  }
0x8e: {  	[tilespmem:s23], [sflag:$0x2] =	stream.indirect.gather [hbm4b:s4+s21], $0x200, s28, s21, $0xb8;
	[tilespmem:$0x17EA0] =	vst v63  }
0x8f: {  	_ =	swait.ge [sflag:s20], $0x2000  }
0x90: {  	[sflag:s20] =	ssyncset.done $0x0  }
0x91: {  	s31 =	sadd.s32 $0xFFFFFFF0, s29;
	[sflag:s20] =	ssyncadd.s32 $0xFFFFE000  }
0x92: {  	[spmem:s2] =	stream.indirect.scatter.add.f32 [tilespmem:s22], [sflag:$0x3], $0x200, s31, s21, $0xb8;
	[tilespmem:$0x17EA0] =	vst v63  }
0x93: {  	_ =	swait.ge [sflag:s14], $0x2000  }
0x94: {  	[sflag:s14] =	ssyncset.done $0x0  }
0x95: {  	[sflag:s14] =	ssyncadd.s32 $0xFFFFE000  }
0x96: {  	_ =	swait.ge [sflag:s24], $0x2000  }
.Ltmp6:
0x97: {  	[sflag:s24] =	ssyncset.done $0x0;
	(pc) =	sbr.rel @p1 .LBB2_8-.Ltmp6, $4  }
0x98: {  	[sflag:s24] =	ssyncadd.s32 $0xFFFFE000  }
0x99: {  	[spmem:s2] =	stream.indirect.scatter.add.f32 [tilespmem:s23], [sflag:$0x3], $0x200, s29, s21, $0xb8;
	[tilespmem:$0x17EA0] =	vst v63  }
0x9a: {  	_ =	swait.ge [sflag:s14], $0x2000  }
0x9b: {  	s28 =	sadd.s32 $0x20, s28;
	[sflag:s14] =	ssyncset.done $0x0  }
.LBB2_9:
0x9c: {  	s30 =	sadd.s32 $0xFFFFFFF0, s28;
	[sflag:s14] =	ssyncadd.s32 @p0 $0xFFFFE000  }
0x9d: {  	[tilespmem:s22], [sflag:$0x1] =	stream.indirect.gather [hbm4b:s4+s21], $0x200, s30, s21, $0xb8;
	[tilespmem:$0x17EA0] =	vst v63  }
0x9e: {  	_ = 	snop  }
0x9f: {  	[tilespmem:s23], [sflag:$0x2] =	stream.indirect.gather [hbm4b:s4+s21], $0x200, s28, s21, $0xb8;
	[tilespmem:$0x17EA0] =	vst v63  }
0xa0: {  	s28 =	sadd.s32 @p0 $0x20, s29;
	_ =	swait.ge [sflag:s20], $0x2000  }
0xa1: {  	s26 =	smov.u32 @p0 s28;
	[sflag:s20] =	ssyncset.done $0x0  }
0xa2: {  	s28 =	sadd.s32 $0xFFFFFFF0, s26;
	[sflag:s20] =	ssyncadd.s32 $0xFFFFE000  }
0xa3: {  	[spmem:s2] =	stream.indirect.scatter.add.f32 [tilespmem:s22], [sflag:$0x3], $0x200, s28, s21, $0xb8;
	[tilespmem:$0x17EA0] =	vst v63  }
0xa4: {  	_ =	swait.ge [sflag:s14], $0x2000  }
0xa5: {  	[sflag:s14] =	ssyncset.done $0x0  }
0xa6: {  	[sflag:s14] =	ssyncadd.s32 $0xFFFFE000  }
0xa7: {  	_ =	swait.ge [sflag:s24], $0x2000  }
0xa8: {  	[sflag:s24] =	ssyncset.done $0x0  }
0xa9: {  	[sflag:s24] =	ssyncadd.s32 $0xFFFFE000  }
0xaa: {  	[spmem:s2] =	stream.indirect.scatter.add.f32 [tilespmem:s23], [sflag:$0x3], $0x200, s26, s21, $0xb8;
	[tilespmem:$0x17EA0] =	vst v63  }
0xab: {  	_ =	swait.ge [sflag:s14], $0x2000  }
0xac: {  	[sflag:s14] =	ssyncset.done $0x0  }
0xad: {  	[sflag:s14] =	ssyncadd.s32 $0xFFFFE000  }
.LBB2_10:
0xae: {  	[bflag:$0x0] =	sbarrier.arrive $0xFFFF;
	s26 =	sshrl.u32 s9, $0x3  }
0xaf: {  	[hbm:s8], [sflag:s16] =	dma.local [spmem:s26], $0x1400  }
0xb0: {  	_ =	swait.ge [sflag:s14], $0x1400  }
0xb1: {  	[sflag:s14] =	ssyncset.done $0x0  }
0xb2: {  	[sflag:s14] =	ssyncadd.s32 $0xFFFFEC00  }
0xb3: {  	[bflag:$0x0] =	sbarrier.arrive $0xFFFF  }
0xb4: {  	[spmem:s17], [sflag:s16] =	dma.local [hbm:s7], $0x1440  }
0xb5: {  	_ =	swait.ge [sflag:s14], $0x1440  }
0xb6: {  	[sflag:s14] =	ssyncset.done $0x0  }
0xb7: {  	[sflag:s14] =	ssyncadd.s32 $0xFFFFEBC0  }
0xb8: {  	s29 =	simm.s32 $0x0;
	[bflag:$0x0] =	sbarrier.arrive $0xFFFF  }
0xb9: {  	v8 =	vld [tilespmem:s29+$0x2710];
	_ =	sdelay $0x4  }
0xba: {  	vm0 =	vge.s32 v8, v1;
	vm1 =	vlt.s32 v8, v2  }
0xbb: {  	vm0 =	vmand vm0, vm1  }
0xbc: {  	v9 =	vsel vm0, $0x1, v5  }
0xbd: {  	(xrf0) =	vadd.scan.msk.s32 $0xffff, v9;
	_ =	sdelay $0x1  }
0xbe: {  	s28 =	simm.s32 $0x0  }
0xbf: {  	v63 =	vmov s28  }
0xc0: {  	v9 =	vadd.s32 $0xFFFFFFFF, v63  }
0xc1: {  	v9 =	vbroadcast v9, $0x0  }
0xc2: {  	v10, _, _ =	vpop (xrf0)  }
0xc3: {  	v9 =	vadd.s32 v10, v9;
	(v2sf) =	vpush v10, $0xF  }
0xc4: {  	v9 =	vnsel vm0, $0x273F, v9  }
0xc5: {  	v11 =	vld [tilespmem:s29+$0x0];
	_ =	sdelay $0x2  }
0xc6: {  	v8 =	vsub.s32 v8, v1  }
0xc7: {  	[tilespmem:v9+s18+$0x0] =	vst.idx.msk $0xffff, v8  }
0xc8: {  	s30 =	simm.s32 $0x80;
	s29 =	simm.s32 $0x10;
	[tilespmem:v9+s19+$0x0] =	vst.idx.msk $0xffff, v11  }
.LBB2_11:
0xc9: {  	p0 =	sne.s32 s30, $0x9C00;
	v8 =	vld [tilespmem:s29+$0x2710];
	_ =	sdelay $0x4  }
0xca: {  	vm0 =	vge.s32 v8, v1;
	vm1 =	vlt.s32 v8, v2;
	v8 =	vsub.s32 v8, v1  }
0xcb: {  	vm0 =	vmand vm0, vm1  }
0xcc: {  	v9 =	vsel vm0, $0x1, v5;
	s31 =	spop (v2sf)  }
0xcd: {  	(xrf0) =	vadd.scan.msk.s32 $0xffff, v9;
	s28 =	sadd.s32 s28, s31  }
0xce: {  	v9 =	vmov s28  }
0xcf: {  	v9 =	vadd.s32 $0xFFFFFFFF, v9  }
0xd0: {  	v9 =	vbroadcast v9, $0x0;
	_ =	sdelay $0x2  }
0xd1: {  	v10, _, _ =	vpop (xrf0)  }
0xd2: {  	v9 =	vadd.s32 v10, v9;
	(v2sf) =	vpush v10, $0xF  }
0xd3: {  	v9 =	vnsel vm0, $0x273F, v9  }
0xd4: {  	v10 =	vld [tilespmem:s29+$0x0]  }
.Ltmp7:
0xd5: {  	(pc) =	sbr.rel @p0 .LBB2_11-.Ltmp7, $3  }
0xd6: {  	_ =	sdelay $0x1  }
0xd7: {  	[tilespmem:v9+s18+$0x0] =	vst.idx.msk $0xffff, v8  }
0xd8: {  	s29 =	sshra.s32 s30, $0x2;
	s30 =	sadd.s32 $0x40, s30;
	[tilespmem:v9+s19+$0x0] =	vst.idx.msk $0xffff, v10  }
0xd9: {  	v8 =	vld [tilespmem:s29+$0x2710];
	_ =	sdelay $0x4  }
0xda: {  	vm0 =	vge.s32 v8, v1;
	vm1 =	vlt.s32 v8, v2  }
0xdb: {  	vm0 =	vmand vm0, vm1  }
0xdc: {  	v9 =	vsel vm0, $0x1, v5  }
0xdd: {  	(xrf0) =	vadd.scan.msk.s32 $0xffff, v9;
	_ =	sdelay $0x5  }
0xde: {  	v9, _, _ =	vpop (xrf0)  }
0xdf: {  	(v2sf) =	vpush v9, $0xF;
	_ =	sdelay $0xb  }
0xe0: {  	s30 =	spop (v2sf)  }
0xe1: {  	s28 =	sadd.s32 s28, s30  }
0xe2: {  	v10 =	vmov s28  }
0xe3: {  	v10 =	vadd.s32 $0xFFFFFFFF, v10;
	s30 =	spop (v2sf)  }
0xe4: {  	v10 =	vbroadcast v10, $0x0;
	s28 =	sadd.s32 s28, s30  }
0xe5: {  	s0 =	sadd.s32 $0x1F, s28  }
0xe6: {  	v9 =	vadd.s32 v9, v10;
	v11 =	vadd.s32 s28, v6;
	s28 =	sadd.s32 $0x10, s28;
	s30 =	sand.u32 $0x1F, s0  }
0xe7: {  	v9 =	vnsel vm0, $0x273F, v9;
	s31 =	sshra.s32 s0, $0x1F;
	p0 =	slt.s32 s0, $0x1;
	p1 =	sne.s32 s30, $0x0  }
0xe8: {  	v63 =	vld [tilespmem:s29+$0x0];
	v12 =	vadd.s32 s28, v6;
	s28 =	sshrl.u32 s31, $0x1B;
	p0 =	por !p0, !p1  }
0xe9: {  	s29 =	simm.s32 $0x1;
	s28 =	sadd.s32 s28, s0;
	p0 =	por !p0, !p0  }
0xea: {  	s28 =	sshra.s32 s28, $0x5;
	s29 =	simm.s32 @!p0 $0x0  }
0xeb: {  	v8 =	vsub.s32 v8, v1;
	s30 =	ssub.s32 s28, s29  }
0xec: {  	[tilespmem:v9+s18+$0x0] =	vst.idx.msk $0xffff, v8;
	p0 =	slt.s32 s30, $0x1  }
.Ltmp8:
0xed: {  	[tilespmem:v9+s19+$0x0] =	vst.idx.msk $0xffff, v63;
	(pc) =	sbr.rel @p0 .LBB2_19-.Ltmp8, $4  }
0xee: {  	[tilespmem:v11+s18+$0x0] =	vst.idx.msk $0xffff, v7  }
0xef: {  	[tilespmem:v11+s19+$0x0] =	vst.idx.msk $0xffff, v5  }
0xf0: {  	[tilespmem:v12+s18+$0x0] =	vst.idx.msk $0xffff, v7  }
0xf1: {  	[tilespmem:v12+s19+$0x0] =	vst.idx.msk $0xffff, v5  }
0xf2: {  	p1 =	sne.s32 s30, $0x1  }
.Ltmp9:
0xf3: {  	_ = 	snop;
	(pc) =	sbr.rel @!p1 .LBB2_14-.Ltmp9, $3  }
0xf4: {  	_ =	sdelay $0x1  }
0xf5: {  	s29 =	simm.s32 $0x4E30  }
0xf6: {  	s28 =	simm.s32 $0x7570;
	s30 =	sadd.s32 $0xFFFFFFFF, s30;
	p0 =	por $0x0, $0x0  }
0xf7: {  	s31 =	simm.s32 $0x4E20  }
0xf8: {  	[tilespmem:s22], [sflag:$0x1] =	stream.indirect.gather [hbm4b:s4+s21], $0x200, s31, s21, $0xb8;
	[tilespmem:$0x17EA0] =	vst v63  }
0xf9: {  	_ = 	snop  }
0xfa: {  	[tilespmem:s23], [sflag:$0x2] =	stream.indirect.gather [hbm4b:s4+s21], $0x200, s29, s21, $0xb8;
	[tilespmem:$0x17EA0] =	vst v63  }
0xfb: {  	_ =	swait.ge [sflag:s20], $0x2000  }
0xfc: {  	[sflag:s20] =	ssyncset.done $0x0  }
0xfd: {  	s29 =	simm.s32 $0x7560;
	[sflag:s20] =	ssyncadd.s32 $0xFFFFE000  }
0xfe: {  	[spmem:s2] =	stream.indirect.scatter.add.f32 [tilespmem:s22], [sflag:$0x3], $0x200, s29, s21, $0xb8;
	[tilespmem:$0x17EA0] =	vst v63  }
0xff: {  	_ =	swait.ge [sflag:s14], $0x2000  }
0x100: {  	[sflag:s14] =	ssyncset.done $0x0  }
0x101: {  	[sflag:s14] =	ssyncadd.s32 $0xFFFFE000  }
0x102: {  	p1 =	sne.s32 s30, $0x1;
	_ =	swait.ge [sflag:s24], $0x2000  }
.Ltmp10:
0x103: {  	[sflag:s24] =	ssyncset.done $0x0;
	(pc) =	sbr.rel @!p1 .LBB2_16-.Ltmp10, $4  }
0x104: {  	[sflag:s24] =	ssyncadd.s32 $0xFFFFE000  }
0x105: {  	[spmem:s2] =	stream.indirect.scatter.add.f32 [tilespmem:s23], [sflag:$0x3], $0x200, s28, s21, $0xb8;
	[tilespmem:$0x17EA0] =	vst v63  }
0x106: {  	p0 =	por $0x1, $0x1;
	s31 =	sadd.s32 $0xFFFFFFFF, s30;
	_ =	swait.ge [sflag:s14], $0x2000  }
0x107: {  	s30 =	simm.s32 $0x7570;
	s29 =	simm.s32 $0x4E50;
	[sflag:s14] =	ssyncset.done $0x0  }
.LBB2_17:
0x108: {  	s0 =	sadd.s32 $0xFFFFFFF0, s29;
	[sflag:s14] =	ssyncadd.s32 $0xFFFFE000;
	s30 =	sadd.s32 $0x20, s30  }
0x109: {  	[tilespmem:s22], [sflag:$0x1] =	stream.indirect.gather [hbm4b:s4+s21], $0x200, s0, s21, $0xb8;
	[tilespmem:$0x17EA0] =	vst v63  }
0x10a: {  	p1 =	sne.s32 s31, $0x1;
	s31 =	sadd.s32 $0xFFFFFFFF, s31  }
0x10b: {  	[tilespmem:s23], [sflag:$0x2] =	stream.indirect.gather [hbm4b:s4+s21], $0x200, s29, s21, $0xb8;
	[tilespmem:$0x17EA0] =	vst v63  }
0x10c: {  	_ =	swait.ge [sflag:s20], $0x2000  }
0x10d: {  	[sflag:s20] =	ssyncset.done $0x0  }
0x10e: {  	s0 =	sadd.s32 $0xFFFFFFF0, s30;
	[sflag:s20] =	ssyncadd.s32 $0xFFFFE000  }
0x10f: {  	[spmem:s2] =	stream.indirect.scatter.add.f32 [tilespmem:s22], [sflag:$0x3], $0x200, s0, s21, $0xb8;
	[tilespmem:$0x17EA0] =	vst v63  }
0x110: {  	_ =	swait.ge [sflag:s14], $0x2000  }
0x111: {  	[sflag:s14] =	ssyncset.done $0x0  }
0x112: {  	[sflag:s14] =	ssyncadd.s32 $0xFFFFE000  }
0x113: {  	_ =	swait.ge [sflag:s24], $0x2000  }
.Ltmp11:
0x114: {  	[sflag:s24] =	ssyncset.done $0x0;
	(pc) =	sbr.rel @p1 .LBB2_17-.Ltmp11, $4  }
0x115: {  	[sflag:s24] =	ssyncadd.s32 $0xFFFFE000  }
0x116: {  	[spmem:s2] =	stream.indirect.scatter.add.f32 [tilespmem:s23], [sflag:$0x3], $0x200, s30, s21, $0xb8;
	[tilespmem:$0x17EA0] =	vst v63  }
0x117: {  	_ =	swait.ge [sflag:s14], $0x2000  }
0x118: {  	s29 =	sadd.s32 $0x20, s29;
	[sflag:s14] =	ssyncset.done $0x0  }
.LBB2_18:
0x119: {  	s0 =	sadd.s32 $0xFFFFFFF0, s29;
	[sflag:s14] =	ssyncadd.s32 @p0 $0xFFFFE000  }
0x11a: {  	[tilespmem:s22], [sflag:$0x1] =	stream.indirect.gather [hbm4b:s4+s21], $0x200, s0, s21, $0xb8;
	[tilespmem:$0x17EA0] =	vst v63  }
0x11b: {  	_ = 	snop  }
0x11c: {  	[tilespmem:s23], [sflag:$0x2] =	stream.indirect.gather [hbm4b:s4+s21], $0x200, s29, s21, $0xb8;
	[tilespmem:$0x17EA0] =	vst v63  }
0x11d: {  	s0 =	sadd.s32 @p0 $0x20, s30;
	_ =	swait.ge [sflag:s20], $0x2000  }
0x11e: {  	s28 =	smov.u32 @p0 s0;
	[sflag:s20] =	ssyncset.done $0x0  }
0x11f: {  	s0 =	sadd.s32 $0xFFFFFFF0, s28;
	[sflag:s20] =	ssyncadd.s32 $0xFFFFE000  }
0x120: {  	[spmem:s2] =	stream.indirect.scatter.add.f32 [tilespmem:s22], [sflag:$0x3], $0x200, s0, s21, $0xb8;
	[tilespmem:$0x17EA0] =	vst v63  }
0x121: {  	_ =	swait.ge [sflag:s14], $0x2000  }
0x122: {  	[sflag:s14] =	ssyncset.done $0x0  }
0x123: {  	[sflag:s14] =	ssyncadd.s32 $0xFFFFE000  }
0x124: {  	_ =	swait.ge [sflag:s24], $0x2000  }
0x125: {  	[sflag:s24] =	ssyncset.done $0x0  }
0x126: {  	[sflag:s24] =	ssyncadd.s32 $0xFFFFE000  }
0x127: {  	[spmem:s2] =	stream.indirect.scatter.add.f32 [tilespmem:s23], [sflag:$0x3], $0x200, s28, s21, $0xb8;
	[tilespmem:$0x17EA0] =	vst v63  }
0x128: {  	_ =	swait.ge [sflag:s14], $0x2000  }
0x129: {  	[sflag:s14] =	ssyncset.done $0x0  }
0x12a: {  	[sflag:s14] =	ssyncadd.s32 $0xFFFFE000  }
.LBB2_19:
0x12b: {  	[bflag:$0x0] =	sbarrier.arrive $0xFFFF  }
0x12c: {  	[hbm:s10], [sflag:s16] =	dma.local [spmem:s26], $0x1400  }
0x12d: {  	_ =	swait.ge [sflag:s14], $0x1400  }
0x12e: {  	[sflag:s14] =	ssyncset.done $0x0  }
0x12f: {  	[sflag:s14] =	ssyncadd.s32 $0xFFFFEC00  }
0x130: {  	[bflag:$0x0] =	sbarrier.arrive $0xFFFF  }
0x131: {  	[spmem:s17], [sflag:s16] =	dma.local [hbm:s7], $0x1440  }
0x132: {  	_ =	swait.ge [sflag:s14], $0x1440  }
0x133: {  	[sflag:s14] =	ssyncset.done $0x0  }
0x134: {  	[sflag:s14] =	ssyncadd.s32 $0xFFFFEBC0  }
0x135: {  	s0 =	simm.s32 $0x0;
	[bflag:$0x0] =	sbarrier.arrive $0xFFFF  }
0x136: {  	v8 =	vld [tilespmem:s0+$0x2710];
	_ =	sdelay $0x4  }
0x137: {  	vm0 =	vge.s32 v8, v2;
	vm1 =	vlt.s32 v8, v3  }
0x138: {  	vm0 =	vmand vm0, vm1  }
0x139: {  	v9 =	vsel vm0, $0x1, v5  }
0x13a: {  	(xrf0) =	vadd.scan.msk.s32 $0xffff, v9;
	_ =	sdelay $0x1  }
0x13b: {  	s28 =	simm.s32 $0x0  }
0x13c: {  	v63 =	vmov s28  }
0x13d: {  	v9 =	vadd.s32 $0xFFFFFFFF, v63  }
0x13e: {  	v9 =	vbroadcast v9, $0x0  }
0x13f: {  	v10, _, _ =	vpop (xrf0)  }
0x140: {  	v9 =	vadd.s32 v10, v9;
	(v2sf) =	vpush v10, $0xF  }
0x141: {  	v9 =	vnsel vm0, $0x273F, v9  }
0x142: {  	v11 =	vld [tilespmem:s0+$0x0];
	_ =	sdelay $0x2  }
0x143: {  	v8 =	vsub.s32 v8, v2  }
0x144: {  	[tilespmem:v9+s18+$0x0] =	vst.idx.msk $0xffff, v8  }
0x145: {  	s29 =	simm.s32 $0x10;
	s30 =	simm.s32 $0x80;
	[tilespmem:v9+s19+$0x0] =	vst.idx.msk $0xffff, v11  }
.LBB2_20:
0x146: {  	p0 =	sne.s32 s30, $0x9C00;
	v8 =	vld [tilespmem:s29+$0x2710];
	_ =	sdelay $0x4  }
0x147: {  	vm0 =	vge.s32 v8, v2;
	vm1 =	vlt.s32 v8, v3;
	v8 =	vsub.s32 v8, v2  }
0x148: {  	vm0 =	vmand vm0, vm1  }
0x149: {  	v9 =	vsel vm0, $0x1, v5;
	s0 =	spop (v2sf)  }
0x14a: {  	(xrf0) =	vadd.scan.msk.s32 $0xffff, v9;
	s28 =	sadd.s32 s28, s0  }
0x14b: {  	v9 =	vmov s28  }
0x14c: {  	v9 =	vadd.s32 $0xFFFFFFFF, v9  }
0x14d: {  	v9 =	vbroadcast v9, $0x0;
	_ =	sdelay $0x2  }
0x14e: {  	v10, _, _ =	vpop (xrf0)  }
0x14f: {  	v9 =	vadd.s32 v10, v9;
	(v2sf) =	vpush v10, $0xF  }
0x150: {  	v9 =	vnsel vm0, $0x273F, v9  }
0x151: {  	v10 =	vld [tilespmem:s29+$0x0]  }
.Ltmp12:
0x152: {  	(pc) =	sbr.rel @p0 .LBB2_20-.Ltmp12, $3  }
0x153: {  	_ =	sdelay $0x1  }
0x154: {  	[tilespmem:v9+s18+$0x0] =	vst.idx.msk $0xffff, v8  }
0x155: {  	s29 =	sshra.s32 s30, $0x2;
	s30 =	sadd.s32 $0x40, s30;
	[tilespmem:v9+s19+$0x0] =	vst.idx.msk $0xffff, v10  }
0x156: {  	v8 =	vld [tilespmem:s29+$0x2710];
	_ =	sdelay $0x4  }
0x157: {  	vm0 =	vge.s32 v8, v2;
	vm1 =	vlt.s32 v8, v3  }
0x158: {  	vm0 =	vmand vm0, vm1  }
0x159: {  	v9 =	vsel vm0, $0x1, v5  }
0x15a: {  	(xrf0) =	vadd.scan.msk.s32 $0xffff, v9;
	_ =	sdelay $0x5  }
0x15b: {  	v9, _, _ =	vpop (xrf0)  }
0x15c: {  	(v2sf) =	vpush v9, $0xF;
	_ =	sdelay $0xb  }
0x15d: {  	s0 =	spop (v2sf)  }
0x15e: {  	s0 =	sadd.s32 s28, s0  }
0x15f: {  	v10 =	vmov s0  }
0x160: {  	v10 =	vadd.s32 $0xFFFFFFFF, v10;
	s31 =	spop (v2sf)  }
0x161: {  	v10 =	vbroadcast v10, $0x0;
	s0 =	sadd.s32 s0, s31  }
0x162: {  	s28 =	sadd.s32 $0x1F, s0  }
0x163: {  	v63 =	vld [tilespmem:s29+$0x0];
	v9 =	vadd.s32 v9, v10;
	v11 =	vadd.s32 s0, v6;
	s0 =	sadd.s32 $0x10, s0;
	s29 =	sand.u32 $0x1F, s28  }
0x164: {  	v9 =	vnsel vm0, $0x273F, v9;
	s31 =	sshra.s32 s28, $0x1F;
	p0 =	slt.s32 s28, $0x1;
	p1 =	sne.s32 s29, $0x0  }
0x165: {  	v12 =	vadd.s32 s0, v6;
	s0 =	sshrl.u32 s31, $0x1B;
	p0 =	por !p0, !p1  }
0x166: {  	s0 =	sadd.s32 s0, s28;
	s28 =	simm.s32 $0x1;
	p0 =	por !p0, !p0  }
0x167: {  	s0 =	sshra.s32 s0, $0x5;
	s28 =	simm.s32 @!p0 $0x0  }
0x168: {  	v8 =	vsub.s32 v8, v2;
	s30 =	ssub.s32 s0, s28  }
0x169: {  	[tilespmem:v9+s18+$0x0] =	vst.idx.msk $0xffff, v8;
	p0 =	slt.s32 s30, $0x1  }
.Ltmp13:
0x16a: {  	[tilespmem:v9+s19+$0x0] =	vst.idx.msk $0xffff, v63;
	(pc) =	sbr.rel @p0 .LBB2_28-.Ltmp13, $4  }
0x16b: {  	[tilespmem:v11+s18+$0x0] =	vst.idx.msk $0xffff, v7  }
0x16c: {  	[tilespmem:v11+s19+$0x0] =	vst.idx.msk $0xffff, v5  }
0x16d: {  	[tilespmem:v12+s18+$0x0] =	vst.idx.msk $0xffff, v7  }
0x16e: {  	[tilespmem:v12+s19+$0x0] =	vst.idx.msk $0xffff, v5  }
0x16f: {  	p1 =	sne.s32 s30, $0x1  }
.Ltmp14:
0x170: {  	_ = 	snop;
	(pc) =	sbr.rel @!p1 .LBB2_23-.Ltmp14, $3  }
0x171: {  	_ =	sdelay $0x1  }
0x172: {  	s29 =	simm.s32 $0x4E30  }
0x173: {  	s28 =	simm.s32 $0x7570;
	s30 =	sadd.s32 $0xFFFFFFFF, s30;
	p0 =	por $0x0, $0x0  }
0x174: {  	s0 =	simm.s32 $0x4E20  }
0x175: {  	[tilespmem:s22], [sflag:$0x1] =	stream.indirect.gather [hbm4b:s4+s21], $0x200, s0, s21, $0xb8;
	[tilespmem:$0x17EA0] =	vst v63  }
0x176: {  	_ = 	snop  }
0x177: {  	[tilespmem:s23], [sflag:$0x2] =	stream.indirect.gather [hbm4b:s4+s21], $0x200, s29, s21, $0xb8;
	[tilespmem:$0x17EA0] =	vst v63  }
0x178: {  	_ =	swait.ge [sflag:s20], $0x2000  }
0x179: {  	[sflag:s20] =	ssyncset.done $0x0  }
0x17a: {  	s0 =	simm.s32 $0x7560;
	[sflag:s20] =	ssyncadd.s32 $0xFFFFE000  }
0x17b: {  	[spmem:s2] =	stream.indirect.scatter.add.f32 [tilespmem:s22], [sflag:$0x3], $0x200, s0, s21, $0xb8;
	[tilespmem:$0x17EA0] =	vst v63  }
0x17c: {  	_ =	swait.ge [sflag:s14], $0x2000  }
0x17d: {  	[sflag:s14] =	ssyncset.done $0x0  }
0x17e: {  	[sflag:s14] =	ssyncadd.s32 $0xFFFFE000  }
0x17f: {  	p1 =	sne.s32 s30, $0x1;
	_ =	swait.ge [sflag:s24], $0x2000  }
.Ltmp15:
0x180: {  	[sflag:s24] =	ssyncset.done $0x0;
	(pc) =	sbr.rel @!p1 .LBB2_25-.Ltmp15, $4  }
0x181: {  	[sflag:s24] =	ssyncadd.s32 $0xFFFFE000  }
0x182: {  	[spmem:s2] =	stream.indirect.scatter.add.f32 [tilespmem:s23], [sflag:$0x3], $0x200, s28, s21, $0xb8;
	[tilespmem:$0x17EA0] =	vst v63  }
0x183: {  	s31 =	sadd.s32 $0xFFFFFFFF, s30;
	p0 =	por $0x1, $0x1;
	_ =	swait.ge [sflag:s14], $0x2000  }
0x184: {  	s30 =	simm.s32 $0x7570;
	s29 =	simm.s32 $0x4E50;
	[sflag:s14] =	ssyncset.done $0x0  }
.LBB2_26:
0x185: {  	s0 =	sadd.s32 $0xFFFFFFF0, s29;
	[sflag:s14] =	ssyncadd.s32 $0xFFFFE000;
	s30 =	sadd.s32 $0x20, s30  }
0x186: {  	[tilespmem:s22], [sflag:$0x1] =	stream.indirect.gather [hbm4b:s4+s21], $0x200, s0, s21, $0xb8;
	[tilespmem:$0x17EA0] =	vst v63  }
0x187: {  	p1 =	sne.s32 s31, $0x1;
	s31 =	sadd.s32 $0xFFFFFFFF, s31  }
0x188: {  	[tilespmem:s23], [sflag:$0x2] =	stream.indirect.gather [hbm4b:s4+s21], $0x200, s29, s21, $0xb8;
	[tilespmem:$0x17EA0] =	vst v63  }
0x189: {  	_ =	swait.ge [sflag:s20], $0x2000  }
0x18a: {  	[sflag:s20] =	ssyncset.done $0x0  }
0x18b: {  	s0 =	sadd.s32 $0xFFFFFFF0, s30;
	[sflag:s20] =	ssyncadd.s32 $0xFFFFE000  }
0x18c: {  	[spmem:s2] =	stream.indirect.scatter.add.f32 [tilespmem:s22], [sflag:$0x3], $0x200, s0, s21, $0xb8;
	[tilespmem:$0x17EA0] =	vst v63  }
0x18d: {  	_ =	swait.ge [sflag:s14], $0x2000  }
0x18e: {  	[sflag:s14] =	ssyncset.done $0x0  }
0x18f: {  	[sflag:s14] =	ssyncadd.s32 $0xFFFFE000  }
0x190: {  	_ =	swait.ge [sflag:s24], $0x2000  }
.Ltmp16:
0x191: {  	[sflag:s24] =	ssyncset.done $0x0;
	(pc) =	sbr.rel @p1 .LBB2_26-.Ltmp16, $4  }
0x192: {  	[sflag:s24] =	ssyncadd.s32 $0xFFFFE000  }
0x193: {  	[spmem:s2] =	stream.indirect.scatter.add.f32 [tilespmem:s23], [sflag:$0x3], $0x200, s30, s21, $0xb8;
	[tilespmem:$0x17EA0] =	vst v63  }
0x194: {  	_ =	swait.ge [sflag:s14], $0x2000  }
0x195: {  	s29 =	sadd.s32 $0x20, s29;
	[sflag:s14] =	ssyncset.done $0x0  }
.LBB2_27:
0x196: {  	s0 =	sadd.s32 $0xFFFFFFF0, s29;
	[sflag:s14] =	ssyncadd.s32 @p0 $0xFFFFE000  }
0x197: {  	[tilespmem:s22], [sflag:$0x1] =	stream.indirect.gather [hbm4b:s4+s21], $0x200, s0, s21, $0xb8;
	[tilespmem:$0x17EA0] =	vst v63  }
0x198: {  	_ = 	snop  }
0x199: {  	[tilespmem:s23], [sflag:$0x2] =	stream.indirect.gather [hbm4b:s4+s21], $0x200, s29, s21, $0xb8;
	[tilespmem:$0x17EA0] =	vst v63  }
0x19a: {  	s0 =	sadd.s32 @p0 $0x20, s30;
	_ =	swait.ge [sflag:s20], $0x2000  }
0x19b: {  	s28 =	smov.u32 @p0 s0;
	[sflag:s20] =	ssyncset.done $0x0  }
0x19c: {  	s0 =	sadd.s32 $0xFFFFFFF0, s28;
	[sflag:s20] =	ssyncadd.s32 $0xFFFFE000  }
0x19d: {  	[spmem:s2] =	stream.indirect.scatter.add.f32 [tilespmem:s22], [sflag:$0x3], $0x200, s0, s21, $0xb8;
	[tilespmem:$0x17EA0] =	vst v63  }
0x19e: {  	_ =	swait.ge [sflag:s14], $0x2000  }
0x19f: {  	[sflag:s14] =	ssyncset.done $0x0  }
0x1a0: {  	[sflag:s14] =	ssyncadd.s32 $0xFFFFE000  }
0x1a1: {  	_ =	swait.ge [sflag:s24], $0x2000  }
0x1a2: {  	[sflag:s24] =	ssyncset.done $0x0  }
0x1a3: {  	[sflag:s24] =	ssyncadd.s32 $0xFFFFE000  }
0x1a4: {  	[spmem:s2] =	stream.indirect.scatter.add.f32 [tilespmem:s23], [sflag:$0x3], $0x200, s28, s21, $0xb8;
	[tilespmem:$0x17EA0] =	vst v63  }
0x1a5: {  	_ =	swait.ge [sflag:s14], $0x2000  }
0x1a6: {  	[sflag:s14] =	ssyncset.done $0x0  }
0x1a7: {  	[sflag:s14] =	ssyncadd.s32 $0xFFFFE000  }
.LBB2_28:
0x1a8: {  	[bflag:$0x0] =	sbarrier.arrive $0xFFFF  }
0x1a9: {  	[hbm:s11], [sflag:s16] =	dma.local [spmem:s26], $0x1400  }
0x1aa: {  	_ =	swait.ge [sflag:s14], $0x1400  }
0x1ab: {  	[sflag:s14] =	ssyncset.done $0x0  }
0x1ac: {  	[sflag:s14] =	ssyncadd.s32 $0xFFFFEC00  }
0x1ad: {  	[bflag:$0x0] =	sbarrier.arrive $0xFFFF  }
0x1ae: {  	[spmem:s17], [sflag:s16] =	dma.local [hbm:s7], $0x1440  }
0x1af: {  	_ =	swait.ge [sflag:s14], $0x1440  }
0x1b0: {  	[sflag:s14] =	ssyncset.done $0x0  }
0x1b1: {  	[sflag:s14] =	ssyncadd.s32 $0xFFFFEBC0  }
0x1b2: {  	s0 =	simm.s32 $0x0;
	[bflag:$0x0] =	sbarrier.arrive $0xFFFF  }
0x1b3: {  	v8 =	vld [tilespmem:s0+$0x2710];
	_ =	sdelay $0x4  }
0x1b4: {  	vm0 =	vge.s32 v8, v3;
	vm1 =	vlt.s32 v8, v4  }
0x1b5: {  	vm0 =	vmand vm0, vm1  }
0x1b6: {  	v9 =	vsel vm0, $0x1, v5  }
0x1b7: {  	(xrf0) =	vadd.scan.msk.s32 $0xffff, v9;
	_ =	sdelay $0x1  }
0x1b8: {  	s28 =	simm.s32 $0x0  }
0x1b9: {  	v63 =	vmov s28  }
0x1ba: {  	v9 =	vadd.s32 $0xFFFFFFFF, v63  }
0x1bb: {  	v9 =	vbroadcast v9, $0x0  }
0x1bc: {  	v10, _, _ =	vpop (xrf0)  }
0x1bd: {  	v9 =	vadd.s32 v10, v9;
	(v2sf) =	vpush v10, $0xF  }
0x1be: {  	v9 =	vnsel vm0, $0x273F, v9  }
0x1bf: {  	v11 =	vld [tilespmem:s0+$0x0];
	_ =	sdelay $0x2  }
0x1c0: {  	v8 =	vsub.s32 v8, v3  }
0x1c1: {  	[tilespmem:v9+s18+$0x0] =	vst.idx.msk $0xffff, v8  }
0x1c2: {  	s29 =	simm.s32 $0x10;
	s30 =	simm.s32 $0x80;
	[tilespmem:v9+s19+$0x0] =	vst.idx.msk $0xffff, v11  }
.LBB2_29:
0x1c3: {  	p0 =	sne.s32 s30, $0x9C00;
	v8 =	vld [tilespmem:s29+$0x2710];
	_ =	sdelay $0x4  }
0x1c4: {  	vm0 =	vge.s32 v8, v3;
	vm1 =	vlt.s32 v8, v4;
	v8 =	vsub.s32 v8, v3  }
0x1c5: {  	vm0 =	vmand vm0, vm1  }
0x1c6: {  	v9 =	vsel vm0, $0x1, v5;
	s0 =	spop (v2sf)  }
0x1c7: {  	(xrf0) =	vadd.scan.msk.s32 $0xffff, v9;
	s28 =	sadd.s32 s28, s0  }
0x1c8: {  	v9 =	vmov s28  }
0x1c9: {  	v9 =	vadd.s32 $0xFFFFFFFF, v9  }
0x1ca: {  	v9 =	vbroadcast v9, $0x0;
	_ =	sdelay $0x2  }
0x1cb: {  	v10, _, _ =	vpop (xrf0)  }
0x1cc: {  	v9 =	vadd.s32 v10, v9;
	(v2sf) =	vpush v10, $0xF  }
0x1cd: {  	v9 =	vnsel vm0, $0x273F, v9  }
0x1ce: {  	v10 =	vld [tilespmem:s29+$0x0]  }
.Ltmp17:
0x1cf: {  	(pc) =	sbr.rel @p0 .LBB2_29-.Ltmp17, $3  }
0x1d0: {  	_ =	sdelay $0x1  }
0x1d1: {  	[tilespmem:v9+s18+$0x0] =	vst.idx.msk $0xffff, v8  }
0x1d2: {  	s29 =	sshra.s32 s30, $0x2;
	s30 =	sadd.s32 $0x40, s30;
	[tilespmem:v9+s19+$0x0] =	vst.idx.msk $0xffff, v10  }
0x1d3: {  	v8 =	vld [tilespmem:s29+$0x2710];
	_ =	sdelay $0x4  }
0x1d4: {  	vm0 =	vge.s32 v8, v3;
	vm1 =	vlt.s32 v8, v4  }
0x1d5: {  	vm0 =	vmand vm0, vm1  }
0x1d6: {  	v9 =	vsel vm0, $0x1, v5  }
0x1d7: {  	(xrf0) =	vadd.scan.msk.s32 $0xffff, v9;
	_ =	sdelay $0x5  }
0x1d8: {  	v9, _, _ =	vpop (xrf0)  }
0x1d9: {  	(v2sf) =	vpush v9, $0xF;
	_ =	sdelay $0xb  }
0x1da: {  	s0 =	spop (v2sf)  }
0x1db: {  	s0 =	sadd.s32 s28, s0  }
0x1dc: {  	v10 =	vmov s0  }
0x1dd: {  	v10 =	vadd.s32 $0xFFFFFFFF, v10;
	s31 =	spop (v2sf)  }
0x1de: {  	v10 =	vbroadcast v10, $0x0;
	s0 =	sadd.s32 s0, s31  }
0x1df: {  	s28 =	sadd.s32 $0x1F, s0  }
0x1e0: {  	v63 =	vld [tilespmem:s29+$0x0];
	v9 =	vadd.s32 v9, v10;
	v11 =	vadd.s32 s0, v6;
	s0 =	sadd.s32 $0x10, s0;
	s29 =	sand.u32 $0x1F, s28  }
0x1e1: {  	v9 =	vnsel vm0, $0x273F, v9;
	s31 =	sshra.s32 s28, $0x1F;
	p0 =	slt.s32 s28, $0x1;
	p1 =	sne.s32 s29, $0x0  }
0x1e2: {  	v12 =	vadd.s32 s0, v6;
	s0 =	sshrl.u32 s31, $0x1B;
	p0 =	por !p0, !p1  }
0x1e3: {  	s0 =	sadd.s32 s0, s28;
	s28 =	simm.s32 $0x1;
	p0 =	por !p0, !p0  }
0x1e4: {  	s0 =	sshra.s32 s0, $0x5;
	s28 =	simm.s32 @!p0 $0x0  }
0x1e5: {  	v8 =	vsub.s32 v8, v3;
	s30 =	ssub.s32 s0, s28  }
0x1e6: {  	[tilespmem:v9+s18+$0x0] =	vst.idx.msk $0xffff, v8;
	p0 =	slt.s32 s30, $0x1  }
.Ltmp18:
0x1e7: {  	[tilespmem:v9+s19+$0x0] =	vst.idx.msk $0xffff, v63;
	(pc) =	sbr.rel @p0 .LBB2_37-.Ltmp18, $4  }
0x1e8: {  	[tilespmem:v11+s18+$0x0] =	vst.idx.msk $0xffff, v7  }
0x1e9: {  	[tilespmem:v11+s19+$0x0] =	vst.idx.msk $0xffff, v5  }
0x1ea: {  	[tilespmem:v12+s18+$0x0] =	vst.idx.msk $0xffff, v7  }
0x1eb: {  	[tilespmem:v12+s19+$0x0] =	vst.idx.msk $0xffff, v5  }
0x1ec: {  	p1 =	sne.s32 s30, $0x1  }
.Ltmp19:
0x1ed: {  	_ = 	snop;
	(pc) =	sbr.rel @!p1 .LBB2_32-.Ltmp19, $3  }
0x1ee: {  	_ =	sdelay $0x1  }
0x1ef: {  	s29 =	simm.s32 $0x4E30  }
0x1f0: {  	s28 =	simm.s32 $0x7570;
	s30 =	sadd.s32 $0xFFFFFFFF, s30;
	p0 =	por $0x0, $0x0  }
0x1f1: {  	s0 =	simm.s32 $0x4E20  }
0x1f2: {  	[tilespmem:s22], [sflag:$0x1] =	stream.indirect.gather [hbm4b:s4+s21], $0x200, s0, s21, $0xb8;
	[tilespmem:$0x17EA0] =	vst v63  }
0x1f3: {  	_ = 	snop  }
0x1f4: {  	[tilespmem:s23], [sflag:$0x2] =	stream.indirect.gather [hbm4b:s4+s21], $0x200, s29, s21, $0xb8;
	[tilespmem:$0x17EA0] =	vst v63  }
0x1f5: {  	_ =	swait.ge [sflag:s20], $0x2000  }
0x1f6: {  	[sflag:s20] =	ssyncset.done $0x0  }
0x1f7: {  	s0 =	simm.s32 $0x7560;
	[sflag:s20] =	ssyncadd.s32 $0xFFFFE000  }
0x1f8: {  	[spmem:s2] =	stream.indirect.scatter.add.f32 [tilespmem:s22], [sflag:$0x3], $0x200, s0, s21, $0xb8;
	[tilespmem:$0x17EA0] =	vst v63  }
0x1f9: {  	_ =	swait.ge [sflag:s14], $0x2000  }
0x1fa: {  	[sflag:s14] =	ssyncset.done $0x0  }
0x1fb: {  	[sflag:s14] =	ssyncadd.s32 $0xFFFFE000  }
0x1fc: {  	p1 =	sne.s32 s30, $0x1;
	_ =	swait.ge [sflag:s24], $0x2000  }
.Ltmp20:
0x1fd: {  	[sflag:s24] =	ssyncset.done $0x0;
	(pc) =	sbr.rel @!p1 .LBB2_34-.Ltmp20, $4  }
0x1fe: {  	[sflag:s24] =	ssyncadd.s32 $0xFFFFE000  }
0x1ff: {  	[spmem:s2] =	stream.indirect.scatter.add.f32 [tilespmem:s23], [sflag:$0x3], $0x200, s28, s21, $0xb8;
	[tilespmem:$0x17EA0] =	vst v63  }
0x200: {  	s31 =	sadd.s32 $0xFFFFFFFF, s30;
	p0 =	por $0x1, $0x1;
	_ =	swait.ge [sflag:s14], $0x2000  }
0x201: {  	s30 =	simm.s32 $0x7570;
	s29 =	simm.s32 $0x4E50;
	[sflag:s14] =	ssyncset.done $0x0  }
.LBB2_35:
0x202: {  	s0 =	sadd.s32 $0xFFFFFFF0, s29;
	[sflag:s14] =	ssyncadd.s32 $0xFFFFE000;
	s30 =	sadd.s32 $0x20, s30  }
0x203: {  	[tilespmem:s22], [sflag:$0x1] =	stream.indirect.gather [hbm4b:s4+s21], $0x200, s0, s21, $0xb8;
	[tilespmem:$0x17EA0] =	vst v63  }
0x204: {  	p1 =	sne.s32 s31, $0x1;
	s31 =	sadd.s32 $0xFFFFFFFF, s31  }
0x205: {  	[tilespmem:s23], [sflag:$0x2] =	stream.indirect.gather [hbm4b:s4+s21], $0x200, s29, s21, $0xb8;
	[tilespmem:$0x17EA0] =	vst v63  }
0x206: {  	_ =	swait.ge [sflag:s20], $0x2000  }
0x207: {  	[sflag:s20] =	ssyncset.done $0x0  }
0x208: {  	s0 =	sadd.s32 $0xFFFFFFF0, s30;
	[sflag:s20] =	ssyncadd.s32 $0xFFFFE000  }
0x209: {  	[spmem:s2] =	stream.indirect.scatter.add.f32 [tilespmem:s22], [sflag:$0x3], $0x200, s0, s21, $0xb8;
	[tilespmem:$0x17EA0] =	vst v63  }
0x20a: {  	_ =	swait.ge [sflag:s14], $0x2000  }
0x20b: {  	[sflag:s14] =	ssyncset.done $0x0  }
0x20c: {  	[sflag:s14] =	ssyncadd.s32 $0xFFFFE000  }
0x20d: {  	_ =	swait.ge [sflag:s24], $0x2000  }
.Ltmp21:
0x20e: {  	[sflag:s24] =	ssyncset.done $0x0;
	(pc) =	sbr.rel @p1 .LBB2_35-.Ltmp21, $4  }
0x20f: {  	[sflag:s24] =	ssyncadd.s32 $0xFFFFE000  }
0x210: {  	[spmem:s2] =	stream.indirect.scatter.add.f32 [tilespmem:s23], [sflag:$0x3], $0x200, s30, s21, $0xb8;
	[tilespmem:$0x17EA0] =	vst v63  }
0x211: {  	_ =	swait.ge [sflag:s14], $0x2000  }
0x212: {  	s29 =	sadd.s32 $0x20, s29;
	[sflag:s14] =	ssyncset.done $0x0  }
.Ltmp22:
0x213: {  	_ = 	snop;
	(pc) =	sbr.rel .LBB2_36-.Ltmp22, $1  }
0x214: {  	_ =	sdelay $0x3  }
.LBB2_5:
.Ltmp23:
0x215: {  	(pc) =	sbr.rel .LBB2_9-.Ltmp23, $2  }
0x216: {  	_ =	sdelay $0x2  }
0x217: {  	s29 =	simm.s32 $0x7570  }
.LBB2_14:
.Ltmp24:
0x218: {  	(pc) =	sbr.rel .LBB2_18-.Ltmp24, $2  }
0x219: {  	_ =	sdelay $0x2  }
0x21a: {  	s30 =	simm.s32 $0x7570  }
.LBB2_23:
.Ltmp25:
0x21b: {  	(pc) =	sbr.rel .LBB2_27-.Ltmp25, $2  }
0x21c: {  	_ =	sdelay $0x2  }
0x21d: {  	s30 =	simm.s32 $0x7570  }
.LBB2_7:
.Ltmp26:
0x21e: {  	(pc) =	sbr.rel .LBB2_9-.Ltmp26, $2  }
0x21f: {  	_ =	sdelay $0x2  }
0x220: {  	s29 =	simm.s32 $0x7570  }
.LBB2_16:
.Ltmp27:
0x221: {  	(pc) =	sbr.rel .LBB2_18-.Ltmp27, $2  }
0x222: {  	_ =	sdelay $0x2  }
0x223: {  	s30 =	simm.s32 $0x7570  }
.LBB2_25:
.Ltmp28:
0x224: {  	(pc) =	sbr.rel .LBB2_27-.Ltmp28, $2  }
0x225: {  	_ =	sdelay $0x2  }
0x226: {  	s30 =	simm.s32 $0x7570  }
.LBB2_34:
.Ltmp29:
0x227: {  	(pc) =	sbr.rel .LBB2_36-.Ltmp29, $2  }
0x228: {  	_ =	sdelay $0x2  }
0x229: {  	s30 =	simm.s32 $0x7570  }
.LBB2_38:
0x22a: {  	_ =	sfence.sel $0x180000  }
0x22b: {  	[bflag:$0x0] =	sbarrier.arrive $0xFFFF  }
0x22c: {  	_ =	strace $0x9000004D  }
0x22d: {  	[bflag:$0x2] =	sbarrier.arrive $0xFFFF  }
0x22e: {  	p0 =	sne.s32 s1, $0x0;
	s0 =	rddreg [dreg:$0x3]  }
0x22f: {  	s0 =	sadd.s32 @!p0 $0x100000, s0  }
0x230: {  	[sflag:s0] =	ssyncadd.tile.s32 @!p0 $0x1;
	_ =	shalt  }
.Lfunc_end2:
_tile_overlayer_lowered:
.L_overlay_start_2:
0x231: {  	(tag) =	ssettag $0x2  }
0x232: {  	s0 =	rddreg [dreg:$0x0];
	s2 =	stileid.u32  }
0x233: {  	s1 =	rddreg [dreg:$0x1];
	p0 =	sne.s32 s2, $0x0  }
0x234: {  	s3 =	rddreg [dreg:$0x2];
	[bflag:$0x3] =	sbarrier.arrive $0xFFFF;
	s2 =	simm.s32 @!p0 $0x1C03  }
0x235: {  	[timem:s3], [sflag:s2] =	dma.local @!p0 [hbm:s0], s1  }
0x236: {  	s0 =	simm.s32 @!p0 $0x3  }
0x237: {  	_ =	swait.ge @!p0 [sflag:s0], s1  }
0x238: {  	s1 =	ssub.s32 @!p0 $0x0, s1;
	[sflag:s0] =	ssyncset.done @!p0 $0x0  }
0x239: {  	[sflag:s0] =	ssyncadd.s32 @!p0 s1  }
0x23a: {  	[bflag:$0x3] =	sbarrier.arrive $0xFFFF  }
0x23b: {  	_ =	shalt  }

// kernel: kernel.8.cloned.1.call-start
scs
__scs_entry_jumppad:
0x0: {  	(pc) =	sbr.rel $0x88, $3  }
0x1: {  	(tag) =	ssettag $0x0;
	lr =	simm.s32 $0x1  }
0x2: {  	[smem:$0x3F97] =	sst lr;
	_ =	strace $0xD0000000  }
0x3: {  	_ = 	snop  }
0x4: {  	_ = 	snop  }
0x5: {  	_ = 	snop  }
0x6: {  	_ = 	snop  }
0x7: {  	_ = 	snop  }
__scs_overlays_trampoline_lowered:
0x8: {  	[smem:$0x3FA6] =	sst s0  }
0x9: {  	[smem:$0x3FA7] =	sst s1  }
0xa: {  	[smem:$0x3FA8] =	sst s2  }
0xb: {  	[smem:$0x3FA9] =	sst s3  }
0xc: {  	[smem:$0x3FAA] =	sst s4  }
0xd: {  	[smem:$0x3FAB] =	sst s5  }
0xe: {  	[smem:$0x3FAC] =	sst s6  }
0xf: {  	[smem:$0x3FAD] =	sst s7  }
0x10: {  	[smem:$0x3FAE] =	sst s8  }
0x11: {  	[smem:$0x3FAF] =	sst s9;
	s0 =	simm.s32 @!p0 $0x0  }
0x12: {  	s1 =	sld [smem:$0x3F95];
	s0 =	simm.s32 @p0 $0x1  }
0x13: {  	[smem:$0x3FB0] =	sst s0;
	s0 =	simm.s32 @!p1 $0x0  }
0x14: {  	s2 =	sld [smem:$0x3F94];
	s0 =	simm.s32 @p1 $0x1  }
0x15: {  	[smem:$0x3FB1] =	sst s0;
	s0 =	simm.s32 @!p2 $0x0  }
0x16: {  	s3 =	sld [smem:$0x3FDB];
	s0 =	simm.s32 @p2 $0x1  }
0x17: {  	s4 =	simm.s32 $0x1BF5;
	[smem:$0x3FB3] =	sst s0  }
0x18: {  	s0 =	sld [smem:$0x3F96];
	_ =	swait.ge [sflag:s4], $0x0  }
0x19: {  	s7 =	sld [smem:$0x3F97]  }
0x1a: {  	s8 =	sadd.s32 $0xFFFFE003, lr  }
0x1b: {  	s9 =	sadd.s32 $0xFFFFFEF7, lr;
	s5 =	simm.s32 $0xFFFFFFFF;
	p2 =	slt.u32 s8, $0xFFFFF086  }
0x1c: {  	p1 =	slt.u32 s9, $0xF7A;
	s5 =	simm.s32 @!p2 $0x0  }
0x1d: {  	s5 =	simm.s32 @p1 $0x1;
	p0 =	seq.s32 s7, s2  }
0x1e: {  	s7 =	smul.u32 @!p0 $0xF7A, s2;
	p2 =	seq.s32 @!p0 s5, $0x0  }
0x1f: {  	s9 =	smul.u32 $0xF7A, s1;
	s8 =	simm.s32 @!p0 $0x1BF5;
	p2 =	por !p2, p0  }
0x20: {  	[sflag:s8] =	ssyncset.s32 @!p0 $0xFFFFF086;
	s6 =	sadd.s32 @!p0 s3, s7;
	s7 =	simm.s32 @!p0 $0x108  }
0x21: {  	s3 =	sadd.s32 s3, s9;
	s6 =	sadd.s32 @!p0 $0x88, s6;
	s7 =	simm.s32 @p2 $0x1082  }
0x22: {  	[simem:s7], [sflag:s8] =	dma.local @!p0 [hbm:s6], $0xF7A  }
0x23: {  	s9 =	sor.u32 $0xD0000000, s2;
	s6 =	simm.s32 $0x108;
	_ =	swait.ge @!p0 [sflag:s8], $0x0  }
0x24: {  	s3 =	sadd.s32 $0x88, s3;
	s6 =	simm.s32 @!p1 $0x1082;
	[sflag:s4] =	ssyncset.s32 $0xFFFFF086  }
0x25: {  	[simem:s6], [sflag:s4] =	dma.local [hbm:s3], $0xF7A  }
0x26: {  	[smem:$0x3F97] =	sst s1;
	(tag) =	ssettag s2;
	_ =	strace s9  }
0x27: {  	s1 =	sld [smem:$0x3FA7]  }
0x28: {  	s2 =	sld [smem:$0x3FA8]  }
0x29: {  	s4 =	sld [smem:$0x3FAA]  }
0x2a: {  	p0 =	seq.s32 s5, $0x0;
	s5 =	sld [smem:$0x3FAB]  }
0x2b: {  	s6 =	sld [smem:$0x3FAC]  }
0x2c: {  	s7 =	sld [smem:$0x3FAD]  }
0x2d: {  	s3 =	simm.s32 $0x108;
	s8 =	sld [smem:$0x3FAE]  }
0x2e: {  	s3 =	simm.s32 @!p0 $0x1082;
	s9 =	sld [smem:$0x3FAF]  }
0x2f: {  	lr =	sadd.s32 s0, s3;
	s0 =	sld [smem:$0x3FA6]  }
0x30: {  	s3 =	sld [smem:$0x3FA9]  }
0x31: {  	[smem:$0x3FB2] =	sst s10  }
0x32: {  	s10 =	sld [smem:$0x3FB0];
	_ =	sdelay $0x3  }
0x33: {  	p0 =	seq.s32 s10, $0x1;
	s10 =	sld [smem:$0x3FB2];
	_ =	sdelay $0x3  }
0x34: {  	[smem:$0x3FB2] =	sst s10  }
0x35: {  	s10 =	sld [smem:$0x3FB1];
	_ =	sdelay $0x3  }
0x36: {  	p1 =	seq.s32 s10, $0x1;
	s10 =	sld [smem:$0x3FB2];
	_ =	sdelay $0x3  }
0x37: {  	[smem:$0x3FB2] =	sst s10  }
0x38: {  	s10 =	sld [smem:$0x3FB3]  }
0x39: {  	_ = 	snop;
	(pc) =	sbr.ind lr, $3  }
0x3a: {  	_ = 	snop  }
0x3b: {  	_ = 	snop  }
0x3c: {  	p2 =	seq.s32 s10, $0x1;
	s10 =	sld [smem:$0x3FB2]  }
0x3d: {  	_ =	shalt  }
0x3e: {  	_ =	shalt  }
0x3f: {  	_ =	shalt  }
0x40: {  	_ =	shalt  }
0x41: {  	_ =	shalt  }
0x42: {  	_ =	shalt  }
0x43: {  	_ =	shalt  }
0x44: {  	_ =	shalt  }
0x45: {  	_ =	shalt  }
0x46: {  	_ =	shalt  }
0x47: {  	_ =	shalt  }
0x48: {  	_ =	shalt  }
0x49: {  	_ =	shalt  }
0x4a: {  	_ =	shalt  }
0x4b: {  	_ =	shalt  }
0x4c: {  	_ =	shalt  }
0x4d: {  	_ =	shalt  }
0x4e: {  	_ =	shalt  }
0x4f: {  	_ =	shalt  }
0x50: {  	_ =	shalt  }
0x51: {  	_ =	shalt  }
0x52: {  	_ =	shalt  }
0x53: {  	_ =	shalt  }
0x54: {  	_ =	shalt  }
0x55: {  	_ =	shalt  }
0x56: {  	_ =	shalt  }
0x57: {  	_ =	shalt  }
0x58: {  	_ =	shalt  }
0x59: {  	_ =	shalt  }
0x5a: {  	_ =	shalt  }
0x5b: {  	_ =	shalt  }
0x5c: {  	_ =	shalt  }
0x5d: {  	_ =	shalt  }
0x5e: {  	_ =	shalt  }
0x5f: {  	_ =	shalt  }
0x60: {  	_ =	shalt  }
0x61: {  	_ =	shalt  }
0x62: {  	_ =	shalt  }
0x63: {  	_ =	shalt  }
0x64: {  	_ =	shalt  }
0x65: {  	_ =	shalt  }
0x66: {  	_ =	shalt  }
0x67: {  	_ =	shalt  }
0x68: {  	_ =	shalt  }
0x69: {  	_ =	shalt  }
0x6a: {  	_ =	shalt  }
0x6b: {  	_ =	shalt  }
0x6c: {  	_ =	shalt  }
0x6d: {  	_ =	shalt  }
0x6e: {  	_ =	shalt  }
0x6f: {  	_ =	shalt  }
0x70: {  	_ =	shalt  }
0x71: {  	_ =	shalt  }
0x72: {  	_ =	shalt  }
0x73: {  	_ =	shalt  }
0x74: {  	_ =	shalt  }
0x75: {  	_ =	shalt  }
0x76: {  	_ =	shalt  }
0x77: {  	_ =	shalt  }
0x78: {  	_ =	shalt  }
0x79: {  	_ =	shalt  }
0x7a: {  	_ =	shalt  }
0x7b: {  	_ =	shalt  }
0x7c: {  	_ =	shalt  }
0x7d: {  	_ =	shalt  }
0x7e: {  	_ =	shalt  }
0x7f: {  	_ =	shalt  }
0x80: {  	_ =	shalt  }
0x81: {  	_ =	shalt  }
0x82: {  	_ =	shalt  }
0x83: {  	_ =	shalt  }
0x84: {  	_ =	shalt  }
0x85: {  	_ =	shalt  }
0x86: {  	_ =	shalt  }
0x87: {  	_ =	shalt  }
.Lfunc_end0:
.L_simem_size_0:
called_computation_lowered:
.L_overlay_start_0:
0x88: {  	s2 =	sld [smem:$0x3FD9]  }
0x89: {  	s3 =	sld [smem:$0x3FFE];
	_ =	sdelay $0x1  }
0x8a: {  	s1 =	srdreg.scid  }
0x8b: {  	s0 =	sand.u32 $0x1, s1  }
0x8c: {  	s17 =	sshll.u32 s0, $0xA;
	s2 =	sadd.s32 s3, s2  }
0x8d: {  	s2 =	sadd.s32 s2, s17  }
0x8e: {  	[smem:$0x3FBE] =	sst s2  }
0x8f: {  	_ = 	snop  }
0x90: {  	s2 =	sld [smem:$0x3FD0];
	(tm) =	ssettm $0x1  }
0x91: {  	s18 =	sld [smem:$0x3FFB];
	_ =	sdelay $0x3  }
0x92: {  	_ =	strace s18  }
0x93: {  	s3 =	sld [smem:$0x3FFC];
	_ =	sdelay $0x3  }
0x94: {  	_ =	strace s3  }
0x95: {  	s3 =	sld [smem:$0x3FFD];
	_ =	sdelay $0x3  }
0x96: {  	_ =	strace s3  }
0x97: {  	_ =	strace $0x8FFFFFFF  }
0x98: {  	s19 =	sld [smem:$0x3FDB];
	_ =	sdelay $0x1  }
0x99: {  	s4 =	simm.s32 $_scs_section_size  }
0x9a: {  	s5 =	simm.s32 $_size__tile_overlayer_lowered;
	s6 =	simm.s32 $_tile_overlayer_lowered  }
0x9b: {  	s22 =	simm.s32 $0x1BFF;
	s21 =	sshll.u32 s6, $0x1;
	s3 =	sadd.s32 s4, s19  }
0x9c: {  	s7 =	simm.s32 $0x0;
	s20 =	sshll.u32 s5, $0x1;
	s5 =	sadd.s32 s21, s3  }
0x9d: {  	[timem:s7], [sflag:s22] =	dma.local [hbm:s5], s20  }
0x9e: {  	_ =	swait.ge [sflag:s22], s20  }
0x9f: {  	s4 =	ssub.s32 $0x0, s20;
	[sflag:s22] =	ssyncset.done $0x0  }
0xa0: {  	[sflag:s22] =	ssyncadd.s32 s4;
	_ =	sdelay $0x1  }
0xa1: {  	s23 =	simm.s32 $0x1B8B  }
0xa2: {  	_ =	swait.ge [sflag:s23], $0x1  }
0xa3: {  	[sflag:s23] =	ssyncset.done $0x0  }
0xa4: {  	s25 =	simm.s32 $0x1B8E;
	s24 =	sld [smem:$0x3FFE];
	[sflag:s23] =	ssyncadd.s32 $0xFFFFFFFF  }
0xa5: {  	s26 =	simm.s32 $execute0_lowered;
	[smem:$0x3FD2] =	sst s25  }
0xa6: {  	s5 =	sshll.u32 s26, $0x1;
	_ =	strace $0x80000046;
	[dreg:$0x1] =	wrdreg $0xFFFFFFFF  }
0xa7: {  	s28 =	simm.s32 $_size_execute0_lowered;
	s3 =	sadd.s32 s3, s5;
	[dreg:$0x0] =	wrdreg $0x0  }
0xa8: {  	s5 =	sshll.u32 s28, $0x1;
	[dreg:$0x2] =	wrdreg s3  }
0xa9: {  	[dreg:$0x3] =	wrdreg s5  }
0xaa: {  	[dreg:$0x4] =	wrdreg $0xC0  }
0xab: {  	_ =	task [dreg:s7], $0x5FFFF  }
0xac: {  	[dreg:$0x1] =	wrdreg $0xFFFFFFFF  }
0xad: {  	[dreg:$0x0] =	wrdreg $0x60  }
0xae: {  	[dreg:$0x2] =	wrdreg s2  }
0xaf: {  	[dreg:$0x3] =	wrdreg s24  }
0xb0: {  	[dreg:$0x4] =	wrdreg $0xAE600  }
0xb1: {  	[dreg:$0x5] =	wrdreg $0x9  }
0xb2: {  	_ =	task.clear_ibuf [dreg:s7], $0x6FFFF;
	_ =	strace $0x90000046  }
0xb3: {  	s29 =	simm.s32 $0x9;
	_ =	strace $0x80000048  }
0xb4: {  	_ =	swait.ge [sflag:s29], $0x1  }
0xb5: {  	[sflag:s29] =	ssyncadd.s32 $0xFFFFFFFF  }
0xb6: {  	_ =	strace $0x90000048  }
0xb7: {  	_ =	sfence  }
0xb8: {  	s30 =	sld [smem:$0x0];
	_ =	sdelay $0x2  }
0xb9: {  	s31 =	sshll.u32 s1, $0xD;
	s1 =	sshrl.u32 s1, $0x2  }
0xba: {  	s3 =	sand.u32 $0x4000, s31;
	s1 =	sadd.s32 s1, s30  }
0xbb: {  	s0 =	sor.u32 s3, s0;
	s1 =	sshll.u32 s1, $0x11  }
0xbc: {  	s0 =	sor.u32 s1, s0  }
0xbd: {  	s0 =	sadd.s32 $0x8F2B, s0  }
0xbe: {  	[sflag:s0] =	ssyncadd.remote.s32 $0x1  }
0xbf: {  	_ =	sfence.sel $0xFFFF  }
0xc0: {  	[dreg:$0x0] =	wrdreg $0xFFFFFFFF;
	(pc) =	sbr.abs _section_cstart, $3  }
0xc1: {  	[dreg:$0x1] =	wrdreg $0xFFFFFFFF  }
0xc2: {  	_ =	task.clear_ibuf [dreg:s7], $0x2FFFF;
	_ =	strace $0x9FFFFFFF  }
0xc3: {  	(tm) =	ssettm $0x7FFFFFFF  }
tec
execute0_lowered:
.L_overlay_start_1:
0x0: {  	(tag) =	ssettag $0x1  }
0x1: {  	s1 =	rddreg [dreg:$0x0]  }
0x2: {  	s5 =	rddreg [dreg:$0x1]  }
0x3: {  	s3 =	rddreg [dreg:$0x2]  }
0x4: {  	s0 =	rddreg [dreg:$0x3]  }
0x5: {  	s4 =	simm.s32 $0x0;
	s2 =	stileid.u32;
	s8 =	srdreg.scid  }
0x6: {  	s14 =	simm.s32 $0x9E60;
	s15 =	simm.s32 $0xA660;
	s6 =	smul.u32 $0x4E2, s2  }
0x7: {  	s21 =	simm.s32 $0x0;
	[smem:$0x7FF] =	sst s4;
	s7 =	smul.u32 $0xA10, s2  }
0x8: {  	s8 =	sand.u32 $0x1, s8;
	s12 =	sadd.s32 $0xCC00, s5;
	s26 =	smul.u32 $0xA0, s2  }
0x9: {  	s13 =	smul.u32 $0x2800, s2;
	s20 =	sshll.u32 s2, $0x6;
	_ =	strace $0x80000047  }
0xa: {  	s10 =	ssub.s32 $0x2, s8;
	s16 =	smul.u32 $0x1400, s8;
	s6 =	sadd.s32 s6, s5  }
0xb: {  	s9 =	sshrl.u32 s7, $0x3;
	s11 =	sshrl.u32 s10, $0x1;
	s17 =	sadd.s32 s7, s3  }
0xc: {  	s31 =	sshrl.u32 s13, $0x2;
	s13 =	simm.s32 $0x2710;
	s9 =	sadd.s32 s9, s5  }
0xd: {  	s11 =	ssub.s32 s10, s11;
	s5 =	sadd.s32 $0x6600, s6;
	s6 =	sadd.s32 $0x1600, s6  }
0xe: {  	s18 =	sadd.s32 $0xA00, s16;
	s28 =	sadd.s32 s26, s16;
	s19 =	sadd.s32 $0x1400, s16  }
.Ltmp0:
0xf: {  	v0 =	vmov s16;
	s16 =	sor.u32 $0x1C01, s20;
	s17 =	sshrl.u32 s17, $0x3;
	(pc) =	sbr.rel .LBB2_1-.Ltmp0, $4  }
0x10: {  	s20 =	simm.s32 $0x80;
	s7 =	sadd.s32 $0xB600, s9;
	s29 =	sshll.u32 s28, $0x1  }
0x11: {  	s30 =	sadd.s32 s26, s18;
	s9 =	sadd.s32 s31, s3;
	s11 =	smax.u32 s11, $0x1  }
0x12: {  	v1 =	vmov s18;
	v2 =	vmov s19;
	s18 =	simm.s32 $0x7640;
	s19 =	simm.s32 $0x4E20;
	s10 =	sshll.u32 s30, $0x1  }
0x13: {  	v3 =	vimm.s32 $0x0;
	v4 =	vlaneseq.u32;
	v5 =	vimm.s32 $0xA00;
	s8 =	sadd.s32 s12, s29;
	s10 =	sadd.s32 s12, s10;
	s12 =	simm.s32 $0x1  }
.LBB2_12:
0x14: {  	[sflag:s12] =	ssyncadd.s32 $0xFFFFF800  }
.LBB2_13:
0x15: {  	[bflag:$0x0] =	sbarrier.arrive $0xFFFF;
	s21 =	sadd.s32 $0x1, s21  }
0x16: {  	[hbm:s10], [sflag:s16] =	dma.local [spmem:s22], $0x140  }
0x17: {  	p0 =	sne.s32 s21, s11  }
.Ltmp1:
0x18: {  	_ =	swait.ge [sflag:s12], $0x140;
	(pc) =	sbr.rel @!p0 .LBB2_14-.Ltmp1, $3  }
0x19: {  	[sflag:s12] =	ssyncset.done $0x0  }
0x1a: {  	[sflag:s12] =	ssyncadd.s32 $0xFFFFFEC0  }
0x1b: {  	[bflag:$0x0] =	sbarrier.arrive $0xFFFF;
	_ =	sdelay $0x1  }
.LBB2_1:
0x1c: {  	[tilespmem:s4], [sflag:$0x1] =	stream.linear.gather [hbm4b:s5+s4], $0x2710, $0x38;
	[tilespmem:$0xB870] =	vst v63  }
0x1d: {  	_ =	swait.ge [sflag:s12], $0x2710  }
0x1e: {  	[sflag:s12] =	ssyncset.done $0x0  }
0x1f: {  	[sflag:s12] =	ssyncadd.s32 $0xFFFFD8F0  }
0x20: {  	[tilespmem:s13], [sflag:$0x1] =	stream.linear.gather [hbm4b:s6+s4], $0x2710, $0x38;
	[tilespmem:$0xB870] =	vst v63  }
0x21: {  	_ =	swait.ge [sflag:s12], $0x2710  }
0x22: {  	[sflag:s12] =	ssyncset.done $0x0  }
0x23: {  	[sflag:s12] =	ssyncadd.s32 $0xFFFFD8F0  }
0x24: {  	[tilespmem:s14], [sflag:$0x1] =	stream.linear.gather [hbm4b:s1+s4], $0x800, $0x38;
	[tilespmem:$0xB870] =	vst v63  }
0x25: {  	_ =	swait.ge [sflag:s12], $0x800  }
0x26: {  	[sflag:s12] =	ssyncset.done $0x0  }
0x27: {  	[sflag:s12] =	ssyncadd.s32 $0xFFFFF800  }
0x28: {  	[tilespmem:s15], [sflag:$0x1] =	stream.linear.gather [hbm4b:s1+s4], $0x800, $0x38;
	[tilespmem:$0xB870] =	vst v63  }
0x29: {  	_ =	swait.ge [sflag:s12], $0x800  }
0x2a: {  	[sflag:s12] =	ssyncset.done $0x0  }
0x2b: {  	[sflag:s12] =	ssyncadd.s32 $0xFFFFF800  }
0x2c: {  	[spmem:s17], [sflag:s16] =	dma.local [hbm:s7], $0x142  }
0x2d: {  	_ =	swait.ge [sflag:s12], $0x142  }
0x2e: {  	[sflag:s12] =	ssyncset.done $0x0  }
0x2f: {  	[sflag:s12] =	ssyncadd.s32 $0xFFFFFEBE  }
0x30: {  	s22 =	simm.s32 $0x0;
	[bflag:$0x0] =	sbarrier.arrive $0xFFFF  }
0x31: {  	v6 =	vld [tilespmem:s22+$0x2710];
	_ =	sdelay $0x4  }
0x32: {  	vm0 =	vge.s32 v6, v0;
	vm1 =	vlt.s32 v6, v1  }
0x33: {  	vm0 =	vmand vm0, vm1  }
0x34: {  	v7 =	vsel vm0, $0x1, v3  }
0x35: {  	(xrf0) =	vadd.scan.msk.s32 $0xffff, v7;
	_ =	sdelay $0x2  }
0x36: {  	v7 =	vmov s4  }
0x37: {  	v7 =	vadd.s32 $0xFFFFFFFF, v7  }
0x38: {  	v7 =	vbroadcast v7, $0x0  }
0x39: {  	v8, _, _ =	vpop (xrf0)  }
0x3a: {  	v7 =	vadd.s32 v8, v7;
	(v2sf) =	vpush v8, $0xF  }
0x3b: {  	v7 =	vnsel vm0, $0x281F, v7  }
0x3c: {  	v9 =	vld [tilespmem:s22+$0x0];
	_ =	sdelay $0x2  }
0x3d: {  	v6 =	vsub.s32 v6, v0  }
0x3e: {  	[tilespmem:v7+s18+$0x0] =	vst.idx.msk $0xffff, v6  }
0x3f: {  	s24 =	simm.s32 $0x80;
	s23 =	simm.s32 $0x0;
	s22 =	simm.s32 $0x10;
	[tilespmem:v7+s19+$0x0] =	vst.idx.msk $0xffff, v9  }
.LBB2_2:
0x40: {  	p0 =	sne.s32 s24, $0x9C00;
	v6 =	vld [tilespmem:s22+$0x2710];
	_ =	sdelay $0x4  }
0x41: {  	vm0 =	vge.s32 v6, v0;
	vm1 =	vlt.s32 v6, v1;
	v6 =	vsub.s32 v6, v0  }
0x42: {  	vm0 =	vmand vm0, vm1  }
0x43: {  	v7 =	vsel vm0, $0x1, v3;
	s25 =	spop (v2sf)  }
0x44: {  	(xrf0) =	vadd.scan.msk.s32 $0xffff, v7;
	s23 =	sadd.s32 s23, s25  }
0x45: {  	v7 =	vmov s23  }
0x46: {  	v7 =	vadd.s32 $0xFFFFFFFF, v7  }
0x47: {  	v7 =	vbroadcast v7, $0x0;
	_ =	sdelay $0x2  }
0x48: {  	v8, _, _ =	vpop (xrf0)  }
0x49: {  	v7 =	vadd.s32 v8, v7;
	(v2sf) =	vpush v8, $0xF  }
0x4a: {  	v7 =	vnsel vm0, $0x281F, v7  }
0x4b: {  	v8 =	vld [tilespmem:s22+$0x0]  }
.Ltmp2:
0x4c: {  	(pc) =	sbr.rel @p0 .LBB2_2-.Ltmp2, $3  }
0x4d: {  	_ =	sdelay $0x1  }
0x4e: {  	[tilespmem:v7+s18+$0x0] =	vst.idx.msk $0xffff, v6  }
0x4f: {  	s22 =	sshra.s32 s24, $0x2;
	s24 =	sadd.s32 $0x40, s24;
	[tilespmem:v7+s19+$0x0] =	vst.idx.msk $0xffff, v8  }
0x50: {  	v6 =	vld [tilespmem:s22+$0x2710];
	_ =	sdelay $0x4  }
0x51: {  	vm0 =	vge.s32 v6, v0;
	vm1 =	vlt.s32 v6, v1  }
0x52: {  	vm0 =	vmand vm0, vm1  }
0x53: {  	v7 =	vsel vm0, $0x1, v3  }
0x54: {  	(xrf0) =	vadd.scan.msk.s32 $0xffff, v7;
	_ =	sdelay $0x5  }
0x55: {  	v7, _, _ =	vpop (xrf0)  }
0x56: {  	(v2sf) =	vpush v7, $0xF;
	_ =	sdelay $0x7  }
0x57: {  	s24 =	spop (v2sf)  }
0x58: {  	s23 =	sadd.s32 s23, s24  }
0x59: {  	v8 =	vmov s23  }
0x5a: {  	v8 =	vadd.s32 $0xFFFFFFFF, v8  }
0x5b: {  	v8 =	vbroadcast v8, $0x0;
	_ =	sdelay $0x1  }
0x5c: {  	v7 =	vadd.s32 v7, v8  }
0x5d: {  	v7 =	vnsel vm0, $0x281F, v7;
	s28 =	spop (v2sf)  }
0x5e: {  	v58 =	vld [tilespmem:s22+$0x0];
	s23 =	sadd.s32 s23, s28  }
0x5f: {  	v9 =	vadd.s32 s23, v4  }
0x60: {  	s29 =	sadd.s32 $0x10, s23  }
0x61: {  	v6 =	vsub.s32 v6, v0;
	v10 =	vadd.s32 s29, v4  }
0x62: {  	[tilespmem:v7+s18+$0x0] =	vst.idx.msk $0xffff, v6;
	s24 =	sadd.s32 $0x20, s23  }
0x63: {  	s22 =	simm.s32 $0x7640;
	[tilespmem:v7+s19+$0x0] =	vst.idx.msk $0xffff, v58;
	v6 =	vadd.s32 s24, v4  }
0x64: {  	s30 =	sadd.s32 $0x30, s23;
	[tilespmem:v9+s22+$0x0] =	vst.idx.msk $0xffff, v5  }
0x65: {  	v7 =	vadd.s32 s30, v4;
	[tilespmem:v9+s19+$0x0] =	vst.idx.msk $0xffff, v3  }
0x66: {  	s31 =	sadd.s32 $0x40, s23;
	[tilespmem:v10+s22+$0x0] =	vst.idx.msk $0xffff, v5  }
0x67: {  	v59 =	vadd.s32 s31, v4;
	[tilespmem:v10+s19+$0x0] =	vst.idx.msk $0xffff, v3  }
0x68: {  	s25 =	sadd.s32 $0x50, s23;
	[tilespmem:v6+s22+$0x0] =	vst.idx.msk $0xffff, v5  }
0x69: {  	[tilespmem:v6+s19+$0x0] =	vst.idx.msk $0xffff, v3;
	v6 =	vadd.s32 s25, v4  }
0x6a: {  	s26 =	sadd.s32 $0x60, s23;
	[tilespmem:v7+s22+$0x0] =	vst.idx.msk $0xffff, v5  }
0x6b: {  	[tilespmem:v7+s19+$0x0] =	vst.idx.msk $0xffff, v3;
	v7 =	vadd.s32 s26, v4  }
0x6c: {  	s28 =	sadd.s32 $0x70, s23;
	[tilespmem:v59+s22+$0x0] =	vst.idx.msk $0xffff, v5  }
0x6d: {  	v60 =	vadd.s32 s28, v4;
	[tilespmem:v59+s19+$0x0] =	vst.idx.msk $0xffff, v3  }
0x6e: {  	s29 =	sadd.s32 $0x80, s23;
	[tilespmem:v6+s22+$0x0] =	vst.idx.msk $0xffff, v5  }
0x6f: {  	[tilespmem:v6+s19+$0x0] =	vst.idx.msk $0xffff, v3;
	v6 =	vadd.s32 s29, v4  }
0x70: {  	s30 =	sadd.s32 $0x90, s23;
	[tilespmem:v7+s22+$0x0] =	vst.idx.msk $0xffff, v5  }
0x71: {  	[tilespmem:v7+s19+$0x0] =	vst.idx.msk $0xffff, v3;
	v7 =	vadd.s32 s30, v4  }
0x72: {  	s31 =	sadd.s32 $0xA0, s23;
	[tilespmem:v60+s22+$0x0] =	vst.idx.msk $0xffff, v5  }
0x73: {  	v61 =	vadd.s32 s31, v4;
	[tilespmem:v60+s19+$0x0] =	vst.idx.msk $0xffff, v3  }
0x74: {  	s25 =	sadd.s32 $0xB0, s23;
	[tilespmem:v6+s22+$0x0] =	vst.idx.msk $0xffff, v5  }
0x75: {  	[tilespmem:v6+s19+$0x0] =	vst.idx.msk $0xffff, v3;
	v6 =	vadd.s32 s25, v4  }
0x76: {  	s26 =	sadd.s32 $0xC0, s23;
	[tilespmem:v7+s22+$0x0] =	vst.idx.msk $0xffff, v5  }
0x77: {  	s28 =	sadd.s32 $0xD0, s23;
	s30 =	sadd.s32 $0xFF, s23;
	[tilespmem:v7+s19+$0x0] =	vst.idx.msk $0xffff, v3;
	v7 =	vadd.s32 s26, v4  }
0x78: {  	s29 =	sadd.s32 $0xE0, s23;
	s23 =	sadd.s32 $0xF0, s23;
	s25 =	sand.u32 $0xFF, s30;
	[tilespmem:v61+s22+$0x0] =	vst.idx.msk $0xffff, v5  }
0x79: {  	v62 =	vadd.s32 s28, v4;
	s31 =	sshra.s32 s30, $0x1F;
	p1 =	slt.s32 s30, $0x1;
	p0 =	sne.s32 s25, $0x0;
	[tilespmem:v61+s19+$0x0] =	vst.idx.msk $0xffff, v3  }
0x7a: {  	v63 =	vadd.s32 s23, v4;
	s23 =	sshrl.u32 s31, $0x18;
	p0 =	por !p1, !p0;
	[tilespmem:v6+s22+$0x0] =	vst.idx.msk $0xffff, v5  }
0x7b: {  	s24 =	simm.s32 $0x1;
	s23 =	sadd.s32 s23, s30;
	p0 =	por !p0, !p0;
	[tilespmem:v6+s19+$0x0] =	vst.idx.msk $0xffff, v3;
	v6 =	vadd.s32 s29, v4  }
0x7c: {  	s23 =	sshra.s32 s23, $0x8;
	s24 =	simm.s32 @!p0 $0x0;
	[tilespmem:v7+s22+$0x0] =	vst.idx.msk $0xffff, v5  }
0x7d: {  	s23 =	ssub.s32 s23, s24;
	[tilespmem:v7+s19+$0x0] =	vst.idx.msk $0xffff, v3  }
0x7e: {  	p0 =	slt.s32 s23, $0x1;
	[tilespmem:v62+s22+$0x0] =	vst.idx.msk $0xffff, v5  }
.Ltmp3:
0x7f: {  	[tilespmem:v62+s19+$0x0] =	vst.idx.msk $0xffff, v3;
	(pc) =	sbr.rel @p0 .LBB2_7-.Ltmp3, $4  }
0x80: {  	[tilespmem:v6+s22+$0x0] =	vst.idx.msk $0xffff, v5  }
0x81: {  	[tilespmem:v6+s19+$0x0] =	vst.idx.msk $0xffff, v3  }
0x82: {  	[tilespmem:v63+s22+$0x0] =	vst.idx.msk $0xffff, v5  }
0x83: {  	[tilespmem:v63+s19+$0x0] =	vst.idx.msk $0xffff, v3  }
0x84: {  	[spmem:s3] =	stream.indirect.scatter.add.f32 [tilespmem:s14], [sflag:$0x1], $0x10, s22, s20, $0xb8;
	[tilespmem:$0xB870] =	vst v63  }
0x85: {  	p0 =	sne.s32 s23, $0x1;
	_ =	swait.ge [sflag:s12], $0x800  }
.Ltmp4:
0x86: {  	[sflag:s12] =	ssyncset.done $0x0;
	(pc) =	sbr.rel @!p0 .LBB2_6-.Ltmp4, $4  }
0x87: {  	s24 =	sadd.s32 $0x80, s22;
	[sflag:s12] =	ssyncadd.s32 $0xFFFFF800  }
0x88: {  	[spmem:s3] =	stream.indirect.scatter.add.f32 [tilespmem:s15], [sflag:$0x1], $0x10, s24, s20, $0xb8;
	[tilespmem:$0xB870] =	vst v63  }
0x89: {  	_ =	swait.ge [sflag:s12], $0x800  }
0x8a: {  	s23 =	sadd.s32 $0xFFFFFFFF, s23;
	[sflag:s12] =	ssyncset.done $0x0  }
.LBB2_5:
0x8b: {  	p0 =	sne.s32 s23, $0x1;
	[sflag:s12] =	ssyncadd.s32 $0xFFFFF800;
	s22 =	sadd.s32 $0x100, s22  }
0x8c: {  	[spmem:s3] =	stream.indirect.scatter.add.f32 [tilespmem:s14], [sflag:$0x1], $0x10, s22, s20, $0xb8;
	[tilespmem:$0xB870] =	vst v63  }
0x8d: {  	s23 =	sadd.s32 $0xFFFFFFFF, s23;
	_ =	swait.ge [sflag:s12], $0x800  }
.Ltmp5:
0x8e: {  	[sflag:s12] =	ssyncset.done $0x0;
	(pc) =	sbr.rel @p0 .LBB2_5-.Ltmp5, $4  }
0x8f: {  	s24 =	sadd.s32 $0x80, s22;
	[sflag:s12] =	ssyncadd.s32 $0xFFFFF800  }
0x90: {  	[spmem:s3] =	stream.indirect.scatter.add.f32 [tilespmem:s15], [sflag:$0x1], $0x10, s24, s20, $0xb8;
	[tilespmem:$0xB870] =	vst v63  }
0x91: {  	_ =	swait.ge [sflag:s12], $0x800  }
0x92: {  	[sflag:s12] =	ssyncset.done $0x0  }
.LBB2_6:
0x93: {  	[sflag:s12] =	ssyncadd.s32 $0xFFFFF800  }
.LBB2_7:
0x94: {  	[bflag:$0x0] =	sbarrier.arrive $0xFFFF;
	s22 =	sshrl.u32 s9, $0x3  }
0x95: {  	[hbm:s8], [sflag:s16] =	dma.local [spmem:s22], $0x140  }
0x96: {  	_ =	swait.ge [sflag:s12], $0x140  }
0x97: {  	[sflag:s12] =	ssyncset.done $0x0  }
0x98: {  	[sflag:s12] =	ssyncadd.s32 $0xFFFFFEC0  }
0x99: {  	[bflag:$0x0] =	sbarrier.arrive $0xFFFF  }
0x9a: {  	[spmem:s17], [sflag:s16] =	dma.local [hbm:s7], $0x142  }
0x9b: {  	_ =	swait.ge [sflag:s12], $0x142  }
0x9c: {  	[sflag:s12] =	ssyncset.done $0x0  }
0x9d: {  	[sflag:s12] =	ssyncadd.s32 $0xFFFFFEBE  }
0x9e: {  	s24 =	simm.s32 $0x0;
	[bflag:$0x0] =	sbarrier.arrive $0xFFFF  }
0x9f: {  	v6 =	vld [tilespmem:s24+$0x2710];
	_ =	sdelay $0x4  }
0xa0: {  	vm0 =	vge.s32 v6, v1;
	vm1 =	vlt.s32 v6, v2  }
0xa1: {  	vm0 =	vmand vm0, vm1  }
0xa2: {  	v7 =	vsel vm0, $0x1, v3  }
0xa3: {  	(xrf0) =	vadd.scan.msk.s32 $0xffff, v7;
	_ =	sdelay $0x1  }
0xa4: {  	s23 =	simm.s32 $0x0  }
0xa5: {  	v7 =	vmov s23  }
0xa6: {  	v7 =	vadd.s32 $0xFFFFFFFF, v7  }
0xa7: {  	v7 =	vbroadcast v7, $0x0  }
0xa8: {  	v8, _, _ =	vpop (xrf0)  }
0xa9: {  	v7 =	vadd.s32 v8, v7;
	(v2sf) =	vpush v8, $0xF  }
0xaa: {  	v7 =	vnsel vm0, $0x281F, v7  }
0xab: {  	v9 =	vld [tilespmem:s24+$0x0];
	_ =	sdelay $0x2  }
0xac: {  	v6 =	vsub.s32 v6, v1  }
0xad: {  	[tilespmem:v7+s18+$0x0] =	vst.idx.msk $0xffff, v6  }
0xae: {  	s25 =	simm.s32 $0x80;
	s24 =	simm.s32 $0x10;
	[tilespmem:v7+s19+$0x0] =	vst.idx.msk $0xffff, v9  }
.LBB2_8:
0xaf: {  	p0 =	sne.s32 s25, $0x9C00;
	v6 =	vld [tilespmem:s24+$0x2710];
	_ =	sdelay $0x4  }
0xb0: {  	vm0 =	vge.s32 v6, v1;
	vm1 =	vlt.s32 v6, v2;
	v6 =	vsub.s32 v6, v1  }
0xb1: {  	vm0 =	vmand vm0, vm1  }
0xb2: {  	v7 =	vsel vm0, $0x1, v3;
	s26 =	spop (v2sf)  }
0xb3: {  	(xrf0) =	vadd.scan.msk.s32 $0xffff, v7;
	s23 =	sadd.s32 s23, s26  }
0xb4: {  	v7 =	vmov s23  }
0xb5: {  	v7 =	vadd.s32 $0xFFFFFFFF, v7  }
0xb6: {  	v7 =	vbroadcast v7, $0x0;
	_ =	sdelay $0x2  }
0xb7: {  	v8, _, _ =	vpop (xrf0)  }
0xb8: {  	v7 =	vadd.s32 v8, v7;
	(v2sf) =	vpush v8, $0xF  }
0xb9: {  	v7 =	vnsel vm0, $0x281F, v7  }
0xba: {  	v8 =	vld [tilespmem:s24+$0x0]  }
.Ltmp6:
0xbb: {  	(pc) =	sbr.rel @p0 .LBB2_8-.Ltmp6, $3  }
0xbc: {  	_ =	sdelay $0x1  }
0xbd: {  	[tilespmem:v7+s18+$0x0] =	vst.idx.msk $0xffff, v6  }
0xbe: {  	s24 =	sshra.s32 s25, $0x2;
	s25 =	sadd.s32 $0x40, s25;
	[tilespmem:v7+s19+$0x0] =	vst.idx.msk $0xffff, v8  }
0xbf: {  	v6 =	vld [tilespmem:s24+$0x2710];
	_ =	sdelay $0x4  }
0xc0: {  	vm0 =	vge.s32 v6, v1;
	vm1 =	vlt.s32 v6, v2  }
0xc1: {  	vm0 =	vmand vm0, vm1  }
0xc2: {  	v7 =	vsel vm0, $0x1, v3  }
0xc3: {  	(xrf0) =	vadd.scan.msk.s32 $0xffff, v7;
	_ =	sdelay $0x5  }
0xc4: {  	v7, _, _ =	vpop (xrf0)  }
0xc5: {  	(v2sf) =	vpush v7, $0xF;
	_ =	sdelay $0x7  }
0xc6: {  	s25 =	spop (v2sf)  }
0xc7: {  	s23 =	sadd.s32 s23, s25  }
0xc8: {  	v8 =	vmov s23  }
0xc9: {  	v8 =	vadd.s32 $0xFFFFFFFF, v8  }
0xca: {  	v8 =	vbroadcast v8, $0x0;
	_ =	sdelay $0x1  }
0xcb: {  	v7 =	vadd.s32 v7, v8  }
0xcc: {  	v7 =	vnsel vm0, $0x281F, v7;
	s26 =	spop (v2sf)  }
0xcd: {  	v58 =	vld [tilespmem:s24+$0x0];
	s24 =	sadd.s32 s23, s26  }
0xce: {  	v9 =	vadd.s32 s24, v4  }
0xcf: {  	s23 =	sadd.s32 $0x10, s24  }
0xd0: {  	v6 =	vsub.s32 v6, v1;
	v10 =	vadd.s32 s23, v4  }
0xd1: {  	[tilespmem:v7+s18+$0x0] =	vst.idx.msk $0xffff, v6;
	s25 =	sadd.s32 $0x20, s24  }
0xd2: {  	[tilespmem:v7+s19+$0x0] =	vst.idx.msk $0xffff, v58;
	s23 =	simm.s32 $0x7640;
	v6 =	vadd.s32 s25, v4  }
0xd3: {  	s28 =	sadd.s32 $0x30, s24;
	[tilespmem:v9+s23+$0x0] =	vst.idx.msk $0xffff, v5  }
0xd4: {  	v7 =	vadd.s32 s28, v4;
	[tilespmem:v9+s19+$0x0] =	vst.idx.msk $0xffff, v3  }
0xd5: {  	s29 =	sadd.s32 $0x40, s24;
	[tilespmem:v10+s23+$0x0] =	vst.idx.msk $0xffff, v5  }
0xd6: {  	v59 =	vadd.s32 s29, v4;
	[tilespmem:v10+s19+$0x0] =	vst.idx.msk $0xffff, v3  }
0xd7: {  	s30 =	sadd.s32 $0x50, s24;
	[tilespmem:v6+s23+$0x0] =	vst.idx.msk $0xffff, v5  }
0xd8: {  	[tilespmem:v6+s19+$0x0] =	vst.idx.msk $0xffff, v3;
	v6 =	vadd.s32 s30, v4  }
0xd9: {  	s31 =	sadd.s32 $0x60, s24;
	[tilespmem:v7+s23+$0x0] =	vst.idx.msk $0xffff, v5  }
0xda: {  	[tilespmem:v7+s19+$0x0] =	vst.idx.msk $0xffff, v3;
	v7 =	vadd.s32 s31, v4  }
0xdb: {  	s26 =	sadd.s32 $0x70, s24;
	[tilespmem:v59+s23+$0x0] =	vst.idx.msk $0xffff, v5  }
0xdc: {  	v60 =	vadd.s32 s26, v4;
	[tilespmem:v59+s19+$0x0] =	vst.idx.msk $0xffff, v3  }
0xdd: {  	s28 =	sadd.s32 $0x80, s24;
	[tilespmem:v6+s23+$0x0] =	vst.idx.msk $0xffff, v5  }
0xde: {  	[tilespmem:v6+s19+$0x0] =	vst.idx.msk $0xffff, v3;
	v6 =	vadd.s32 s28, v4  }
0xdf: {  	s29 =	sadd.s32 $0x90, s24;
	[tilespmem:v7+s23+$0x0] =	vst.idx.msk $0xffff, v5  }
0xe0: {  	[tilespmem:v7+s19+$0x0] =	vst.idx.msk $0xffff, v3;
	v7 =	vadd.s32 s29, v4  }
0xe1: {  	s30 =	sadd.s32 $0xA0, s24;
	[tilespmem:v60+s23+$0x0] =	vst.idx.msk $0xffff, v5  }
0xe2: {  	v61 =	vadd.s32 s30, v4;
	[tilespmem:v60+s19+$0x0] =	vst.idx.msk $0xffff, v3  }
0xe3: {  	s31 =	sadd.s32 $0xB0, s24;
	[tilespmem:v6+s23+$0x0] =	vst.idx.msk $0xffff, v5  }
0xe4: {  	[tilespmem:v6+s19+$0x0] =	vst.idx.msk $0xffff, v3;
	v6 =	vadd.s32 s31, v4  }
0xe5: {  	s26 =	sadd.s32 $0xC0, s24;
	s30 =	sadd.s32 $0xFF, s24;
	[tilespmem:v7+s23+$0x0] =	vst.idx.msk $0xffff, v5  }
0xe6: {  	p1 =	slt.s32 s30, $0x1;
	[tilespmem:v7+s19+$0x0] =	vst.idx.msk $0xffff, v3;
	v7 =	vadd.s32 s26, v4  }
0xe7: {  	s28 =	sadd.s32 $0xD0, s24;
	s29 =	sadd.s32 $0xE0, s24;
	s26 =	sand.u32 $0xFF, s30;
	[tilespmem:v61+s23+$0x0] =	vst.idx.msk $0xffff, v5  }
0xe8: {  	v62 =	vadd.s32 s28, v4;
	s24 =	sadd.s32 $0xF0, s24;
	s31 =	sshra.s32 s30, $0x1F;
	p0 =	sne.s32 s26, $0x0;
	[tilespmem:v61+s19+$0x0] =	vst.idx.msk $0xffff, v3  }
0xe9: {  	v63 =	vadd.s32 s24, v4;
	s24 =	sshrl.u32 s31, $0x18;
	p0 =	por !p1, !p0;
	[tilespmem:v6+s23+$0x0] =	vst.idx.msk $0xffff, v5  }
0xea: {  	s25 =	simm.s32 $0x1;
	s24 =	sadd.s32 s24, s30;
	p0 =	por !p0, !p0;
	[tilespmem:v6+s19+$0x0] =	vst.idx.msk $0xffff, v3;
	v6 =	vadd.s32 s29, v4  }
0xeb: {  	s24 =	sshra.s32 s24, $0x8;
	s25 =	simm.s32 @!p0 $0x0;
	[tilespmem:v7+s23+$0x0] =	vst.idx.msk $0xffff, v5  }
0xec: {  	s24 =	ssub.s32 s24, s25;
	[tilespmem:v7+s19+$0x0] =	vst.idx.msk $0xffff, v3  }
0xed: {  	p0 =	slt.s32 s24, $0x1;
	[tilespmem:v62+s23+$0x0] =	vst.idx.msk $0xffff, v5  }
.Ltmp7:
0xee: {  	[tilespmem:v62+s19+$0x0] =	vst.idx.msk $0xffff, v3;
	(pc) =	sbr.rel @p0 .LBB2_13-.Ltmp7, $4  }
0xef: {  	[tilespmem:v6+s23+$0x0] =	vst.idx.msk $0xffff, v5  }
0xf0: {  	[tilespmem:v6+s19+$0x0] =	vst.idx.msk $0xffff, v3  }
0xf1: {  	[tilespmem:v63+s23+$0x0] =	vst.idx.msk $0xffff, v5  }
0xf2: {  	[tilespmem:v63+s19+$0x0] =	vst.idx.msk $0xffff, v3  }
0xf3: {  	[spmem:s3] =	stream.indirect.scatter.add.f32 [tilespmem:s14], [sflag:$0x1], $0x10, s23, s20, $0xb8;
	[tilespmem:$0xB870] =	vst v63  }
0xf4: {  	p0 =	sne.s32 s24, $0x1;
	_ =	swait.ge [sflag:s12], $0x800  }
.Ltmp8:
0xf5: {  	[sflag:s12] =	ssyncset.done $0x0;
	(pc) =	sbr.rel @!p0 .LBB2_12-.Ltmp8, $4  }
0xf6: {  	s25 =	sadd.s32 $0x80, s23;
	[sflag:s12] =	ssyncadd.s32 $0xFFFFF800  }
0xf7: {  	[spmem:s3] =	stream.indirect.scatter.add.f32 [tilespmem:s15], [sflag:$0x1], $0x10, s25, s20, $0xb8;
	[tilespmem:$0xB870] =	vst v63  }
0xf8: {  	_ =	swait.ge [sflag:s12], $0x800  }
0xf9: {  	s24 =	sadd.s32 $0xFFFFFFFF, s24;
	[sflag:s12] =	ssyncset.done $0x0  }
.LBB2_11:
0xfa: {  	p0 =	sne.s32 s24, $0x1;
	[sflag:s12] =	ssyncadd.s32 $0xFFFFF800;
	s23 =	sadd.s32 $0x100, s23  }
0xfb: {  	[spmem:s3] =	stream.indirect.scatter.add.f32 [tilespmem:s14], [sflag:$0x1], $0x10, s23, s20, $0xb8;
	[tilespmem:$0xB870] =	vst v63  }
0xfc: {  	s24 =	sadd.s32 $0xFFFFFFFF, s24;
	_ =	swait.ge [sflag:s12], $0x800  }
.Ltmp9:
0xfd: {  	[sflag:s12] =	ssyncset.done $0x0;
	(pc) =	sbr.rel @p0 .LBB2_11-.Ltmp9, $4  }
0xfe: {  	s25 =	sadd.s32 $0x80, s23;
	[sflag:s12] =	ssyncadd.s32 $0xFFFFF800  }
0xff: {  	[spmem:s3] =	stream.indirect.scatter.add.f32 [tilespmem:s15], [sflag:$0x1], $0x10, s25, s20, $0xb8;
	[tilespmem:$0xB870] =	vst v63  }
0x100: {  	_ =	swait.ge [sflag:s12], $0x800  }
0x101: {  	[sflag:s12] =	ssyncset.done $0x0  }
.Ltmp10:
0x102: {  	_ = 	snop;
	(pc) =	sbr.rel .LBB2_12-.Ltmp10, $1  }
0x103: {  	_ =	sdelay $0x3  }
.LBB2_14:
0x104: {  	_ =	sfence.sel $0x180000  }
0x105: {  	[bflag:$0x0] =	sbarrier.arrive $0xFFFF  }
0x106: {  	p0 =	sne.s32 s2, $0x0;
	_ =	strace $0x90000047  }
0x107: {  	s0 =	sadd.s32 @!p0 $0x100000, s0;
	[bflag:$0x2] =	sbarrier.arrive $0xFFFF  }
0x108: {  	[sflag:s0] =	ssyncadd.tile.s32 @!p0 $0x1;
	_ =	shalt  }
.Lfunc_end2:
_tile_overlayer_lowered:
.L_overlay_start_2:
0x109: {  	(tag) =	ssettag $0x2  }
0x10a: {  	s0 =	rddreg [dreg:$0x0];
	s2 =	stileid.u32  }
0x10b: {  	s1 =	rddreg [dreg:$0x1];
	p0 =	sne.s32 s2, $0x0  }
0x10c: {  	s3 =	rddreg [dreg:$0x2];
	[bflag:$0x3] =	sbarrier.arrive $0xFFFF;
	s2 =	simm.s32 @!p0 $0x1C01  }
0x10d: {  	[timem:s3], [sflag:s2] =	dma.local @!p0 [hbm:s0], s1  }
0x10e: {  	s0 =	simm.s32 @!p0 $0x1  }
0x10f: {  	_ =	swait.ge @!p0 [sflag:s0], s1  }
0x110: {  	s1 =	ssub.s32 @!p0 $0x0, s1;
	[sflag:s0] =	ssyncset.done @!p0 $0x0  }
0x111: {  	[sflag:s0] =	ssyncadd.s32 @!p0 s1  }
0x112: {  	[bflag:$0x3] =	sbarrier.arrive $0xFFFF  }
0x113: {  	_ =	shalt  }

</sc_bundles>
